<compile_context>
chip_gen: v7x
topology: tpu7x:2x2x1
jax: 0.10.2.dev20260603
libtpu: 0.0.44.dev20260713+nightly
codegen_flags: <defaults>
</compile_context>

<pallas_src>
import functools

import jax
import jax.numpy as jnp
from jax import lax
from jax.experimental import pallas as pl
from jax.experimental.pallas import tpu as pltpu
from jax.experimental.pallas import tpu_sc as plsc

_CHUNK = 128
_CPS = 2
_SUPER = _CHUNK * _CPS
_NBUF = 2
_IBLK = 16
_GRP = 4
_PAD = 128


@functools.lru_cache(maxsize=None)
def _make_format_kernel(ncols, emb):
    mesh = plsc.VectorSubcoreMesh(core_axis_name="c", subcore_axis_name="s")
    nc = mesh.num_cores
    nw = nc * mesh.num_subcores
    n_full = ncols // _PAD
    n_blk = n_full + 1
    n_grp = n_full // _GRP
    assert n_grp * _GRP == n_full
    per_w = n_grp // nw
    n_extra = n_grp - per_w * nw

    @functools.partial(
        pl.kernel,
        out_type=jax.ShapeDtypeStruct((n_blk * _PAD * _PAD,), jnp.float32),
        mesh=mesh,
        compiler_params=pltpu.CompilerParams(
            use_tc_tiling_on_sc=True, needs_layout_passes=False),
        scratch_types=[
            pltpu.VMEM((_NBUF, _GRP, 64, _PAD), jnp.float32),
            pltpu.VMEM((_NBUF * _PAD * _PAD,), jnp.float32),
            pltpu.SemaphoreType.DMA,
            pltpu.SemaphoreType.DMA,
        ],
    )
    def k(tab_hbm, tail_hbm, out_hbm, src_v, trans_v, rsem, wsem):
        wid = lax.axis_index("s") * nc + lax.axis_index("c")
        cnt = jnp.where(wid < n_extra, per_w + 1, per_w)
        start = wid * per_w + jnp.minimum(wid, n_extra)
        lane = lax.iota(jnp.int32, 16)
        rowmul = [lane * 128 + 2048 * kk for kk in range(8)]

        @pl.loop(0, per_w + 1, step=_NBUF)
        def body(s0):
            for b in range(_NBUF):
                s = s0 + b

                @pl.when(s < cnt)
                def _():
                    gidx = start + s

                    rdescs = [
                        pltpu.async_copy(
                            tab_hbm.at[:, pl.ds((gidx * _GRP + j) * _PAD,
                                                _PAD)],
                            src_v.at[b, j, pl.ds(0, emb)],
                            rsem,
                        )
                        for j in range(_GRP)
                    ]
                    for d in rdescs:
                        d.wait()

                    for j in range(_GRP):
                        tb = j % _NBUF

                        if j >= _NBUF:
                            pltpu.make_async_copy(
                                out_hbm.at[pl.ds(0, _PAD * _PAD)],
                                trans_v.at[pl.ds(tb * _PAD * _PAD, _PAD * _PAD)],
                                wsem,
                            ).wait()
                        else:
                            @pl.when(s >= 1)
                            def _():
                                pltpu.make_async_copy(
                                    out_hbm.at[pl.ds(0, _PAD * _PAD)],
                                    trans_v.at[pl.ds(tb * _PAD * _PAD, _PAD * _PAD)],
                                    wsem,
                                ).wait()

                        @plsc.parallel_loop(0, 64, step=2, unroll=2)
                        def tr(c0):
                            for dc in range(2):
                                c = c0 + dc
                                cvec = jnp.full((16,), 0, jnp.int32) + c
                                for kk in range(8):
                                    v = src_v[b, j, c, pl.ds(16 * kk, 16)]
                                    plsc.store_scatter(
                                        trans_v,
                                        [rowmul[kk] + cvec
                                         + tb * _PAD * _PAD], v)

                        pltpu.async_copy(
                            trans_v.at[pl.ds(tb * _PAD * _PAD,
                                             _PAD * _PAD)],
                            out_hbm.at[pl.ds(
                                (gidx * _GRP + j) * _PAD * _PAD,
                                _PAD * _PAD)],
                            wsem,
                        )

        for b in range(_NBUF):
            pltpu.make_async_copy(
                out_hbm.at[pl.ds(0, _PAD * _PAD)],
                trans_v.at[pl.ds(b * _PAD * _PAD, _PAD * _PAD)],
                wsem,
            ).wait()

        @pl.when(wid == nw - 1)
        def _():
            pltpu.sync_copy(tail_hbm,
                            trans_v.at[pl.ds(0, _PAD * _PAD)])
            pltpu.sync_copy(
                trans_v.at[pl.ds(0, _PAD * _PAD)],
                out_hbm.at[pl.ds(n_full * _PAD * _PAD, _PAD * _PAD)])

    return k


@functools.lru_cache(maxsize=None)
def _make_gather_kernel(total, nrows_pad):
    mesh = plsc.VectorSubcoreMesh(core_axis_name="c", subcore_axis_name="s")
    nc = mesh.num_cores
    nw = nc * mesh.num_subcores
    per_w = total // nw
    n_super = per_w // _SUPER
    assert per_w % _SUPER == 0 and n_super % _NBUF == 0

    assert n_super % _IBLK == 0

    @functools.partial(
        pl.kernel,
        out_type=jax.ShapeDtypeStruct((total, _PAD), jnp.float32),
        mesh=mesh,
        compiler_params=pltpu.CompilerParams(use_tc_tiling_on_sc=True),
        scratch_types=[
            pltpu.VMEM((_IBLK * _CPS, _CHUNK), jnp.int32),
            pltpu.VMEM((_NBUF, _SUPER, _PAD), jnp.float32),
            pltpu.SemaphoreType.DMA,
            pltpu.SemaphoreType.DMA,
        ],
    )
    def k(idx_hbm, table_hbm, out_hbm, idx_v, rows_v, gsem, osem):
        wid = lax.axis_index("s") * nc + lax.axis_index("c")
        base_chunk = wid * (per_w // _CHUNK)
        base_row = wid * per_w

        @pl.loop(0, n_super // _IBLK)
        def iblk(t):
            s_base = t * _IBLK
            pltpu.sync_copy(
                idx_hbm.at[pl.ds(base_chunk + s_base * _CPS, _IBLK * _CPS)],
                idx_v,
            )

            @pl.loop(0, _IBLK, step=_NBUF)
            def body(u0):
                for b in range(_NBUF):
                    u = u0 + b
                    s = s_base + u

                    @pl.when(s >= _NBUF)
                    def _():
                        pltpu.make_async_copy(
                            out_hbm.at[pl.ds(base_row, _SUPER)],
                            rows_v.at[b],
                            osem,
                        ).wait()

                    descs = [
                        pltpu.async_copy(
                            table_hbm.at[idx_v.at[u * _CPS + j]],
                            rows_v.at[b, pl.ds(j * _CHUNK, _CHUNK)],
                            gsem,
                        )
                        for j in range(_CPS)
                    ]
                    for d in descs:
                        d.wait()
                    pltpu.async_copy(
                        rows_v.at[b],
                        out_hbm.at[pl.ds(base_row + s * _SUPER, _SUPER)],
                        osem,
                    )

        for b in range(_NBUF):
            pltpu.make_async_copy(
                out_hbm.at[pl.ds(base_row, _SUPER)],
                rows_v.at[b],
                osem,
            ).wait()

    return k


def kernel(indices, table):
    bsz, hist = indices.shape
    nrows, emb = table.shape
    total = bsz * hist
    idx2d = indices.reshape(total // _CHUNK, _CHUNK).astype(jnp.int32)
    n_tail = nrows % _PAD
    tail_src = jnp.pad(table[nrows - n_tail :],
                       ((0, _PAD - n_tail), (0, _PAD - emb)))
    tab_flat = _make_format_kernel(nrows, emb)(
        table.T, tail_src.reshape(_PAD * _PAD))
    table_pad = tab_flat.reshape(-1, _PAD)
    out = _make_gather_kernel(total, table_pad.shape[0])(idx2d, table_pad)
    return out[:, :emb].reshape(bsz, hist, emb)

# --- scband reference (transcript-rebuilt; emitter-appended) ---
"""Pipeline reference for scband-embedding-layer-17652315587304 (READ-ONLY COPY).

The authoritative reference and input builder live on the scoring server;
editing this copy changes nothing except your own understanding.
"""

import jax, jax.numpy as jnp
import numpy as np

NUNIQUE = 1000000
EMB_DIM = int(min(np.ceil(NUNIQUE / 2), 50))  # = 50, per module formula
BATCH = 16384
HIST = 200

def setup_inputs(seed: int = 0) -> dict:
    key = jax.random.key(seed)
    k1, k2 = jax.random.split(key)
    indices = jax.random.randint(k1, (BATCH, HIST), 0, NUNIQUE, dtype=jnp.int64 if jax.config.jax_enable_x64 else jnp.int32)
    table = jax.random.normal(k2, (NUNIQUE, EMB_DIM), dtype=jnp.float32) * 0.02
    return {"indices": indices, "table": table}

def reference(indices, table):
    # Faithful embedding lookup: out[b, t, :] = table[indices[b, t], :]
    out = jnp.take(table, indices, axis=0)
    return out

if __name__ == "__main__":
    import jax
    _d = setup_inputs()
    print(jax.jit(kernel)(*tuple(_d.values())))

</pallas_src>

<mosaic_0001>
#map = affine_map<(d0, d1) -> (0, 0)>
#map1 = affine_map<(d0, d1) -> (0)>
module attributes {stable_mosaic.version = 14 : i64} {
  func.func @k(%arg0: i32, %arg1: i32, %arg2: memref<50x1000000xf32, #tpu.memory_space<hbm>>, %arg3: memref<16384xf32, #tpu.memory_space<hbm>>, %arg4: memref<128008192xf32, #tpu.memory_space<hbm>>, %arg5: memref<2x4x64x128xf32, #tpu.memory_space<vmem>>, %arg6: memref<32768xf32, #tpu.memory_space<vmem>>, %arg7: memref<!tpu.dma_semaphore, #tpu.memory_space<semaphore_mem>>, %arg8: memref<!tpu.dma_semaphore, #tpu.memory_space<semaphore_mem>>) attributes {dimension_semantics = [#tpu.dimension_semantics<core_parallel>, #tpu.dimension_semantics<subcore_parallel>], iteration_bounds = array<i64: 2, 16>, scalar_prefetch = 0 : i64, scratch_operands = 4 : i64, tpu.core_type = #tpu.core_type<sc_vector_subcore>, window_params = [{transform_indices = #map}, {transform_indices = #map1}, {transform_indices = #map1}]} {
    %mul3A = arith.constant 2 : i32
    %mul3A_0 = arith.muli %arg1, %mul3A : i32
    %add3A = arith.addi %mul3A_0, %arg0 : i32
    %lt3A = arith.constant 1 : i32
    %lt3A_1 = arith.cmpi slt, %add3A, %lt3A : i32
    %jit3A = arith.constant 62 : i32
    %jit3A_2 = arith.constant 61 : i32
    %select_n3A = arith.select %lt3A_1, %jit3A, %jit3A_2 : i32
    %mul3A_3 = arith.constant 61 : i32
    %mul3A_4 = arith.muli %add3A, %mul3A_3 : i32
    %min3A = arith.constant 1 : i32
    %min3A_5 = arith.minsi %add3A, %min3A : i32
    %add3A_6 = arith.addi %mul3A_4, %min3A_5 : i32
    %iota3A = tpu.iota {dimensions = array<i32: 0>} : vector<16xi32>
    %mul3A_7 = arith.constant 128 : i32
    %mul3A_8 = vector.broadcast %mul3A_7 : i32 to vector<16xi32>
    %mul3A_9 = arith.muli %iota3A, %mul3A_8 : vector<16xi32>
    %add3A_10 = arith.constant 0 : i32
    %add3A_11 = vector.broadcast %add3A_10 : i32 to vector<16xi32>
    %add3A_12 = arith.addi %mul3A_9, %add3A_11 : vector<16xi32>
    %mul3A_13 = arith.constant 128 : i32
    %mul3A_14 = vector.broadcast %mul3A_13 : i32 to vector<16xi32>
    %mul3A_15 = arith.muli %iota3A, %mul3A_14 : vector<16xi32>
    %add3A_16 = arith.constant 2048 : i32
    %add3A_17 = vector.broadcast %add3A_16 : i32 to vector<16xi32>
    %add3A_18 = arith.addi %mul3A_15, %add3A_17 : vector<16xi32>
    %mul3A_19 = arith.constant 128 : i32
    %mul3A_20 = vector.broadcast %mul3A_19 : i32 to vector<16xi32>
    %mul3A_21 = arith.muli %iota3A, %mul3A_20 : vector<16xi32>
    %add3A_22 = arith.constant 4096 : i32
    %add3A_23 = vector.broadcast %add3A_22 : i32 to vector<16xi32>
    %add3A_24 = arith.addi %mul3A_21, %add3A_23 : vector<16xi32>
    %mul3A_25 = arith.constant 128 : i32
    %mul3A_26 = vector.broadcast %mul3A_25 : i32 to vector<16xi32>
    %mul3A_27 = arith.muli %iota3A, %mul3A_26 : vector<16xi32>
    %add3A_28 = arith.constant 6144 : i32
    %add3A_29 = vector.broadcast %add3A_28 : i32 to vector<16xi32>
    %add3A_30 = arith.addi %mul3A_27, %add3A_29 : vector<16xi32>
    %mul3A_31 = arith.constant 128 : i32
    %mul3A_32 = vector.broadcast %mul3A_31 : i32 to vector<16xi32>
    %mul3A_33 = arith.muli %iota3A, %mul3A_32 : vector<16xi32>
    %add3A_34 = arith.constant 8192 : i32
    %add3A_35 = vector.broadcast %add3A_34 : i32 to vector<16xi32>
    %add3A_36 = arith.addi %mul3A_33, %add3A_35 : vector<16xi32>
    %mul3A_37 = arith.constant 128 : i32
    %mul3A_38 = vector.broadcast %mul3A_37 : i32 to vector<16xi32>
    %mul3A_39 = arith.muli %iota3A, %mul3A_38 : vector<16xi32>
    %add3A_40 = arith.constant 10240 : i32
    %add3A_41 = vector.broadcast %add3A_40 : i32 to vector<16xi32>
    %add3A_42 = arith.addi %mul3A_39, %add3A_41 : vector<16xi32>
    %mul3A_43 = arith.constant 128 : i32
    %mul3A_44 = vector.broadcast %mul3A_43 : i32 to vector<16xi32>
    %mul3A_45 = arith.muli %iota3A, %mul3A_44 : vector<16xi32>
    %add3A_46 = arith.constant 12288 : i32
    %add3A_47 = vector.broadcast %add3A_46 : i32 to vector<16xi32>
    %add3A_48 = arith.addi %mul3A_45, %add3A_47 : vector<16xi32>
    %mul3A_49 = arith.constant 128 : i32
    %mul3A_50 = vector.broadcast %mul3A_49 : i32 to vector<16xi32>
    %mul3A_51 = arith.muli %iota3A, %mul3A_50 : vector<16xi32>
    %add3A_52 = arith.constant 14336 : i32
    %add3A_53 = vector.broadcast %add3A_52 : i32 to vector<16xi32>
    %add3A_54 = arith.addi %mul3A_51, %add3A_53 : vector<16xi32>
    %scan3A = arith.constant 0 : i32
    %scan3A_55 = arith.constant 31 : i32
    %scan3A_56 = arith.addi %scan3A, %scan3A_55 : i32
    %scan3A_57 = arith.constant 1 : i32
    scf.for %scan3A_76 = %scan3A to %scan3A_56 step %scan3A_57  : i32 {
      %mul3A_77 = arith.constant 2 : i32
      %mul3A_78 = arith.muli %scan3A_76, %mul3A_77 : i32
      %add3A_79 = arith.constant 0 : i32
      %add3A_80 = arith.addi %add3A_79, %mul3A_78 : i32
      %add3A_81 = arith.constant 0 : i32
      %add3A_82 = arith.addi %add3A_80, %add3A_81 : i32
      %lt3A_83 = arith.cmpi slt, %add3A_82, %select_n3A : i32
      %convert_element_type3A_84 = arith.extui %lt3A_83 : i1 to i32
      %cond3A_85 = arith.constant 0 : i32
      %cond3A_86 = arith.cmpi ne, %convert_element_type3A_84, %cond3A_85 : i32
      scf.if %cond3A_86 {
        %add3A_93 = arith.addi %add3A_6, %add3A_82 : i32
        %mul3A_94 = arith.constant 4 : i32
        %mul3A_95 = arith.muli %add3A_93, %mul3A_94 : i32
        %add3A_96 = arith.constant 0 : i32
        %add3A_97 = arith.addi %mul3A_95, %add3A_96 : i32
        %mul3A_98 = arith.constant 128 : i32
        %mul3A_99 = arith.muli %add3A_97, %mul3A_98 : i32
        %dma_start3A = arith.constant 0 : i32
        %dma_start3A_100 = arith.constant 0 : i32
        %dma_start3A_101 = arith.constant 0 : i32
        %dma_start3A_102 = arith.constant 0 : i32
        %dma_start3A_103 = tpu.memref_slice %arg5[%dma_start3A, %dma_start3A_100, %dma_start3A_101, %dma_start3A_102] : memref<2x4x64x128xf32, #tpu.memory_space<vmem>> -> memref<1x1x50x128xf32, #tpu.memory_space<vmem>>
        %dma_start3A_104 = tpu.memref_squeeze %dma_start3A_103 : memref<1x1x50x128xf32, #tpu.memory_space<vmem>> -> memref<50x128xf32, #tpu.memory_space<vmem>>
        %dma_start3A_105 = arith.constant 0 : i32
        %dma_start3A_106 = tpu.memref_slice %arg2[%dma_start3A_105, %mul3A_99] : memref<50x1000000xf32, #tpu.memory_space<hbm>> -> memref<50x128xf32, #tpu.memory_space<hbm>>
        %dma_start3A_107 = arith.constant 0 : i32
        %dma_start3A_108 = arith.constant 0 : i32
        %dma_start3A_109 = tpu.memref_slice %arg5[%dma_start3A, %dma_start3A_100, %dma_start3A_107, %dma_start3A_108] : memref<2x4x64x128xf32, #tpu.memory_space<vmem>> -> memref<1x1x50x128xf32, #tpu.memory_space<vmem>>
        %dma_start3A_110 = tpu.memref_squeeze %dma_start3A_109 : memref<1x1x50x128xf32, #tpu.memory_space<vmem>> -> memref<50x128xf32, #tpu.memory_space<vmem>>
        %dma_start3A_111 = arith.constant 0 : i32
        %dma_start3A_112 = tpu.memref_slice %arg2[%dma_start3A_111, %mul3A_99] : memref<50x1000000xf32, #tpu.memory_space<hbm>> -> memref<50x128xf32, #tpu.memory_space<hbm>>
        tpu.enqueue_dma source(%dma_start3A_112 : memref<50x128xf32, #tpu.memory_space<hbm>>) target(%dma_start3A_110 : memref<50x128xf32, #tpu.memory_space<vmem>>) target_semaphore(%arg7 : memref<!tpu.dma_semaphore, #tpu.memory_space<semaphore_mem>>)
        %mul3A_113 = arith.constant 4 : i32
        %mul3A_114 = arith.muli %add3A_93, %mul3A_113 : i32
        %add3A_115 = arith.constant 1 : i32
        %add3A_116 = arith.addi %mul3A_114, %add3A_115 : i32
        %mul3A_117 = arith.constant 128 : i32
        %mul3A_118 = arith.muli %add3A_116, %mul3A_117 : i32
        %dma_start3A_119 = arith.constant 0 : i32
        %dma_start3A_120 = arith.constant 1 : i32
        %dma_start3A_121 = arith.constant 0 : i32
        %dma_start3A_122 = arith.constant 0 : i32
        %dma_start3A_123 = tpu.memref_slice %arg5[%dma_start3A_119, %dma_start3A_120, %dma_start3A_121, %dma_start3A_122] : memref<2x4x64x128xf32, #tpu.memory_space<vmem>> -> memref<1x1x50x128xf32, #tpu.memory_space<vmem>>
        %dma_start3A_124 = tpu.memref_squeeze %dma_start3A_123 : memref<1x1x50x128xf32, #tpu.memory_space<vmem>> -> memref<50x128xf32, #tpu.memory_space<vmem>>
        %dma_start3A_125 = arith.constant 0 : i32
        %dma_start3A_126 = tpu.memref_slice %arg2[%dma_start3A_125, %mul3A_118] : memref<50x1000000xf32, #tpu.memory_space<hbm>> -> memref<50x128xf32, #tpu.memory_space<hbm>>
        %dma_start3A_127 = arith.constant 0 : i32
        %dma_start3A_128 = arith.constant 0 : i32
        %dma_start3A_129 = tpu.memref_slice %arg5[%dma_start3A_119, %dma_start3A_120, %dma_start3A_127, %dma_start3A_128] : memref<2x4x64x128xf32, #tpu.memory_space<vmem>> -> memref<1x1x50x128xf32, #tpu.memory_space<vmem>>
        %dma_start3A_130 = tpu.memref_squeeze %dma_start3A_129 : memref<1x1x50x128xf32, #tpu.memory_space<vmem>> -> memref<50x128xf32, #tpu.memory_space<vmem>>
        %dma_start3A_131 = arith.constant 0 : i32
        %dma_start3A_132 = tpu.memref_slice %arg2[%dma_start3A_131, %mul3A_118] : memref<50x1000000xf32, #tpu.memory_space<hbm>> -> memref<50x128xf32, #tpu.memory_space<hbm>>
        tpu.enqueue_dma source(%dma_start3A_132 : memref<50x128xf32, #tpu.memory_space<hbm>>) target(%dma_start3A_130 : memref<50x128xf32, #tpu.memory_space<vmem>>) target_semaphore(%arg7 : memref<!tpu.dma_semaphore, #tpu.memory_space<semaphore_mem>>)
        %mul3A_133 = arith.constant 4 : i32
        %mul3A_134 = arith.muli %add3A_93, %mul3A_133 : i32
        %add3A_135 = arith.constant 2 : i32
        %add3A_136 = arith.addi %mul3A_134, %add3A_135 : i32
        %mul3A_137 = arith.constant 128 : i32
        %mul3A_138 = arith.muli %add3A_136, %mul3A_137 : i32
        %dma_start3A_139 = arith.constant 0 : i32
        %dma_start3A_140 = arith.constant 2 : i32
        %dma_start3A_141 = arith.constant 0 : i32
        %dma_start3A_142 = arith.constant 0 : i32
        %dma_start3A_143 = tpu.memref_slice %arg5[%dma_start3A_139, %dma_start3A_140, %dma_start3A_141, %dma_start3A_142] : memref<2x4x64x128xf32, #tpu.memory_space<vmem>> -> memref<1x1x50x128xf32, #tpu.memory_space<vmem>>
        %dma_start3A_144 = tpu.memref_squeeze %dma_start3A_143 : memref<1x1x50x128xf32, #tpu.memory_space<vmem>> -> memref<50x128xf32, #tpu.memory_space<vmem>>
        %dma_start3A_145 = arith.constant 0 : i32
        %dma_start3A_146 = tpu.memref_slice %arg2[%dma_start3A_145, %mul3A_138] : memref<50x1000000xf32, #tpu.memory_space<hbm>> -> memref<50x128xf32, #tpu.memory_space<hbm>>
        %dma_start3A_147 = arith.constant 0 : i32
        %dma_start3A_148 = arith.constant 0 : i32
        %dma_start3A_149 = tpu.memref_slice %arg5[%dma_start3A_139, %dma_start3A_140, %dma_start3A_147, %dma_start3A_148] : memref<2x4x64x128xf32, #tpu.memory_space<vmem>> -> memref<1x1x50x128xf32, #tpu.memory_space<vmem>>
        %dma_start3A_150 = tpu.memref_squeeze %dma_start3A_149 : memref<1x1x50x128xf32, #tpu.memory_space<vmem>> -> memref<50x128xf32, #tpu.memory_space<vmem>>
        %dma_start3A_151 = arith.constant 0 : i32
        %dma_start3A_152 = tpu.memref_slice %arg2[%dma_start3A_151, %mul3A_138] : memref<50x1000000xf32, #tpu.memory_space<hbm>> -> memref<50x128xf32, #tpu.memory_space<hbm>>
        tpu.enqueue_dma source(%dma_start3A_152 : memref<50x128xf32, #tpu.memory_space<hbm>>) target(%dma_start3A_150 : memref<50x128xf32, #tpu.memory_space<vmem>>) target_semaphore(%arg7 : memref<!tpu.dma_semaphore, #tpu.memory_space<semaphore_mem>>)
        %mul3A_153 = arith.constant 4 : i32
        %mul3A_154 = arith.muli %add3A_93, %mul3A_153 : i32
        %add3A_155 = arith.constant 3 : i32
        %add3A_156 = arith.addi %mul3A_154, %add3A_155 : i32
        %mul3A_157 = arith.constant 128 : i32
        %mul3A_158 = arith.muli %add3A_156, %mul3A_157 : i32
        %dma_start3A_159 = arith.constant 0 : i32
        %dma_start3A_160 = arith.constant 3 : i32
        %dma_start3A_161 = arith.constant 0 : i32
        %dma_start3A_162 = arith.constant 0 : i32
        %dma_start3A_163 = tpu.memref_slice %arg5[%dma_start3A_159, %dma_start3A_160, %dma_start3A_161, %dma_start3A_162] : memref<2x4x64x128xf32, #tpu.memory_space<vmem>> -> memref<1x1x50x128xf32, #tpu.memory_space<vmem>>
        %dma_start3A_164 = tpu.memref_squeeze %dma_start3A_163 : memref<1x1x50x128xf32, #tpu.memory_space<vmem>> -> memref<50x128xf32, #tpu.memory_space<vmem>>
        %dma_start3A_165 = arith.constant 0 : i32
        %dma_start3A_166 = tpu.memref_slice %arg2[%dma_start3A_165, %mul3A_158] : memref<50x1000000xf32, #tpu.memory_space<hbm>> -> memref<50x128xf32, #tpu.memory_space<hbm>>
        %dma_start3A_167 = arith.constant 0 : i32
        %dma_start3A_168 = arith.constant 0 : i32
        %dma_start3A_169 = tpu.memref_slice %arg5[%dma_start3A_159, %dma_start3A_160, %dma_start3A_167, %dma_start3A_168] : memref<2x4x64x128xf32, #tpu.memory_space<vmem>> -> memref<1x1x50x128xf32, #tpu.memory_space<vmem>>
        %dma_start3A_170 = tpu.memref_squeeze %dma_start3A_169 : memref<1x1x50x128xf32, #tpu.memory_space<vmem>> -> memref<50x128xf32, #tpu.memory_space<vmem>>
        %dma_start3A_171 = arith.constant 0 : i32
        %dma_start3A_172 = tpu.memref_slice %arg2[%dma_start3A_171, %mul3A_158] : memref<50x1000000xf32, #tpu.memory_space<hbm>> -> memref<50x128xf32, #tpu.memory_space<hbm>>
        tpu.enqueue_dma source(%dma_start3A_172 : memref<50x128xf32, #tpu.memory_space<hbm>>) target(%dma_start3A_170 : memref<50x128xf32, #tpu.memory_space<vmem>>) target_semaphore(%arg7 : memref<!tpu.dma_semaphore, #tpu.memory_space<semaphore_mem>>)
        %dma_wait3A_173 = arith.constant 0 : i32
        %dma_wait3A_174 = arith.constant 0 : i32
        %dma_wait3A_175 = arith.constant 0 : i32
        %dma_wait3A_176 = arith.constant 0 : i32
        %dma_wait3A_177 = tpu.memref_slice %arg5[%dma_wait3A_173, %dma_wait3A_174, %dma_wait3A_175, %dma_wait3A_176] : memref<2x4x64x128xf32, #tpu.memory_space<vmem>> -> memref<1x1x50x128xf32, #tpu.memory_space<vmem>>
        %dma_wait3A_178 = tpu.memref_squeeze %dma_wait3A_177 : memref<1x1x50x128xf32, #tpu.memory_space<vmem>> -> memref<50x128xf32, #tpu.memory_space<vmem>>
        %dma_wait3A_179 = arith.constant 0 : i32
        %dma_wait3A_180 = tpu.memref_slice %arg2[%dma_wait3A_179, %mul3A_99] : memref<50x1000000xf32, #tpu.memory_space<hbm>> -> memref<50x128xf32, #tpu.memory_space<hbm>>
        %dma_wait3A_181 = arith.constant 0 : i32
        %dma_wait3A_182 = arith.constant 0 : i32
        %dma_wait3A_183 = tpu.memref_slice %arg5[%dma_wait3A_173, %dma_wait3A_174, %dma_wait3A_181, %dma_wait3A_182] : memref<2x4x64x128xf32, #tpu.memory_space<vmem>> -> memref<1x1x50x128xf32, #tpu.memory_space<vmem>>
        %dma_wait3A_184 = tpu.memref_squeeze %dma_wait3A_183 : memref<1x1x50x128xf32, #tpu.memory_space<vmem>> -> memref<50x128xf32, #tpu.memory_space<vmem>>
        %dma_wait3A_185 = arith.constant 0 : i32
        %dma_wait3A_186 = tpu.memref_slice %arg2[%dma_wait3A_185, %mul3A_99] : memref<50x1000000xf32, #tpu.memory_space<hbm>> -> memref<50x128xf32, #tpu.memory_space<hbm>>
        tpu.wait_dma2 semaphore(%arg7 : memref<!tpu.dma_semaphore, #tpu.memory_space<semaphore_mem>>) src(%dma_wait3A_186 : memref<50x128xf32, #tpu.memory_space<hbm>>) dst(%dma_wait3A_184 : memref<50x128xf32, #tpu.memory_space<vmem>>)
        %dma_wait3A_187 = arith.constant 0 : i32
        %dma_wait3A_188 = arith.constant 1 : i32
        %dma_wait3A_189 = arith.constant 0 : i32
        %dma_wait3A_190 = arith.constant 0 : i32
        %dma_wait3A_191 = tpu.memref_slice %arg5[%dma_wait3A_187, %dma_wait3A_188, %dma_wait3A_189, %dma_wait3A_190] : memref<2x4x64x128xf32, #tpu.memory_space<vmem>> -> memref<1x1x50x128xf32, #tpu.memory_space<vmem>>
        %dma_wait3A_192 = tpu.memref_squeeze %dma_wait3A_191 : memref<1x1x50x128xf32, #tpu.memory_space<vmem>> -> memref<50x128xf32, #tpu.memory_space<vmem>>
        %dma_wait3A_193 = arith.constant 0 : i32
        %dma_wait3A_194 = tpu.memref_slice %arg2[%dma_wait3A_193, %mul3A_118] : memref<50x1000000xf32, #tpu.memory_space<hbm>> -> memref<50x128xf32, #tpu.memory_space<hbm>>
        %dma_wait3A_195 = arith.constant 0 : i32
        %dma_wait3A_196 = arith.constant 0 : i32
        %dma_wait3A_197 = tpu.memref_slice %arg5[%dma_wait3A_187, %dma_wait3A_188, %dma_wait3A_195, %dma_wait3A_196] : memref<2x4x64x128xf32, #tpu.memory_space<vmem>> -> memref<1x1x50x128xf32, #tpu.memory_space<vmem>>
        %dma_wait3A_198 = tpu.memref_squeeze %dma_wait3A_197 : memref<1x1x50x128xf32, #tpu.memory_space<vmem>> -> memref<50x128xf32, #tpu.memory_space<vmem>>
        %dma_wait3A_199 = arith.constant 0 : i32
        %dma_wait3A_200 = tpu.memref_slice %arg2[%dma_wait3A_199, %mul3A_118] : memref<50x1000000xf32, #tpu.memory_space<hbm>> -> memref<50x128xf32, #tpu.memory_space<hbm>>
        tpu.wait_dma2 semaphore(%arg7 : memref<!tpu.dma_semaphore, #tpu.memory_space<semaphore_mem>>) src(%dma_wait3A_200 : memref<50x128xf32, #tpu.memory_space<hbm>>) dst(%dma_wait3A_198 : memref<50x128xf32, #tpu.memory_space<vmem>>)
        %dma_wait3A_201 = arith.constant 0 : i32
        %dma_wait3A_202 = arith.constant 2 : i32
        %dma_wait3A_203 = arith.constant 0 : i32
        %dma_wait3A_204 = arith.constant 0 : i32
        %dma_wait3A_205 = tpu.memref_slice %arg5[%dma_wait3A_201, %dma_wait3A_202, %dma_wait3A_203, %dma_wait3A_204] : memref<2x4x64x128xf32, #tpu.memory_space<vmem>> -> memref<1x1x50x128xf32, #tpu.memory_space<vmem>>
        %dma_wait3A_206 = tpu.memref_squeeze %dma_wait3A_205 : memref<1x1x50x128xf32, #tpu.memory_space<vmem>> -> memref<50x128xf32, #tpu.memory_space<vmem>>
        %dma_wait3A_207 = arith.constant 0 : i32
        %dma_wait3A_208 = tpu.memref_slice %arg2[%dma_wait3A_207, %mul3A_138] : memref<50x1000000xf32, #tpu.memory_space<hbm>> -> memref<50x128xf32, #tpu.memory_space<hbm>>
        %dma_wait3A_209 = arith.constant 0 : i32
        %dma_wait3A_210 = arith.constant 0 : i32
        %dma_wait3A_211 = tpu.memref_slice %arg5[%dma_wait3A_201, %dma_wait3A_202, %dma_wait3A_209, %dma_wait3A_210] : memref<2x4x64x128xf32, #tpu.memory_space<vmem>> -> memref<1x1x50x128xf32, #tpu.memory_space<vmem>>
        %dma_wait3A_212 = tpu.memref_squeeze %dma_wait3A_211 : memref<1x1x50x128xf32, #tpu.memory_space<vmem>> -> memref<50x128xf32, #tpu.memory_space<vmem>>
        %dma_wait3A_213 = arith.constant 0 : i32
        %dma_wait3A_214 = tpu.memref_slice %arg2[%dma_wait3A_213, %mul3A_138] : memref<50x1000000xf32, #tpu.memory_space<hbm>> -> memref<50x128xf32, #tpu.memory_space<hbm>>
        tpu.wait_dma2 semaphore(%arg7 : memref<!tpu.dma_semaphore, #tpu.memory_space<semaphore_mem>>) src(%dma_wait3A_214 : memref<50x128xf32, #tpu.memory_space<hbm>>) dst(%dma_wait3A_212 : memref<50x128xf32, #tpu.memory_space<vmem>>)
        %dma_wait3A_215 = arith.constant 0 : i32
        %dma_wait3A_216 = arith.constant 3 : i32
        %dma_wait3A_217 = arith.constant 0 : i32
        %dma_wait3A_218 = arith.constant 0 : i32
        %dma_wait3A_219 = tpu.memref_slice %arg5[%dma_wait3A_215, %dma_wait3A_216, %dma_wait3A_217, %dma_wait3A_218] : memref<2x4x64x128xf32, #tpu.memory_space<vmem>> -> memref<1x1x50x128xf32, #tpu.memory_space<vmem>>
        %dma_wait3A_220 = tpu.memref_squeeze %dma_wait3A_219 : memref<1x1x50x128xf32, #tpu.memory_space<vmem>> -> memref<50x128xf32, #tpu.memory_space<vmem>>
        %dma_wait3A_221 = arith.constant 0 : i32
        %dma_wait3A_222 = tpu.memref_slice %arg2[%dma_wait3A_221, %mul3A_158] : memref<50x1000000xf32, #tpu.memory_space<hbm>> -> memref<50x128xf32, #tpu.memory_space<hbm>>
        %dma_wait3A_223 = arith.constant 0 : i32
        %dma_wait3A_224 = arith.constant 0 : i32
        %dma_wait3A_225 = tpu.memref_slice %arg5[%dma_wait3A_215, %dma_wait3A_216, %dma_wait3A_223, %dma_wait3A_224] : memref<2x4x64x128xf32, #tpu.memory_space<vmem>> -> memref<1x1x50x128xf32, #tpu.memory_space<vmem>>
        %dma_wait3A_226 = tpu.memref_squeeze %dma_wait3A_225 : memref<1x1x50x128xf32, #tpu.memory_space<vmem>> -> memref<50x128xf32, #tpu.memory_space<vmem>>
        %dma_wait3A_227 = arith.constant 0 : i32
        %dma_wait3A_228 = tpu.memref_slice %arg2[%dma_wait3A_227, %mul3A_158] : memref<50x1000000xf32, #tpu.memory_space<hbm>> -> memref<50x128xf32, #tpu.memory_space<hbm>>
        tpu.wait_dma2 semaphore(%arg7 : memref<!tpu.dma_semaphore, #tpu.memory_space<semaphore_mem>>) src(%dma_wait3A_228 : memref<50x128xf32, #tpu.memory_space<hbm>>) dst(%dma_wait3A_226 : memref<50x128xf32, #tpu.memory_space<vmem>>)
        %ge3A = arith.constant 1 : i32
        %ge3A_229 = arith.cmpi sge, %add3A_82, %ge3A : i32
        %convert_element_type3A_230 = arith.extui %ge3A_229 : i1 to i32
        %cond3A_231 = arith.constant 0 : i32
        %cond3A_232 = arith.cmpi ne, %convert_element_type3A_230, %cond3A_231 : i32
        scf.if %cond3A_232 {
          %dma_wait3A_321 = arith.constant 0 : i32
          %dma_wait3A_322 = tpu.memref_slice %arg6[%dma_wait3A_321] : memref<32768xf32, #tpu.memory_space<vmem>> -> memref<16384xf32, #tpu.memory_space<vmem>>
          %dma_wait3A_323 = arith.constant 0 : i32
          %dma_wait3A_324 = tpu.memref_slice %arg4[%dma_wait3A_323] : memref<128008192xf32, #tpu.memory_space<hbm>> -> memref<16384xf32, #tpu.memory_space<hbm>>
          %dma_wait3A_325 = arith.constant 0 : i32
          %dma_wait3A_326 = tpu.memref_slice %arg6[%dma_wait3A_325] : memref<32768xf32, #tpu.memory_space<vmem>> -> memref<16384xf32, #tpu.memory_space<vmem>>
          %dma_wait3A_327 = arith.constant 0 : i32
          %dma_wait3A_328 = tpu.memref_slice %arg4[%dma_wait3A_327] : memref<128008192xf32, #tpu.memory_space<hbm>> -> memref<16384xf32, #tpu.memory_space<hbm>>
          tpu.wait_dma2 semaphore(%arg8 : memref<!tpu.dma_semaphore, #tpu.memory_space<semaphore_mem>>) src(%dma_wait3A_328 : memref<16384xf32, #tpu.memory_space<hbm>>) dst(%dma_wait3A_326 : memref<16384xf32, #tpu.memory_space<vmem>>)
        } else {
        }
        %parallel_loop3A = arith.constant 0 : i32
        %parallel_loop3A_233 = arith.constant 64 : i32
        %parallel_loop3A_234 = arith.constant 2 : i32
        scf.for %parallel_loop3A_321 = %parallel_loop3A to %parallel_loop3A_233 step %parallel_loop3A_234  : i32 {
          %parallel_loop3A_322 = arith.constant 0 : i32
          %parallel_loop3A_323 = arith.addi %parallel_loop3A_321, %parallel_loop3A_322 : i32
          %parallel_loop3A_324 = arith.constant 0 : i32
          %parallel_loop3A_325 = vector.broadcast %parallel_loop3A_324 : i32 to vector<16xi32>
          %parallel_loop3A_326 = vector.broadcast %parallel_loop3A_323 : i32 to vector<16xi32>
          %parallel_loop3A_327 = arith.addi %parallel_loop3A_325, %parallel_loop3A_326 : vector<16xi32>
          %parallel_loop3A_328 = arith.constant 0 : i32
          %parallel_loop3A_329 = arith.constant 0 : i32
          %parallel_loop3A_330 = arith.index_cast %parallel_loop3A_328 : i32 to index
          %parallel_loop3A_331 = arith.index_cast %parallel_loop3A_329 : i32 to index
          %parallel_loop3A_332 = arith.index_cast %parallel_loop3A_323 : i32 to index
          %parallel_loop3A_333 = arith.constant 0 : index
          %parallel_loop3A_334 = tpu.vector_load %arg5[%parallel_loop3A_330, %parallel_loop3A_331, %parallel_loop3A_332, %parallel_loop3A_333] {strides = array<i32>} : memref<2x4x64x128xf32, #tpu.memory_space<vmem>>, vector<16xf32>,
          %parallel_loop3A_335 = arith.addi %add3A_12, %parallel_loop3A_327 : vector<16xi32>
          %parallel_loop3A_336 = arith.constant 0 : i32
          %parallel_loop3A_337 = vector.broadcast %parallel_loop3A_336 : i32 to vector<16xi32>
          %parallel_loop3A_338 = arith.addi %parallel_loop3A_335, %parallel_loop3A_337 : vector<16xi32>
          tpu.vector_store_idx %arg6[%parallel_loop3A_338], %parallel_loop3A_334 : memref<32768xf32, #tpu.memory_space<vmem>>[vector<16xi32>], vector<16xf32>,
          %parallel_loop3A_339 = arith.constant 0 : i32
          %parallel_loop3A_340 = arith.constant 0 : i32
          %parallel_loop3A_341 = arith.index_cast %parallel_loop3A_339 : i32 to index
          %parallel_loop3A_342 = arith.index_cast %parallel_loop3A_340 : i32 to index
          %parallel_loop3A_343 = arith.index_cast %parallel_loop3A_323 : i32 to index
          %parallel_loop3A_344 = arith.constant 16 : index
          %parallel_loop3A_345 = tpu.vector_load %arg5[%parallel_loop3A_341, %parallel_loop3A_342, %parallel_loop3A_343, %parallel_loop3A_344] {strides = array<i32>} : memref<2x4x64x128xf32, #tpu.memory_space<vmem>>, vector<16xf32>,
          %parallel_loop3A_346 = arith.addi %add3A_18, %parallel_loop3A_327 : vector<16xi32>
          %parallel_loop3A_347 = arith.constant 0 : i32
          %parallel_loop3A_348 = vector.broadcast %parallel_loop3A_347 : i32 to vector<16xi32>
          %parallel_loop3A_349 = arith.addi %parallel_loop3A_346, %parallel_loop3A_348 : vector<16xi32>
          tpu.vector_store_idx %arg6[%parallel_loop3A_349], %parallel_loop3A_345 : memref<32768xf32, #tpu.memory_space<vmem>>[vector<16xi32>], vector<16xf32>,
          %parallel_loop3A_350 = arith.constant 0 : i32
          %parallel_loop3A_351 = arith.constant 0 : i32
          %parallel_loop3A_352 = arith.index_cast %parallel_loop3A_350 : i32 to index
          %parallel_loop3A_353 = arith.index_cast %parallel_loop3A_351 : i32 to index
          %parallel_loop3A_354 = arith.index_cast %parallel_loop3A_323 : i32 to index
          %parallel_loop3A_355 = arith.constant 32 : index
          %parallel_loop3A_356 = tpu.vector_load %arg5[%parallel_loop3A_352, %parallel_loop3A_353, %parallel_loop3A_354, %parallel_loop3A_355] {strides = array<i32>} : memref<2x4x64x128xf32, #tpu.memory_space<vmem>>, vector<16xf32>,
          %parallel_loop3A_357 = arith.addi %add3A_24, %parallel_loop3A_327 : vector<16xi32>
          %parallel_loop3A_358 = arith.constant 0 : i32
          %parallel_loop3A_359 = vector.broadcast %parallel_loop3A_358 : i32 to vector<16xi32>
          %parallel_loop3A_360 = arith.addi %parallel_loop3A_357, %parallel_loop3A_359 : vector<16xi32>
          tpu.vector_store_idx %arg6[%parallel_loop3A_360], %parallel_loop3A_356 : memref<32768xf32, #tpu.memory_space<vmem>>[vector<16xi32>], vector<16xf32>,
          %parallel_loop3A_361 = arith.constant 0 : i32
          %parallel_loop3A_362 = arith.constant 0 : i32
          %parallel_loop3A_363 = arith.index_cast %parallel_loop3A_361 : i32 to index
          %parallel_loop3A_364 = arith.index_cast %parallel_loop3A_362 : i32 to index
          %parallel_loop3A_365 = arith.index_cast %parallel_loop3A_323 : i32 to index
          %parallel_loop3A_366 = arith.constant 48 : index
          %parallel_loop3A_367 = tpu.vector_load %arg5[%parallel_loop3A_363, %parallel_loop3A_364, %parallel_loop3A_365, %parallel_loop3A_366] {strides = array<i32>} : memref<2x4x64x128xf32, #tpu.memory_space<vmem>>, vector<16xf32>,
          %parallel_loop3A_368 = arith.addi %add3A_30, %parallel_loop3A_327 : vector<16xi32>
          %parallel_loop3A_369 = arith.constant 0 : i32
          %parallel_loop3A_370 = vector.broadcast %parallel_loop3A_369 : i32 to vector<16xi32>
          %parallel_loop3A_371 = arith.addi %parallel_loop3A_368, %parallel_loop3A_370 : vector<16xi32>
          tpu.vector_store_idx %arg6[%parallel_loop3A_371], %parallel_loop3A_367 : memref<32768xf32, #tpu.memory_space<vmem>>[vector<16xi32>], vector<16xf32>,
          %parallel_loop3A_372 = arith.constant 0 : i32
          %parallel_loop3A_373 = arith.constant 0 : i32
          %parallel_loop3A_374 = arith.index_cast %parallel_loop3A_372 : i32 to index
          %parallel_loop3A_375 = arith.index_cast %parallel_loop3A_373 : i32 to index
          %parallel_loop3A_376 = arith.index_cast %parallel_loop3A_323 : i32 to index
          %parallel_loop3A_377 = arith.constant 64 : index
          %parallel_loop3A_378 = tpu.vector_load %arg5[%parallel_loop3A_374, %parallel_loop3A_375, %parallel_loop3A_376, %parallel_loop3A_377] {strides = array<i32>} : memref<2x4x64x128xf32, #tpu.memory_space<vmem>>, vector<16xf32>,
          %parallel_loop3A_379 = arith.addi %add3A_36, %parallel_loop3A_327 : vector<16xi32>
          %parallel_loop3A_380 = arith.constant 0 : i32
          %parallel_loop3A_381 = vector.broadcast %parallel_loop3A_380 : i32 to vector<16xi32>
          %parallel_loop3A_382 = arith.addi %parallel_loop3A_379, %parallel_loop3A_381 : vector<16xi32>
          tpu.vector_store_idx %arg6[%parallel_loop3A_382], %parallel_loop3A_378 : memref<32768xf32, #tpu.memory_space<vmem>>[vector<16xi32>], vector<16xf32>,
          %parallel_loop3A_383 = arith.constant 0 : i32
          %parallel_loop3A_384 = arith.constant 0 : i32
          %parallel_loop3A_385 = arith.index_cast %parallel_loop3A_383 : i32 to index
          %parallel_loop3A_386 = arith.index_cast %parallel_loop3A_384 : i32 to index
          %parallel_loop3A_387 = arith.index_cast %parallel_loop3A_323 : i32 to index
          %parallel_loop3A_388 = arith.constant 80 : index
          %parallel_loop3A_389 = tpu.vector_load %arg5[%parallel_loop3A_385, %parallel_loop3A_386, %parallel_loop3A_387, %parallel_loop3A_388] {strides = array<i32>} : memref<2x4x64x128xf32, #tpu.memory_space<vmem>>, vector<16xf32>,
          %parallel_loop3A_390 = arith.addi %add3A_42, %parallel_loop3A_327 : vector<16xi32>
          %parallel_loop3A_391 = arith.constant 0 : i32
          %parallel_loop3A_392 = vector.broadcast %parallel_loop3A_391 : i32 to vector<16xi32>
          %parallel_loop3A_393 = arith.addi %parallel_loop3A_390, %parallel_loop3A_392 : vector<16xi32>
          tpu.vector_store_idx %arg6[%parallel_loop3A_393], %parallel_loop3A_389 : memref<32768xf32, #tpu.memory_space<vmem>>[vector<16xi32>], vector<16xf32>,
          %parallel_loop3A_394 = arith.constant 0 : i32
          %parallel_loop3A_395 = arith.constant 0 : i32
          %parallel_loop3A_396 = arith.index_cast %parallel_loop3A_394 : i32 to index
          %parallel_loop3A_397 = arith.index_cast %parallel_loop3A_395 : i32 to index
          %parallel_loop3A_398 = arith.index_cast %parallel_loop3A_323 : i32 to index
          %parallel_loop3A_399 = arith.constant 96 : index
          %parallel_loop3A_400 = tpu.vector_load %arg5[%parallel_loop3A_396, %parallel_loop3A_397, %parallel_loop3A_398, %parallel_loop3A_399] {strides = array<i32>} : memref<2x4x64x128xf32, #tpu.memory_space<vmem>>, vector<16xf32>,
          %parallel_loop3A_401 = arith.addi %add3A_48, %parallel_loop3A_327 : vector<16xi32>
          %parallel_loop3A_402 = arith.constant 0 : i32
          %parallel_loop3A_403 = vector.broadcast %parallel_loop3A_402 : i32 to vector<16xi32>
          %parallel_loop3A_404 = arith.addi %parallel_loop3A_401, %parallel_loop3A_403 : vector<16xi32>
          tpu.vector_store_idx %arg6[%parallel_loop3A_404], %parallel_loop3A_400 : memref<32768xf32, #tpu.memory_space<vmem>>[vector<16xi32>], vector<16xf32>,
          %parallel_loop3A_405 = arith.constant 0 : i32
          %parallel_loop3A_406 = arith.constant 0 : i32
          %parallel_loop3A_407 = arith.index_cast %parallel_loop3A_405 : i32 to index
          %parallel_loop3A_408 = arith.index_cast %parallel_loop3A_406 : i32 to index
          %parallel_loop3A_409 = arith.index_cast %parallel_loop3A_323 : i32 to index
          %parallel_loop3A_410 = arith.constant 112 : index
          %parallel_loop3A_411 = tpu.vector_load %arg5[%parallel_loop3A_407, %parallel_loop3A_408, %parallel_loop3A_409, %parallel_loop3A_410] {strides = array<i32>} : memref<2x4x64x128xf32, #tpu.memory_space<vmem>>, vector<16xf32>,
          %parallel_loop3A_412 = arith.addi %add3A_54, %parallel_loop3A_327 : vector<16xi32>
          %parallel_loop3A_413 = arith.constant 0 : i32
          %parallel_loop3A_414 = vector.broadcast %parallel_loop3A_413 : i32 to vector<16xi32>
          %parallel_loop3A_415 = arith.addi %parallel_loop3A_412, %parallel_loop3A_414 : vector<16xi32>
          tpu.vector_store_idx %arg6[%parallel_loop3A_415], %parallel_loop3A_411 : memref<32768xf32, #tpu.memory_space<vmem>>[vector<16xi32>], vector<16xf32>,
          %parallel_loop3A_416 = arith.constant 1 : i32
          %parallel_loop3A_417 = arith.addi %parallel_loop3A_321, %parallel_loop3A_416 : i32
          %parallel_loop3A_418 = arith.constant 0 : i32
          %parallel_loop3A_419 = vector.broadcast %parallel_loop3A_418 : i32 to vector<16xi32>
          %parallel_loop3A_420 = vector.broadcast %parallel_loop3A_417 : i32 to vector<16xi32>
          %parallel_loop3A_421 = arith.addi %parallel_loop3A_419, %parallel_loop3A_420 : vector<16xi32>
          %parallel_loop3A_422 = arith.constant 0 : i32
          %parallel_loop3A_423 = arith.constant 0 : i32
          %parallel_loop3A_424 = arith.index_cast %parallel_loop3A_422 : i32 to index
          %parallel_loop3A_425 = arith.index_cast %parallel_loop3A_423 : i32 to index
          %parallel_loop3A_426 = arith.index_cast %parallel_loop3A_417 : i32 to index
          %parallel_loop3A_427 = arith.constant 0 : index
          %parallel_loop3A_428 = tpu.vector_load %arg5[%parallel_loop3A_424, %parallel_loop3A_425, %parallel_loop3A_426, %parallel_loop3A_427] {strides = array<i32>} : memref<2x4x64x128xf32, #tpu.memory_space<vmem>>, vector<16xf32>,
          %parallel_loop3A_429 = arith.addi %add3A_12, %parallel_loop3A_421 : vector<16xi32>
          %parallel_loop3A_430 = arith.constant 0 : i32
          %parallel_loop3A_431 = vector.broadcast %parallel_loop3A_430 : i32 to vector<16xi32>
          %parallel_loop3A_432 = arith.addi %parallel_loop3A_429, %parallel_loop3A_431 : vector<16xi32>
          tpu.vector_store_idx %arg6[%parallel_loop3A_432], %parallel_loop3A_428 : memref<32768xf32, #tpu.memory_space<vmem>>[vector<16xi32>], vector<16xf32>,
          %parallel_loop3A_433 = arith.constant 0 : i32
          %parallel_loop3A_434 = arith.constant 0 : i32
          %parallel_loop3A_435 = arith.index_cast %parallel_loop3A_433 : i32 to index
          %parallel_loop3A_436 = arith.index_cast %parallel_loop3A_434 : i32 to index
          %parallel_loop3A_437 = arith.index_cast %parallel_loop3A_417 : i32 to index
          %parallel_loop3A_438 = arith.constant 16 : index
          %parallel_loop3A_439 = tpu.vector_load %arg5[%parallel_loop3A_435, %parallel_loop3A_436, %parallel_loop3A_437, %parallel_loop3A_438] {strides = array<i32>} : memref<2x4x64x128xf32, #tpu.memory_space<vmem>>, vector<16xf32>,
          %parallel_loop3A_440 = arith.addi %add3A_18, %parallel_loop3A_421 : vector<16xi32>
          %parallel_loop3A_441 = arith.constant 0 : i32
          %parallel_loop3A_442 = vector.broadcast %parallel_loop3A_441 : i32 to vector<16xi32>
          %parallel_loop3A_443 = arith.addi %parallel_loop3A_440, %parallel_loop3A_442 : vector<16xi32>
          tpu.vector_store_idx %arg6[%parallel_loop3A_443], %parallel_loop3A_439 : memref<32768xf32, #tpu.memory_space<vmem>>[vector<16xi32>], vector<16xf32>,
          %parallel_loop3A_444 = arith.constant 0 : i32
          %parallel_loop3A_445 = arith.constant 0 : i32
          %parallel_loop3A_446 = arith.index_cast %parallel_loop3A_444 : i32 to index
          %parallel_loop3A_447 = arith.index_cast %parallel_loop3A_445 : i32 to index
          %parallel_loop3A_448 = arith.index_cast %parallel_loop3A_417 : i32 to index
          %parallel_loop3A_449 = arith.constant 32 : index
          %parallel_loop3A_450 = tpu.vector_load %arg5[%parallel_loop3A_446, %parallel_loop3A_447, %parallel_loop3A_448, %parallel_loop3A_449] {strides = array<i32>} : memref<2x4x64x128xf32, #tpu.memory_space<vmem>>, vector<16xf32>,
          %parallel_loop3A_451 = arith.addi %add3A_24, %parallel_loop3A_421 : vector<16xi32>
          %parallel_loop3A_452 = arith.constant 0 : i32
          %parallel_loop3A_453 = vector.broadcast %parallel_loop3A_452 : i32 to vector<16xi32>
          %parallel_loop3A_454 = arith.addi %parallel_loop3A_451, %parallel_loop3A_453 : vector<16xi32>
          tpu.vector_store_idx %arg6[%parallel_loop3A_454], %parallel_loop3A_450 : memref<32768xf32, #tpu.memory_space<vmem>>[vector<16xi32>], vector<16xf32>,
          %parallel_loop3A_455 = arith.constant 0 : i32
          %parallel_loop3A_456 = arith.constant 0 : i32
          %parallel_loop3A_457 = arith.index_cast %parallel_loop3A_455 : i32 to index
          %parallel_loop3A_458 = arith.index_cast %parallel_loop3A_456 : i32 to index
          %parallel_loop3A_459 = arith.index_cast %parallel_loop3A_417 : i32 to index
          %parallel_loop3A_460 = arith.constant 48 : index
          %parallel_loop3A_461 = tpu.vector_load %arg5[%parallel_loop3A_457, %parallel_loop3A_458, %parallel_loop3A_459, %parallel_loop3A_460] {strides = array<i32>} : memref<2x4x64x128xf32, #tpu.memory_space<vmem>>, vector<16xf32>,
          %parallel_loop3A_462 = arith.addi %add3A_30, %parallel_loop3A_421 : vector<16xi32>
          %parallel_loop3A_463 = arith.constant 0 : i32
          %parallel_loop3A_464 = vector.broadcast %parallel_loop3A_463 : i32 to vector<16xi32>
          %parallel_loop3A_465 = arith.addi %parallel_loop3A_462, %parallel_loop3A_464 : vector<16xi32>
          tpu.vector_store_idx %arg6[%parallel_loop3A_465], %parallel_loop3A_461 : memref<32768xf32, #tpu.memory_space<vmem>>[vector<16xi32>], vector<16xf32>,
          %parallel_loop3A_466 = arith.constant 0 : i32
          %parallel_loop3A_467 = arith.constant 0 : i32
          %parallel_loop3A_468 = arith.index_cast %parallel_loop3A_466 : i32 to index
          %parallel_loop3A_469 = arith.index_cast %parallel_loop3A_467 : i32 to index
          %parallel_loop3A_470 = arith.index_cast %parallel_loop3A_417 : i32 to index
          %parallel_loop3A_471 = arith.constant 64 : index
          %parallel_loop3A_472 = tpu.vector_load %arg5[%parallel_loop3A_468, %parallel_loop3A_469, %parallel_loop3A_470, %parallel_loop3A_471] {strides = array<i32>} : memref<2x4x64x128xf32, #tpu.memory_space<vmem>>, vector<16xf32>,
          %parallel_loop3A_473 = arith.addi %add3A_36, %parallel_loop3A_421 : vector<16xi32>
          %parallel_loop3A_474 = arith.constant 0 : i32
          %parallel_loop3A_475 = vector.broadcast %parallel_loop3A_474 : i32 to vector<16xi32>
          %parallel_loop3A_476 = arith.addi %parallel_loop3A_473, %parallel_loop3A_475 : vector<16xi32>
          tpu.vector_store_idx %arg6[%parallel_loop3A_476], %parallel_loop3A_472 : memref<32768xf32, #tpu.memory_space<vmem>>[vector<16xi32>], vector<16xf32>,
          %parallel_loop3A_477 = arith.constant 0 : i32
          %parallel_loop3A_478 = arith.constant 0 : i32
          %parallel_loop3A_479 = arith.index_cast %parallel_loop3A_477 : i32 to index
          %parallel_loop3A_480 = arith.index_cast %parallel_loop3A_478 : i32 to index
          %parallel_loop3A_481 = arith.index_cast %parallel_loop3A_417 : i32 to index
          %parallel_loop3A_482 = arith.constant 80 : index
          %parallel_loop3A_483 = tpu.vector_load %arg5[%parallel_loop3A_479, %parallel_loop3A_480, %parallel_loop3A_481, %parallel_loop3A_482] {strides = array<i32>} : memref<2x4x64x128xf32, #tpu.memory_space<vmem>>, vector<16xf32>,
          %parallel_loop3A_484 = arith.addi %add3A_42, %parallel_loop3A_421 : vector<16xi32>
          %parallel_loop3A_485 = arith.constant 0 : i32
          %parallel_loop3A_486 = vector.broadcast %parallel_loop3A_485 : i32 to vector<16xi32>
          %parallel_loop3A_487 = arith.addi %parallel_loop3A_484, %parallel_loop3A_486 : vector<16xi32>
          tpu.vector_store_idx %arg6[%parallel_loop3A_487], %parallel_loop3A_483 : memref<32768xf32, #tpu.memory_space<vmem>>[vector<16xi32>], vector<16xf32>,
          %parallel_loop3A_488 = arith.constant 0 : i32
          %parallel_loop3A_489 = arith.constant 0 : i32
          %parallel_loop3A_490 = arith.index_cast %parallel_loop3A_488 : i32 to index
          %parallel_loop3A_491 = arith.index_cast %parallel_loop3A_489 : i32 to index
          %parallel_loop3A_492 = arith.index_cast %parallel_loop3A_417 : i32 to index
          %parallel_loop3A_493 = arith.constant 96 : index
          %parallel_loop3A_494 = tpu.vector_load %arg5[%parallel_loop3A_490, %parallel_loop3A_491, %parallel_loop3A_492, %parallel_loop3A_493] {strides = array<i32>} : memref<2x4x64x128xf32, #tpu.memory_space<vmem>>, vector<16xf32>,
          %parallel_loop3A_495 = arith.addi %add3A_48, %parallel_loop3A_421 : vector<16xi32>
          %parallel_loop3A_496 = arith.constant 0 : i32
          %parallel_loop3A_497 = vector.broadcast %parallel_loop3A_496 : i32 to vector<16xi32>
          %parallel_loop3A_498 = arith.addi %parallel_loop3A_495, %parallel_loop3A_497 : vector<16xi32>
          tpu.vector_store_idx %arg6[%parallel_loop3A_498], %parallel_loop3A_494 : memref<32768xf32, #tpu.memory_space<vmem>>[vector<16xi32>], vector<16xf32>,
          %parallel_loop3A_499 = arith.constant 0 : i32
          %parallel_loop3A_500 = arith.constant 0 : i32
          %parallel_loop3A_501 = arith.index_cast %parallel_loop3A_499 : i32 to index
          %parallel_loop3A_502 = arith.index_cast %parallel_loop3A_500 : i32 to index
          %parallel_loop3A_503 = arith.index_cast %parallel_loop3A_417 : i32 to index
          %parallel_loop3A_504 = arith.constant 112 : index
          %parallel_loop3A_505 = tpu.vector_load %arg5[%parallel_loop3A_501, %parallel_loop3A_502, %parallel_loop3A_503, %parallel_loop3A_504] {strides = array<i32>} : memref<2x4x64x128xf32, #tpu.memory_space<vmem>>, vector<16xf32>,
          %parallel_loop3A_506 = arith.addi %add3A_54, %parallel_loop3A_421 : vector<16xi32>
          %parallel_loop3A_507 = arith.constant 0 : i32
          %parallel_loop3A_508 = vector.broadcast %parallel_loop3A_507 : i32 to vector<16xi32>
          %parallel_loop3A_509 = arith.addi %parallel_loop3A_506, %parallel_loop3A_508 : vector<16xi32>
          tpu.vector_store_idx %arg6[%parallel_loop3A_509], %parallel_loop3A_505 : memref<32768xf32, #tpu.memory_space<vmem>>[vector<16xi32>], vector<16xf32>,
        } {sc.loop_unroll_factor = 2 : i64, sc.parallel_access}
        %mul3A_235 = arith.constant 4 : i32
        %mul3A_236 = arith.muli %add3A_93, %mul3A_235 : i32
        %add3A_237 = arith.constant 0 : i32
        %add3A_238 = arith.addi %mul3A_236, %add3A_237 : i32
        %mul3A_239 = arith.constant 128 : i32
        %mul3A_240 = arith.muli %add3A_238, %mul3A_239 : i32
        %mul3A_241 = arith.constant 128 : i32
        %mul3A_242 = arith.muli %mul3A_240, %mul3A_241 : i32
        %dma_start3A_243 = arith.constant 0 : i32
        %dma_start3A_244 = tpu.memref_slice %arg6[%dma_start3A_243] : memref<32768xf32, #tpu.memory_space<vmem>> -> memref<16384xf32, #tpu.memory_space<vmem>>
        %dma_start3A_245 = tpu.memref_slice %arg4[%mul3A_242] : memref<128008192xf32, #tpu.memory_space<hbm>> -> memref<16384xf32, #tpu.memory_space<hbm>>
        %dma_start3A_246 = tpu.memref_slice %arg4[%mul3A_242] : memref<128008192xf32, #tpu.memory_space<hbm>> -> memref<16384xf32, #tpu.memory_space<hbm>>
        %dma_start3A_247 = arith.constant 0 : i32
        %dma_start3A_248 = tpu.memref_slice %arg6[%dma_start3A_247] : memref<32768xf32, #tpu.memory_space<vmem>> -> memref<16384xf32, #tpu.memory_space<vmem>>
        tpu.enqueue_dma source(%dma_start3A_248 : memref<16384xf32, #tpu.memory_space<vmem>>) target(%dma_start3A_246 : memref<16384xf32, #tpu.memory_space<hbm>>) target_semaphore(%arg8 : memref<!tpu.dma_semaphore, #tpu.memory_space<semaphore_mem>>)
        %ge3A_249 = arith.constant 1 : i32
        %ge3A_250 = arith.cmpi sge, %add3A_82, %ge3A_249 : i32
        %convert_element_type3A_251 = arith.extui %ge3A_250 : i1 to i32
        %cond3A_252 = arith.constant 0 : i32
        %cond3A_253 = arith.cmpi ne, %convert_element_type3A_251, %cond3A_252 : i32
        scf.if %cond3A_253 {
          %dma_wait3A_321 = arith.constant 16384 : i32
          %dma_wait3A_322 = tpu.memref_slice %arg6[%dma_wait3A_321] : memref<32768xf32, #tpu.memory_space<vmem>> -> memref<16384xf32, #tpu.memory_space<vmem>>
          %dma_wait3A_323 = arith.constant 0 : i32
          %dma_wait3A_324 = tpu.memref_slice %arg4[%dma_wait3A_323] : memref<128008192xf32, #tpu.memory_space<hbm>> -> memref<16384xf32, #tpu.memory_space<hbm>>
          %dma_wait3A_325 = arith.constant 16384 : i32
          %dma_wait3A_326 = tpu.memref_slice %arg6[%dma_wait3A_325] : memref<32768xf32, #tpu.memory_space<vmem>> -> memref<16384xf32, #tpu.memory_space<vmem>>
          %dma_wait3A_327 = arith.constant 0 : i32
          %dma_wait3A_328 = tpu.memref_slice %arg4[%dma_wait3A_327] : memref<128008192xf32, #tpu.memory_space<hbm>> -> memref<16384xf32, #tpu.memory_space<hbm>>
          tpu.wait_dma2 semaphore(%arg8 : memref<!tpu.dma_semaphore, #tpu.memory_space<semaphore_mem>>) src(%dma_wait3A_328 : memref<16384xf32, #tpu.memory_space<hbm>>) dst(%dma_wait3A_326 : memref<16384xf32, #tpu.memory_space<vmem>>)
        } else {
        }
        %parallel_loop3A_254 = arith.constant 0 : i32
        %parallel_loop3A_255 = arith.constant 64 : i32
        %parallel_loop3A_256 = arith.constant 2 : i32
        scf.for %parallel_loop3A_321 = %parallel_loop3A_254 to %parallel_loop3A_255 step %parallel_loop3A_256  : i32 {
          %parallel_loop3A_322 = arith.constant 0 : i32
          %parallel_loop3A_323 = arith.addi %parallel_loop3A_321, %parallel_loop3A_322 : i32
          %parallel_loop3A_324 = arith.constant 0 : i32
          %parallel_loop3A_325 = vector.broadcast %parallel_loop3A_324 : i32 to vector<16xi32>
          %parallel_loop3A_326 = vector.broadcast %parallel_loop3A_323 : i32 to vector<16xi32>
          %parallel_loop3A_327 = arith.addi %parallel_loop3A_325, %parallel_loop3A_326 : vector<16xi32>
          %parallel_loop3A_328 = arith.constant 0 : i32
          %parallel_loop3A_329 = arith.constant 1 : i32
          %parallel_loop3A_330 = arith.index_cast %parallel_loop3A_328 : i32 to index
          %parallel_loop3A_331 = arith.index_cast %parallel_loop3A_329 : i32 to index
          %parallel_loop3A_332 = arith.index_cast %parallel_loop3A_323 : i32 to index
          %parallel_loop3A_333 = arith.constant 0 : index
          %parallel_loop3A_334 = tpu.vector_load %arg5[%parallel_loop3A_330, %parallel_loop3A_331, %parallel_loop3A_332, %parallel_loop3A_333] {strides = array<i32>} : memref<2x4x64x128xf32, #tpu.memory_space<vmem>>, vector<16xf32>,
          %parallel_loop3A_335 = arith.addi %add3A_12, %parallel_loop3A_327 : vector<16xi32>
          %parallel_loop3A_336 = arith.constant 16384 : i32
          %parallel_loop3A_337 = vector.broadcast %parallel_loop3A_336 : i32 to vector<16xi32>
          %parallel_loop3A_338 = arith.addi %parallel_loop3A_335, %parallel_loop3A_337 : vector<16xi32>
          tpu.vector_store_idx %arg6[%parallel_loop3A_338], %parallel_loop3A_334 : memref<32768xf32, #tpu.memory_space<vmem>>[vector<16xi32>], vector<16xf32>,
          %parallel_loop3A_339 = arith.constant 0 : i32
          %parallel_loop3A_340 = arith.constant 1 : i32
          %parallel_loop3A_341 = arith.index_cast %parallel_loop3A_339 : i32 to index
          %parallel_loop3A_342 = arith.index_cast %parallel_loop3A_340 : i32 to index
          %parallel_loop3A_343 = arith.index_cast %parallel_loop3A_323 : i32 to index
          %parallel_loop3A_344 = arith.constant 16 : index
          %parallel_loop3A_345 = tpu.vector_load %arg5[%parallel_loop3A_341, %parallel_loop3A_342, %parallel_loop3A_343, %parallel_loop3A_344] {strides = array<i32>} : memref<2x4x64x128xf32, #tpu.memory_space<vmem>>, vector<16xf32>,
          %parallel_loop3A_346 = arith.addi %add3A_18, %parallel_loop3A_327 : vector<16xi32>
          %parallel_loop3A_347 = arith.constant 16384 : i32
          %parallel_loop3A_348 = vector.broadcast %parallel_loop3A_347 : i32 to vector<16xi32>
          %parallel_loop3A_349 = arith.addi %parallel_loop3A_346, %parallel_loop3A_348 : vector<16xi32>
          tpu.vector_store_idx %arg6[%parallel_loop3A_349], %parallel_loop3A_345 : memref<32768xf32, #tpu.memory_space<vmem>>[vector<16xi32>], vector<16xf32>,
          %parallel_loop3A_350 = arith.constant 0 : i32
          %parallel_loop3A_351 = arith.constant 1 : i32
          %parallel_loop3A_352 = arith.index_cast %parallel_loop3A_350 : i32 to index
          %parallel_loop3A_353 = arith.index_cast %parallel_loop3A_351 : i32 to index
          %parallel_loop3A_354 = arith.index_cast %parallel_loop3A_323 : i32 to index
          %parallel_loop3A_355 = arith.constant 32 : index
          %parallel_loop3A_356 = tpu.vector_load %arg5[%parallel_loop3A_352, %parallel_loop3A_353, %parallel_loop3A_354, %parallel_loop3A_355] {strides = array<i32>} : memref<2x4x64x128xf32, #tpu.memory_space<vmem>>, vector<16xf32>,
          %parallel_loop3A_357 = arith.addi %add3A_24, %parallel_loop3A_327 : vector<16xi32>
          %parallel_loop3A_358 = arith.constant 16384 : i32
          %parallel_loop3A_359 = vector.broadcast %parallel_loop3A_358 : i32 to vector<16xi32>
          %parallel_loop3A_360 = arith.addi %parallel_loop3A_357, %parallel_loop3A_359 : vector<16xi32>
          tpu.vector_store_idx %arg6[%parallel_loop3A_360], %parallel_loop3A_356 : memref<32768xf32, #tpu.memory_space<vmem>>[vector<16xi32>], vector<16xf32>,
          %parallel_loop3A_361 = arith.constant 0 : i32
          %parallel_loop3A_362 = arith.constant 1 : i32
          %parallel_loop3A_363 = arith.index_cast %parallel_loop3A_361 : i32 to index
          %parallel_loop3A_364 = arith.index_cast %parallel_loop3A_362 : i32 to index
          %parallel_loop3A_365 = arith.index_cast %parallel_loop3A_323 : i32 to index
          %parallel_loop3A_366 = arith.constant 48 : index
          %parallel_loop3A_367 = tpu.vector_load %arg5[%parallel_loop3A_363, %parallel_loop3A_364, %parallel_loop3A_365, %parallel_loop3A_366] {strides = array<i32>} : memref<2x4x64x128xf32, #tpu.memory_space<vmem>>, vector<16xf32>,
          %parallel_loop3A_368 = arith.addi %add3A_30, %parallel_loop3A_327 : vector<16xi32>
          %parallel_loop3A_369 = arith.constant 16384 : i32
          %parallel_loop3A_370 = vector.broadcast %parallel_loop3A_369 : i32 to vector<16xi32>
          %parallel_loop3A_371 = arith.addi %parallel_loop3A_368, %parallel_loop3A_370 : vector<16xi32>
          tpu.vector_store_idx %arg6[%parallel_loop3A_371], %parallel_loop3A_367 : memref<32768xf32, #tpu.memory_space<vmem>>[vector<16xi32>], vector<16xf32>,
          %parallel_loop3A_372 = arith.constant 0 : i32
          %parallel_loop3A_373 = arith.constant 1 : i32
          %parallel_loop3A_374 = arith.index_cast %parallel_loop3A_372 : i32 to index
          %parallel_loop3A_375 = arith.index_cast %parallel_loop3A_373 : i32 to index
          %parallel_loop3A_376 = arith.index_cast %parallel_loop3A_323 : i32 to index
          %parallel_loop3A_377 = arith.constant 64 : index
          %parallel_loop3A_378 = tpu.vector_load %arg5[%parallel_loop3A_374, %parallel_loop3A_375, %parallel_loop3A_376, %parallel_loop3A_377] {strides = array<i32>} : memref<2x4x64x128xf32, #tpu.memory_space<vmem>>, vector<16xf32>,
          %parallel_loop3A_379 = arith.addi %add3A_36, %parallel_loop3A_327 : vector<16xi32>
          %parallel_loop3A_380 = arith.constant 16384 : i32
          %parallel_loop3A_381 = vector.broadcast %parallel_loop3A_380 : i32 to vector<16xi32>
          %parallel_loop3A_382 = arith.addi %parallel_loop3A_379, %parallel_loop3A_381 : vector<16xi32>
          tpu.vector_store_idx %arg6[%parallel_loop3A_382], %parallel_loop3A_378 : memref<32768xf32, #tpu.memory_space<vmem>>[vector<16xi32>], vector<16xf32>,
          %parallel_loop3A_383 = arith.constant 0 : i32
          %parallel_loop3A_384 = arith.constant 1 : i32
          %parallel_loop3A_385 = arith.index_cast %parallel_loop3A_383 : i32 to index
          %parallel_loop3A_386 = arith.index_cast %parallel_loop3A_384 : i32 to index
          %parallel_loop3A_387 = arith.index_cast %parallel_loop3A_323 : i32 to index
          %parallel_loop3A_388 = arith.constant 80 : index
          %parallel_loop3A_389 = tpu.vector_load %arg5[%parallel_loop3A_385, %parallel_loop3A_386, %parallel_loop3A_387, %parallel_loop3A_388] {strides = array<i32>} : memref<2x4x64x128xf32, #tpu.memory_space<vmem>>, vector<16xf32>,
          %parallel_loop3A_390 = arith.addi %add3A_42, %parallel_loop3A_327 : vector<16xi32>
          %parallel_loop3A_391 = arith.constant 16384 : i32
          %parallel_loop3A_392 = vector.broadcast %parallel_loop3A_391 : i32 to vector<16xi32>
          %parallel_loop3A_393 = arith.addi %parallel_loop3A_390, %parallel_loop3A_392 : vector<16xi32>
          tpu.vector_store_idx %arg6[%parallel_loop3A_393], %parallel_loop3A_389 : memref<32768xf32, #tpu.memory_space<vmem>>[vector<16xi32>], vector<16xf32>,
          %parallel_loop3A_394 = arith.constant 0 : i32
          %parallel_loop3A_395 = arith.constant 1 : i32
          %parallel_loop3A_396 = arith.index_cast %parallel_loop3A_394 : i32 to index
          %parallel_loop3A_397 = arith.index_cast %parallel_loop3A_395 : i32 to index
          %parallel_loop3A_398 = arith.index_cast %parallel_loop3A_323 : i32 to index
          %parallel_loop3A_399 = arith.constant 96 : index
          %parallel_loop3A_400 = tpu.vector_load %arg5[%parallel_loop3A_396, %parallel_loop3A_397, %parallel_loop3A_398, %parallel_loop3A_399] {strides = array<i32>} : memref<2x4x64x128xf32, #tpu.memory_space<vmem>>, vector<16xf32>,
          %parallel_loop3A_401 = arith.addi %add3A_48, %parallel_loop3A_327 : vector<16xi32>
          %parallel_loop3A_402 = arith.constant 16384 : i32
          %parallel_loop3A_403 = vector.broadcast %parallel_loop3A_402 : i32 to vector<16xi32>
          %parallel_loop3A_404 = arith.addi %parallel_loop3A_401, %parallel_loop3A_403 : vector<16xi32>
          tpu.vector_store_idx %arg6[%parallel_loop3A_404], %parallel_loop3A_400 : memref<32768xf32, #tpu.memory_space<vmem>>[vector<16xi32>], vector<16xf32>,
          %parallel_loop3A_405 = arith.constant 0 : i32
          %parallel_loop3A_406 = arith.constant 1 : i32
          %parallel_loop3A_407 = arith.index_cast %parallel_loop3A_405 : i32 to index
          %parallel_loop3A_408 = arith.index_cast %parallel_loop3A_406 : i32 to index
          %parallel_loop3A_409 = arith.index_cast %parallel_loop3A_323 : i32 to index
          %parallel_loop3A_410 = arith.constant 112 : index
          %parallel_loop3A_411 = tpu.vector_load %arg5[%parallel_loop3A_407, %parallel_loop3A_408, %parallel_loop3A_409, %parallel_loop3A_410] {strides = array<i32>} : memref<2x4x64x128xf32, #tpu.memory_space<vmem>>, vector<16xf32>,
          %parallel_loop3A_412 = arith.addi %add3A_54, %parallel_loop3A_327 : vector<16xi32>
          %parallel_loop3A_413 = arith.constant 16384 : i32
          %parallel_loop3A_414 = vector.broadcast %parallel_loop3A_413 : i32 to vector<16xi32>
          %parallel_loop3A_415 = arith.addi %parallel_loop3A_412, %parallel_loop3A_414 : vector<16xi32>
          tpu.vector_store_idx %arg6[%parallel_loop3A_415], %parallel_loop3A_411 : memref<32768xf32, #tpu.memory_space<vmem>>[vector<16xi32>], vector<16xf32>,
          %parallel_loop3A_416 = arith.constant 1 : i32
          %parallel_loop3A_417 = arith.addi %parallel_loop3A_321, %parallel_loop3A_416 : i32
          %parallel_loop3A_418 = arith.constant 0 : i32
          %parallel_loop3A_419 = vector.broadcast %parallel_loop3A_418 : i32 to vector<16xi32>
          %parallel_loop3A_420 = vector.broadcast %parallel_loop3A_417 : i32 to vector<16xi32>
          %parallel_loop3A_421 = arith.addi %parallel_loop3A_419, %parallel_loop3A_420 : vector<16xi32>
          %parallel_loop3A_422 = arith.constant 0 : i32
          %parallel_loop3A_423 = arith.constant 1 : i32
          %parallel_loop3A_424 = arith.index_cast %parallel_loop3A_422 : i32 to index
          %parallel_loop3A_425 = arith.index_cast %parallel_loop3A_423 : i32 to index
          %parallel_loop3A_426 = arith.index_cast %parallel_loop3A_417 : i32 to index
          %parallel_loop3A_427 = arith.constant 0 : index
          %parallel_loop3A_428 = tpu.vector_load %arg5[%parallel_loop3A_424, %parallel_loop3A_425, %parallel_loop3A_426, %parallel_loop3A_427] {strides = array<i32>} : memref<2x4x64x128xf32, #tpu.memory_space<vmem>>, vector<16xf32>,
          %parallel_loop3A_429 = arith.addi %add3A_12, %parallel_loop3A_421 : vector<16xi32>
          %parallel_loop3A_430 = arith.constant 16384 : i32
          %parallel_loop3A_431 = vector.broadcast %parallel_loop3A_430 : i32 to vector<16xi32>
          %parallel_loop3A_432 = arith.addi %parallel_loop3A_429, %parallel_loop3A_431 : vector<16xi32>
          tpu.vector_store_idx %arg6[%parallel_loop3A_432], %parallel_loop3A_428 : memref<32768xf32, #tpu.memory_space<vmem>>[vector<16xi32>], vector<16xf32>,
          %parallel_loop3A_433 = arith.constant 0 : i32
          %parallel_loop3A_434 = arith.constant 1 : i32
          %parallel_loop3A_435 = arith.index_cast %parallel_loop3A_433 : i32 to index
          %parallel_loop3A_436 = arith.index_cast %parallel_loop3A_434 : i32 to index
          %parallel_loop3A_437 = arith.index_cast %parallel_loop3A_417 : i32 to index
          %parallel_loop3A_438 = arith.constant 16 : index
          %parallel_loop3A_439 = tpu.vector_load %arg5[%parallel_loop3A_435, %parallel_loop3A_436, %parallel_loop3A_437, %parallel_loop3A_438] {strides = array<i32>} : memref<2x4x64x128xf32, #tpu.memory_space<vmem>>, vector<16xf32>,
          %parallel_loop3A_440 = arith.addi %add3A_18, %parallel_loop3A_421 : vector<16xi32>
          %parallel_loop3A_441 = arith.constant 16384 : i32
          %parallel_loop3A_442 = vector.broadcast %parallel_loop3A_441 : i32 to vector<16xi32>
          %parallel_loop3A_443 = arith.addi %parallel_loop3A_440, %parallel_loop3A_442 : vector<16xi32>
          tpu.vector_store_idx %arg6[%parallel_loop3A_443], %parallel_loop3A_439 : memref<32768xf32, #tpu.memory_space<vmem>>[vector<16xi32>], vector<16xf32>,
          %parallel_loop3A_444 = arith.constant 0 : i32
          %parallel_loop3A_445 = arith.constant 1 : i32
          %parallel_loop3A_446 = arith.index_cast %parallel_loop3A_444 : i32 to index
          %parallel_loop3A_447 = arith.index_cast %parallel_loop3A_445 : i32 to index
          %parallel_loop3A_448 = arith.index_cast %parallel_loop3A_417 : i32 to index
          %parallel_loop3A_449 = arith.constant 32 : index
          %parallel_loop3A_450 = tpu.vector_load %arg5[%parallel_loop3A_446, %parallel_loop3A_447, %parallel_loop3A_448, %parallel_loop3A_449] {strides = array<i32>} : memref<2x4x64x128xf32, #tpu.memory_space<vmem>>, vector<16xf32>,
          %parallel_loop3A_451 = arith.addi %add3A_24, %parallel_loop3A_421 : vector<16xi32>
          %parallel_loop3A_452 = arith.constant 16384 : i32
          %parallel_loop3A_453 = vector.broadcast %parallel_loop3A_452 : i32 to vector<16xi32>
          %parallel_loop3A_454 = arith.addi %parallel_loop3A_451, %parallel_loop3A_453 : vector<16xi32>
          tpu.vector_store_idx %arg6[%parallel_loop3A_454], %parallel_loop3A_450 : memref<32768xf32, #tpu.memory_space<vmem>>[vector<16xi32>], vector<16xf32>,
          %parallel_loop3A_455 = arith.constant 0 : i32
          %parallel_loop3A_456 = arith.constant 1 : i32
          %parallel_loop3A_457 = arith.index_cast %parallel_loop3A_455 : i32 to index
          %parallel_loop3A_458 = arith.index_cast %parallel_loop3A_456 : i32 to index
          %parallel_loop3A_459 = arith.index_cast %parallel_loop3A_417 : i32 to index
          %parallel_loop3A_460 = arith.constant 48 : index
          %parallel_loop3A_461 = tpu.vector_load %arg5[%parallel_loop3A_457, %parallel_loop3A_458, %parallel_loop3A_459, %parallel_loop3A_460] {strides = array<i32>} : memref<2x4x64x128xf32, #tpu.memory_space<vmem>>, vector<16xf32>,
          %parallel_loop3A_462 = arith.addi %add3A_30, %parallel_loop3A_421 : vector<16xi32>
          %parallel_loop3A_463 = arith.constant 16384 : i32
          %parallel_loop3A_464 = vector.broadcast %parallel_loop3A_463 : i32 to vector<16xi32>
          %parallel_loop3A_465 = arith.addi %parallel_loop3A_462, %parallel_loop3A_464 : vector<16xi32>
          tpu.vector_store_idx %arg6[%parallel_loop3A_465], %parallel_loop3A_461 : memref<32768xf32, #tpu.memory_space<vmem>>[vector<16xi32>], vector<16xf32>,
          %parallel_loop3A_466 = arith.constant 0 : i32
          %parallel_loop3A_467 = arith.constant 1 : i32
          %parallel_loop3A_468 = arith.index_cast %parallel_loop3A_466 : i32 to index
          %parallel_loop3A_469 = arith.index_cast %parallel_loop3A_467 : i32 to index
          %parallel_loop3A_470 = arith.index_cast %parallel_loop3A_417 : i32 to index
          %parallel_loop3A_471 = arith.constant 64 : index
          %parallel_loop3A_472 = tpu.vector_load %arg5[%parallel_loop3A_468, %parallel_loop3A_469, %parallel_loop3A_470, %parallel_loop3A_471] {strides = array<i32>} : memref<2x4x64x128xf32, #tpu.memory_space<vmem>>, vector<16xf32>,
          %parallel_loop3A_473 = arith.addi %add3A_36, %parallel_loop3A_421 : vector<16xi32>
          %parallel_loop3A_474 = arith.constant 16384 : i32
          %parallel_loop3A_475 = vector.broadcast %parallel_loop3A_474 : i32 to vector<16xi32>
          %parallel_loop3A_476 = arith.addi %parallel_loop3A_473, %parallel_loop3A_475 : vector<16xi32>
          tpu.vector_store_idx %arg6[%parallel_loop3A_476], %parallel_loop3A_472 : memref<32768xf32, #tpu.memory_space<vmem>>[vector<16xi32>], vector<16xf32>,
          %parallel_loop3A_477 = arith.constant 0 : i32
          %parallel_loop3A_478 = arith.constant 1 : i32
          %parallel_loop3A_479 = arith.index_cast %parallel_loop3A_477 : i32 to index
          %parallel_loop3A_480 = arith.index_cast %parallel_loop3A_478 : i32 to index
          %parallel_loop3A_481 = arith.index_cast %parallel_loop3A_417 : i32 to index
          %parallel_loop3A_482 = arith.constant 80 : index
          %parallel_loop3A_483 = tpu.vector_load %arg5[%parallel_loop3A_479, %parallel_loop3A_480, %parallel_loop3A_481, %parallel_loop3A_482] {strides = array<i32>} : memref<2x4x64x128xf32, #tpu.memory_space<vmem>>, vector<16xf32>,
          %parallel_loop3A_484 = arith.addi %add3A_42, %parallel_loop3A_421 : vector<16xi32>
          %parallel_loop3A_485 = arith.constant 16384 : i32
          %parallel_loop3A_486 = vector.broadcast %parallel_loop3A_485 : i32 to vector<16xi32>
          %parallel_loop3A_487 = arith.addi %parallel_loop3A_484, %parallel_loop3A_486 : vector<16xi32>
          tpu.vector_store_idx %arg6[%parallel_loop3A_487], %parallel_loop3A_483 : memref<32768xf32, #tpu.memory_space<vmem>>[vector<16xi32>], vector<16xf32>,
          %parallel_loop3A_488 = arith.constant 0 : i32
          %parallel_loop3A_489 = arith.constant 1 : i32
          %parallel_loop3A_490 = arith.index_cast %parallel_loop3A_488 : i32 to index
          %parallel_loop3A_491 = arith.index_cast %parallel_loop3A_489 : i32 to index
          %parallel_loop3A_492 = arith.index_cast %parallel_loop3A_417 : i32 to index
          %parallel_loop3A_493 = arith.constant 96 : index
          %parallel_loop3A_494 = tpu.vector_load %arg5[%parallel_loop3A_490, %parallel_loop3A_491, %parallel_loop3A_492, %parallel_loop3A_493] {strides = array<i32>} : memref<2x4x64x128xf32, #tpu.memory_space<vmem>>, vector<16xf32>,
          %parallel_loop3A_495 = arith.addi %add3A_48, %parallel_loop3A_421 : vector<16xi32>
          %parallel_loop3A_496 = arith.constant 16384 : i32
          %parallel_loop3A_497 = vector.broadcast %parallel_loop3A_496 : i32 to vector<16xi32>
          %parallel_loop3A_498 = arith.addi %parallel_loop3A_495, %parallel_loop3A_497 : vector<16xi32>
          tpu.vector_store_idx %arg6[%parallel_loop3A_498], %parallel_loop3A_494 : memref<32768xf32, #tpu.memory_space<vmem>>[vector<16xi32>], vector<16xf32>,
          %parallel_loop3A_499 = arith.constant 0 : i32
          %parallel_loop3A_500 = arith.constant 1 : i32
          %parallel_loop3A_501 = arith.index_cast %parallel_loop3A_499 : i32 to index
          %parallel_loop3A_502 = arith.index_cast %parallel_loop3A_500 : i32 to index
          %parallel_loop3A_503 = arith.index_cast %parallel_loop3A_417 : i32 to index
          %parallel_loop3A_504 = arith.constant 112 : index
          %parallel_loop3A_505 = tpu.vector_load %arg5[%parallel_loop3A_501, %parallel_loop3A_502, %parallel_loop3A_503, %parallel_loop3A_504] {strides = array<i32>} : memref<2x4x64x128xf32, #tpu.memory_space<vmem>>, vector<16xf32>,
          %parallel_loop3A_506 = arith.addi %add3A_54, %parallel_loop3A_421 : vector<16xi32>
          %parallel_loop3A_507 = arith.constant 16384 : i32
          %parallel_loop3A_508 = vector.broadcast %parallel_loop3A_507 : i32 to vector<16xi32>
          %parallel_loop3A_509 = arith.addi %parallel_loop3A_506, %parallel_loop3A_508 : vector<16xi32>
          tpu.vector_store_idx %arg6[%parallel_loop3A_509], %parallel_loop3A_505 : memref<32768xf32, #tpu.memory_space<vmem>>[vector<16xi32>], vector<16xf32>,
        } {sc.loop_unroll_factor = 2 : i64, sc.parallel_access}
        %mul3A_257 = arith.constant 4 : i32
        %mul3A_258 = arith.muli %add3A_93, %mul3A_257 : i32
        %add3A_259 = arith.constant 1 : i32
        %add3A_260 = arith.addi %mul3A_258, %add3A_259 : i32
        %mul3A_261 = arith.constant 128 : i32
        %mul3A_262 = arith.muli %add3A_260, %mul3A_261 : i32
        %mul3A_263 = arith.constant 128 : i32
        %mul3A_264 = arith.muli %mul3A_262, %mul3A_263 : i32
        %dma_start3A_265 = arith.constant 16384 : i32
        %dma_start3A_266 = tpu.memref_slice %arg6[%dma_start3A_265] : memref<32768xf32, #tpu.memory_space<vmem>> -> memref<16384xf32, #tpu.memory_space<vmem>>
        %dma_start3A_267 = tpu.memref_slice %arg4[%mul3A_264] : memref<128008192xf32, #tpu.memory_space<hbm>> -> memref<16384xf32, #tpu.memory_space<hbm>>
        %dma_start3A_268 = tpu.memref_slice %arg4[%mul3A_264] : memref<128008192xf32, #tpu.memory_space<hbm>> -> memref<16384xf32, #tpu.memory_space<hbm>>
        %dma_start3A_269 = arith.constant 16384 : i32
        %dma_start3A_270 = tpu.memref_slice %arg6[%dma_start3A_269] : memref<32768xf32, #tpu.memory_space<vmem>> -> memref<16384xf32, #tpu.memory_space<vmem>>
        tpu.enqueue_dma source(%dma_start3A_270 : memref<16384xf32, #tpu.memory_space<vmem>>) target(%dma_start3A_268 : memref<16384xf32, #tpu.memory_space<hbm>>) target_semaphore(%arg8 : memref<!tpu.dma_semaphore, #tpu.memory_space<semaphore_mem>>)
        %dma_wait3A_271 = arith.constant 0 : i32
        %dma_wait3A_272 = tpu.memref_slice %arg6[%dma_wait3A_271] : memref<32768xf32, #tpu.memory_space<vmem>> -> memref<16384xf32, #tpu.memory_space<vmem>>
        %dma_wait3A_273 = arith.constant 0 : i32
        %dma_wait3A_274 = tpu.memref_slice %arg4[%dma_wait3A_273] : memref<128008192xf32, #tpu.memory_space<hbm>> -> memref<16384xf32, #tpu.memory_space<hbm>>
        %dma_wait3A_275 = arith.constant 0 : i32
        %dma_wait3A_276 = tpu.memref_slice %arg6[%dma_wait3A_275] : memref<32768xf32, #tpu.memory_space<vmem>> -> memref<16384xf32, #tpu.memory_space<vmem>>
        %dma_wait3A_277 = arith.constant 0 : i32
        %dma_wait3A_278 = tpu.memref_slice %arg4[%dma_wait3A_277] : memref<128008192xf32, #tpu.memory_space<hbm>> -> memref<16384xf32, #tpu.memory_space<hbm>>
        tpu.wait_dma2 semaphore(%arg8 : memref<!tpu.dma_semaphore, #tpu.memory_space<semaphore_mem>>) src(%dma_wait3A_278 : memref<16384xf32, #tpu.memory_space<hbm>>) dst(%dma_wait3A_276 : memref<16384xf32, #tpu.memory_space<vmem>>)
        %parallel_loop3A_279 = arith.constant 0 : i32
        %parallel_loop3A_280 = arith.constant 64 : i32
        %parallel_loop3A_281 = arith.constant 2 : i32
        scf.for %parallel_loop3A_321 = %parallel_loop3A_279 to %parallel_loop3A_280 step %parallel_loop3A_281  : i32 {
          %parallel_loop3A_322 = arith.constant 0 : i32
          %parallel_loop3A_323 = arith.addi %parallel_loop3A_321, %parallel_loop3A_322 : i32
          %parallel_loop3A_324 = arith.constant 0 : i32
          %parallel_loop3A_325 = vector.broadcast %parallel_loop3A_324 : i32 to vector<16xi32>
          %parallel_loop3A_326 = vector.broadcast %parallel_loop3A_323 : i32 to vector<16xi32>
          %parallel_loop3A_327 = arith.addi %parallel_loop3A_325, %parallel_loop3A_326 : vector<16xi32>
          %parallel_loop3A_328 = arith.constant 0 : i32
          %parallel_loop3A_329 = arith.constant 2 : i32
          %parallel_loop3A_330 = arith.index_cast %parallel_loop3A_328 : i32 to index
          %parallel_loop3A_331 = arith.index_cast %parallel_loop3A_329 : i32 to index
          %parallel_loop3A_332 = arith.index_cast %parallel_loop3A_323 : i32 to index
          %parallel_loop3A_333 = arith.constant 0 : index
          %parallel_loop3A_334 = tpu.vector_load %arg5[%parallel_loop3A_330, %parallel_loop3A_331, %parallel_loop3A_332, %parallel_loop3A_333] {strides = array<i32>} : memref<2x4x64x128xf32, #tpu.memory_space<vmem>>, vector<16xf32>,
          %parallel_loop3A_335 = arith.addi %add3A_12, %parallel_loop3A_327 : vector<16xi32>
          %parallel_loop3A_336 = arith.constant 0 : i32
          %parallel_loop3A_337 = vector.broadcast %parallel_loop3A_336 : i32 to vector<16xi32>
          %parallel_loop3A_338 = arith.addi %parallel_loop3A_335, %parallel_loop3A_337 : vector<16xi32>
          tpu.vector_store_idx %arg6[%parallel_loop3A_338], %parallel_loop3A_334 : memref<32768xf32, #tpu.memory_space<vmem>>[vector<16xi32>], vector<16xf32>,
          %parallel_loop3A_339 = arith.constant 0 : i32
          %parallel_loop3A_340 = arith.constant 2 : i32
          %parallel_loop3A_341 = arith.index_cast %parallel_loop3A_339 : i32 to index
          %parallel_loop3A_342 = arith.index_cast %parallel_loop3A_340 : i32 to index
          %parallel_loop3A_343 = arith.index_cast %parallel_loop3A_323 : i32 to index
          %parallel_loop3A_344 = arith.constant 16 : index
          %parallel_loop3A_345 = tpu.vector_load %arg5[%parallel_loop3A_341, %parallel_loop3A_342, %parallel_loop3A_343, %parallel_loop3A_344] {strides = array<i32>} : memref<2x4x64x128xf32, #tpu.memory_space<vmem>>, vector<16xf32>,
          %parallel_loop3A_346 = arith.addi %add3A_18, %parallel_loop3A_327 : vector<16xi32>
          %parallel_loop3A_347 = arith.constant 0 : i32
          %parallel_loop3A_348 = vector.broadcast %parallel_loop3A_347 : i32 to vector<16xi32>
          %parallel_loop3A_349 = arith.addi %parallel_loop3A_346, %parallel_loop3A_348 : vector<16xi32>
          tpu.vector_store_idx %arg6[%parallel_loop3A_349], %parallel_loop3A_345 : memref<32768xf32, #tpu.memory_space<vmem>>[vector<16xi32>], vector<16xf32>,
          %parallel_loop3A_350 = arith.constant 0 : i32
          %parallel_loop3A_351 = arith.constant 2 : i32
          %parallel_loop3A_352 = arith.index_cast %parallel_loop3A_350 : i32 to index
          %parallel_loop3A_353 = arith.index_cast %parallel_loop3A_351 : i32 to index
          %parallel_loop3A_354 = arith.index_cast %parallel_loop3A_323 : i32 to index
          %parallel_loop3A_355 = arith.constant 32 : index
          %parallel_loop3A_356 = tpu.vector_load %arg5[%parallel_loop3A_352, %parallel_loop3A_353, %parallel_loop3A_354, %parallel_loop3A_355] {strides = array<i32>} : memref<2x4x64x128xf32, #tpu.memory_space<vmem>>, vector<16xf32>,
          %parallel_loop3A_357 = arith.addi %add3A_24, %parallel_loop3A_327 : vector<16xi32>
          %parallel_loop3A_358 = arith.constant 0 : i32
          %parallel_loop3A_359 = vector.broadcast %parallel_loop3A_358 : i32 to vector<16xi32>
          %parallel_loop3A_360 = arith.addi %parallel_loop3A_357, %parallel_loop3A_359 : vector<16xi32>
          tpu.vector_store_idx %arg6[%parallel_loop3A_360], %parallel_loop3A_356 : memref<32768xf32, #tpu.memory_space<vmem>>[vector<16xi32>], vector<16xf32>,
          %parallel_loop3A_361 = arith.constant 0 : i32
          %parallel_loop3A_362 = arith.constant 2 : i32
          %parallel_loop3A_363 = arith.index_cast %parallel_loop3A_361 : i32 to index
          %parallel_loop3A_364 = arith.index_cast %parallel_loop3A_362 : i32 to index
          %parallel_loop3A_365 = arith.index_cast %parallel_loop3A_323 : i32 to index
          %parallel_loop3A_366 = arith.constant 48 : index
          %parallel_loop3A_367 = tpu.vector_load %arg5[%parallel_loop3A_363, %parallel_loop3A_364, %parallel_loop3A_365, %parallel_loop3A_366] {strides = array<i32>} : memref<2x4x64x128xf32, #tpu.memory_space<vmem>>, vector<16xf32>,
          %parallel_loop3A_368 = arith.addi %add3A_30, %parallel_loop3A_327 : vector<16xi32>
          %parallel_loop3A_369 = arith.constant 0 : i32
          %parallel_loop3A_370 = vector.broadcast %parallel_loop3A_369 : i32 to vector<16xi32>
          %parallel_loop3A_371 = arith.addi %parallel_loop3A_368, %parallel_loop3A_370 : vector<16xi32>
          tpu.vector_store_idx %arg6[%parallel_loop3A_371], %parallel_loop3A_367 : memref<32768xf32, #tpu.memory_space<vmem>>[vector<16xi32>], vector<16xf32>,
          %parallel_loop3A_372 = arith.constant 0 : i32
          %parallel_loop3A_373 = arith.constant 2 : i32
          %parallel_loop3A_374 = arith.index_cast %parallel_loop3A_372 : i32 to index
          %parallel_loop3A_375 = arith.index_cast %parallel_loop3A_373 : i32 to index
          %parallel_loop3A_376 = arith.index_cast %parallel_loop3A_323 : i32 to index
          %parallel_loop3A_377 = arith.constant 64 : index
          %parallel_loop3A_378 = tpu.vector_load %arg5[%parallel_loop3A_374, %parallel_loop3A_375, %parallel_loop3A_376, %parallel_loop3A_377] {strides = array<i32>} : memref<2x4x64x128xf32, #tpu.memory_space<vmem>>, vector<16xf32>,
          %parallel_loop3A_379 = arith.addi %add3A_36, %parallel_loop3A_327 : vector<16xi32>
          %parallel_loop3A_380 = arith.constant 0 : i32
          %parallel_loop3A_381 = vector.broadcast %parallel_loop3A_380 : i32 to vector<16xi32>
          %parallel_loop3A_382 = arith.addi %parallel_loop3A_379, %parallel_loop3A_381 : vector<16xi32>
          tpu.vector_store_idx %arg6[%parallel_loop3A_382], %parallel_loop3A_378 : memref<32768xf32, #tpu.memory_space<vmem>>[vector<16xi32>], vector<16xf32>,
          %parallel_loop3A_383 = arith.constant 0 : i32
          %parallel_loop3A_384 = arith.constant 2 : i32
          %parallel_loop3A_385 = arith.index_cast %parallel_loop3A_383 : i32 to index
          %parallel_loop3A_386 = arith.index_cast %parallel_loop3A_384 : i32 to index
          %parallel_loop3A_387 = arith.index_cast %parallel_loop3A_323 : i32 to index
          %parallel_loop3A_388 = arith.constant 80 : index
          %parallel_loop3A_389 = tpu.vector_load %arg5[%parallel_loop3A_385, %parallel_loop3A_386, %parallel_loop3A_387, %parallel_loop3A_388] {strides = array<i32>} : memref<2x4x64x128xf32, #tpu.memory_space<vmem>>, vector<16xf32>,
          %parallel_loop3A_390 = arith.addi %add3A_42, %parallel_loop3A_327 : vector<16xi32>
          %parallel_loop3A_391 = arith.constant 0 : i32
          %parallel_loop3A_392 = vector.broadcast %parallel_loop3A_391 : i32 to vector<16xi32>
          %parallel_loop3A_393 = arith.addi %parallel_loop3A_390, %parallel_loop3A_392 : vector<16xi32>
          tpu.vector_store_idx %arg6[%parallel_loop3A_393], %parallel_loop3A_389 : memref<32768xf32, #tpu.memory_space<vmem>>[vector<16xi32>], vector<16xf32>,
          %parallel_loop3A_394 = arith.constant 0 : i32
          %parallel_loop3A_395 = arith.constant 2 : i32
          %parallel_loop3A_396 = arith.index_cast %parallel_loop3A_394 : i32 to index
          %parallel_loop3A_397 = arith.index_cast %parallel_loop3A_395 : i32 to index
          %parallel_loop3A_398 = arith.index_cast %parallel_loop3A_323 : i32 to index
          %parallel_loop3A_399 = arith.constant 96 : index
          %parallel_loop3A_400 = tpu.vector_load %arg5[%parallel_loop3A_396, %parallel_loop3A_397, %parallel_loop3A_398, %parallel_loop3A_399] {strides = array<i32>} : memref<2x4x64x128xf32, #tpu.memory_space<vmem>>, vector<16xf32>,
          %parallel_loop3A_401 = arith.addi %add3A_48, %parallel_loop3A_327 : vector<16xi32>
          %parallel_loop3A_402 = arith.constant 0 : i32
          %parallel_loop3A_403 = vector.broadcast %parallel_loop3A_402 : i32 to vector<16xi32>
          %parallel_loop3A_404 = arith.addi %parallel_loop3A_401, %parallel_loop3A_403 : vector<16xi32>
          tpu.vector_store_idx %arg6[%parallel_loop3A_404], %parallel_loop3A_400 : memref<32768xf32, #tpu.memory_space<vmem>>[vector<16xi32>], vector<16xf32>,
          %parallel_loop3A_405 = arith.constant 0 : i32
          %parallel_loop3A_406 = arith.constant 2 : i32
          %parallel_loop3A_407 = arith.index_cast %parallel_loop3A_405 : i32 to index
          %parallel_loop3A_408 = arith.index_cast %parallel_loop3A_406 : i32 to index
          %parallel_loop3A_409 = arith.index_cast %parallel_loop3A_323 : i32 to index
          %parallel_loop3A_410 = arith.constant 112 : index
          %parallel_loop3A_411 = tpu.vector_load %arg5[%parallel_loop3A_407, %parallel_loop3A_408, %parallel_loop3A_409, %parallel_loop3A_410] {strides = array<i32>} : memref<2x4x64x128xf32, #tpu.memory_space<vmem>>, vector<16xf32>,
          %parallel_loop3A_412 = arith.addi %add3A_54, %parallel_loop3A_327 : vector<16xi32>
          %parallel_loop3A_413 = arith.constant 0 : i32
          %parallel_loop3A_414 = vector.broadcast %parallel_loop3A_413 : i32 to vector<16xi32>
          %parallel_loop3A_415 = arith.addi %parallel_loop3A_412, %parallel_loop3A_414 : vector<16xi32>
          tpu.vector_store_idx %arg6[%parallel_loop3A_415], %parallel_loop3A_411 : memref<32768xf32, #tpu.memory_space<vmem>>[vector<16xi32>], vector<16xf32>,
          %parallel_loop3A_416 = arith.constant 1 : i32
          %parallel_loop3A_417 = arith.addi %parallel_loop3A_321, %parallel_loop3A_416 : i32
          %parallel_loop3A_418 = arith.constant 0 : i32
          %parallel_loop3A_419 = vector.broadcast %parallel_loop3A_418 : i32 to vector<16xi32>
          %parallel_loop3A_420 = vector.broadcast %parallel_loop3A_417 : i32 to vector<16xi32>
          %parallel_loop3A_421 = arith.addi %parallel_loop3A_419, %parallel_loop3A_420 : vector<16xi32>
          %parallel_loop3A_422 = arith.constant 0 : i32
          %parallel_loop3A_423 = arith.constant 2 : i32
          %parallel_loop3A_424 = arith.index_cast %parallel_loop3A_422 : i32 to index
          %parallel_loop3A_425 = arith.index_cast %parallel_loop3A_423 : i32 to index
          %parallel_loop3A_426 = arith.index_cast %parallel_loop3A_417 : i32 to index
          %parallel_loop3A_427 = arith.constant 0 : index
          %parallel_loop3A_428 = tpu.vector_load %arg5[%parallel_loop3A_424, %parallel_loop3A_425, %parallel_loop3A_426, %parallel_loop3A_427] {strides = array<i32>} : memref<2x4x64x128xf32, #tpu.memory_space<vmem>>, vector<16xf32>,
          %parallel_loop3A_429 = arith.addi %add3A_12, %parallel_loop3A_421 : vector<16xi32>
          %parallel_loop3A_430 = arith.constant 0 : i32
          %parallel_loop3A_431 = vector.broadcast %parallel_loop3A_430 : i32 to vector<16xi32>
          %parallel_loop3A_432 = arith.addi %parallel_loop3A_429, %parallel_loop3A_431 : vector<16xi32>
          tpu.vector_store_idx %arg6[%parallel_loop3A_432], %parallel_loop3A_428 : memref<32768xf32, #tpu.memory_space<vmem>>[vector<16xi32>], vector<16xf32>,
          %parallel_loop3A_433 = arith.constant 0 : i32
          %parallel_loop3A_434 = arith.constant 2 : i32
          %parallel_loop3A_435 = arith.index_cast %parallel_loop3A_433 : i32 to index
          %parallel_loop3A_436 = arith.index_cast %parallel_loop3A_434 : i32 to index
          %parallel_loop3A_437 = arith.index_cast %parallel_loop3A_417 : i32 to index
          %parallel_loop3A_438 = arith.constant 16 : index
          %parallel_loop3A_439 = tpu.vector_load %arg5[%parallel_loop3A_435, %parallel_loop3A_436, %parallel_loop3A_437, %parallel_loop3A_438] {strides = array<i32>} : memref<2x4x64x128xf32, #tpu.memory_space<vmem>>, vector<16xf32>,
          %parallel_loop3A_440 = arith.addi %add3A_18, %parallel_loop3A_421 : vector<16xi32>
          %parallel_loop3A_441 = arith.constant 0 : i32
          %parallel_loop3A_442 = vector.broadcast %parallel_loop3A_441 : i32 to vector<16xi32>
          %parallel_loop3A_443 = arith.addi %parallel_loop3A_440, %parallel_loop3A_442 : vector<16xi32>
          tpu.vector_store_idx %arg6[%parallel_loop3A_443], %parallel_loop3A_439 : memref<32768xf32, #tpu.memory_space<vmem>>[vector<16xi32>], vector<16xf32>,
          %parallel_loop3A_444 = arith.constant 0 : i32
          %parallel_loop3A_445 = arith.constant 2 : i32
          %parallel_loop3A_446 = arith.index_cast %parallel_loop3A_444 : i32 to index
          %parallel_loop3A_447 = arith.index_cast %parallel_loop3A_445 : i32 to index
          %parallel_loop3A_448 = arith.index_cast %parallel_loop3A_417 : i32 to index
          %parallel_loop3A_449 = arith.constant 32 : index
          %parallel_loop3A_450 = tpu.vector_load %arg5[%parallel_loop3A_446, %parallel_loop3A_447, %parallel_loop3A_448, %parallel_loop3A_449] {strides = array<i32>} : memref<2x4x64x128xf32, #tpu.memory_space<vmem>>, vector<16xf32>,
          %parallel_loop3A_451 = arith.addi %add3A_24, %parallel_loop3A_421 : vector<16xi32>
          %parallel_loop3A_452 = arith.constant 0 : i32
          %parallel_loop3A_453 = vector.broadcast %parallel_loop3A_452 : i32 to vector<16xi32>
          %parallel_loop3A_454 = arith.addi %parallel_loop3A_451, %parallel_loop3A_453 : vector<16xi32>
          tpu.vector_store_idx %arg6[%parallel_loop3A_454], %parallel_loop3A_450 : memref<32768xf32, #tpu.memory_space<vmem>>[vector<16xi32>], vector<16xf32>,
          %parallel_loop3A_455 = arith.constant 0 : i32
          %parallel_loop3A_456 = arith.constant 2 : i32
          %parallel_loop3A_457 = arith.index_cast %parallel_loop3A_455 : i32 to index
          %parallel_loop3A_458 = arith.index_cast %parallel_loop3A_456 : i32 to index
          %parallel_loop3A_459 = arith.index_cast %parallel_loop3A_417 : i32 to index
          %parallel_loop3A_460 = arith.constant 48 : index
          %parallel_loop3A_461 = tpu.vector_load %arg5[%parallel_loop3A_457, %parallel_loop3A_458, %parallel_loop3A_459, %parallel_loop3A_460] {strides = array<i32>} : memref<2x4x64x128xf32, #tpu.memory_space<vmem>>, vector<16xf32>,
          %parallel_loop3A_462 = arith.addi %add3A_30, %parallel_loop3A_421 : vector<16xi32>
          %parallel_loop3A_463 = arith.constant 0 : i32
          %parallel_loop3A_464 = vector.broadcast %parallel_loop3A_463 : i32 to vector<16xi32>
          %parallel_loop3A_465 = arith.addi %parallel_loop3A_462, %parallel_loop3A_464 : vector<16xi32>
          tpu.vector_store_idx %arg6[%parallel_loop3A_465], %parallel_loop3A_461 : memref<32768xf32, #tpu.memory_space<vmem>>[vector<16xi32>], vector<16xf32>,
          %parallel_loop3A_466 = arith.constant 0 : i32
          %parallel_loop3A_467 = arith.constant 2 : i32
          %parallel_loop3A_468 = arith.index_cast %parallel_loop3A_466 : i32 to index
          %parallel_loop3A_469 = arith.index_cast %parallel_loop3A_467 : i32 to index
          %parallel_loop3A_470 = arith.index_cast %parallel_loop3A_417 : i32 to index
          %parallel_loop3A_471 = arith.constant 64 : index
          %parallel_loop3A_472 = tpu.vector_load %arg5[%parallel_loop3A_468, %parallel_loop3A_469, %parallel_loop3A_470, %parallel_loop3A_471] {strides = array<i32>} : memref<2x4x64x128xf32, #tpu.memory_space<vmem>>, vector<16xf32>,
          %parallel_loop3A_473 = arith.addi %add3A_36, %parallel_loop3A_421 : vector<16xi32>
          %parallel_loop3A_474 = arith.constant 0 : i32
          %parallel_loop3A_475 = vector.broadcast %parallel_loop3A_474 : i32 to vector<16xi32>
          %parallel_loop3A_476 = arith.addi %parallel_loop3A_473, %parallel_loop3A_475 : vector<16xi32>
          tpu.vector_store_idx %arg6[%parallel_loop3A_476], %parallel_loop3A_472 : memref<32768xf32, #tpu.memory_space<vmem>>[vector<16xi32>], vector<16xf32>,
          %parallel_loop3A_477 = arith.constant 0 : i32
          %parallel_loop3A_478 = arith.constant 2 : i32
          %parallel_loop3A_479 = arith.index_cast %parallel_loop3A_477 : i32 to index
          %parallel_loop3A_480 = arith.index_cast %parallel_loop3A_478 : i32 to index
          %parallel_loop3A_481 = arith.index_cast %parallel_loop3A_417 : i32 to index
          %parallel_loop3A_482 = arith.constant 80 : index
          %parallel_loop3A_483 = tpu.vector_load %arg5[%parallel_loop3A_479, %parallel_loop3A_480, %parallel_loop3A_481, %parallel_loop3A_482] {strides = array<i32>} : memref<2x4x64x128xf32, #tpu.memory_space<vmem>>, vector<16xf32>,
          %parallel_loop3A_484 = arith.addi %add3A_42, %parallel_loop3A_421 : vector<16xi32>
          %parallel_loop3A_485 = arith.constant 0 : i32
          %parallel_loop3A_486 = vector.broadcast %parallel_loop3A_485 : i32 to vector<16xi32>
          %parallel_loop3A_487 = arith.addi %parallel_loop3A_484, %parallel_loop3A_486 : vector<16xi32>
          tpu.vector_store_idx %arg6[%parallel_loop3A_487], %parallel_loop3A_483 : memref<32768xf32, #tpu.memory_space<vmem>>[vector<16xi32>], vector<16xf32>,
          %parallel_loop3A_488 = arith.constant 0 : i32
          %parallel_loop3A_489 = arith.constant 2 : i32
          %parallel_loop3A_490 = arith.index_cast %parallel_loop3A_488 : i32 to index
          %parallel_loop3A_491 = arith.index_cast %parallel_loop3A_489 : i32 to index
          %parallel_loop3A_492 = arith.index_cast %parallel_loop3A_417 : i32 to index
          %parallel_loop3A_493 = arith.constant 96 : index
          %parallel_loop3A_494 = tpu.vector_load %arg5[%parallel_loop3A_490, %parallel_loop3A_491, %parallel_loop3A_492, %parallel_loop3A_493] {strides = array<i32>} : memref<2x4x64x128xf32, #tpu.memory_space<vmem>>, vector<16xf32>,
          %parallel_loop3A_495 = arith.addi %add3A_48, %parallel_loop3A_421 : vector<16xi32>
          %parallel_loop3A_496 = arith.constant 0 : i32
          %parallel_loop3A_497 = vector.broadcast %parallel_loop3A_496 : i32 to vector<16xi32>
          %parallel_loop3A_498 = arith.addi %parallel_loop3A_495, %parallel_loop3A_497 : vector<16xi32>
          tpu.vector_store_idx %arg6[%parallel_loop3A_498], %parallel_loop3A_494 : memref<32768xf32, #tpu.memory_space<vmem>>[vector<16xi32>], vector<16xf32>,
          %parallel_loop3A_499 = arith.constant 0 : i32
          %parallel_loop3A_500 = arith.constant 2 : i32
          %parallel_loop3A_501 = arith.index_cast %parallel_loop3A_499 : i32 to index
          %parallel_loop3A_502 = arith.index_cast %parallel_loop3A_500 : i32 to index
          %parallel_loop3A_503 = arith.index_cast %parallel_loop3A_417 : i32 to index
          %parallel_loop3A_504 = arith.constant 112 : index
          %parallel_loop3A_505 = tpu.vector_load %arg5[%parallel_loop3A_501, %parallel_loop3A_502, %parallel_loop3A_503, %parallel_loop3A_504] {strides = array<i32>} : memref<2x4x64x128xf32, #tpu.memory_space<vmem>>, vector<16xf32>,
          %parallel_loop3A_506 = arith.addi %add3A_54, %parallel_loop3A_421 : vector<16xi32>
          %parallel_loop3A_507 = arith.constant 0 : i32
          %parallel_loop3A_508 = vector.broadcast %parallel_loop3A_507 : i32 to vector<16xi32>
          %parallel_loop3A_509 = arith.addi %parallel_loop3A_506, %parallel_loop3A_508 : vector<16xi32>
          tpu.vector_store_idx %arg6[%parallel_loop3A_509], %parallel_loop3A_505 : memref<32768xf32, #tpu.memory_space<vmem>>[vector<16xi32>], vector<16xf32>,
        } {sc.loop_unroll_factor = 2 : i64, sc.parallel_access}
        %mul3A_282 = arith.constant 4 : i32
        %mul3A_283 = arith.muli %add3A_93, %mul3A_282 : i32
        %add3A_284 = arith.constant 2 : i32
        %add3A_285 = arith.addi %mul3A_283, %add3A_284 : i32
        %mul3A_286 = arith.constant 128 : i32
        %mul3A_287 = arith.muli %add3A_285, %mul3A_286 : i32
        %mul3A_288 = arith.constant 128 : i32
        %mul3A_289 = arith.muli %mul3A_287, %mul3A_288 : i32
        %dma_start3A_290 = arith.constant 0 : i32
        %dma_start3A_291 = tpu.memref_slice %arg6[%dma_start3A_290] : memref<32768xf32, #tpu.memory_space<vmem>> -> memref<16384xf32, #tpu.memory_space<vmem>>
        %dma_start3A_292 = tpu.memref_slice %arg4[%mul3A_289] : memref<128008192xf32, #tpu.memory_space<hbm>> -> memref<16384xf32, #tpu.memory_space<hbm>>
        %dma_start3A_293 = tpu.memref_slice %arg4[%mul3A_289] : memref<128008192xf32, #tpu.memory_space<hbm>> -> memref<16384xf32, #tpu.memory_space<hbm>>
        %dma_start3A_294 = arith.constant 0 : i32
        %dma_start3A_295 = tpu.memref_slice %arg6[%dma_start3A_294] : memref<32768xf32, #tpu.memory_space<vmem>> -> memref<16384xf32, #tpu.memory_space<vmem>>
        tpu.enqueue_dma source(%dma_start3A_295 : memref<16384xf32, #tpu.memory_space<vmem>>) target(%dma_start3A_293 : memref<16384xf32, #tpu.memory_space<hbm>>) target_semaphore(%arg8 : memref<!tpu.dma_semaphore, #tpu.memory_space<semaphore_mem>>)
        %dma_wait3A_296 = arith.constant 16384 : i32
        %dma_wait3A_297 = tpu.memref_slice %arg6[%dma_wait3A_296] : memref<32768xf32, #tpu.memory_space<vmem>> -> memref<16384xf32, #tpu.memory_space<vmem>>
        %dma_wait3A_298 = arith.constant 0 : i32
        %dma_wait3A_299 = tpu.memref_slice %arg4[%dma_wait3A_298] : memref<128008192xf32, #tpu.memory_space<hbm>> -> memref<16384xf32, #tpu.memory_space<hbm>>
        %dma_wait3A_300 = arith.constant 16384 : i32
        %dma_wait3A_301 = tpu.memref_slice %arg6[%dma_wait3A_300] : memref<32768xf32, #tpu.memory_space<vmem>> -> memref<16384xf32, #tpu.memory_space<vmem>>
        %dma_wait3A_302 = arith.constant 0 : i32
        %dma_wait3A_303 = tpu.memref_slice %arg4[%dma_wait3A_302] : memref<128008192xf32, #tpu.memory_space<hbm>> -> memref<16384xf32, #tpu.memory_space<hbm>>
        tpu.wait_dma2 semaphore(%arg8 : memref<!tpu.dma_semaphore, #tpu.memory_space<semaphore_mem>>) src(%dma_wait3A_303 : memref<16384xf32, #tpu.memory_space<hbm>>) dst(%dma_wait3A_301 : memref<16384xf32, #tpu.memory_space<vmem>>)
        %parallel_loop3A_304 = arith.constant 0 : i32
        %parallel_loop3A_305 = arith.constant 64 : i32
        %parallel_loop3A_306 = arith.constant 2 : i32
        scf.for %parallel_loop3A_321 = %parallel_loop3A_304 to %parallel_loop3A_305 step %parallel_loop3A_306  : i32 {
          %parallel_loop3A_322 = arith.constant 0 : i32
          %parallel_loop3A_323 = arith.addi %parallel_loop3A_321, %parallel_loop3A_322 : i32
          %parallel_loop3A_324 = arith.constant 0 : i32
          %parallel_loop3A_325 = vector.broadcast %parallel_loop3A_324 : i32 to vector<16xi32>
          %parallel_loop3A_326 = vector.broadcast %parallel_loop3A_323 : i32 to vector<16xi32>
          %parallel_loop3A_327 = arith.addi %parallel_loop3A_325, %parallel_loop3A_326 : vector<16xi32>
          %parallel_loop3A_328 = arith.constant 0 : i32
          %parallel_loop3A_329 = arith.constant 3 : i32
          %parallel_loop3A_330 = arith.index_cast %parallel_loop3A_328 : i32 to index
          %parallel_loop3A_331 = arith.index_cast %parallel_loop3A_329 : i32 to index
          %parallel_loop3A_332 = arith.index_cast %parallel_loop3A_323 : i32 to index
          %parallel_loop3A_333 = arith.constant 0 : index
          %parallel_loop3A_334 = tpu.vector_load %arg5[%parallel_loop3A_330, %parallel_loop3A_331, %parallel_loop3A_332, %parallel_loop3A_333] {strides = array<i32>} : memref<2x4x64x128xf32, #tpu.memory_space<vmem>>, vector<16xf32>,
          %parallel_loop3A_335 = arith.addi %add3A_12, %parallel_loop3A_327 : vector<16xi32>
          %parallel_loop3A_336 = arith.constant 16384 : i32
          %parallel_loop3A_337 = vector.broadcast %parallel_loop3A_336 : i32 to vector<16xi32>
          %parallel_loop3A_338 = arith.addi %parallel_loop3A_335, %parallel_loop3A_337 : vector<16xi32>
          tpu.vector_store_idx %arg6[%parallel_loop3A_338], %parallel_loop3A_334 : memref<32768xf32, #tpu.memory_space<vmem>>[vector<16xi32>], vector<16xf32>,
          %parallel_loop3A_339 = arith.constant 0 : i32
          %parallel_loop3A_340 = arith.constant 3 : i32
          %parallel_loop3A_341 = arith.index_cast %parallel_loop3A_339 : i32 to index
          %parallel_loop3A_342 = arith.index_cast %parallel_loop3A_340 : i32 to index
          %parallel_loop3A_343 = arith.index_cast %parallel_loop3A_323 : i32 to index
          %parallel_loop3A_344 = arith.constant 16 : index
          %parallel_loop3A_345 = tpu.vector_load %arg5[%parallel_loop3A_341, %parallel_loop3A_342, %parallel_loop3A_343, %parallel_loop3A_344] {strides = array<i32>} : memref<2x4x64x128xf32, #tpu.memory_space<vmem>>, vector<16xf32>,
          %parallel_loop3A_346 = arith.addi %add3A_18, %parallel_loop3A_327 : vector<16xi32>
          %parallel_loop3A_347 = arith.constant 16384 : i32
          %parallel_loop3A_348 = vector.broadcast %parallel_loop3A_347 : i32 to vector<16xi32>
          %parallel_loop3A_349 = arith.addi %parallel_loop3A_346, %parallel_loop3A_348 : vector<16xi32>
          tpu.vector_store_idx %arg6[%parallel_loop3A_349], %parallel_loop3A_345 : memref<32768xf32, #tpu.memory_space<vmem>>[vector<16xi32>], vector<16xf32>,
          %parallel_loop3A_350 = arith.constant 0 : i32
          %parallel_loop3A_351 = arith.constant 3 : i32
          %parallel_loop3A_352 = arith.index_cast %parallel_loop3A_350 : i32 to index
          %parallel_loop3A_353 = arith.index_cast %parallel_loop3A_351 : i32 to index
          %parallel_loop3A_354 = arith.index_cast %parallel_loop3A_323 : i32 to index
          %parallel_loop3A_355 = arith.constant 32 : index
          %parallel_loop3A_356 = tpu.vector_load %arg5[%parallel_loop3A_352, %parallel_loop3A_353, %parallel_loop3A_354, %parallel_loop3A_355] {strides = array<i32>} : memref<2x4x64x128xf32, #tpu.memory_space<vmem>>, vector<16xf32>,
          %parallel_loop3A_357 = arith.addi %add3A_24, %parallel_loop3A_327 : vector<16xi32>
          %parallel_loop3A_358 = arith.constant 16384 : i32
          %parallel_loop3A_359 = vector.broadcast %parallel_loop3A_358 : i32 to vector<16xi32>
          %parallel_loop3A_360 = arith.addi %parallel_loop3A_357, %parallel_loop3A_359 : vector<16xi32>
          tpu.vector_store_idx %arg6[%parallel_loop3A_360], %parallel_loop3A_356 : memref<32768xf32, #tpu.memory_space<vmem>>[vector<16xi32>], vector<16xf32>,
          %parallel_loop3A_361 = arith.constant 0 : i32
          %parallel_loop3A_362 = arith.constant 3 : i32
          %parallel_loop3A_363 = arith.index_cast %parallel_loop3A_361 : i32 to index
          %parallel_loop3A_364 = arith.index_cast %parallel_loop3A_362 : i32 to index
          %parallel_loop3A_365 = arith.index_cast %parallel_loop3A_323 : i32 to index
          %parallel_loop3A_366 = arith.constant 48 : index
          %parallel_loop3A_367 = tpu.vector_load %arg5[%parallel_loop3A_363, %parallel_loop3A_364, %parallel_loop3A_365, %parallel_loop3A_366] {strides = array<i32>} : memref<2x4x64x128xf32, #tpu.memory_space<vmem>>, vector<16xf32>,
          %parallel_loop3A_368 = arith.addi %add3A_30, %parallel_loop3A_327 : vector<16xi32>
          %parallel_loop3A_369 = arith.constant 16384 : i32
          %parallel_loop3A_370 = vector.broadcast %parallel_loop3A_369 : i32 to vector<16xi32>
          %parallel_loop3A_371 = arith.addi %parallel_loop3A_368, %parallel_loop3A_370 : vector<16xi32>
          tpu.vector_store_idx %arg6[%parallel_loop3A_371], %parallel_loop3A_367 : memref<32768xf32, #tpu.memory_space<vmem>>[vector<16xi32>], vector<16xf32>,
          %parallel_loop3A_372 = arith.constant 0 : i32
          %parallel_loop3A_373 = arith.constant 3 : i32
          %parallel_loop3A_374 = arith.index_cast %parallel_loop3A_372 : i32 to index
          %parallel_loop3A_375 = arith.index_cast %parallel_loop3A_373 : i32 to index
          %parallel_loop3A_376 = arith.index_cast %parallel_loop3A_323 : i32 to index
          %parallel_loop3A_377 = arith.constant 64 : index
          %parallel_loop3A_378 = tpu.vector_load %arg5[%parallel_loop3A_374, %parallel_loop3A_375, %parallel_loop3A_376, %parallel_loop3A_377] {strides = array<i32>} : memref<2x4x64x128xf32, #tpu.memory_space<vmem>>, vector<16xf32>,
          %parallel_loop3A_379 = arith.addi %add3A_36, %parallel_loop3A_327 : vector<16xi32>
          %parallel_loop3A_380 = arith.constant 16384 : i32
          %parallel_loop3A_381 = vector.broadcast %parallel_loop3A_380 : i32 to vector<16xi32>
          %parallel_loop3A_382 = arith.addi %parallel_loop3A_379, %parallel_loop3A_381 : vector<16xi32>
          tpu.vector_store_idx %arg6[%parallel_loop3A_382], %parallel_loop3A_378 : memref<32768xf32, #tpu.memory_space<vmem>>[vector<16xi32>], vector<16xf32>,
          %parallel_loop3A_383 = arith.constant 0 : i32
          %parallel_loop3A_384 = arith.constant 3 : i32
          %parallel_loop3A_385 = arith.index_cast %parallel_loop3A_383 : i32 to index
          %parallel_loop3A_386 = arith.index_cast %parallel_loop3A_384 : i32 to index
          %parallel_loop3A_387 = arith.index_cast %parallel_loop3A_323 : i32 to index
          %parallel_loop3A_388 = arith.constant 80 : index
          %parallel_loop3A_389 = tpu.vector_load %arg5[%parallel_loop3A_385, %parallel_loop3A_386, %parallel_loop3A_387, %parallel_loop3A_388] {strides = array<i32>} : memref<2x4x64x128xf32, #tpu.memory_space<vmem>>, vector<16xf32>,
          %parallel_loop3A_390 = arith.addi %add3A_42, %parallel_loop3A_327 : vector<16xi32>
          %parallel_loop3A_391 = arith.constant 16384 : i32
          %parallel_loop3A_392 = vector.broadcast %parallel_loop3A_391 : i32 to vector<16xi32>
          %parallel_loop3A_393 = arith.addi %parallel_loop3A_390, %parallel_loop3A_392 : vector<16xi32>
          tpu.vector_store_idx %arg6[%parallel_loop3A_393], %parallel_loop3A_389 : memref<32768xf32, #tpu.memory_space<vmem>>[vector<16xi32>], vector<16xf32>,
          %parallel_loop3A_394 = arith.constant 0 : i32
          %parallel_loop3A_395 = arith.constant 3 : i32
          %parallel_loop3A_396 = arith.index_cast %parallel_loop3A_394 : i32 to index
          %parallel_loop3A_397 = arith.index_cast %parallel_loop3A_395 : i32 to index
          %parallel_loop3A_398 = arith.index_cast %parallel_loop3A_323 : i32 to index
          %parallel_loop3A_399 = arith.constant 96 : index
          %parallel_loop3A_400 = tpu.vector_load %arg5[%parallel_loop3A_396, %parallel_loop3A_397, %parallel_loop3A_398, %parallel_loop3A_399] {strides = array<i32>} : memref<2x4x64x128xf32, #tpu.memory_space<vmem>>, vector<16xf32>,
          %parallel_loop3A_401 = arith.addi %add3A_48, %parallel_loop3A_327 : vector<16xi32>
          %parallel_loop3A_402 = arith.constant 16384 : i32
          %parallel_loop3A_403 = vector.broadcast %parallel_loop3A_402 : i32 to vector<16xi32>
          %parallel_loop3A_404 = arith.addi %parallel_loop3A_401, %parallel_loop3A_403 : vector<16xi32>
          tpu.vector_store_idx %arg6[%parallel_loop3A_404], %parallel_loop3A_400 : memref<32768xf32, #tpu.memory_space<vmem>>[vector<16xi32>], vector<16xf32>,
          %parallel_loop3A_405 = arith.constant 0 : i32
          %parallel_loop3A_406 = arith.constant 3 : i32
          %parallel_loop3A_407 = arith.index_cast %parallel_loop3A_405 : i32 to index
          %parallel_loop3A_408 = arith.index_cast %parallel_loop3A_406 : i32 to index
          %parallel_loop3A_409 = arith.index_cast %parallel_loop3A_323 : i32 to index
          %parallel_loop3A_410 = arith.constant 112 : index
          %parallel_loop3A_411 = tpu.vector_load %arg5[%parallel_loop3A_407, %parallel_loop3A_408, %parallel_loop3A_409, %parallel_loop3A_410] {strides = array<i32>} : memref<2x4x64x128xf32, #tpu.memory_space<vmem>>, vector<16xf32>,
          %parallel_loop3A_412 = arith.addi %add3A_54, %parallel_loop3A_327 : vector<16xi32>
          %parallel_loop3A_413 = arith.constant 16384 : i32
          %parallel_loop3A_414 = vector.broadcast %parallel_loop3A_413 : i32 to vector<16xi32>
          %parallel_loop3A_415 = arith.addi %parallel_loop3A_412, %parallel_loop3A_414 : vector<16xi32>
          tpu.vector_store_idx %arg6[%parallel_loop3A_415], %parallel_loop3A_411 : memref<32768xf32, #tpu.memory_space<vmem>>[vector<16xi32>], vector<16xf32>,
          %parallel_loop3A_416 = arith.constant 1 : i32
          %parallel_loop3A_417 = arith.addi %parallel_loop3A_321, %parallel_loop3A_416 : i32
          %parallel_loop3A_418 = arith.constant 0 : i32
          %parallel_loop3A_419 = vector.broadcast %parallel_loop3A_418 : i32 to vector<16xi32>
          %parallel_loop3A_420 = vector.broadcast %parallel_loop3A_417 : i32 to vector<16xi32>
          %parallel_loop3A_421 = arith.addi %parallel_loop3A_419, %parallel_loop3A_420 : vector<16xi32>
          %parallel_loop3A_422 = arith.constant 0 : i32
          %parallel_loop3A_423 = arith.constant 3 : i32
          %parallel_loop3A_424 = arith.index_cast %parallel_loop3A_422 : i32 to index
          %parallel_loop3A_425 = arith.index_cast %parallel_loop3A_423 : i32 to index
          %parallel_loop3A_426 = arith.index_cast %parallel_loop3A_417 : i32 to index
          %parallel_loop3A_427 = arith.constant 0 : index
          %parallel_loop3A_428 = tpu.vector_load %arg5[%parallel_loop3A_424, %parallel_loop3A_425, %parallel_loop3A_426, %parallel_loop3A_427] {strides = array<i32>} : memref<2x4x64x128xf32, #tpu.memory_space<vmem>>, vector<16xf32>,
          %parallel_loop3A_429 = arith.addi %add3A_12, %parallel_loop3A_421 : vector<16xi32>
          %parallel_loop3A_430 = arith.constant 16384 : i32
          %parallel_loop3A_431 = vector.broadcast %parallel_loop3A_430 : i32 to vector<16xi32>
          %parallel_loop3A_432 = arith.addi %parallel_loop3A_429, %parallel_loop3A_431 : vector<16xi32>
          tpu.vector_store_idx %arg6[%parallel_loop3A_432], %parallel_loop3A_428 : memref<32768xf32, #tpu.memory_space<vmem>>[vector<16xi32>], vector<16xf32>,
          %parallel_loop3A_433 = arith.constant 0 : i32
          %parallel_loop3A_434 = arith.constant 3 : i32
          %parallel_loop3A_435 = arith.index_cast %parallel_loop3A_433 : i32 to index
          %parallel_loop3A_436 = arith.index_cast %parallel_loop3A_434 : i32 to index
          %parallel_loop3A_437 = arith.index_cast %parallel_loop3A_417 : i32 to index
          %parallel_loop3A_438 = arith.constant 16 : index
          %parallel_loop3A_439 = tpu.vector_load %arg5[%parallel_loop3A_435, %parallel_loop3A_436, %parallel_loop3A_437, %parallel_loop3A_438] {strides = array<i32>} : memref<2x4x64x128xf32, #tpu.memory_space<vmem>>, vector<16xf32>,
          %parallel_loop3A_440 = arith.addi %add3A_18, %parallel_loop3A_421 : vector<16xi32>
          %parallel_loop3A_441 = arith.constant 16384 : i32
          %parallel_loop3A_442 = vector.broadcast %parallel_loop3A_441 : i32 to vector<16xi32>
          %parallel_loop3A_443 = arith.addi %parallel_loop3A_440, %parallel_loop3A_442 : vector<16xi32>
          tpu.vector_store_idx %arg6[%parallel_loop3A_443], %parallel_loop3A_439 : memref<32768xf32, #tpu.memory_space<vmem>>[vector<16xi32>], vector<16xf32>,
          %parallel_loop3A_444 = arith.constant 0 : i32
          %parallel_loop3A_445 = arith.constant 3 : i32
          %parallel_loop3A_446 = arith.index_cast %parallel_loop3A_444 : i32 to index
          %parallel_loop3A_447 = arith.index_cast %parallel_loop3A_445 : i32 to index
          %parallel_loop3A_448 = arith.index_cast %parallel_loop3A_417 : i32 to index
          %parallel_loop3A_449 = arith.constant 32 : index
          %parallel_loop3A_450 = tpu.vector_load %arg5[%parallel_loop3A_446, %parallel_loop3A_447, %parallel_loop3A_448, %parallel_loop3A_449] {strides = array<i32>} : memref<2x4x64x128xf32, #tpu.memory_space<vmem>>, vector<16xf32>,
          %parallel_loop3A_451 = arith.addi %add3A_24, %parallel_loop3A_421 : vector<16xi32>
          %parallel_loop3A_452 = arith.constant 16384 : i32
          %parallel_loop3A_453 = vector.broadcast %parallel_loop3A_452 : i32 to vector<16xi32>
          %parallel_loop3A_454 = arith.addi %parallel_loop3A_451, %parallel_loop3A_453 : vector<16xi32>
          tpu.vector_store_idx %arg6[%parallel_loop3A_454], %parallel_loop3A_450 : memref<32768xf32, #tpu.memory_space<vmem>>[vector<16xi32>], vector<16xf32>,
          %parallel_loop3A_455 = arith.constant 0 : i32
          %parallel_loop3A_456 = arith.constant 3 : i32
          %parallel_loop3A_457 = arith.index_cast %parallel_loop3A_455 : i32 to index
          %parallel_loop3A_458 = arith.index_cast %parallel_loop3A_456 : i32 to index
          %parallel_loop3A_459 = arith.index_cast %parallel_loop3A_417 : i32 to index
          %parallel_loop3A_460 = arith.constant 48 : index
          %parallel_loop3A_461 = tpu.vector_load %arg5[%parallel_loop3A_457, %parallel_loop3A_458, %parallel_loop3A_459, %parallel_loop3A_460] {strides = array<i32>} : memref<2x4x64x128xf32, #tpu.memory_space<vmem>>, vector<16xf32>,
          %parallel_loop3A_462 = arith.addi %add3A_30, %parallel_loop3A_421 : vector<16xi32>
          %parallel_loop3A_463 = arith.constant 16384 : i32
          %parallel_loop3A_464 = vector.broadcast %parallel_loop3A_463 : i32 to vector<16xi32>
          %parallel_loop3A_465 = arith.addi %parallel_loop3A_462, %parallel_loop3A_464 : vector<16xi32>
          tpu.vector_store_idx %arg6[%parallel_loop3A_465], %parallel_loop3A_461 : memref<32768xf32, #tpu.memory_space<vmem>>[vector<16xi32>], vector<16xf32>,
          %parallel_loop3A_466 = arith.constant 0 : i32
          %parallel_loop3A_467 = arith.constant 3 : i32
          %parallel_loop3A_468 = arith.index_cast %parallel_loop3A_466 : i32 to index
          %parallel_loop3A_469 = arith.index_cast %parallel_loop3A_467 : i32 to index
          %parallel_loop3A_470 = arith.index_cast %parallel_loop3A_417 : i32 to index
          %parallel_loop3A_471 = arith.constant 64 : index
          %parallel_loop3A_472 = tpu.vector_load %arg5[%parallel_loop3A_468, %parallel_loop3A_469, %parallel_loop3A_470, %parallel_loop3A_471] {strides = array<i32>} : memref<2x4x64x128xf32, #tpu.memory_space<vmem>>, vector<16xf32>,
          %parallel_loop3A_473 = arith.addi %add3A_36, %parallel_loop3A_421 : vector<16xi32>
          %parallel_loop3A_474 = arith.constant 16384 : i32
          %parallel_loop3A_475 = vector.broadcast %parallel_loop3A_474 : i32 to vector<16xi32>
          %parallel_loop3A_476 = arith.addi %parallel_loop3A_473, %parallel_loop3A_475 : vector<16xi32>
          tpu.vector_store_idx %arg6[%parallel_loop3A_476], %parallel_loop3A_472 : memref<32768xf32, #tpu.memory_space<vmem>>[vector<16xi32>], vector<16xf32>,
          %parallel_loop3A_477 = arith.constant 0 : i32
          %parallel_loop3A_478 = arith.constant 3 : i32
          %parallel_loop3A_479 = arith.index_cast %parallel_loop3A_477 : i32 to index
          %parallel_loop3A_480 = arith.index_cast %parallel_loop3A_478 : i32 to index
          %parallel_loop3A_481 = arith.index_cast %parallel_loop3A_417 : i32 to index
          %parallel_loop3A_482 = arith.constant 80 : index
          %parallel_loop3A_483 = tpu.vector_load %arg5[%parallel_loop3A_479, %parallel_loop3A_480, %parallel_loop3A_481, %parallel_loop3A_482] {strides = array<i32>} : memref<2x4x64x128xf32, #tpu.memory_space<vmem>>, vector<16xf32>,
          %parallel_loop3A_484 = arith.addi %add3A_42, %parallel_loop3A_421 : vector<16xi32>
          %parallel_loop3A_485 = arith.constant 16384 : i32
          %parallel_loop3A_486 = vector.broadcast %parallel_loop3A_485 : i32 to vector<16xi32>
          %parallel_loop3A_487 = arith.addi %parallel_loop3A_484, %parallel_loop3A_486 : vector<16xi32>
          tpu.vector_store_idx %arg6[%parallel_loop3A_487], %parallel_loop3A_483 : memref<32768xf32, #tpu.memory_space<vmem>>[vector<16xi32>], vector<16xf32>,
          %parallel_loop3A_488 = arith.constant 0 : i32
          %parallel_loop3A_489 = arith.constant 3 : i32
          %parallel_loop3A_490 = arith.index_cast %parallel_loop3A_488 : i32 to index
          %parallel_loop3A_491 = arith.index_cast %parallel_loop3A_489 : i32 to index
          %parallel_loop3A_492 = arith.index_cast %parallel_loop3A_417 : i32 to index
          %parallel_loop3A_493 = arith.constant 96 : index
          %parallel_loop3A_494 = tpu.vector_load %arg5[%parallel_loop3A_490, %parallel_loop3A_491, %parallel_loop3A_492, %parallel_loop3A_493] {strides = array<i32>} : memref<2x4x64x128xf32, #tpu.memory_space<vmem>>, vector<16xf32>,
          %parallel_loop3A_495 = arith.addi %add3A_48, %parallel_loop3A_421 : vector<16xi32>
          %parallel_loop3A_496 = arith.constant 16384 : i32
          %parallel_loop3A_497 = vector.broadcast %parallel_loop3A_496 : i32 to vector<16xi32>
          %parallel_loop3A_498 = arith.addi %parallel_loop3A_495, %parallel_loop3A_497 : vector<16xi32>
          tpu.vector_store_idx %arg6[%parallel_loop3A_498], %parallel_loop3A_494 : memref<32768xf32, #tpu.memory_space<vmem>>[vector<16xi32>], vector<16xf32>,
          %parallel_loop3A_499 = arith.constant 0 : i32
          %parallel_loop3A_500 = arith.constant 3 : i32
          %parallel_loop3A_501 = arith.index_cast %parallel_loop3A_499 : i32 to index
          %parallel_loop3A_502 = arith.index_cast %parallel_loop3A_500 : i32 to index
          %parallel_loop3A_503 = arith.index_cast %parallel_loop3A_417 : i32 to index
          %parallel_loop3A_504 = arith.constant 112 : index
          %parallel_loop3A_505 = tpu.vector_load %arg5[%parallel_loop3A_501, %parallel_loop3A_502, %parallel_loop3A_503, %parallel_loop3A_504] {strides = array<i32>} : memref<2x4x64x128xf32, #tpu.memory_space<vmem>>, vector<16xf32>,
          %parallel_loop3A_506 = arith.addi %add3A_54, %parallel_loop3A_421 : vector<16xi32>
          %parallel_loop3A_507 = arith.constant 16384 : i32
          %parallel_loop3A_508 = vector.broadcast %parallel_loop3A_507 : i32 to vector<16xi32>
          %parallel_loop3A_509 = arith.addi %parallel_loop3A_506, %parallel_loop3A_508 : vector<16xi32>
          tpu.vector_store_idx %arg6[%parallel_loop3A_509], %parallel_loop3A_505 : memref<32768xf32, #tpu.memory_space<vmem>>[vector<16xi32>], vector<16xf32>,
        } {sc.loop_unroll_factor = 2 : i64, sc.parallel_access}
        %mul3A_307 = arith.constant 4 : i32
        %mul3A_308 = arith.muli %add3A_93, %mul3A_307 : i32
        %add3A_309 = arith.constant 3 : i32
        %add3A_310 = arith.addi %mul3A_308, %add3A_309 : i32
        %mul3A_311 = arith.constant 128 : i32
        %mul3A_312 = arith.muli %add3A_310, %mul3A_311 : i32
        %mul3A_313 = arith.constant 128 : i32
        %mul3A_314 = arith.muli %mul3A_312, %mul3A_313 : i32
        %dma_start3A_315 = arith.constant 16384 : i32
        %dma_start3A_316 = tpu.memref_slice %arg6[%dma_start3A_315] : memref<32768xf32, #tpu.memory_space<vmem>> -> memref<16384xf32, #tpu.memory_space<vmem>>
        %dma_start3A_317 = tpu.memref_slice %arg4[%mul3A_314] : memref<128008192xf32, #tpu.memory_space<hbm>> -> memref<16384xf32, #tpu.memory_space<hbm>>
        %dma_start3A_318 = tpu.memref_slice %arg4[%mul3A_314] : memref<128008192xf32, #tpu.memory_space<hbm>> -> memref<16384xf32, #tpu.memory_space<hbm>>
        %dma_start3A_319 = arith.constant 16384 : i32
        %dma_start3A_320 = tpu.memref_slice %arg6[%dma_start3A_319] : memref<32768xf32, #tpu.memory_space<vmem>> -> memref<16384xf32, #tpu.memory_space<vmem>>
        tpu.enqueue_dma source(%dma_start3A_320 : memref<16384xf32, #tpu.memory_space<vmem>>) target(%dma_start3A_318 : memref<16384xf32, #tpu.memory_space<hbm>>) target_semaphore(%arg8 : memref<!tpu.dma_semaphore, #tpu.memory_space<semaphore_mem>>)
      } else {
      }
      %add3A_87 = arith.constant 1 : i32
      %add3A_88 = arith.addi %add3A_80, %add3A_87 : i32
      %lt3A_89 = arith.cmpi slt, %add3A_88, %select_n3A : i32
      %convert_element_type3A_90 = arith.extui %lt3A_89 : i1 to i32
      %cond3A_91 = arith.constant 0 : i32
      %cond3A_92 = arith.cmpi ne, %convert_element_type3A_90, %cond3A_91 : i32
      scf.if %cond3A_92 {
        %add3A_93 = arith.addi %add3A_6, %add3A_88 : i32
        %mul3A_94 = arith.constant 4 : i32
        %mul3A_95 = arith.muli %add3A_93, %mul3A_94 : i32
        %add3A_96 = arith.constant 0 : i32
        %add3A_97 = arith.addi %mul3A_95, %add3A_96 : i32
        %mul3A_98 = arith.constant 128 : i32
        %mul3A_99 = arith.muli %add3A_97, %mul3A_98 : i32
        %dma_start3A = arith.constant 1 : i32
        %dma_start3A_100 = arith.constant 0 : i32
        %dma_start3A_101 = arith.constant 0 : i32
        %dma_start3A_102 = arith.constant 0 : i32
        %dma_start3A_103 = tpu.memref_slice %arg5[%dma_start3A, %dma_start3A_100, %dma_start3A_101, %dma_start3A_102] : memref<2x4x64x128xf32, #tpu.memory_space<vmem>> -> memref<1x1x50x128xf32, #tpu.memory_space<vmem>>
        %dma_start3A_104 = tpu.memref_squeeze %dma_start3A_103 : memref<1x1x50x128xf32, #tpu.memory_space<vmem>> -> memref<50x128xf32, #tpu.memory_space<vmem>>
        %dma_start3A_105 = arith.constant 0 : i32
        %dma_start3A_106 = tpu.memref_slice %arg2[%dma_start3A_105, %mul3A_99] : memref<50x1000000xf32, #tpu.memory_space<hbm>> -> memref<50x128xf32, #tpu.memory_space<hbm>>
        %dma_start3A_107 = arith.constant 0 : i32
        %dma_start3A_108 = arith.constant 0 : i32
        %dma_start3A_109 = tpu.memref_slice %arg5[%dma_start3A, %dma_start3A_100, %dma_start3A_107, %dma_start3A_108] : memref<2x4x64x128xf32, #tpu.memory_space<vmem>> -> memref<1x1x50x128xf32, #tpu.memory_space<vmem>>
        %dma_start3A_110 = tpu.memref_squeeze %dma_start3A_109 : memref<1x1x50x128xf32, #tpu.memory_space<vmem>> -> memref<50x128xf32, #tpu.memory_space<vmem>>
        %dma_start3A_111 = arith.constant 0 : i32
        %dma_start3A_112 = tpu.memref_slice %arg2[%dma_start3A_111, %mul3A_99] : memref<50x1000000xf32, #tpu.memory_space<hbm>> -> memref<50x128xf32, #tpu.memory_space<hbm>>
        tpu.enqueue_dma source(%dma_start3A_112 : memref<50x128xf32, #tpu.memory_space<hbm>>) target(%dma_start3A_110 : memref<50x128xf32, #tpu.memory_space<vmem>>) target_semaphore(%arg7 : memref<!tpu.dma_semaphore, #tpu.memory_space<semaphore_mem>>)
        %mul3A_113 = arith.constant 4 : i32
        %mul3A_114 = arith.muli %add3A_93, %mul3A_113 : i32
        %add3A_115 = arith.constant 1 : i32
        %add3A_116 = arith.addi %mul3A_114, %add3A_115 : i32
        %mul3A_117 = arith.constant 128 : i32
        %mul3A_118 = arith.muli %add3A_116, %mul3A_117 : i32
        %dma_start3A_119 = arith.constant 1 : i32
        %dma_start3A_120 = arith.constant 1 : i32
        %dma_start3A_121 = arith.constant 0 : i32
        %dma_start3A_122 = arith.constant 0 : i32
        %dma_start3A_123 = tpu.memref_slice %arg5[%dma_start3A_119, %dma_start3A_120, %dma_start3A_121, %dma_start3A_122] : memref<2x4x64x128xf32, #tpu.memory_space<vmem>> -> memref<1x1x50x128xf32, #tpu.memory_space<vmem>>
        %dma_start3A_124 = tpu.memref_squeeze %dma_start3A_123 : memref<1x1x50x128xf32, #tpu.memory_space<vmem>> -> memref<50x128xf32, #tpu.memory_space<vmem>>
        %dma_start3A_125 = arith.constant 0 : i32
        %dma_start3A_126 = tpu.memref_slice %arg2[%dma_start3A_125, %mul3A_118] : memref<50x1000000xf32, #tpu.memory_space<hbm>> -> memref<50x128xf32, #tpu.memory_space<hbm>>
        %dma_start3A_127 = arith.constant 0 : i32
        %dma_start3A_128 = arith.constant 0 : i32
        %dma_start3A_129 = tpu.memref_slice %arg5[%dma_start3A_119, %dma_start3A_120, %dma_start3A_127, %dma_start3A_128] : memref<2x4x64x128xf32, #tpu.memory_space<vmem>> -> memref<1x1x50x128xf32, #tpu.memory_space<vmem>>
        %dma_start3A_130 = tpu.memref_squeeze %dma_start3A_129 : memref<1x1x50x128xf32, #tpu.memory_space<vmem>> -> memref<50x128xf32, #tpu.memory_space<vmem>>
        %dma_start3A_131 = arith.constant 0 : i32
        %dma_start3A_132 = tpu.memref_slice %arg2[%dma_start3A_131, %mul3A_118] : memref<50x1000000xf32, #tpu.memory_space<hbm>> -> memref<50x128xf32, #tpu.memory_space<hbm>>
        tpu.enqueue_dma source(%dma_start3A_132 : memref<50x128xf32, #tpu.memory_space<hbm>>) target(%dma_start3A_130 : memref<50x128xf32, #tpu.memory_space<vmem>>) target_semaphore(%arg7 : memref<!tpu.dma_semaphore, #tpu.memory_space<semaphore_mem>>)
        %mul3A_133 = arith.constant 4 : i32
        %mul3A_134 = arith.muli %add3A_93, %mul3A_133 : i32
        %add3A_135 = arith.constant 2 : i32
        %add3A_136 = arith.addi %mul3A_134, %add3A_135 : i32
        %mul3A_137 = arith.constant 128 : i32
        %mul3A_138 = arith.muli %add3A_136, %mul3A_137 : i32
        %dma_start3A_139 = arith.constant 1 : i32
        %dma_start3A_140 = arith.constant 2 : i32
        %dma_start3A_141 = arith.constant 0 : i32
        %dma_start3A_142 = arith.constant 0 : i32
        %dma_start3A_143 = tpu.memref_slice %arg5[%dma_start3A_139, %dma_start3A_140, %dma_start3A_141, %dma_start3A_142] : memref<2x4x64x128xf32, #tpu.memory_space<vmem>> -> memref<1x1x50x128xf32, #tpu.memory_space<vmem>>
        %dma_start3A_144 = tpu.memref_squeeze %dma_start3A_143 : memref<1x1x50x128xf32, #tpu.memory_space<vmem>> -> memref<50x128xf32, #tpu.memory_space<vmem>>
        %dma_start3A_145 = arith.constant 0 : i32
        %dma_start3A_146 = tpu.memref_slice %arg2[%dma_start3A_145, %mul3A_138] : memref<50x1000000xf32, #tpu.memory_space<hbm>> -> memref<50x128xf32, #tpu.memory_space<hbm>>
        %dma_start3A_147 = arith.constant 0 : i32
        %dma_start3A_148 = arith.constant 0 : i32
        %dma_start3A_149 = tpu.memref_slice %arg5[%dma_start3A_139, %dma_start3A_140, %dma_start3A_147, %dma_start3A_148] : memref<2x4x64x128xf32, #tpu.memory_space<vmem>> -> memref<1x1x50x128xf32, #tpu.memory_space<vmem>>
        %dma_start3A_150 = tpu.memref_squeeze %dma_start3A_149 : memref<1x1x50x128xf32, #tpu.memory_space<vmem>> -> memref<50x128xf32, #tpu.memory_space<vmem>>
        %dma_start3A_151 = arith.constant 0 : i32
        %dma_start3A_152 = tpu.memref_slice %arg2[%dma_start3A_151, %mul3A_138] : memref<50x1000000xf32, #tpu.memory_space<hbm>> -> memref<50x128xf32, #tpu.memory_space<hbm>>
        tpu.enqueue_dma source(%dma_start3A_152 : memref<50x128xf32, #tpu.memory_space<hbm>>) target(%dma_start3A_150 : memref<50x128xf32, #tpu.memory_space<vmem>>) target_semaphore(%arg7 : memref<!tpu.dma_semaphore, #tpu.memory_space<semaphore_mem>>)
        %mul3A_153 = arith.constant 4 : i32
        %mul3A_154 = arith.muli %add3A_93, %mul3A_153 : i32
        %add3A_155 = arith.constant 3 : i32
        %add3A_156 = arith.addi %mul3A_154, %add3A_155 : i32
        %mul3A_157 = arith.constant 128 : i32
        %mul3A_158 = arith.muli %add3A_156, %mul3A_157 : i32
        %dma_start3A_159 = arith.constant 1 : i32
        %dma_start3A_160 = arith.constant 3 : i32
        %dma_start3A_161 = arith.constant 0 : i32
        %dma_start3A_162 = arith.constant 0 : i32
        %dma_start3A_163 = tpu.memref_slice %arg5[%dma_start3A_159, %dma_start3A_160, %dma_start3A_161, %dma_start3A_162] : memref<2x4x64x128xf32, #tpu.memory_space<vmem>> -> memref<1x1x50x128xf32, #tpu.memory_space<vmem>>
        %dma_start3A_164 = tpu.memref_squeeze %dma_start3A_163 : memref<1x1x50x128xf32, #tpu.memory_space<vmem>> -> memref<50x128xf32, #tpu.memory_space<vmem>>
        %dma_start3A_165 = arith.constant 0 : i32
        %dma_start3A_166 = tpu.memref_slice %arg2[%dma_start3A_165, %mul3A_158] : memref<50x1000000xf32, #tpu.memory_space<hbm>> -> memref<50x128xf32, #tpu.memory_space<hbm>>
        %dma_start3A_167 = arith.constant 0 : i32
        %dma_start3A_168 = arith.constant 0 : i32
        %dma_start3A_169 = tpu.memref_slice %arg5[%dma_start3A_159, %dma_start3A_160, %dma_start3A_167, %dma_start3A_168] : memref<2x4x64x128xf32, #tpu.memory_space<vmem>> -> memref<1x1x50x128xf32, #tpu.memory_space<vmem>>
        %dma_start3A_170 = tpu.memref_squeeze %dma_start3A_169 : memref<1x1x50x128xf32, #tpu.memory_space<vmem>> -> memref<50x128xf32, #tpu.memory_space<vmem>>
        %dma_start3A_171 = arith.constant 0 : i32
        %dma_start3A_172 = tpu.memref_slice %arg2[%dma_start3A_171, %mul3A_158] : memref<50x1000000xf32, #tpu.memory_space<hbm>> -> memref<50x128xf32, #tpu.memory_space<hbm>>
        tpu.enqueue_dma source(%dma_start3A_172 : memref<50x128xf32, #tpu.memory_space<hbm>>) target(%dma_start3A_170 : memref<50x128xf32, #tpu.memory_space<vmem>>) target_semaphore(%arg7 : memref<!tpu.dma_semaphore, #tpu.memory_space<semaphore_mem>>)
        %dma_wait3A_173 = arith.constant 1 : i32
        %dma_wait3A_174 = arith.constant 0 : i32
        %dma_wait3A_175 = arith.constant 0 : i32
        %dma_wait3A_176 = arith.constant 0 : i32
        %dma_wait3A_177 = tpu.memref_slice %arg5[%dma_wait3A_173, %dma_wait3A_174, %dma_wait3A_175, %dma_wait3A_176] : memref<2x4x64x128xf32, #tpu.memory_space<vmem>> -> memref<1x1x50x128xf32, #tpu.memory_space<vmem>>
        %dma_wait3A_178 = tpu.memref_squeeze %dma_wait3A_177 : memref<1x1x50x128xf32, #tpu.memory_space<vmem>> -> memref<50x128xf32, #tpu.memory_space<vmem>>
        %dma_wait3A_179 = arith.constant 0 : i32
        %dma_wait3A_180 = tpu.memref_slice %arg2[%dma_wait3A_179, %mul3A_99] : memref<50x1000000xf32, #tpu.memory_space<hbm>> -> memref<50x128xf32, #tpu.memory_space<hbm>>
        %dma_wait3A_181 = arith.constant 0 : i32
        %dma_wait3A_182 = arith.constant 0 : i32
        %dma_wait3A_183 = tpu.memref_slice %arg5[%dma_wait3A_173, %dma_wait3A_174, %dma_wait3A_181, %dma_wait3A_182] : memref<2x4x64x128xf32, #tpu.memory_space<vmem>> -> memref<1x1x50x128xf32, #tpu.memory_space<vmem>>
        %dma_wait3A_184 = tpu.memref_squeeze %dma_wait3A_183 : memref<1x1x50x128xf32, #tpu.memory_space<vmem>> -> memref<50x128xf32, #tpu.memory_space<vmem>>
        %dma_wait3A_185 = arith.constant 0 : i32
        %dma_wait3A_186 = tpu.memref_slice %arg2[%dma_wait3A_185, %mul3A_99] : memref<50x1000000xf32, #tpu.memory_space<hbm>> -> memref<50x128xf32, #tpu.memory_space<hbm>>
        tpu.wait_dma2 semaphore(%arg7 : memref<!tpu.dma_semaphore, #tpu.memory_space<semaphore_mem>>) src(%dma_wait3A_186 : memref<50x128xf32, #tpu.memory_space<hbm>>) dst(%dma_wait3A_184 : memref<50x128xf32, #tpu.memory_space<vmem>>)
        %dma_wait3A_187 = arith.constant 1 : i32
        %dma_wait3A_188 = arith.constant 1 : i32
        %dma_wait3A_189 = arith.constant 0 : i32
        %dma_wait3A_190 = arith.constant 0 : i32
        %dma_wait3A_191 = tpu.memref_slice %arg5[%dma_wait3A_187, %dma_wait3A_188, %dma_wait3A_189, %dma_wait3A_190] : memref<2x4x64x128xf32, #tpu.memory_space<vmem>> -> memref<1x1x50x128xf32, #tpu.memory_space<vmem>>
        %dma_wait3A_192 = tpu.memref_squeeze %dma_wait3A_191 : memref<1x1x50x128xf32, #tpu.memory_space<vmem>> -> memref<50x128xf32, #tpu.memory_space<vmem>>
        %dma_wait3A_193 = arith.constant 0 : i32
        %dma_wait3A_194 = tpu.memref_slice %arg2[%dma_wait3A_193, %mul3A_118] : memref<50x1000000xf32, #tpu.memory_space<hbm>> -> memref<50x128xf32, #tpu.memory_space<hbm>>
        %dma_wait3A_195 = arith.constant 0 : i32
        %dma_wait3A_196 = arith.constant 0 : i32
        %dma_wait3A_197 = tpu.memref_slice %arg5[%dma_wait3A_187, %dma_wait3A_188, %dma_wait3A_195, %dma_wait3A_196] : memref<2x4x64x128xf32, #tpu.memory_space<vmem>> -> memref<1x1x50x128xf32, #tpu.memory_space<vmem>>
        %dma_wait3A_198 = tpu.memref_squeeze %dma_wait3A_197 : memref<1x1x50x128xf32, #tpu.memory_space<vmem>> -> memref<50x128xf32, #tpu.memory_space<vmem>>
        %dma_wait3A_199 = arith.constant 0 : i32
        %dma_wait3A_200 = tpu.memref_slice %arg2[%dma_wait3A_199, %mul3A_118] : memref<50x1000000xf32, #tpu.memory_space<hbm>> -> memref<50x128xf32, #tpu.memory_space<hbm>>
        tpu.wait_dma2 semaphore(%arg7 : memref<!tpu.dma_semaphore, #tpu.memory_space<semaphore_mem>>) src(%dma_wait3A_200 : memref<50x128xf32, #tpu.memory_space<hbm>>) dst(%dma_wait3A_198 : memref<50x128xf32, #tpu.memory_space<vmem>>)
        %dma_wait3A_201 = arith.constant 1 : i32
        %dma_wait3A_202 = arith.constant 2 : i32
        %dma_wait3A_203 = arith.constant 0 : i32
        %dma_wait3A_204 = arith.constant 0 : i32
        %dma_wait3A_205 = tpu.memref_slice %arg5[%dma_wait3A_201, %dma_wait3A_202, %dma_wait3A_203, %dma_wait3A_204] : memref<2x4x64x128xf32, #tpu.memory_space<vmem>> -> memref<1x1x50x128xf32, #tpu.memory_space<vmem>>
        %dma_wait3A_206 = tpu.memref_squeeze %dma_wait3A_205 : memref<1x1x50x128xf32, #tpu.memory_space<vmem>> -> memref<50x128xf32, #tpu.memory_space<vmem>>
        %dma_wait3A_207 = arith.constant 0 : i32
        %dma_wait3A_208 = tpu.memref_slice %arg2[%dma_wait3A_207, %mul3A_138] : memref<50x1000000xf32, #tpu.memory_space<hbm>> -> memref<50x128xf32, #tpu.memory_space<hbm>>
        %dma_wait3A_209 = arith.constant 0 : i32
        %dma_wait3A_210 = arith.constant 0 : i32
        %dma_wait3A_211 = tpu.memref_slice %arg5[%dma_wait3A_201, %dma_wait3A_202, %dma_wait3A_209, %dma_wait3A_210] : memref<2x4x64x128xf32, #tpu.memory_space<vmem>> -> memref<1x1x50x128xf32, #tpu.memory_space<vmem>>
        %dma_wait3A_212 = tpu.memref_squeeze %dma_wait3A_211 : memref<1x1x50x128xf32, #tpu.memory_space<vmem>> -> memref<50x128xf32, #tpu.memory_space<vmem>>
        %dma_wait3A_213 = arith.constant 0 : i32
        %dma_wait3A_214 = tpu.memref_slice %arg2[%dma_wait3A_213, %mul3A_138] : memref<50x1000000xf32, #tpu.memory_space<hbm>> -> memref<50x128xf32, #tpu.memory_space<hbm>>
        tpu.wait_dma2 semaphore(%arg7 : memref<!tpu.dma_semaphore, #tpu.memory_space<semaphore_mem>>) src(%dma_wait3A_214 : memref<50x128xf32, #tpu.memory_space<hbm>>) dst(%dma_wait3A_212 : memref<50x128xf32, #tpu.memory_space<vmem>>)
        %dma_wait3A_215 = arith.constant 1 : i32
        %dma_wait3A_216 = arith.constant 3 : i32
        %dma_wait3A_217 = arith.constant 0 : i32
        %dma_wait3A_218 = arith.constant 0 : i32
        %dma_wait3A_219 = tpu.memref_slice %arg5[%dma_wait3A_215, %dma_wait3A_216, %dma_wait3A_217, %dma_wait3A_218] : memref<2x4x64x128xf32, #tpu.memory_space<vmem>> -> memref<1x1x50x128xf32, #tpu.memory_space<vmem>>
        %dma_wait3A_220 = tpu.memref_squeeze %dma_wait3A_219 : memref<1x1x50x128xf32, #tpu.memory_space<vmem>> -> memref<50x128xf32, #tpu.memory_space<vmem>>
        %dma_wait3A_221 = arith.constant 0 : i32
        %dma_wait3A_222 = tpu.memref_slice %arg2[%dma_wait3A_221, %mul3A_158] : memref<50x1000000xf32, #tpu.memory_space<hbm>> -> memref<50x128xf32, #tpu.memory_space<hbm>>
        %dma_wait3A_223 = arith.constant 0 : i32
        %dma_wait3A_224 = arith.constant 0 : i32
        %dma_wait3A_225 = tpu.memref_slice %arg5[%dma_wait3A_215, %dma_wait3A_216, %dma_wait3A_223, %dma_wait3A_224] : memref<2x4x64x128xf32, #tpu.memory_space<vmem>> -> memref<1x1x50x128xf32, #tpu.memory_space<vmem>>
        %dma_wait3A_226 = tpu.memref_squeeze %dma_wait3A_225 : memref<1x1x50x128xf32, #tpu.memory_space<vmem>> -> memref<50x128xf32, #tpu.memory_space<vmem>>
        %dma_wait3A_227 = arith.constant 0 : i32
        %dma_wait3A_228 = tpu.memref_slice %arg2[%dma_wait3A_227, %mul3A_158] : memref<50x1000000xf32, #tpu.memory_space<hbm>> -> memref<50x128xf32, #tpu.memory_space<hbm>>
        tpu.wait_dma2 semaphore(%arg7 : memref<!tpu.dma_semaphore, #tpu.memory_space<semaphore_mem>>) src(%dma_wait3A_228 : memref<50x128xf32, #tpu.memory_space<hbm>>) dst(%dma_wait3A_226 : memref<50x128xf32, #tpu.memory_space<vmem>>)
        %ge3A = arith.constant 1 : i32
        %ge3A_229 = arith.cmpi sge, %add3A_88, %ge3A : i32
        %convert_element_type3A_230 = arith.extui %ge3A_229 : i1 to i32
        %cond3A_231 = arith.constant 0 : i32
        %cond3A_232 = arith.cmpi ne, %convert_element_type3A_230, %cond3A_231 : i32
        scf.if %cond3A_232 {
          %dma_wait3A_321 = arith.constant 0 : i32
          %dma_wait3A_322 = tpu.memref_slice %arg6[%dma_wait3A_321] : memref<32768xf32, #tpu.memory_space<vmem>> -> memref<16384xf32, #tpu.memory_space<vmem>>
          %dma_wait3A_323 = arith.constant 0 : i32
          %dma_wait3A_324 = tpu.memref_slice %arg4[%dma_wait3A_323] : memref<128008192xf32, #tpu.memory_space<hbm>> -> memref<16384xf32, #tpu.memory_space<hbm>>
          %dma_wait3A_325 = arith.constant 0 : i32
          %dma_wait3A_326 = tpu.memref_slice %arg6[%dma_wait3A_325] : memref<32768xf32, #tpu.memory_space<vmem>> -> memref<16384xf32, #tpu.memory_space<vmem>>
          %dma_wait3A_327 = arith.constant 0 : i32
          %dma_wait3A_328 = tpu.memref_slice %arg4[%dma_wait3A_327] : memref<128008192xf32, #tpu.memory_space<hbm>> -> memref<16384xf32, #tpu.memory_space<hbm>>
          tpu.wait_dma2 semaphore(%arg8 : memref<!tpu.dma_semaphore, #tpu.memory_space<semaphore_mem>>) src(%dma_wait3A_328 : memref<16384xf32, #tpu.memory_space<hbm>>) dst(%dma_wait3A_326 : memref<16384xf32, #tpu.memory_space<vmem>>)
        } else {
        }
        %parallel_loop3A = arith.constant 0 : i32
        %parallel_loop3A_233 = arith.constant 64 : i32
        %parallel_loop3A_234 = arith.constant 2 : i32
        scf.for %parallel_loop3A_321 = %parallel_loop3A to %parallel_loop3A_233 step %parallel_loop3A_234  : i32 {
          %parallel_loop3A_322 = arith.constant 0 : i32
          %parallel_loop3A_323 = arith.addi %parallel_loop3A_321, %parallel_loop3A_322 : i32
          %parallel_loop3A_324 = arith.constant 0 : i32
          %parallel_loop3A_325 = vector.broadcast %parallel_loop3A_324 : i32 to vector<16xi32>
          %parallel_loop3A_326 = vector.broadcast %parallel_loop3A_323 : i32 to vector<16xi32>
          %parallel_loop3A_327 = arith.addi %parallel_loop3A_325, %parallel_loop3A_326 : vector<16xi32>
          %parallel_loop3A_328 = arith.constant 1 : i32
          %parallel_loop3A_329 = arith.constant 0 : i32
          %parallel_loop3A_330 = arith.index_cast %parallel_loop3A_328 : i32 to index
          %parallel_loop3A_331 = arith.index_cast %parallel_loop3A_329 : i32 to index
          %parallel_loop3A_332 = arith.index_cast %parallel_loop3A_323 : i32 to index
          %parallel_loop3A_333 = arith.constant 0 : index
          %parallel_loop3A_334 = tpu.vector_load %arg5[%parallel_loop3A_330, %parallel_loop3A_331, %parallel_loop3A_332, %parallel_loop3A_333] {strides = array<i32>} : memref<2x4x64x128xf32, #tpu.memory_space<vmem>>, vector<16xf32>,
          %parallel_loop3A_335 = arith.addi %add3A_12, %parallel_loop3A_327 : vector<16xi32>
          %parallel_loop3A_336 = arith.constant 0 : i32
          %parallel_loop3A_337 = vector.broadcast %parallel_loop3A_336 : i32 to vector<16xi32>
          %parallel_loop3A_338 = arith.addi %parallel_loop3A_335, %parallel_loop3A_337 : vector<16xi32>
          tpu.vector_store_idx %arg6[%parallel_loop3A_338], %parallel_loop3A_334 : memref<32768xf32, #tpu.memory_space<vmem>>[vector<16xi32>], vector<16xf32>,
          %parallel_loop3A_339 = arith.constant 1 : i32
          %parallel_loop3A_340 = arith.constant 0 : i32
          %parallel_loop3A_341 = arith.index_cast %parallel_loop3A_339 : i32 to index
          %parallel_loop3A_342 = arith.index_cast %parallel_loop3A_340 : i32 to index
          %parallel_loop3A_343 = arith.index_cast %parallel_loop3A_323 : i32 to index
          %parallel_loop3A_344 = arith.constant 16 : index
          %parallel_loop3A_345 = tpu.vector_load %arg5[%parallel_loop3A_341, %parallel_loop3A_342, %parallel_loop3A_343, %parallel_loop3A_344] {strides = array<i32>} : memref<2x4x64x128xf32, #tpu.memory_space<vmem>>, vector<16xf32>,
          %parallel_loop3A_346 = arith.addi %add3A_18, %parallel_loop3A_327 : vector<16xi32>
          %parallel_loop3A_347 = arith.constant 0 : i32
          %parallel_loop3A_348 = vector.broadcast %parallel_loop3A_347 : i32 to vector<16xi32>
          %parallel_loop3A_349 = arith.addi %parallel_loop3A_346, %parallel_loop3A_348 : vector<16xi32>
          tpu.vector_store_idx %arg6[%parallel_loop3A_349], %parallel_loop3A_345 : memref<32768xf32, #tpu.memory_space<vmem>>[vector<16xi32>], vector<16xf32>,
          %parallel_loop3A_350 = arith.constant 1 : i32
          %parallel_loop3A_351 = arith.constant 0 : i32
          %parallel_loop3A_352 = arith.index_cast %parallel_loop3A_350 : i32 to index
          %parallel_loop3A_353 = arith.index_cast %parallel_loop3A_351 : i32 to index
          %parallel_loop3A_354 = arith.index_cast %parallel_loop3A_323 : i32 to index
          %parallel_loop3A_355 = arith.constant 32 : index
          %parallel_loop3A_356 = tpu.vector_load %arg5[%parallel_loop3A_352, %parallel_loop3A_353, %parallel_loop3A_354, %parallel_loop3A_355] {strides = array<i32>} : memref<2x4x64x128xf32, #tpu.memory_space<vmem>>, vector<16xf32>,
          %parallel_loop3A_357 = arith.addi %add3A_24, %parallel_loop3A_327 : vector<16xi32>
          %parallel_loop3A_358 = arith.constant 0 : i32
          %parallel_loop3A_359 = vector.broadcast %parallel_loop3A_358 : i32 to vector<16xi32>
          %parallel_loop3A_360 = arith.addi %parallel_loop3A_357, %parallel_loop3A_359 : vector<16xi32>
          tpu.vector_store_idx %arg6[%parallel_loop3A_360], %parallel_loop3A_356 : memref<32768xf32, #tpu.memory_space<vmem>>[vector<16xi32>], vector<16xf32>,
          %parallel_loop3A_361 = arith.constant 1 : i32
          %parallel_loop3A_362 = arith.constant 0 : i32
          %parallel_loop3A_363 = arith.index_cast %parallel_loop3A_361 : i32 to index
          %parallel_loop3A_364 = arith.index_cast %parallel_loop3A_362 : i32 to index
          %parallel_loop3A_365 = arith.index_cast %parallel_loop3A_323 : i32 to index
          %parallel_loop3A_366 = arith.constant 48 : index
          %parallel_loop3A_367 = tpu.vector_load %arg5[%parallel_loop3A_363, %parallel_loop3A_364, %parallel_loop3A_365, %parallel_loop3A_366] {strides = array<i32>} : memref<2x4x64x128xf32, #tpu.memory_space<vmem>>, vector<16xf32>,
          %parallel_loop3A_368 = arith.addi %add3A_30, %parallel_loop3A_327 : vector<16xi32>
          %parallel_loop3A_369 = arith.constant 0 : i32
          %parallel_loop3A_370 = vector.broadcast %parallel_loop3A_369 : i32 to vector<16xi32>
          %parallel_loop3A_371 = arith.addi %parallel_loop3A_368, %parallel_loop3A_370 : vector<16xi32>
          tpu.vector_store_idx %arg6[%parallel_loop3A_371], %parallel_loop3A_367 : memref<32768xf32, #tpu.memory_space<vmem>>[vector<16xi32>], vector<16xf32>,
          %parallel_loop3A_372 = arith.constant 1 : i32
          %parallel_loop3A_373 = arith.constant 0 : i32
          %parallel_loop3A_374 = arith.index_cast %parallel_loop3A_372 : i32 to index
          %parallel_loop3A_375 = arith.index_cast %parallel_loop3A_373 : i32 to index
          %parallel_loop3A_376 = arith.index_cast %parallel_loop3A_323 : i32 to index
          %parallel_loop3A_377 = arith.constant 64 : index
          %parallel_loop3A_378 = tpu.vector_load %arg5[%parallel_loop3A_374, %parallel_loop3A_375, %parallel_loop3A_376, %parallel_loop3A_377] {strides = array<i32>} : memref<2x4x64x128xf32, #tpu.memory_space<vmem>>, vector<16xf32>,
          %parallel_loop3A_379 = arith.addi %add3A_36, %parallel_loop3A_327 : vector<16xi32>
          %parallel_loop3A_380 = arith.constant 0 : i32
          %parallel_loop3A_381 = vector.broadcast %parallel_loop3A_380 : i32 to vector<16xi32>
          %parallel_loop3A_382 = arith.addi %parallel_loop3A_379, %parallel_loop3A_381 : vector<16xi32>
          tpu.vector_store_idx %arg6[%parallel_loop3A_382], %parallel_loop3A_378 : memref<32768xf32, #tpu.memory_space<vmem>>[vector<16xi32>], vector<16xf32>,
          %parallel_loop3A_383 = arith.constant 1 : i32
          %parallel_loop3A_384 = arith.constant 0 : i32
          %parallel_loop3A_385 = arith.index_cast %parallel_loop3A_383 : i32 to index
          %parallel_loop3A_386 = arith.index_cast %parallel_loop3A_384 : i32 to index
          %parallel_loop3A_387 = arith.index_cast %parallel_loop3A_323 : i32 to index
          %parallel_loop3A_388 = arith.constant 80 : index
          %parallel_loop3A_389 = tpu.vector_load %arg5[%parallel_loop3A_385, %parallel_loop3A_386, %parallel_loop3A_387, %parallel_loop3A_388] {strides = array<i32>} : memref<2x4x64x128xf32, #tpu.memory_space<vmem>>, vector<16xf32>,
          %parallel_loop3A_390 = arith.addi %add3A_42, %parallel_loop3A_327 : vector<16xi32>
          %parallel_loop3A_391 = arith.constant 0 : i32
          %parallel_loop3A_392 = vector.broadcast %parallel_loop3A_391 : i32 to vector<16xi32>
          %parallel_loop3A_393 = arith.addi %parallel_loop3A_390, %parallel_loop3A_392 : vector<16xi32>
          tpu.vector_store_idx %arg6[%parallel_loop3A_393], %parallel_loop3A_389 : memref<32768xf32, #tpu.memory_space<vmem>>[vector<16xi32>], vector<16xf32>,
          %parallel_loop3A_394 = arith.constant 1 : i32
          %parallel_loop3A_395 = arith.constant 0 : i32
          %parallel_loop3A_396 = arith.index_cast %parallel_loop3A_394 : i32 to index
          %parallel_loop3A_397 = arith.index_cast %parallel_loop3A_395 : i32 to index
          %parallel_loop3A_398 = arith.index_cast %parallel_loop3A_323 : i32 to index
          %parallel_loop3A_399 = arith.constant 96 : index
          %parallel_loop3A_400 = tpu.vector_load %arg5[%parallel_loop3A_396, %parallel_loop3A_397, %parallel_loop3A_398, %parallel_loop3A_399] {strides = array<i32>} : memref<2x4x64x128xf32, #tpu.memory_space<vmem>>, vector<16xf32>,
          %parallel_loop3A_401 = arith.addi %add3A_48, %parallel_loop3A_327 : vector<16xi32>
          %parallel_loop3A_402 = arith.constant 0 : i32
          %parallel_loop3A_403 = vector.broadcast %parallel_loop3A_402 : i32 to vector<16xi32>
          %parallel_loop3A_404 = arith.addi %parallel_loop3A_401, %parallel_loop3A_403 : vector<16xi32>
          tpu.vector_store_idx %arg6[%parallel_loop3A_404], %parallel_loop3A_400 : memref<32768xf32, #tpu.memory_space<vmem>>[vector<16xi32>], vector<16xf32>,
          %parallel_loop3A_405 = arith.constant 1 : i32
          %parallel_loop3A_406 = arith.constant 0 : i32
          %parallel_loop3A_407 = arith.index_cast %parallel_loop3A_405 : i32 to index
          %parallel_loop3A_408 = arith.index_cast %parallel_loop3A_406 : i32 to index
          %parallel_loop3A_409 = arith.index_cast %parallel_loop3A_323 : i32 to index
          %parallel_loop3A_410 = arith.constant 112 : index
          %parallel_loop3A_411 = tpu.vector_load %arg5[%parallel_loop3A_407, %parallel_loop3A_408, %parallel_loop3A_409, %parallel_loop3A_410] {strides = array<i32>} : memref<2x4x64x128xf32, #tpu.memory_space<vmem>>, vector<16xf32>,
          %parallel_loop3A_412 = arith.addi %add3A_54, %parallel_loop3A_327 : vector<16xi32>
          %parallel_loop3A_413 = arith.constant 0 : i32
          %parallel_loop3A_414 = vector.broadcast %parallel_loop3A_413 : i32 to vector<16xi32>
          %parallel_loop3A_415 = arith.addi %parallel_loop3A_412, %parallel_loop3A_414 : vector<16xi32>
          tpu.vector_store_idx %arg6[%parallel_loop3A_415], %parallel_loop3A_411 : memref<32768xf32, #tpu.memory_space<vmem>>[vector<16xi32>], vector<16xf32>,
          %parallel_loop3A_416 = arith.constant 1 : i32
          %parallel_loop3A_417 = arith.addi %parallel_loop3A_321, %parallel_loop3A_416 : i32
          %parallel_loop3A_418 = arith.constant 0 : i32
          %parallel_loop3A_419 = vector.broadcast %parallel_loop3A_418 : i32 to vector<16xi32>
          %parallel_loop3A_420 = vector.broadcast %parallel_loop3A_417 : i32 to vector<16xi32>
          %parallel_loop3A_421 = arith.addi %parallel_loop3A_419, %parallel_loop3A_420 : vector<16xi32>
          %parallel_loop3A_422 = arith.constant 1 : i32
          %parallel_loop3A_423 = arith.constant 0 : i32
          %parallel_loop3A_424 = arith.index_cast %parallel_loop3A_422 : i32 to index
          %parallel_loop3A_425 = arith.index_cast %parallel_loop3A_423 : i32 to index
          %parallel_loop3A_426 = arith.index_cast %parallel_loop3A_417 : i32 to index
          %parallel_loop3A_427 = arith.constant 0 : index
          %parallel_loop3A_428 = tpu.vector_load %arg5[%parallel_loop3A_424, %parallel_loop3A_425, %parallel_loop3A_426, %parallel_loop3A_427] {strides = array<i32>} : memref<2x4x64x128xf32, #tpu.memory_space<vmem>>, vector<16xf32>,
          %parallel_loop3A_429 = arith.addi %add3A_12, %parallel_loop3A_421 : vector<16xi32>
          %parallel_loop3A_430 = arith.constant 0 : i32
          %parallel_loop3A_431 = vector.broadcast %parallel_loop3A_430 : i32 to vector<16xi32>
          %parallel_loop3A_432 = arith.addi %parallel_loop3A_429, %parallel_loop3A_431 : vector<16xi32>
          tpu.vector_store_idx %arg6[%parallel_loop3A_432], %parallel_loop3A_428 : memref<32768xf32, #tpu.memory_space<vmem>>[vector<16xi32>], vector<16xf32>,
          %parallel_loop3A_433 = arith.constant 1 : i32
          %parallel_loop3A_434 = arith.constant 0 : i32
          %parallel_loop3A_435 = arith.index_cast %parallel_loop3A_433 : i32 to index
          %parallel_loop3A_436 = arith.index_cast %parallel_loop3A_434 : i32 to index
          %parallel_loop3A_437 = arith.index_cast %parallel_loop3A_417 : i32 to index
          %parallel_loop3A_438 = arith.constant 16 : index
          %parallel_loop3A_439 = tpu.vector_load %arg5[%parallel_loop3A_435, %parallel_loop3A_436, %parallel_loop3A_437, %parallel_loop3A_438] {strides = array<i32>} : memref<2x4x64x128xf32, #tpu.memory_space<vmem>>, vector<16xf32>,
          %parallel_loop3A_440 = arith.addi %add3A_18, %parallel_loop3A_421 : vector<16xi32>
          %parallel_loop3A_441 = arith.constant 0 : i32
          %parallel_loop3A_442 = vector.broadcast %parallel_loop3A_441 : i32 to vector<16xi32>
          %parallel_loop3A_443 = arith.addi %parallel_loop3A_440, %parallel_loop3A_442 : vector<16xi32>
          tpu.vector_store_idx %arg6[%parallel_loop3A_443], %parallel_loop3A_439 : memref<32768xf32, #tpu.memory_space<vmem>>[vector<16xi32>], vector<16xf32>,
          %parallel_loop3A_444 = arith.constant 1 : i32
          %parallel_loop3A_445 = arith.constant 0 : i32
          %parallel_loop3A_446 = arith.index_cast %parallel_loop3A_444 : i32 to index
          %parallel_loop3A_447 = arith.index_cast %parallel_loop3A_445 : i32 to index
          %parallel_loop3A_448 = arith.index_cast %parallel_loop3A_417 : i32 to index
          %parallel_loop3A_449 = arith.constant 32 : index
          %parallel_loop3A_450 = tpu.vector_load %arg5[%parallel_loop3A_446, %parallel_loop3A_447, %parallel_loop3A_448, %parallel_loop3A_449] {strides = array<i32>} : memref<2x4x64x128xf32, #tpu.memory_space<vmem>>, vector<16xf32>,
          %parallel_loop3A_451 = arith.addi %add3A_24, %parallel_loop3A_421 : vector<16xi32>
          %parallel_loop3A_452 = arith.constant 0 : i32
          %parallel_loop3A_453 = vector.broadcast %parallel_loop3A_452 : i32 to vector<16xi32>
          %parallel_loop3A_454 = arith.addi %parallel_loop3A_451, %parallel_loop3A_453 : vector<16xi32>
          tpu.vector_store_idx %arg6[%parallel_loop3A_454], %parallel_loop3A_450 : memref<32768xf32, #tpu.memory_space<vmem>>[vector<16xi32>], vector<16xf32>,
          %parallel_loop3A_455 = arith.constant 1 : i32
          %parallel_loop3A_456 = arith.constant 0 : i32
          %parallel_loop3A_457 = arith.index_cast %parallel_loop3A_455 : i32 to index
          %parallel_loop3A_458 = arith.index_cast %parallel_loop3A_456 : i32 to index
          %parallel_loop3A_459 = arith.index_cast %parallel_loop3A_417 : i32 to index
          %parallel_loop3A_460 = arith.constant 48 : index
          %parallel_loop3A_461 = tpu.vector_load %arg5[%parallel_loop3A_457, %parallel_loop3A_458, %parallel_loop3A_459, %parallel_loop3A_460] {strides = array<i32>} : memref<2x4x64x128xf32, #tpu.memory_space<vmem>>, vector<16xf32>,
          %parallel_loop3A_462 = arith.addi %add3A_30, %parallel_loop3A_421 : vector<16xi32>
          %parallel_loop3A_463 = arith.constant 0 : i32
          %parallel_loop3A_464 = vector.broadcast %parallel_loop3A_463 : i32 to vector<16xi32>
          %parallel_loop3A_465 = arith.addi %parallel_loop3A_462, %parallel_loop3A_464 : vector<16xi32>
          tpu.vector_store_idx %arg6[%parallel_loop3A_465], %parallel_loop3A_461 : memref<32768xf32, #tpu.memory_space<vmem>>[vector<16xi32>], vector<16xf32>,
          %parallel_loop3A_466 = arith.constant 1 : i32
          %parallel_loop3A_467 = arith.constant 0 : i32
          %parallel_loop3A_468 = arith.index_cast %parallel_loop3A_466 : i32 to index
          %parallel_loop3A_469 = arith.index_cast %parallel_loop3A_467 : i32 to index
          %parallel_loop3A_470 = arith.index_cast %parallel_loop3A_417 : i32 to index
          %parallel_loop3A_471 = arith.constant 64 : index
          %parallel_loop3A_472 = tpu.vector_load %arg5[%parallel_loop3A_468, %parallel_loop3A_469, %parallel_loop3A_470, %parallel_loop3A_471] {strides = array<i32>} : memref<2x4x64x128xf32, #tpu.memory_space<vmem>>, vector<16xf32>,
          %parallel_loop3A_473 = arith.addi %add3A_36, %parallel_loop3A_421 : vector<16xi32>
          %parallel_loop3A_474 = arith.constant 0 : i32
          %parallel_loop3A_475 = vector.broadcast %parallel_loop3A_474 : i32 to vector<16xi32>
          %parallel_loop3A_476 = arith.addi %parallel_loop3A_473, %parallel_loop3A_475 : vector<16xi32>
          tpu.vector_store_idx %arg6[%parallel_loop3A_476], %parallel_loop3A_472 : memref<32768xf32, #tpu.memory_space<vmem>>[vector<16xi32>], vector<16xf32>,
          %parallel_loop3A_477 = arith.constant 1 : i32
          %parallel_loop3A_478 = arith.constant 0 : i32
          %parallel_loop3A_479 = arith.index_cast %parallel_loop3A_477 : i32 to index
          %parallel_loop3A_480 = arith.index_cast %parallel_loop3A_478 : i32 to index
          %parallel_loop3A_481 = arith.index_cast %parallel_loop3A_417 : i32 to index
          %parallel_loop3A_482 = arith.constant 80 : index
          %parallel_loop3A_483 = tpu.vector_load %arg5[%parallel_loop3A_479, %parallel_loop3A_480, %parallel_loop3A_481, %parallel_loop3A_482] {strides = array<i32>} : memref<2x4x64x128xf32, #tpu.memory_space<vmem>>, vector<16xf32>,
          %parallel_loop3A_484 = arith.addi %add3A_42, %parallel_loop3A_421 : vector<16xi32>
          %parallel_loop3A_485 = arith.constant 0 : i32
          %parallel_loop3A_486 = vector.broadcast %parallel_loop3A_485 : i32 to vector<16xi32>
          %parallel_loop3A_487 = arith.addi %parallel_loop3A_484, %parallel_loop3A_486 : vector<16xi32>
          tpu.vector_store_idx %arg6[%parallel_loop3A_487], %parallel_loop3A_483 : memref<32768xf32, #tpu.memory_space<vmem>>[vector<16xi32>], vector<16xf32>,
          %parallel_loop3A_488 = arith.constant 1 : i32
          %parallel_loop3A_489 = arith.constant 0 : i32
          %parallel_loop3A_490 = arith.index_cast %parallel_loop3A_488 : i32 to index
          %parallel_loop3A_491 = arith.index_cast %parallel_loop3A_489 : i32 to index
          %parallel_loop3A_492 = arith.index_cast %parallel_loop3A_417 : i32 to index
          %parallel_loop3A_493 = arith.constant 96 : index
          %parallel_loop3A_494 = tpu.vector_load %arg5[%parallel_loop3A_490, %parallel_loop3A_491, %parallel_loop3A_492, %parallel_loop3A_493] {strides = array<i32>} : memref<2x4x64x128xf32, #tpu.memory_space<vmem>>, vector<16xf32>,
          %parallel_loop3A_495 = arith.addi %add3A_48, %parallel_loop3A_421 : vector<16xi32>
          %parallel_loop3A_496 = arith.constant 0 : i32
          %parallel_loop3A_497 = vector.broadcast %parallel_loop3A_496 : i32 to vector<16xi32>
          %parallel_loop3A_498 = arith.addi %parallel_loop3A_495, %parallel_loop3A_497 : vector<16xi32>
          tpu.vector_store_idx %arg6[%parallel_loop3A_498], %parallel_loop3A_494 : memref<32768xf32, #tpu.memory_space<vmem>>[vector<16xi32>], vector<16xf32>,
          %parallel_loop3A_499 = arith.constant 1 : i32
          %parallel_loop3A_500 = arith.constant 0 : i32
          %parallel_loop3A_501 = arith.index_cast %parallel_loop3A_499 : i32 to index
          %parallel_loop3A_502 = arith.index_cast %parallel_loop3A_500 : i32 to index
          %parallel_loop3A_503 = arith.index_cast %parallel_loop3A_417 : i32 to index
          %parallel_loop3A_504 = arith.constant 112 : index
          %parallel_loop3A_505 = tpu.vector_load %arg5[%parallel_loop3A_501, %parallel_loop3A_502, %parallel_loop3A_503, %parallel_loop3A_504] {strides = array<i32>} : memref<2x4x64x128xf32, #tpu.memory_space<vmem>>, vector<16xf32>,
          %parallel_loop3A_506 = arith.addi %add3A_54, %parallel_loop3A_421 : vector<16xi32>
          %parallel_loop3A_507 = arith.constant 0 : i32
          %parallel_loop3A_508 = vector.broadcast %parallel_loop3A_507 : i32 to vector<16xi32>
          %parallel_loop3A_509 = arith.addi %parallel_loop3A_506, %parallel_loop3A_508 : vector<16xi32>
          tpu.vector_store_idx %arg6[%parallel_loop3A_509], %parallel_loop3A_505 : memref<32768xf32, #tpu.memory_space<vmem>>[vector<16xi32>], vector<16xf32>,
        } {sc.loop_unroll_factor = 2 : i64, sc.parallel_access}
        %mul3A_235 = arith.constant 4 : i32
        %mul3A_236 = arith.muli %add3A_93, %mul3A_235 : i32
        %add3A_237 = arith.constant 0 : i32
        %add3A_238 = arith.addi %mul3A_236, %add3A_237 : i32
        %mul3A_239 = arith.constant 128 : i32
        %mul3A_240 = arith.muli %add3A_238, %mul3A_239 : i32
        %mul3A_241 = arith.constant 128 : i32
        %mul3A_242 = arith.muli %mul3A_240, %mul3A_241 : i32
        %dma_start3A_243 = arith.constant 0 : i32
        %dma_start3A_244 = tpu.memref_slice %arg6[%dma_start3A_243] : memref<32768xf32, #tpu.memory_space<vmem>> -> memref<16384xf32, #tpu.memory_space<vmem>>
        %dma_start3A_245 = tpu.memref_slice %arg4[%mul3A_242] : memref<128008192xf32, #tpu.memory_space<hbm>> -> memref<16384xf32, #tpu.memory_space<hbm>>
        %dma_start3A_246 = tpu.memref_slice %arg4[%mul3A_242] : memref<128008192xf32, #tpu.memory_space<hbm>> -> memref<16384xf32, #tpu.memory_space<hbm>>
        %dma_start3A_247 = arith.constant 0 : i32
        %dma_start3A_248 = tpu.memref_slice %arg6[%dma_start3A_247] : memref<32768xf32, #tpu.memory_space<vmem>> -> memref<16384xf32, #tpu.memory_space<vmem>>
        tpu.enqueue_dma source(%dma_start3A_248 : memref<16384xf32, #tpu.memory_space<vmem>>) target(%dma_start3A_246 : memref<16384xf32, #tpu.memory_space<hbm>>) target_semaphore(%arg8 : memref<!tpu.dma_semaphore, #tpu.memory_space<semaphore_mem>>)
        %ge3A_249 = arith.constant 1 : i32
        %ge3A_250 = arith.cmpi sge, %add3A_88, %ge3A_249 : i32
        %convert_element_type3A_251 = arith.extui %ge3A_250 : i1 to i32
        %cond3A_252 = arith.constant 0 : i32
        %cond3A_253 = arith.cmpi ne, %convert_element_type3A_251, %cond3A_252 : i32
        scf.if %cond3A_253 {
          %dma_wait3A_321 = arith.constant 16384 : i32
          %dma_wait3A_322 = tpu.memref_slice %arg6[%dma_wait3A_321] : memref<32768xf32, #tpu.memory_space<vmem>> -> memref<16384xf32, #tpu.memory_space<vmem>>
          %dma_wait3A_323 = arith.constant 0 : i32
          %dma_wait3A_324 = tpu.memref_slice %arg4[%dma_wait3A_323] : memref<128008192xf32, #tpu.memory_space<hbm>> -> memref<16384xf32, #tpu.memory_space<hbm>>
          %dma_wait3A_325 = arith.constant 16384 : i32
          %dma_wait3A_326 = tpu.memref_slice %arg6[%dma_wait3A_325] : memref<32768xf32, #tpu.memory_space<vmem>> -> memref<16384xf32, #tpu.memory_space<vmem>>
          %dma_wait3A_327 = arith.constant 0 : i32
          %dma_wait3A_328 = tpu.memref_slice %arg4[%dma_wait3A_327] : memref<128008192xf32, #tpu.memory_space<hbm>> -> memref<16384xf32, #tpu.memory_space<hbm>>
          tpu.wait_dma2 semaphore(%arg8 : memref<!tpu.dma_semaphore, #tpu.memory_space<semaphore_mem>>) src(%dma_wait3A_328 : memref<16384xf32, #tpu.memory_space<hbm>>) dst(%dma_wait3A_326 : memref<16384xf32, #tpu.memory_space<vmem>>)
        } else {
        }
        %parallel_loop3A_254 = arith.constant 0 : i32
        %parallel_loop3A_255 = arith.constant 64 : i32
        %parallel_loop3A_256 = arith.constant 2 : i32
        scf.for %parallel_loop3A_321 = %parallel_loop3A_254 to %parallel_loop3A_255 step %parallel_loop3A_256  : i32 {
          %parallel_loop3A_322 = arith.constant 0 : i32
          %parallel_loop3A_323 = arith.addi %parallel_loop3A_321, %parallel_loop3A_322 : i32
          %parallel_loop3A_324 = arith.constant 0 : i32
          %parallel_loop3A_325 = vector.broadcast %parallel_loop3A_324 : i32 to vector<16xi32>
          %parallel_loop3A_326 = vector.broadcast %parallel_loop3A_323 : i32 to vector<16xi32>
          %parallel_loop3A_327 = arith.addi %parallel_loop3A_325, %parallel_loop3A_326 : vector<16xi32>
          %parallel_loop3A_328 = arith.constant 1 : i32
          %parallel_loop3A_329 = arith.constant 1 : i32
          %parallel_loop3A_330 = arith.index_cast %parallel_loop3A_328 : i32 to index
          %parallel_loop3A_331 = arith.index_cast %parallel_loop3A_329 : i32 to index
          %parallel_loop3A_332 = arith.index_cast %parallel_loop3A_323 : i32 to index
          %parallel_loop3A_333 = arith.constant 0 : index
          %parallel_loop3A_334 = tpu.vector_load %arg5[%parallel_loop3A_330, %parallel_loop3A_331, %parallel_loop3A_332, %parallel_loop3A_333] {strides = array<i32>} : memref<2x4x64x128xf32, #tpu.memory_space<vmem>>, vector<16xf32>,
          %parallel_loop3A_335 = arith.addi %add3A_12, %parallel_loop3A_327 : vector<16xi32>
          %parallel_loop3A_336 = arith.constant 16384 : i32
          %parallel_loop3A_337 = vector.broadcast %parallel_loop3A_336 : i32 to vector<16xi32>
          %parallel_loop3A_338 = arith.addi %parallel_loop3A_335, %parallel_loop3A_337 : vector<16xi32>
          tpu.vector_store_idx %arg6[%parallel_loop3A_338], %parallel_loop3A_334 : memref<32768xf32, #tpu.memory_space<vmem>>[vector<16xi32>], vector<16xf32>,
          %parallel_loop3A_339 = arith.constant 1 : i32
          %parallel_loop3A_340 = arith.constant 1 : i32
          %parallel_loop3A_341 = arith.index_cast %parallel_loop3A_339 : i32 to index
          %parallel_loop3A_342 = arith.index_cast %parallel_loop3A_340 : i32 to index
          %parallel_loop3A_343 = arith.index_cast %parallel_loop3A_323 : i32 to index
          %parallel_loop3A_344 = arith.constant 16 : index
          %parallel_loop3A_345 = tpu.vector_load %arg5[%parallel_loop3A_341, %parallel_loop3A_342, %parallel_loop3A_343, %parallel_loop3A_344] {strides = array<i32>} : memref<2x4x64x128xf32, #tpu.memory_space<vmem>>, vector<16xf32>,
          %parallel_loop3A_346 = arith.addi %add3A_18, %parallel_loop3A_327 : vector<16xi32>
          %parallel_loop3A_347 = arith.constant 16384 : i32
          %parallel_loop3A_348 = vector.broadcast %parallel_loop3A_347 : i32 to vector<16xi32>
          %parallel_loop3A_349 = arith.addi %parallel_loop3A_346, %parallel_loop3A_348 : vector<16xi32>
          tpu.vector_store_idx %arg6[%parallel_loop3A_349], %parallel_loop3A_345 : memref<32768xf32, #tpu.memory_space<vmem>>[vector<16xi32>], vector<16xf32>,
          %parallel_loop3A_350 = arith.constant 1 : i32
          %parallel_loop3A_351 = arith.constant 1 : i32
          %parallel_loop3A_352 = arith.index_cast %parallel_loop3A_350 : i32 to index
          %parallel_loop3A_353 = arith.index_cast %parallel_loop3A_351 : i32 to index
          %parallel_loop3A_354 = arith.index_cast %parallel_loop3A_323 : i32 to index
          %parallel_loop3A_355 = arith.constant 32 : index
          %parallel_loop3A_356 = tpu.vector_load %arg5[%parallel_loop3A_352, %parallel_loop3A_353, %parallel_loop3A_354, %parallel_loop3A_355] {strides = array<i32>} : memref<2x4x64x128xf32, #tpu.memory_space<vmem>>, vector<16xf32>,
          %parallel_loop3A_357 = arith.addi %add3A_24, %parallel_loop3A_327 : vector<16xi32>
          %parallel_loop3A_358 = arith.constant 16384 : i32
          %parallel_loop3A_359 = vector.broadcast %parallel_loop3A_358 : i32 to vector<16xi32>
          %parallel_loop3A_360 = arith.addi %parallel_loop3A_357, %parallel_loop3A_359 : vector<16xi32>
          tpu.vector_store_idx %arg6[%parallel_loop3A_360], %parallel_loop3A_356 : memref<32768xf32, #tpu.memory_space<vmem>>[vector<16xi32>], vector<16xf32>,
          %parallel_loop3A_361 = arith.constant 1 : i32
          %parallel_loop3A_362 = arith.constant 1 : i32
          %parallel_loop3A_363 = arith.index_cast %parallel_loop3A_361 : i32 to index
          %parallel_loop3A_364 = arith.index_cast %parallel_loop3A_362 : i32 to index
          %parallel_loop3A_365 = arith.index_cast %parallel_loop3A_323 : i32 to index
          %parallel_loop3A_366 = arith.constant 48 : index
          %parallel_loop3A_367 = tpu.vector_load %arg5[%parallel_loop3A_363, %parallel_loop3A_364, %parallel_loop3A_365, %parallel_loop3A_366] {strides = array<i32>} : memref<2x4x64x128xf32, #tpu.memory_space<vmem>>, vector<16xf32>,
          %parallel_loop3A_368 = arith.addi %add3A_30, %parallel_loop3A_327 : vector<16xi32>
          %parallel_loop3A_369 = arith.constant 16384 : i32
          %parallel_loop3A_370 = vector.broadcast %parallel_loop3A_369 : i32 to vector<16xi32>
          %parallel_loop3A_371 = arith.addi %parallel_loop3A_368, %parallel_loop3A_370 : vector<16xi32>
          tpu.vector_store_idx %arg6[%parallel_loop3A_371], %parallel_loop3A_367 : memref<32768xf32, #tpu.memory_space<vmem>>[vector<16xi32>], vector<16xf32>,
          %parallel_loop3A_372 = arith.constant 1 : i32
          %parallel_loop3A_373 = arith.constant 1 : i32
          %parallel_loop3A_374 = arith.index_cast %parallel_loop3A_372 : i32 to index
          %parallel_loop3A_375 = arith.index_cast %parallel_loop3A_373 : i32 to index
          %parallel_loop3A_376 = arith.index_cast %parallel_loop3A_323 : i32 to index
          %parallel_loop3A_377 = arith.constant 64 : index
          %parallel_loop3A_378 = tpu.vector_load %arg5[%parallel_loop3A_374, %parallel_loop3A_375, %parallel_loop3A_376, %parallel_loop3A_377] {strides = array<i32>} : memref<2x4x64x128xf32, #tpu.memory_space<vmem>>, vector<16xf32>,
          %parallel_loop3A_379 = arith.addi %add3A_36, %parallel_loop3A_327 : vector<16xi32>
          %parallel_loop3A_380 = arith.constant 16384 : i32
          %parallel_loop3A_381 = vector.broadcast %parallel_loop3A_380 : i32 to vector<16xi32>
          %parallel_loop3A_382 = arith.addi %parallel_loop3A_379, %parallel_loop3A_381 : vector<16xi32>
          tpu.vector_store_idx %arg6[%parallel_loop3A_382], %parallel_loop3A_378 : memref<32768xf32, #tpu.memory_space<vmem>>[vector<16xi32>], vector<16xf32>,
          %parallel_loop3A_383 = arith.constant 1 : i32
          %parallel_loop3A_384 = arith.constant 1 : i32
          %parallel_loop3A_385 = arith.index_cast %parallel_loop3A_383 : i32 to index
          %parallel_loop3A_386 = arith.index_cast %parallel_loop3A_384 : i32 to index
          %parallel_loop3A_387 = arith.index_cast %parallel_loop3A_323 : i32 to index
          %parallel_loop3A_388 = arith.constant 80 : index
          %parallel_loop3A_389 = tpu.vector_load %arg5[%parallel_loop3A_385, %parallel_loop3A_386, %parallel_loop3A_387, %parallel_loop3A_388] {strides = array<i32>} : memref<2x4x64x128xf32, #tpu.memory_space<vmem>>, vector<16xf32>,
          %parallel_loop3A_390 = arith.addi %add3A_42, %parallel_loop3A_327 : vector<16xi32>
          %parallel_loop3A_391 = arith.constant 16384 : i32
          %parallel_loop3A_392 = vector.broadcast %parallel_loop3A_391 : i32 to vector<16xi32>
          %parallel_loop3A_393 = arith.addi %parallel_loop3A_390, %parallel_loop3A_392 : vector<16xi32>
          tpu.vector_store_idx %arg6[%parallel_loop3A_393], %parallel_loop3A_389 : memref<32768xf32, #tpu.memory_space<vmem>>[vector<16xi32>], vector<16xf32>,
          %parallel_loop3A_394 = arith.constant 1 : i32
          %parallel_loop3A_395 = arith.constant 1 : i32
          %parallel_loop3A_396 = arith.index_cast %parallel_loop3A_394 : i32 to index
          %parallel_loop3A_397 = arith.index_cast %parallel_loop3A_395 : i32 to index
          %parallel_loop3A_398 = arith.index_cast %parallel_loop3A_323 : i32 to index
          %parallel_loop3A_399 = arith.constant 96 : index
          %parallel_loop3A_400 = tpu.vector_load %arg5[%parallel_loop3A_396, %parallel_loop3A_397, %parallel_loop3A_398, %parallel_loop3A_399] {strides = array<i32>} : memref<2x4x64x128xf32, #tpu.memory_space<vmem>>, vector<16xf32>,
          %parallel_loop3A_401 = arith.addi %add3A_48, %parallel_loop3A_327 : vector<16xi32>
          %parallel_loop3A_402 = arith.constant 16384 : i32
          %parallel_loop3A_403 = vector.broadcast %parallel_loop3A_402 : i32 to vector<16xi32>
          %parallel_loop3A_404 = arith.addi %parallel_loop3A_401, %parallel_loop3A_403 : vector<16xi32>
          tpu.vector_store_idx %arg6[%parallel_loop3A_404], %parallel_loop3A_400 : memref<32768xf32, #tpu.memory_space<vmem>>[vector<16xi32>], vector<16xf32>,
          %parallel_loop3A_405 = arith.constant 1 : i32
          %parallel_loop3A_406 = arith.constant 1 : i32
          %parallel_loop3A_407 = arith.index_cast %parallel_loop3A_405 : i32 to index
          %parallel_loop3A_408 = arith.index_cast %parallel_loop3A_406 : i32 to index
          %parallel_loop3A_409 = arith.index_cast %parallel_loop3A_323 : i32 to index
          %parallel_loop3A_410 = arith.constant 112 : index
          %parallel_loop3A_411 = tpu.vector_load %arg5[%parallel_loop3A_407, %parallel_loop3A_408, %parallel_loop3A_409, %parallel_loop3A_410] {strides = array<i32>} : memref<2x4x64x128xf32, #tpu.memory_space<vmem>>, vector<16xf32>,
          %parallel_loop3A_412 = arith.addi %add3A_54, %parallel_loop3A_327 : vector<16xi32>
          %parallel_loop3A_413 = arith.constant 16384 : i32
          %parallel_loop3A_414 = vector.broadcast %parallel_loop3A_413 : i32 to vector<16xi32>
          %parallel_loop3A_415 = arith.addi %parallel_loop3A_412, %parallel_loop3A_414 : vector<16xi32>
          tpu.vector_store_idx %arg6[%parallel_loop3A_415], %parallel_loop3A_411 : memref<32768xf32, #tpu.memory_space<vmem>>[vector<16xi32>], vector<16xf32>,
          %parallel_loop3A_416 = arith.constant 1 : i32
          %parallel_loop3A_417 = arith.addi %parallel_loop3A_321, %parallel_loop3A_416 : i32
          %parallel_loop3A_418 = arith.constant 0 : i32
          %parallel_loop3A_419 = vector.broadcast %parallel_loop3A_418 : i32 to vector<16xi32>
          %parallel_loop3A_420 = vector.broadcast %parallel_loop3A_417 : i32 to vector<16xi32>
          %parallel_loop3A_421 = arith.addi %parallel_loop3A_419, %parallel_loop3A_420 : vector<16xi32>
          %parallel_loop3A_422 = arith.constant 1 : i32
          %parallel_loop3A_423 = arith.constant 1 : i32
          %parallel_loop3A_424 = arith.index_cast %parallel_loop3A_422 : i32 to index
          %parallel_loop3A_425 = arith.index_cast %parallel_loop3A_423 : i32 to index
          %parallel_loop3A_426 = arith.index_cast %parallel_loop3A_417 : i32 to index
          %parallel_loop3A_427 = arith.constant 0 : index
          %parallel_loop3A_428 = tpu.vector_load %arg5[%parallel_loop3A_424, %parallel_loop3A_425, %parallel_loop3A_426, %parallel_loop3A_427] {strides = array<i32>} : memref<2x4x64x128xf32, #tpu.memory_space<vmem>>, vector<16xf32>,
          %parallel_loop3A_429 = arith.addi %add3A_12, %parallel_loop3A_421 : vector<16xi32>
          %parallel_loop3A_430 = arith.constant 16384 : i32
          %parallel_loop3A_431 = vector.broadcast %parallel_loop3A_430 : i32 to vector<16xi32>
          %parallel_loop3A_432 = arith.addi %parallel_loop3A_429, %parallel_loop3A_431 : vector<16xi32>
          tpu.vector_store_idx %arg6[%parallel_loop3A_432], %parallel_loop3A_428 : memref<32768xf32, #tpu.memory_space<vmem>>[vector<16xi32>], vector<16xf32>,
          %parallel_loop3A_433 = arith.constant 1 : i32
          %parallel_loop3A_434 = arith.constant 1 : i32
          %parallel_loop3A_435 = arith.index_cast %parallel_loop3A_433 : i32 to index
          %parallel_loop3A_436 = arith.index_cast %parallel_loop3A_434 : i32 to index
          %parallel_loop3A_437 = arith.index_cast %parallel_loop3A_417 : i32 to index
          %parallel_loop3A_438 = arith.constant 16 : index
          %parallel_loop3A_439 = tpu.vector_load %arg5[%parallel_loop3A_435, %parallel_loop3A_436, %parallel_loop3A_437, %parallel_loop3A_438] {strides = array<i32>} : memref<2x4x64x128xf32, #tpu.memory_space<vmem>>, vector<16xf32>,
          %parallel_loop3A_440 = arith.addi %add3A_18, %parallel_loop3A_421 : vector<16xi32>
          %parallel_loop3A_441 = arith.constant 16384 : i32
          %parallel_loop3A_442 = vector.broadcast %parallel_loop3A_441 : i32 to vector<16xi32>
          %parallel_loop3A_443 = arith.addi %parallel_loop3A_440, %parallel_loop3A_442 : vector<16xi32>
          tpu.vector_store_idx %arg6[%parallel_loop3A_443], %parallel_loop3A_439 : memref<32768xf32, #tpu.memory_space<vmem>>[vector<16xi32>], vector<16xf32>,
          %parallel_loop3A_444 = arith.constant 1 : i32
          %parallel_loop3A_445 = arith.constant 1 : i32
          %parallel_loop3A_446 = arith.index_cast %parallel_loop3A_444 : i32 to index
          %parallel_loop3A_447 = arith.index_cast %parallel_loop3A_445 : i32 to index
          %parallel_loop3A_448 = arith.index_cast %parallel_loop3A_417 : i32 to index
          %parallel_loop3A_449 = arith.constant 32 : index
          %parallel_loop3A_450 = tpu.vector_load %arg5[%parallel_loop3A_446, %parallel_loop3A_447, %parallel_loop3A_448, %parallel_loop3A_449] {strides = array<i32>} : memref<2x4x64x128xf32, #tpu.memory_space<vmem>>, vector<16xf32>,
          %parallel_loop3A_451 = arith.addi %add3A_24, %parallel_loop3A_421 : vector<16xi32>
          %parallel_loop3A_452 = arith.constant 16384 : i32
          %parallel_loop3A_453 = vector.broadcast %parallel_loop3A_452 : i32 to vector<16xi32>
          %parallel_loop3A_454 = arith.addi %parallel_loop3A_451, %parallel_loop3A_453 : vector<16xi32>
          tpu.vector_store_idx %arg6[%parallel_loop3A_454], %parallel_loop3A_450 : memref<32768xf32, #tpu.memory_space<vmem>>[vector<16xi32>], vector<16xf32>,
          %parallel_loop3A_455 = arith.constant 1 : i32
          %parallel_loop3A_456 = arith.constant 1 : i32
          %parallel_loop3A_457 = arith.index_cast %parallel_loop3A_455 : i32 to index
          %parallel_loop3A_458 = arith.index_cast %parallel_loop3A_456 : i32 to index
          %parallel_loop3A_459 = arith.index_cast %parallel_loop3A_417 : i32 to index
          %parallel_loop3A_460 = arith.constant 48 : index
          %parallel_loop3A_461 = tpu.vector_load %arg5[%parallel_loop3A_457, %parallel_loop3A_458, %parallel_loop3A_459, %parallel_loop3A_460] {strides = array<i32>} : memref<2x4x64x128xf32, #tpu.memory_space<vmem>>, vector<16xf32>,
          %parallel_loop3A_462 = arith.addi %add3A_30, %parallel_loop3A_421 : vector<16xi32>
          %parallel_loop3A_463 = arith.constant 16384 : i32
          %parallel_loop3A_464 = vector.broadcast %parallel_loop3A_463 : i32 to vector<16xi32>
          %parallel_loop3A_465 = arith.addi %parallel_loop3A_462, %parallel_loop3A_464 : vector<16xi32>
          tpu.vector_store_idx %arg6[%parallel_loop3A_465], %parallel_loop3A_461 : memref<32768xf32, #tpu.memory_space<vmem>>[vector<16xi32>], vector<16xf32>,
          %parallel_loop3A_466 = arith.constant 1 : i32
          %parallel_loop3A_467 = arith.constant 1 : i32
          %parallel_loop3A_468 = arith.index_cast %parallel_loop3A_466 : i32 to index
          %parallel_loop3A_469 = arith.index_cast %parallel_loop3A_467 : i32 to index
          %parallel_loop3A_470 = arith.index_cast %parallel_loop3A_417 : i32 to index
          %parallel_loop3A_471 = arith.constant 64 : index
          %parallel_loop3A_472 = tpu.vector_load %arg5[%parallel_loop3A_468, %parallel_loop3A_469, %parallel_loop3A_470, %parallel_loop3A_471] {strides = array<i32>} : memref<2x4x64x128xf32, #tpu.memory_space<vmem>>, vector<16xf32>,
          %parallel_loop3A_473 = arith.addi %add3A_36, %parallel_loop3A_421 : vector<16xi32>
          %parallel_loop3A_474 = arith.constant 16384 : i32
          %parallel_loop3A_475 = vector.broadcast %parallel_loop3A_474 : i32 to vector<16xi32>
          %parallel_loop3A_476 = arith.addi %parallel_loop3A_473, %parallel_loop3A_475 : vector<16xi32>
          tpu.vector_store_idx %arg6[%parallel_loop3A_476], %parallel_loop3A_472 : memref<32768xf32, #tpu.memory_space<vmem>>[vector<16xi32>], vector<16xf32>,
          %parallel_loop3A_477 = arith.constant 1 : i32
          %parallel_loop3A_478 = arith.constant 1 : i32
          %parallel_loop3A_479 = arith.index_cast %parallel_loop3A_477 : i32 to index
          %parallel_loop3A_480 = arith.index_cast %parallel_loop3A_478 : i32 to index
          %parallel_loop3A_481 = arith.index_cast %parallel_loop3A_417 : i32 to index
          %parallel_loop3A_482 = arith.constant 80 : index
          %parallel_loop3A_483 = tpu.vector_load %arg5[%parallel_loop3A_479, %parallel_loop3A_480, %parallel_loop3A_481, %parallel_loop3A_482] {strides = array<i32>} : memref<2x4x64x128xf32, #tpu.memory_space<vmem>>, vector<16xf32>,
          %parallel_loop3A_484 = arith.addi %add3A_42, %parallel_loop3A_421 : vector<16xi32>
          %parallel_loop3A_485 = arith.constant 16384 : i32
          %parallel_loop3A_486 = vector.broadcast %parallel_loop3A_485 : i32 to vector<16xi32>
          %parallel_loop3A_487 = arith.addi %parallel_loop3A_484, %parallel_loop3A_486 : vector<16xi32>
          tpu.vector_store_idx %arg6[%parallel_loop3A_487], %parallel_loop3A_483 : memref<32768xf32, #tpu.memory_space<vmem>>[vector<16xi32>], vector<16xf32>,
          %parallel_loop3A_488 = arith.constant 1 : i32
          %parallel_loop3A_489 = arith.constant 1 : i32
          %parallel_loop3A_490 = arith.index_cast %parallel_loop3A_488 : i32 to index
          %parallel_loop3A_491 = arith.index_cast %parallel_loop3A_489 : i32 to index
          %parallel_loop3A_492 = arith.index_cast %parallel_loop3A_417 : i32 to index
          %parallel_loop3A_493 = arith.constant 96 : index
          %parallel_loop3A_494 = tpu.vector_load %arg5[%parallel_loop3A_490, %parallel_loop3A_491, %parallel_loop3A_492, %parallel_loop3A_493] {strides = array<i32>} : memref<2x4x64x128xf32, #tpu.memory_space<vmem>>, vector<16xf32>,
          %parallel_loop3A_495 = arith.addi %add3A_48, %parallel_loop3A_421 : vector<16xi32>
          %parallel_loop3A_496 = arith.constant 16384 : i32
          %parallel_loop3A_497 = vector.broadcast %parallel_loop3A_496 : i32 to vector<16xi32>
          %parallel_loop3A_498 = arith.addi %parallel_loop3A_495, %parallel_loop3A_497 : vector<16xi32>
          tpu.vector_store_idx %arg6[%parallel_loop3A_498], %parallel_loop3A_494 : memref<32768xf32, #tpu.memory_space<vmem>>[vector<16xi32>], vector<16xf32>,
          %parallel_loop3A_499 = arith.constant 1 : i32
          %parallel_loop3A_500 = arith.constant 1 : i32
          %parallel_loop3A_501 = arith.index_cast %parallel_loop3A_499 : i32 to index
          %parallel_loop3A_502 = arith.index_cast %parallel_loop3A_500 : i32 to index
          %parallel_loop3A_503 = arith.index_cast %parallel_loop3A_417 : i32 to index
          %parallel_loop3A_504 = arith.constant 112 : index
          %parallel_loop3A_505 = tpu.vector_load %arg5[%parallel_loop3A_501, %parallel_loop3A_502, %parallel_loop3A_503, %parallel_loop3A_504] {strides = array<i32>} : memref<2x4x64x128xf32, #tpu.memory_space<vmem>>, vector<16xf32>,
          %parallel_loop3A_506 = arith.addi %add3A_54, %parallel_loop3A_421 : vector<16xi32>
          %parallel_loop3A_507 = arith.constant 16384 : i32
          %parallel_loop3A_508 = vector.broadcast %parallel_loop3A_507 : i32 to vector<16xi32>
          %parallel_loop3A_509 = arith.addi %parallel_loop3A_506, %parallel_loop3A_508 : vector<16xi32>
          tpu.vector_store_idx %arg6[%parallel_loop3A_509], %parallel_loop3A_505 : memref<32768xf32, #tpu.memory_space<vmem>>[vector<16xi32>], vector<16xf32>,
        } {sc.loop_unroll_factor = 2 : i64, sc.parallel_access}
        %mul3A_257 = arith.constant 4 : i32
        %mul3A_258 = arith.muli %add3A_93, %mul3A_257 : i32
        %add3A_259 = arith.constant 1 : i32
        %add3A_260 = arith.addi %mul3A_258, %add3A_259 : i32
        %mul3A_261 = arith.constant 128 : i32
        %mul3A_262 = arith.muli %add3A_260, %mul3A_261 : i32
        %mul3A_263 = arith.constant 128 : i32
        %mul3A_264 = arith.muli %mul3A_262, %mul3A_263 : i32
        %dma_start3A_265 = arith.constant 16384 : i32
        %dma_start3A_266 = tpu.memref_slice %arg6[%dma_start3A_265] : memref<32768xf32, #tpu.memory_space<vmem>> -> memref<16384xf32, #tpu.memory_space<vmem>>
        %dma_start3A_267 = tpu.memref_slice %arg4[%mul3A_264] : memref<128008192xf32, #tpu.memory_space<hbm>> -> memref<16384xf32, #tpu.memory_space<hbm>>
        %dma_start3A_268 = tpu.memref_slice %arg4[%mul3A_264] : memref<128008192xf32, #tpu.memory_space<hbm>> -> memref<16384xf32, #tpu.memory_space<hbm>>
        %dma_start3A_269 = arith.constant 16384 : i32
        %dma_start3A_270 = tpu.memref_slice %arg6[%dma_start3A_269] : memref<32768xf32, #tpu.memory_space<vmem>> -> memref<16384xf32, #tpu.memory_space<vmem>>
        tpu.enqueue_dma source(%dma_start3A_270 : memref<16384xf32, #tpu.memory_space<vmem>>) target(%dma_start3A_268 : memref<16384xf32, #tpu.memory_space<hbm>>) target_semaphore(%arg8 : memref<!tpu.dma_semaphore, #tpu.memory_space<semaphore_mem>>)
        %dma_wait3A_271 = arith.constant 0 : i32
        %dma_wait3A_272 = tpu.memref_slice %arg6[%dma_wait3A_271] : memref<32768xf32, #tpu.memory_space<vmem>> -> memref<16384xf32, #tpu.memory_space<vmem>>
        %dma_wait3A_273 = arith.constant 0 : i32
        %dma_wait3A_274 = tpu.memref_slice %arg4[%dma_wait3A_273] : memref<128008192xf32, #tpu.memory_space<hbm>> -> memref<16384xf32, #tpu.memory_space<hbm>>
        %dma_wait3A_275 = arith.constant 0 : i32
        %dma_wait3A_276 = tpu.memref_slice %arg6[%dma_wait3A_275] : memref<32768xf32, #tpu.memory_space<vmem>> -> memref<16384xf32, #tpu.memory_space<vmem>>
        %dma_wait3A_277 = arith.constant 0 : i32
        %dma_wait3A_278 = tpu.memref_slice %arg4[%dma_wait3A_277] : memref<128008192xf32, #tpu.memory_space<hbm>> -> memref<16384xf32, #tpu.memory_space<hbm>>
        tpu.wait_dma2 semaphore(%arg8 : memref<!tpu.dma_semaphore, #tpu.memory_space<semaphore_mem>>) src(%dma_wait3A_278 : memref<16384xf32, #tpu.memory_space<hbm>>) dst(%dma_wait3A_276 : memref<16384xf32, #tpu.memory_space<vmem>>)
        %parallel_loop3A_279 = arith.constant 0 : i32
        %parallel_loop3A_280 = arith.constant 64 : i32
        %parallel_loop3A_281 = arith.constant 2 : i32
        scf.for %parallel_loop3A_321 = %parallel_loop3A_279 to %parallel_loop3A_280 step %parallel_loop3A_281  : i32 {
          %parallel_loop3A_322 = arith.constant 0 : i32
          %parallel_loop3A_323 = arith.addi %parallel_loop3A_321, %parallel_loop3A_322 : i32
          %parallel_loop3A_324 = arith.constant 0 : i32
          %parallel_loop3A_325 = vector.broadcast %parallel_loop3A_324 : i32 to vector<16xi32>
          %parallel_loop3A_326 = vector.broadcast %parallel_loop3A_323 : i32 to vector<16xi32>
          %parallel_loop3A_327 = arith.addi %parallel_loop3A_325, %parallel_loop3A_326 : vector<16xi32>
          %parallel_loop3A_328 = arith.constant 1 : i32
          %parallel_loop3A_329 = arith.constant 2 : i32
          %parallel_loop3A_330 = arith.index_cast %parallel_loop3A_328 : i32 to index
          %parallel_loop3A_331 = arith.index_cast %parallel_loop3A_329 : i32 to index
          %parallel_loop3A_332 = arith.index_cast %parallel_loop3A_323 : i32 to index
          %parallel_loop3A_333 = arith.constant 0 : index
          %parallel_loop3A_334 = tpu.vector_load %arg5[%parallel_loop3A_330, %parallel_loop3A_331, %parallel_loop3A_332, %parallel_loop3A_333] {strides = array<i32>} : memref<2x4x64x128xf32, #tpu.memory_space<vmem>>, vector<16xf32>,
          %parallel_loop3A_335 = arith.addi %add3A_12, %parallel_loop3A_327 : vector<16xi32>
          %parallel_loop3A_336 = arith.constant 0 : i32
          %parallel_loop3A_337 = vector.broadcast %parallel_loop3A_336 : i32 to vector<16xi32>
          %parallel_loop3A_338 = arith.addi %parallel_loop3A_335, %parallel_loop3A_337 : vector<16xi32>
          tpu.vector_store_idx %arg6[%parallel_loop3A_338], %parallel_loop3A_334 : memref<32768xf32, #tpu.memory_space<vmem>>[vector<16xi32>], vector<16xf32>,
          %parallel_loop3A_339 = arith.constant 1 : i32
          %parallel_loop3A_340 = arith.constant 2 : i32
          %parallel_loop3A_341 = arith.index_cast %parallel_loop3A_339 : i32 to index
          %parallel_loop3A_342 = arith.index_cast %parallel_loop3A_340 : i32 to index
          %parallel_loop3A_343 = arith.index_cast %parallel_loop3A_323 : i32 to index
          %parallel_loop3A_344 = arith.constant 16 : index
          %parallel_loop3A_345 = tpu.vector_load %arg5[%parallel_loop3A_341, %parallel_loop3A_342, %parallel_loop3A_343, %parallel_loop3A_344] {strides = array<i32>} : memref<2x4x64x128xf32, #tpu.memory_space<vmem>>, vector<16xf32>,
          %parallel_loop3A_346 = arith.addi %add3A_18, %parallel_loop3A_327 : vector<16xi32>
          %parallel_loop3A_347 = arith.constant 0 : i32
          %parallel_loop3A_348 = vector.broadcast %parallel_loop3A_347 : i32 to vector<16xi32>
          %parallel_loop3A_349 = arith.addi %parallel_loop3A_346, %parallel_loop3A_348 : vector<16xi32>
          tpu.vector_store_idx %arg6[%parallel_loop3A_349], %parallel_loop3A_345 : memref<32768xf32, #tpu.memory_space<vmem>>[vector<16xi32>], vector<16xf32>,
          %parallel_loop3A_350 = arith.constant 1 : i32
          %parallel_loop3A_351 = arith.constant 2 : i32
          %parallel_loop3A_352 = arith.index_cast %parallel_loop3A_350 : i32 to index
          %parallel_loop3A_353 = arith.index_cast %parallel_loop3A_351 : i32 to index
          %parallel_loop3A_354 = arith.index_cast %parallel_loop3A_323 : i32 to index
          %parallel_loop3A_355 = arith.constant 32 : index
          %parallel_loop3A_356 = tpu.vector_load %arg5[%parallel_loop3A_352, %parallel_loop3A_353, %parallel_loop3A_354, %parallel_loop3A_355] {strides = array<i32>} : memref<2x4x64x128xf32, #tpu.memory_space<vmem>>, vector<16xf32>,
          %parallel_loop3A_357 = arith.addi %add3A_24, %parallel_loop3A_327 : vector<16xi32>
          %parallel_loop3A_358 = arith.constant 0 : i32
          %parallel_loop3A_359 = vector.broadcast %parallel_loop3A_358 : i32 to vector<16xi32>
          %parallel_loop3A_360 = arith.addi %parallel_loop3A_357, %parallel_loop3A_359 : vector<16xi32>
          tpu.vector_store_idx %arg6[%parallel_loop3A_360], %parallel_loop3A_356 : memref<32768xf32, #tpu.memory_space<vmem>>[vector<16xi32>], vector<16xf32>,
          %parallel_loop3A_361 = arith.constant 1 : i32
          %parallel_loop3A_362 = arith.constant 2 : i32
          %parallel_loop3A_363 = arith.index_cast %parallel_loop3A_361 : i32 to index
          %parallel_loop3A_364 = arith.index_cast %parallel_loop3A_362 : i32 to index
          %parallel_loop3A_365 = arith.index_cast %parallel_loop3A_323 : i32 to index
          %parallel_loop3A_366 = arith.constant 48 : index
          %parallel_loop3A_367 = tpu.vector_load %arg5[%parallel_loop3A_363, %parallel_loop3A_364, %parallel_loop3A_365, %parallel_loop3A_366] {strides = array<i32>} : memref<2x4x64x128xf32, #tpu.memory_space<vmem>>, vector<16xf32>,
          %parallel_loop3A_368 = arith.addi %add3A_30, %parallel_loop3A_327 : vector<16xi32>
          %parallel_loop3A_369 = arith.constant 0 : i32
          %parallel_loop3A_370 = vector.broadcast %parallel_loop3A_369 : i32 to vector<16xi32>
          %parallel_loop3A_371 = arith.addi %parallel_loop3A_368, %parallel_loop3A_370 : vector<16xi32>
          tpu.vector_store_idx %arg6[%parallel_loop3A_371], %parallel_loop3A_367 : memref<32768xf32, #tpu.memory_space<vmem>>[vector<16xi32>], vector<16xf32>,
          %parallel_loop3A_372 = arith.constant 1 : i32
          %parallel_loop3A_373 = arith.constant 2 : i32
          %parallel_loop3A_374 = arith.index_cast %parallel_loop3A_372 : i32 to index
          %parallel_loop3A_375 = arith.index_cast %parallel_loop3A_373 : i32 to index
          %parallel_loop3A_376 = arith.index_cast %parallel_loop3A_323 : i32 to index
          %parallel_loop3A_377 = arith.constant 64 : index
          %parallel_loop3A_378 = tpu.vector_load %arg5[%parallel_loop3A_374, %parallel_loop3A_375, %parallel_loop3A_376, %parallel_loop3A_377] {strides = array<i32>} : memref<2x4x64x128xf32, #tpu.memory_space<vmem>>, vector<16xf32>,
          %parallel_loop3A_379 = arith.addi %add3A_36, %parallel_loop3A_327 : vector<16xi32>
          %parallel_loop3A_380 = arith.constant 0 : i32
          %parallel_loop3A_381 = vector.broadcast %parallel_loop3A_380 : i32 to vector<16xi32>
          %parallel_loop3A_382 = arith.addi %parallel_loop3A_379, %parallel_loop3A_381 : vector<16xi32>
          tpu.vector_store_idx %arg6[%parallel_loop3A_382], %parallel_loop3A_378 : memref<32768xf32, #tpu.memory_space<vmem>>[vector<16xi32>], vector<16xf32>,
          %parallel_loop3A_383 = arith.constant 1 : i32
          %parallel_loop3A_384 = arith.constant 2 : i32
          %parallel_loop3A_385 = arith.index_cast %parallel_loop3A_383 : i32 to index
          %parallel_loop3A_386 = arith.index_cast %parallel_loop3A_384 : i32 to index
          %parallel_loop3A_387 = arith.index_cast %parallel_loop3A_323 : i32 to index
          %parallel_loop3A_388 = arith.constant 80 : index
          %parallel_loop3A_389 = tpu.vector_load %arg5[%parallel_loop3A_385, %parallel_loop3A_386, %parallel_loop3A_387, %parallel_loop3A_388] {strides = array<i32>} : memref<2x4x64x128xf32, #tpu.memory_space<vmem>>, vector<16xf32>,
          %parallel_loop3A_390 = arith.addi %add3A_42, %parallel_loop3A_327 : vector<16xi32>
          %parallel_loop3A_391 = arith.constant 0 : i32
          %parallel_loop3A_392 = vector.broadcast %parallel_loop3A_391 : i32 to vector<16xi32>
          %parallel_loop3A_393 = arith.addi %parallel_loop3A_390, %parallel_loop3A_392 : vector<16xi32>
          tpu.vector_store_idx %arg6[%parallel_loop3A_393], %parallel_loop3A_389 : memref<32768xf32, #tpu.memory_space<vmem>>[vector<16xi32>], vector<16xf32>,
          %parallel_loop3A_394 = arith.constant 1 : i32
          %parallel_loop3A_395 = arith.constant 2 : i32
          %parallel_loop3A_396 = arith.index_cast %parallel_loop3A_394 : i32 to index
          %parallel_loop3A_397 = arith.index_cast %parallel_loop3A_395 : i32 to index
          %parallel_loop3A_398 = arith.index_cast %parallel_loop3A_323 : i32 to index
          %parallel_loop3A_399 = arith.constant 96 : index
          %parallel_loop3A_400 = tpu.vector_load %arg5[%parallel_loop3A_396, %parallel_loop3A_397, %parallel_loop3A_398, %parallel_loop3A_399] {strides = array<i32>} : memref<2x4x64x128xf32, #tpu.memory_space<vmem>>, vector<16xf32>,
          %parallel_loop3A_401 = arith.addi %add3A_48, %parallel_loop3A_327 : vector<16xi32>
          %parallel_loop3A_402 = arith.constant 0 : i32
          %parallel_loop3A_403 = vector.broadcast %parallel_loop3A_402 : i32 to vector<16xi32>
          %parallel_loop3A_404 = arith.addi %parallel_loop3A_401, %parallel_loop3A_403 : vector<16xi32>
          tpu.vector_store_idx %arg6[%parallel_loop3A_404], %parallel_loop3A_400 : memref<32768xf32, #tpu.memory_space<vmem>>[vector<16xi32>], vector<16xf32>,
          %parallel_loop3A_405 = arith.constant 1 : i32
          %parallel_loop3A_406 = arith.constant 2 : i32
          %parallel_loop3A_407 = arith.index_cast %parallel_loop3A_405 : i32 to index
          %parallel_loop3A_408 = arith.index_cast %parallel_loop3A_406 : i32 to index
          %parallel_loop3A_409 = arith.index_cast %parallel_loop3A_323 : i32 to index
          %parallel_loop3A_410 = arith.constant 112 : index
          %parallel_loop3A_411 = tpu.vector_load %arg5[%parallel_loop3A_407, %parallel_loop3A_408, %parallel_loop3A_409, %parallel_loop3A_410] {strides = array<i32>} : memref<2x4x64x128xf32, #tpu.memory_space<vmem>>, vector<16xf32>,
          %parallel_loop3A_412 = arith.addi %add3A_54, %parallel_loop3A_327 : vector<16xi32>
          %parallel_loop3A_413 = arith.constant 0 : i32
          %parallel_loop3A_414 = vector.broadcast %parallel_loop3A_413 : i32 to vector<16xi32>
          %parallel_loop3A_415 = arith.addi %parallel_loop3A_412, %parallel_loop3A_414 : vector<16xi32>
          tpu.vector_store_idx %arg6[%parallel_loop3A_415], %parallel_loop3A_411 : memref<32768xf32, #tpu.memory_space<vmem>>[vector<16xi32>], vector<16xf32>,
          %parallel_loop3A_416 = arith.constant 1 : i32
          %parallel_loop3A_417 = arith.addi %parallel_loop3A_321, %parallel_loop3A_416 : i32
          %parallel_loop3A_418 = arith.constant 0 : i32
          %parallel_loop3A_419 = vector.broadcast %parallel_loop3A_418 : i32 to vector<16xi32>
          %parallel_loop3A_420 = vector.broadcast %parallel_loop3A_417 : i32 to vector<16xi32>
          %parallel_loop3A_421 = arith.addi %parallel_loop3A_419, %parallel_loop3A_420 : vector<16xi32>
          %parallel_loop3A_422 = arith.constant 1 : i32
          %parallel_loop3A_423 = arith.constant 2 : i32
          %parallel_loop3A_424 = arith.index_cast %parallel_loop3A_422 : i32 to index
          %parallel_loop3A_425 = arith.index_cast %parallel_loop3A_423 : i32 to index
          %parallel_loop3A_426 = arith.index_cast %parallel_loop3A_417 : i32 to index
          %parallel_loop3A_427 = arith.constant 0 : index
          %parallel_loop3A_428 = tpu.vector_load %arg5[%parallel_loop3A_424, %parallel_loop3A_425, %parallel_loop3A_426, %parallel_loop3A_427] {strides = array<i32>} : memref<2x4x64x128xf32, #tpu.memory_space<vmem>>, vector<16xf32>,
          %parallel_loop3A_429 = arith.addi %add3A_12, %parallel_loop3A_421 : vector<16xi32>
          %parallel_loop3A_430 = arith.constant 0 : i32
          %parallel_loop3A_431 = vector.broadcast %parallel_loop3A_430 : i32 to vector<16xi32>
          %parallel_loop3A_432 = arith.addi %parallel_loop3A_429, %parallel_loop3A_431 : vector<16xi32>
          tpu.vector_store_idx %arg6[%parallel_loop3A_432], %parallel_loop3A_428 : memref<32768xf32, #tpu.memory_space<vmem>>[vector<16xi32>], vector<16xf32>,
          %parallel_loop3A_433 = arith.constant 1 : i32
          %parallel_loop3A_434 = arith.constant 2 : i32
          %parallel_loop3A_435 = arith.index_cast %parallel_loop3A_433 : i32 to index
          %parallel_loop3A_436 = arith.index_cast %parallel_loop3A_434 : i32 to index
          %parallel_loop3A_437 = arith.index_cast %parallel_loop3A_417 : i32 to index
          %parallel_loop3A_438 = arith.constant 16 : index
          %parallel_loop3A_439 = tpu.vector_load %arg5[%parallel_loop3A_435, %parallel_loop3A_436, %parallel_loop3A_437, %parallel_loop3A_438] {strides = array<i32>} : memref<2x4x64x128xf32, #tpu.memory_space<vmem>>, vector<16xf32>,
          %parallel_loop3A_440 = arith.addi %add3A_18, %parallel_loop3A_421 : vector<16xi32>
          %parallel_loop3A_441 = arith.constant 0 : i32
          %parallel_loop3A_442 = vector.broadcast %parallel_loop3A_441 : i32 to vector<16xi32>
          %parallel_loop3A_443 = arith.addi %parallel_loop3A_440, %parallel_loop3A_442 : vector<16xi32>
          tpu.vector_store_idx %arg6[%parallel_loop3A_443], %parallel_loop3A_439 : memref<32768xf32, #tpu.memory_space<vmem>>[vector<16xi32>], vector<16xf32>,
          %parallel_loop3A_444 = arith.constant 1 : i32
          %parallel_loop3A_445 = arith.constant 2 : i32
          %parallel_loop3A_446 = arith.index_cast %parallel_loop3A_444 : i32 to index
          %parallel_loop3A_447 = arith.index_cast %parallel_loop3A_445 : i32 to index
          %parallel_loop3A_448 = arith.index_cast %parallel_loop3A_417 : i32 to index
          %parallel_loop3A_449 = arith.constant 32 : index
          %parallel_loop3A_450 = tpu.vector_load %arg5[%parallel_loop3A_446, %parallel_loop3A_447, %parallel_loop3A_448, %parallel_loop3A_449] {strides = array<i32>} : memref<2x4x64x128xf32, #tpu.memory_space<vmem>>, vector<16xf32>,
          %parallel_loop3A_451 = arith.addi %add3A_24, %parallel_loop3A_421 : vector<16xi32>
          %parallel_loop3A_452 = arith.constant 0 : i32
          %parallel_loop3A_453 = vector.broadcast %parallel_loop3A_452 : i32 to vector<16xi32>
          %parallel_loop3A_454 = arith.addi %parallel_loop3A_451, %parallel_loop3A_453 : vector<16xi32>
          tpu.vector_store_idx %arg6[%parallel_loop3A_454], %parallel_loop3A_450 : memref<32768xf32, #tpu.memory_space<vmem>>[vector<16xi32>], vector<16xf32>,
          %parallel_loop3A_455 = arith.constant 1 : i32
          %parallel_loop3A_456 = arith.constant 2 : i32
          %parallel_loop3A_457 = arith.index_cast %parallel_loop3A_455 : i32 to index
          %parallel_loop3A_458 = arith.index_cast %parallel_loop3A_456 : i32 to index
          %parallel_loop3A_459 = arith.index_cast %parallel_loop3A_417 : i32 to index
          %parallel_loop3A_460 = arith.constant 48 : index
          %parallel_loop3A_461 = tpu.vector_load %arg5[%parallel_loop3A_457, %parallel_loop3A_458, %parallel_loop3A_459, %parallel_loop3A_460] {strides = array<i32>} : memref<2x4x64x128xf32, #tpu.memory_space<vmem>>, vector<16xf32>,
          %parallel_loop3A_462 = arith.addi %add3A_30, %parallel_loop3A_421 : vector<16xi32>
          %parallel_loop3A_463 = arith.constant 0 : i32
          %parallel_loop3A_464 = vector.broadcast %parallel_loop3A_463 : i32 to vector<16xi32>
          %parallel_loop3A_465 = arith.addi %parallel_loop3A_462, %parallel_loop3A_464 : vector<16xi32>
          tpu.vector_store_idx %arg6[%parallel_loop3A_465], %parallel_loop3A_461 : memref<32768xf32, #tpu.memory_space<vmem>>[vector<16xi32>], vector<16xf32>,
          %parallel_loop3A_466 = arith.constant 1 : i32
          %parallel_loop3A_467 = arith.constant 2 : i32
          %parallel_loop3A_468 = arith.index_cast %parallel_loop3A_466 : i32 to index
          %parallel_loop3A_469 = arith.index_cast %parallel_loop3A_467 : i32 to index
          %parallel_loop3A_470 = arith.index_cast %parallel_loop3A_417 : i32 to index
          %parallel_loop3A_471 = arith.constant 64 : index
          %parallel_loop3A_472 = tpu.vector_load %arg5[%parallel_loop3A_468, %parallel_loop3A_469, %parallel_loop3A_470, %parallel_loop3A_471] {strides = array<i32>} : memref<2x4x64x128xf32, #tpu.memory_space<vmem>>, vector<16xf32>,
          %parallel_loop3A_473 = arith.addi %add3A_36, %parallel_loop3A_421 : vector<16xi32>
          %parallel_loop3A_474 = arith.constant 0 : i32
          %parallel_loop3A_475 = vector.broadcast %parallel_loop3A_474 : i32 to vector<16xi32>
          %parallel_loop3A_476 = arith.addi %parallel_loop3A_473, %parallel_loop3A_475 : vector<16xi32>
          tpu.vector_store_idx %arg6[%parallel_loop3A_476], %parallel_loop3A_472 : memref<32768xf32, #tpu.memory_space<vmem>>[vector<16xi32>], vector<16xf32>,
          %parallel_loop3A_477 = arith.constant 1 : i32
          %parallel_loop3A_478 = arith.constant 2 : i32
          %parallel_loop3A_479 = arith.index_cast %parallel_loop3A_477 : i32 to index
          %parallel_loop3A_480 = arith.index_cast %parallel_loop3A_478 : i32 to index
          %parallel_loop3A_481 = arith.index_cast %parallel_loop3A_417 : i32 to index
          %parallel_loop3A_482 = arith.constant 80 : index
          %parallel_loop3A_483 = tpu.vector_load %arg5[%parallel_loop3A_479, %parallel_loop3A_480, %parallel_loop3A_481, %parallel_loop3A_482] {strides = array<i32>} : memref<2x4x64x128xf32, #tpu.memory_space<vmem>>, vector<16xf32>,
          %parallel_loop3A_484 = arith.addi %add3A_42, %parallel_loop3A_421 : vector<16xi32>
          %parallel_loop3A_485 = arith.constant 0 : i32
          %parallel_loop3A_486 = vector.broadcast %parallel_loop3A_485 : i32 to vector<16xi32>
          %parallel_loop3A_487 = arith.addi %parallel_loop3A_484, %parallel_loop3A_486 : vector<16xi32>
          tpu.vector_store_idx %arg6[%parallel_loop3A_487], %parallel_loop3A_483 : memref<32768xf32, #tpu.memory_space<vmem>>[vector<16xi32>], vector<16xf32>,
          %parallel_loop3A_488 = arith.constant 1 : i32
          %parallel_loop3A_489 = arith.constant 2 : i32
          %parallel_loop3A_490 = arith.index_cast %parallel_loop3A_488 : i32 to index
          %parallel_loop3A_491 = arith.index_cast %parallel_loop3A_489 : i32 to index
          %parallel_loop3A_492 = arith.index_cast %parallel_loop3A_417 : i32 to index
          %parallel_loop3A_493 = arith.constant 96 : index
          %parallel_loop3A_494 = tpu.vector_load %arg5[%parallel_loop3A_490, %parallel_loop3A_491, %parallel_loop3A_492, %parallel_loop3A_493] {strides = array<i32>} : memref<2x4x64x128xf32, #tpu.memory_space<vmem>>, vector<16xf32>,
          %parallel_loop3A_495 = arith.addi %add3A_48, %parallel_loop3A_421 : vector<16xi32>
          %parallel_loop3A_496 = arith.constant 0 : i32
          %parallel_loop3A_497 = vector.broadcast %parallel_loop3A_496 : i32 to vector<16xi32>
          %parallel_loop3A_498 = arith.addi %parallel_loop3A_495, %parallel_loop3A_497 : vector<16xi32>
          tpu.vector_store_idx %arg6[%parallel_loop3A_498], %parallel_loop3A_494 : memref<32768xf32, #tpu.memory_space<vmem>>[vector<16xi32>], vector<16xf32>,
          %parallel_loop3A_499 = arith.constant 1 : i32
          %parallel_loop3A_500 = arith.constant 2 : i32
          %parallel_loop3A_501 = arith.index_cast %parallel_loop3A_499 : i32 to index
          %parallel_loop3A_502 = arith.index_cast %parallel_loop3A_500 : i32 to index
          %parallel_loop3A_503 = arith.index_cast %parallel_loop3A_417 : i32 to index
          %parallel_loop3A_504 = arith.constant 112 : index
          %parallel_loop3A_505 = tpu.vector_load %arg5[%parallel_loop3A_501, %parallel_loop3A_502, %parallel_loop3A_503, %parallel_loop3A_504] {strides = array<i32>} : memref<2x4x64x128xf32, #tpu.memory_space<vmem>>, vector<16xf32>,
          %parallel_loop3A_506 = arith.addi %add3A_54, %parallel_loop3A_421 : vector<16xi32>
          %parallel_loop3A_507 = arith.constant 0 : i32
          %parallel_loop3A_508 = vector.broadcast %parallel_loop3A_507 : i32 to vector<16xi32>
          %parallel_loop3A_509 = arith.addi %parallel_loop3A_506, %parallel_loop3A_508 : vector<16xi32>
          tpu.vector_store_idx %arg6[%parallel_loop3A_509], %parallel_loop3A_505 : memref<32768xf32, #tpu.memory_space<vmem>>[vector<16xi32>], vector<16xf32>,
        } {sc.loop_unroll_factor = 2 : i64, sc.parallel_access}
        %mul3A_282 = arith.constant 4 : i32
        %mul3A_283 = arith.muli %add3A_93, %mul3A_282 : i32
        %add3A_284 = arith.constant 2 : i32
        %add3A_285 = arith.addi %mul3A_283, %add3A_284 : i32
        %mul3A_286 = arith.constant 128 : i32
        %mul3A_287 = arith.muli %add3A_285, %mul3A_286 : i32
        %mul3A_288 = arith.constant 128 : i32
        %mul3A_289 = arith.muli %mul3A_287, %mul3A_288 : i32
        %dma_start3A_290 = arith.constant 0 : i32
        %dma_start3A_291 = tpu.memref_slice %arg6[%dma_start3A_290] : memref<32768xf32, #tpu.memory_space<vmem>> -> memref<16384xf32, #tpu.memory_space<vmem>>
        %dma_start3A_292 = tpu.memref_slice %arg4[%mul3A_289] : memref<128008192xf32, #tpu.memory_space<hbm>> -> memref<16384xf32, #tpu.memory_space<hbm>>
        %dma_start3A_293 = tpu.memref_slice %arg4[%mul3A_289] : memref<128008192xf32, #tpu.memory_space<hbm>> -> memref<16384xf32, #tpu.memory_space<hbm>>
        %dma_start3A_294 = arith.constant 0 : i32
        %dma_start3A_295 = tpu.memref_slice %arg6[%dma_start3A_294] : memref<32768xf32, #tpu.memory_space<vmem>> -> memref<16384xf32, #tpu.memory_space<vmem>>
        tpu.enqueue_dma source(%dma_start3A_295 : memref<16384xf32, #tpu.memory_space<vmem>>) target(%dma_start3A_293 : memref<16384xf32, #tpu.memory_space<hbm>>) target_semaphore(%arg8 : memref<!tpu.dma_semaphore, #tpu.memory_space<semaphore_mem>>)
        %dma_wait3A_296 = arith.constant 16384 : i32
        %dma_wait3A_297 = tpu.memref_slice %arg6[%dma_wait3A_296] : memref<32768xf32, #tpu.memory_space<vmem>> -> memref<16384xf32, #tpu.memory_space<vmem>>
        %dma_wait3A_298 = arith.constant 0 : i32
        %dma_wait3A_299 = tpu.memref_slice %arg4[%dma_wait3A_298] : memref<128008192xf32, #tpu.memory_space<hbm>> -> memref<16384xf32, #tpu.memory_space<hbm>>
        %dma_wait3A_300 = arith.constant 16384 : i32
        %dma_wait3A_301 = tpu.memref_slice %arg6[%dma_wait3A_300] : memref<32768xf32, #tpu.memory_space<vmem>> -> memref<16384xf32, #tpu.memory_space<vmem>>
        %dma_wait3A_302 = arith.constant 0 : i32
        %dma_wait3A_303 = tpu.memref_slice %arg4[%dma_wait3A_302] : memref<128008192xf32, #tpu.memory_space<hbm>> -> memref<16384xf32, #tpu.memory_space<hbm>>
        tpu.wait_dma2 semaphore(%arg8 : memref<!tpu.dma_semaphore, #tpu.memory_space<semaphore_mem>>) src(%dma_wait3A_303 : memref<16384xf32, #tpu.memory_space<hbm>>) dst(%dma_wait3A_301 : memref<16384xf32, #tpu.memory_space<vmem>>)
        %parallel_loop3A_304 = arith.constant 0 : i32
        %parallel_loop3A_305 = arith.constant 64 : i32
        %parallel_loop3A_306 = arith.constant 2 : i32
        scf.for %parallel_loop3A_321 = %parallel_loop3A_304 to %parallel_loop3A_305 step %parallel_loop3A_306  : i32 {
          %parallel_loop3A_322 = arith.constant 0 : i32
          %parallel_loop3A_323 = arith.addi %parallel_loop3A_321, %parallel_loop3A_322 : i32
          %parallel_loop3A_324 = arith.constant 0 : i32
          %parallel_loop3A_325 = vector.broadcast %parallel_loop3A_324 : i32 to vector<16xi32>
          %parallel_loop3A_326 = vector.broadcast %parallel_loop3A_323 : i32 to vector<16xi32>
          %parallel_loop3A_327 = arith.addi %parallel_loop3A_325, %parallel_loop3A_326 : vector<16xi32>
          %parallel_loop3A_328 = arith.constant 1 : i32
          %parallel_loop3A_329 = arith.constant 3 : i32
          %parallel_loop3A_330 = arith.index_cast %parallel_loop3A_328 : i32 to index
          %parallel_loop3A_331 = arith.index_cast %parallel_loop3A_329 : i32 to index
          %parallel_loop3A_332 = arith.index_cast %parallel_loop3A_323 : i32 to index
          %parallel_loop3A_333 = arith.constant 0 : index
          %parallel_loop3A_334 = tpu.vector_load %arg5[%parallel_loop3A_330, %parallel_loop3A_331, %parallel_loop3A_332, %parallel_loop3A_333] {strides = array<i32>} : memref<2x4x64x128xf32, #tpu.memory_space<vmem>>, vector<16xf32>,
          %parallel_loop3A_335 = arith.addi %add3A_12, %parallel_loop3A_327 : vector<16xi32>
          %parallel_loop3A_336 = arith.constant 16384 : i32
          %parallel_loop3A_337 = vector.broadcast %parallel_loop3A_336 : i32 to vector<16xi32>
          %parallel_loop3A_338 = arith.addi %parallel_loop3A_335, %parallel_loop3A_337 : vector<16xi32>
          tpu.vector_store_idx %arg6[%parallel_loop3A_338], %parallel_loop3A_334 : memref<32768xf32, #tpu.memory_space<vmem>>[vector<16xi32>], vector<16xf32>,
          %parallel_loop3A_339 = arith.constant 1 : i32
          %parallel_loop3A_340 = arith.constant 3 : i32
          %parallel_loop3A_341 = arith.index_cast %parallel_loop3A_339 : i32 to index
          %parallel_loop3A_342 = arith.index_cast %parallel_loop3A_340 : i32 to index
          %parallel_loop3A_343 = arith.index_cast %parallel_loop3A_323 : i32 to index
          %parallel_loop3A_344 = arith.constant 16 : index
          %parallel_loop3A_345 = tpu.vector_load %arg5[%parallel_loop3A_341, %parallel_loop3A_342, %parallel_loop3A_343, %parallel_loop3A_344] {strides = array<i32>} : memref<2x4x64x128xf32, #tpu.memory_space<vmem>>, vector<16xf32>,
          %parallel_loop3A_346 = arith.addi %add3A_18, %parallel_loop3A_327 : vector<16xi32>
          %parallel_loop3A_347 = arith.constant 16384 : i32
          %parallel_loop3A_348 = vector.broadcast %parallel_loop3A_347 : i32 to vector<16xi32>
          %parallel_loop3A_349 = arith.addi %parallel_loop3A_346, %parallel_loop3A_348 : vector<16xi32>
          tpu.vector_store_idx %arg6[%parallel_loop3A_349], %parallel_loop3A_345 : memref<32768xf32, #tpu.memory_space<vmem>>[vector<16xi32>], vector<16xf32>,
          %parallel_loop3A_350 = arith.constant 1 : i32
          %parallel_loop3A_351 = arith.constant 3 : i32
          %parallel_loop3A_352 = arith.index_cast %parallel_loop3A_350 : i32 to index
          %parallel_loop3A_353 = arith.index_cast %parallel_loop3A_351 : i32 to index
          %parallel_loop3A_354 = arith.index_cast %parallel_loop3A_323 : i32 to index
          %parallel_loop3A_355 = arith.constant 32 : index
          %parallel_loop3A_356 = tpu.vector_load %arg5[%parallel_loop3A_352, %parallel_loop3A_353, %parallel_loop3A_354, %parallel_loop3A_355] {strides = array<i32>} : memref<2x4x64x128xf32, #tpu.memory_space<vmem>>, vector<16xf32>,
          %parallel_loop3A_357 = arith.addi %add3A_24, %parallel_loop3A_327 : vector<16xi32>
          %parallel_loop3A_358 = arith.constant 16384 : i32
          %parallel_loop3A_359 = vector.broadcast %parallel_loop3A_358 : i32 to vector<16xi32>
          %parallel_loop3A_360 = arith.addi %parallel_loop3A_357, %parallel_loop3A_359 : vector<16xi32>
          tpu.vector_store_idx %arg6[%parallel_loop3A_360], %parallel_loop3A_356 : memref<32768xf32, #tpu.memory_space<vmem>>[vector<16xi32>], vector<16xf32>,
          %parallel_loop3A_361 = arith.constant 1 : i32
          %parallel_loop3A_362 = arith.constant 3 : i32
          %parallel_loop3A_363 = arith.index_cast %parallel_loop3A_361 : i32 to index
          %parallel_loop3A_364 = arith.index_cast %parallel_loop3A_362 : i32 to index
          %parallel_loop3A_365 = arith.index_cast %parallel_loop3A_323 : i32 to index
          %parallel_loop3A_366 = arith.constant 48 : index
          %parallel_loop3A_367 = tpu.vector_load %arg5[%parallel_loop3A_363, %parallel_loop3A_364, %parallel_loop3A_365, %parallel_loop3A_366] {strides = array<i32>} : memref<2x4x64x128xf32, #tpu.memory_space<vmem>>, vector<16xf32>,
          %parallel_loop3A_368 = arith.addi %add3A_30, %parallel_loop3A_327 : vector<16xi32>
          %parallel_loop3A_369 = arith.constant 16384 : i32
          %parallel_loop3A_370 = vector.broadcast %parallel_loop3A_369 : i32 to vector<16xi32>
          %parallel_loop3A_371 = arith.addi %parallel_loop3A_368, %parallel_loop3A_370 : vector<16xi32>
          tpu.vector_store_idx %arg6[%parallel_loop3A_371], %parallel_loop3A_367 : memref<32768xf32, #tpu.memory_space<vmem>>[vector<16xi32>], vector<16xf32>,
          %parallel_loop3A_372 = arith.constant 1 : i32
          %parallel_loop3A_373 = arith.constant 3 : i32
          %parallel_loop3A_374 = arith.index_cast %parallel_loop3A_372 : i32 to index
          %parallel_loop3A_375 = arith.index_cast %parallel_loop3A_373 : i32 to index
          %parallel_loop3A_376 = arith.index_cast %parallel_loop3A_323 : i32 to index
          %parallel_loop3A_377 = arith.constant 64 : index
          %parallel_loop3A_378 = tpu.vector_load %arg5[%parallel_loop3A_374, %parallel_loop3A_375, %parallel_loop3A_376, %parallel_loop3A_377] {strides = array<i32>} : memref<2x4x64x128xf32, #tpu.memory_space<vmem>>, vector<16xf32>,
          %parallel_loop3A_379 = arith.addi %add3A_36, %parallel_loop3A_327 : vector<16xi32>
          %parallel_loop3A_380 = arith.constant 16384 : i32
          %parallel_loop3A_381 = vector.broadcast %parallel_loop3A_380 : i32 to vector<16xi32>
          %parallel_loop3A_382 = arith.addi %parallel_loop3A_379, %parallel_loop3A_381 : vector<16xi32>
          tpu.vector_store_idx %arg6[%parallel_loop3A_382], %parallel_loop3A_378 : memref<32768xf32, #tpu.memory_space<vmem>>[vector<16xi32>], vector<16xf32>,
          %parallel_loop3A_383 = arith.constant 1 : i32
          %parallel_loop3A_384 = arith.constant 3 : i32
          %parallel_loop3A_385 = arith.index_cast %parallel_loop3A_383 : i32 to index
          %parallel_loop3A_386 = arith.index_cast %parallel_loop3A_384 : i32 to index
          %parallel_loop3A_387 = arith.index_cast %parallel_loop3A_323 : i32 to index
          %parallel_loop3A_388 = arith.constant 80 : index
          %parallel_loop3A_389 = tpu.vector_load %arg5[%parallel_loop3A_385, %parallel_loop3A_386, %parallel_loop3A_387, %parallel_loop3A_388] {strides = array<i32>} : memref<2x4x64x128xf32, #tpu.memory_space<vmem>>, vector<16xf32>,
          %parallel_loop3A_390 = arith.addi %add3A_42, %parallel_loop3A_327 : vector<16xi32>
          %parallel_loop3A_391 = arith.constant 16384 : i32
          %parallel_loop3A_392 = vector.broadcast %parallel_loop3A_391 : i32 to vector<16xi32>
          %parallel_loop3A_393 = arith.addi %parallel_loop3A_390, %parallel_loop3A_392 : vector<16xi32>
          tpu.vector_store_idx %arg6[%parallel_loop3A_393], %parallel_loop3A_389 : memref<32768xf32, #tpu.memory_space<vmem>>[vector<16xi32>], vector<16xf32>,
          %parallel_loop3A_394 = arith.constant 1 : i32
          %parallel_loop3A_395 = arith.constant 3 : i32
          %parallel_loop3A_396 = arith.index_cast %parallel_loop3A_394 : i32 to index
          %parallel_loop3A_397 = arith.index_cast %parallel_loop3A_395 : i32 to index
          %parallel_loop3A_398 = arith.index_cast %parallel_loop3A_323 : i32 to index
          %parallel_loop3A_399 = arith.constant 96 : index
          %parallel_loop3A_400 = tpu.vector_load %arg5[%parallel_loop3A_396, %parallel_loop3A_397, %parallel_loop3A_398, %parallel_loop3A_399] {strides = array<i32>} : memref<2x4x64x128xf32, #tpu.memory_space<vmem>>, vector<16xf32>,
          %parallel_loop3A_401 = arith.addi %add3A_48, %parallel_loop3A_327 : vector<16xi32>
          %parallel_loop3A_402 = arith.constant 16384 : i32
          %parallel_loop3A_403 = vector.broadcast %parallel_loop3A_402 : i32 to vector<16xi32>
          %parallel_loop3A_404 = arith.addi %parallel_loop3A_401, %parallel_loop3A_403 : vector<16xi32>
          tpu.vector_store_idx %arg6[%parallel_loop3A_404], %parallel_loop3A_400 : memref<32768xf32, #tpu.memory_space<vmem>>[vector<16xi32>], vector<16xf32>,
          %parallel_loop3A_405 = arith.constant 1 : i32
          %parallel_loop3A_406 = arith.constant 3 : i32
          %parallel_loop3A_407 = arith.index_cast %parallel_loop3A_405 : i32 to index
          %parallel_loop3A_408 = arith.index_cast %parallel_loop3A_406 : i32 to index
          %parallel_loop3A_409 = arith.index_cast %parallel_loop3A_323 : i32 to index
          %parallel_loop3A_410 = arith.constant 112 : index
          %parallel_loop3A_411 = tpu.vector_load %arg5[%parallel_loop3A_407, %parallel_loop3A_408, %parallel_loop3A_409, %parallel_loop3A_410] {strides = array<i32>} : memref<2x4x64x128xf32, #tpu.memory_space<vmem>>, vector<16xf32>,
          %parallel_loop3A_412 = arith.addi %add3A_54, %parallel_loop3A_327 : vector<16xi32>
          %parallel_loop3A_413 = arith.constant 16384 : i32
          %parallel_loop3A_414 = vector.broadcast %parallel_loop3A_413 : i32 to vector<16xi32>
          %parallel_loop3A_415 = arith.addi %parallel_loop3A_412, %parallel_loop3A_414 : vector<16xi32>
          tpu.vector_store_idx %arg6[%parallel_loop3A_415], %parallel_loop3A_411 : memref<32768xf32, #tpu.memory_space<vmem>>[vector<16xi32>], vector<16xf32>,
          %parallel_loop3A_416 = arith.constant 1 : i32
          %parallel_loop3A_417 = arith.addi %parallel_loop3A_321, %parallel_loop3A_416 : i32
          %parallel_loop3A_418 = arith.constant 0 : i32
          %parallel_loop3A_419 = vector.broadcast %parallel_loop3A_418 : i32 to vector<16xi32>
          %parallel_loop3A_420 = vector.broadcast %parallel_loop3A_417 : i32 to vector<16xi32>
          %parallel_loop3A_421 = arith.addi %parallel_loop3A_419, %parallel_loop3A_420 : vector<16xi32>
          %parallel_loop3A_422 = arith.constant 1 : i32
          %parallel_loop3A_423 = arith.constant 3 : i32
          %parallel_loop3A_424 = arith.index_cast %parallel_loop3A_422 : i32 to index
          %parallel_loop3A_425 = arith.index_cast %parallel_loop3A_423 : i32 to index
          %parallel_loop3A_426 = arith.index_cast %parallel_loop3A_417 : i32 to index
          %parallel_loop3A_427 = arith.constant 0 : index
          %parallel_loop3A_428 = tpu.vector_load %arg5[%parallel_loop3A_424, %parallel_loop3A_425, %parallel_loop3A_426, %parallel_loop3A_427] {strides = array<i32>} : memref<2x4x64x128xf32, #tpu.memory_space<vmem>>, vector<16xf32>,
          %parallel_loop3A_429 = arith.addi %add3A_12, %parallel_loop3A_421 : vector<16xi32>
          %parallel_loop3A_430 = arith.constant 16384 : i32
          %parallel_loop3A_431 = vector.broadcast %parallel_loop3A_430 : i32 to vector<16xi32>
          %parallel_loop3A_432 = arith.addi %parallel_loop3A_429, %parallel_loop3A_431 : vector<16xi32>
          tpu.vector_store_idx %arg6[%parallel_loop3A_432], %parallel_loop3A_428 : memref<32768xf32, #tpu.memory_space<vmem>>[vector<16xi32>], vector<16xf32>,
          %parallel_loop3A_433 = arith.constant 1 : i32
          %parallel_loop3A_434 = arith.constant 3 : i32
          %parallel_loop3A_435 = arith.index_cast %parallel_loop3A_433 : i32 to index
          %parallel_loop3A_436 = arith.index_cast %parallel_loop3A_434 : i32 to index
          %parallel_loop3A_437 = arith.index_cast %parallel_loop3A_417 : i32 to index
          %parallel_loop3A_438 = arith.constant 16 : index
          %parallel_loop3A_439 = tpu.vector_load %arg5[%parallel_loop3A_435, %parallel_loop3A_436, %parallel_loop3A_437, %parallel_loop3A_438] {strides = array<i32>} : memref<2x4x64x128xf32, #tpu.memory_space<vmem>>, vector<16xf32>,
          %parallel_loop3A_440 = arith.addi %add3A_18, %parallel_loop3A_421 : vector<16xi32>
          %parallel_loop3A_441 = arith.constant 16384 : i32
          %parallel_loop3A_442 = vector.broadcast %parallel_loop3A_441 : i32 to vector<16xi32>
          %parallel_loop3A_443 = arith.addi %parallel_loop3A_440, %parallel_loop3A_442 : vector<16xi32>
          tpu.vector_store_idx %arg6[%parallel_loop3A_443], %parallel_loop3A_439 : memref<32768xf32, #tpu.memory_space<vmem>>[vector<16xi32>], vector<16xf32>,
          %parallel_loop3A_444 = arith.constant 1 : i32
          %parallel_loop3A_445 = arith.constant 3 : i32
          %parallel_loop3A_446 = arith.index_cast %parallel_loop3A_444 : i32 to index
          %parallel_loop3A_447 = arith.index_cast %parallel_loop3A_445 : i32 to index
          %parallel_loop3A_448 = arith.index_cast %parallel_loop3A_417 : i32 to index
          %parallel_loop3A_449 = arith.constant 32 : index
          %parallel_loop3A_450 = tpu.vector_load %arg5[%parallel_loop3A_446, %parallel_loop3A_447, %parallel_loop3A_448, %parallel_loop3A_449] {strides = array<i32>} : memref<2x4x64x128xf32, #tpu.memory_space<vmem>>, vector<16xf32>,
          %parallel_loop3A_451 = arith.addi %add3A_24, %parallel_loop3A_421 : vector<16xi32>
          %parallel_loop3A_452 = arith.constant 16384 : i32
          %parallel_loop3A_453 = vector.broadcast %parallel_loop3A_452 : i32 to vector<16xi32>
          %parallel_loop3A_454 = arith.addi %parallel_loop3A_451, %parallel_loop3A_453 : vector<16xi32>
          tpu.vector_store_idx %arg6[%parallel_loop3A_454], %parallel_loop3A_450 : memref<32768xf32, #tpu.memory_space<vmem>>[vector<16xi32>], vector<16xf32>,
          %parallel_loop3A_455 = arith.constant 1 : i32
          %parallel_loop3A_456 = arith.constant 3 : i32
          %parallel_loop3A_457 = arith.index_cast %parallel_loop3A_455 : i32 to index
          %parallel_loop3A_458 = arith.index_cast %parallel_loop3A_456 : i32 to index
          %parallel_loop3A_459 = arith.index_cast %parallel_loop3A_417 : i32 to index
          %parallel_loop3A_460 = arith.constant 48 : index
          %parallel_loop3A_461 = tpu.vector_load %arg5[%parallel_loop3A_457, %parallel_loop3A_458, %parallel_loop3A_459, %parallel_loop3A_460] {strides = array<i32>} : memref<2x4x64x128xf32, #tpu.memory_space<vmem>>, vector<16xf32>,
          %parallel_loop3A_462 = arith.addi %add3A_30, %parallel_loop3A_421 : vector<16xi32>
          %parallel_loop3A_463 = arith.constant 16384 : i32
          %parallel_loop3A_464 = vector.broadcast %parallel_loop3A_463 : i32 to vector<16xi32>
          %parallel_loop3A_465 = arith.addi %parallel_loop3A_462, %parallel_loop3A_464 : vector<16xi32>
          tpu.vector_store_idx %arg6[%parallel_loop3A_465], %parallel_loop3A_461 : memref<32768xf32, #tpu.memory_space<vmem>>[vector<16xi32>], vector<16xf32>,
          %parallel_loop3A_466 = arith.constant 1 : i32
          %parallel_loop3A_467 = arith.constant 3 : i32
          %parallel_loop3A_468 = arith.index_cast %parallel_loop3A_466 : i32 to index
          %parallel_loop3A_469 = arith.index_cast %parallel_loop3A_467 : i32 to index
          %parallel_loop3A_470 = arith.index_cast %parallel_loop3A_417 : i32 to index
          %parallel_loop3A_471 = arith.constant 64 : index
          %parallel_loop3A_472 = tpu.vector_load %arg5[%parallel_loop3A_468, %parallel_loop3A_469, %parallel_loop3A_470, %parallel_loop3A_471] {strides = array<i32>} : memref<2x4x64x128xf32, #tpu.memory_space<vmem>>, vector<16xf32>,
          %parallel_loop3A_473 = arith.addi %add3A_36, %parallel_loop3A_421 : vector<16xi32>
          %parallel_loop3A_474 = arith.constant 16384 : i32
          %parallel_loop3A_475 = vector.broadcast %parallel_loop3A_474 : i32 to vector<16xi32>
          %parallel_loop3A_476 = arith.addi %parallel_loop3A_473, %parallel_loop3A_475 : vector<16xi32>
          tpu.vector_store_idx %arg6[%parallel_loop3A_476], %parallel_loop3A_472 : memref<32768xf32, #tpu.memory_space<vmem>>[vector<16xi32>], vector<16xf32>,
          %parallel_loop3A_477 = arith.constant 1 : i32
          %parallel_loop3A_478 = arith.constant 3 : i32
          %parallel_loop3A_479 = arith.index_cast %parallel_loop3A_477 : i32 to index
          %parallel_loop3A_480 = arith.index_cast %parallel_loop3A_478 : i32 to index
          %parallel_loop3A_481 = arith.index_cast %parallel_loop3A_417 : i32 to index
          %parallel_loop3A_482 = arith.constant 80 : index
          %parallel_loop3A_483 = tpu.vector_load %arg5[%parallel_loop3A_479, %parallel_loop3A_480, %parallel_loop3A_481, %parallel_loop3A_482] {strides = array<i32>} : memref<2x4x64x128xf32, #tpu.memory_space<vmem>>, vector<16xf32>,
          %parallel_loop3A_484 = arith.addi %add3A_42, %parallel_loop3A_421 : vector<16xi32>
          %parallel_loop3A_485 = arith.constant 16384 : i32
          %parallel_loop3A_486 = vector.broadcast %parallel_loop3A_485 : i32 to vector<16xi32>
          %parallel_loop3A_487 = arith.addi %parallel_loop3A_484, %parallel_loop3A_486 : vector<16xi32>
          tpu.vector_store_idx %arg6[%parallel_loop3A_487], %parallel_loop3A_483 : memref<32768xf32, #tpu.memory_space<vmem>>[vector<16xi32>], vector<16xf32>,
          %parallel_loop3A_488 = arith.constant 1 : i32
          %parallel_loop3A_489 = arith.constant 3 : i32
          %parallel_loop3A_490 = arith.index_cast %parallel_loop3A_488 : i32 to index
          %parallel_loop3A_491 = arith.index_cast %parallel_loop3A_489 : i32 to index
          %parallel_loop3A_492 = arith.index_cast %parallel_loop3A_417 : i32 to index
          %parallel_loop3A_493 = arith.constant 96 : index
          %parallel_loop3A_494 = tpu.vector_load %arg5[%parallel_loop3A_490, %parallel_loop3A_491, %parallel_loop3A_492, %parallel_loop3A_493] {strides = array<i32>} : memref<2x4x64x128xf32, #tpu.memory_space<vmem>>, vector<16xf32>,
          %parallel_loop3A_495 = arith.addi %add3A_48, %parallel_loop3A_421 : vector<16xi32>
          %parallel_loop3A_496 = arith.constant 16384 : i32
          %parallel_loop3A_497 = vector.broadcast %parallel_loop3A_496 : i32 to vector<16xi32>
          %parallel_loop3A_498 = arith.addi %parallel_loop3A_495, %parallel_loop3A_497 : vector<16xi32>
          tpu.vector_store_idx %arg6[%parallel_loop3A_498], %parallel_loop3A_494 : memref<32768xf32, #tpu.memory_space<vmem>>[vector<16xi32>], vector<16xf32>,
          %parallel_loop3A_499 = arith.constant 1 : i32
          %parallel_loop3A_500 = arith.constant 3 : i32
          %parallel_loop3A_501 = arith.index_cast %parallel_loop3A_499 : i32 to index
          %parallel_loop3A_502 = arith.index_cast %parallel_loop3A_500 : i32 to index
          %parallel_loop3A_503 = arith.index_cast %parallel_loop3A_417 : i32 to index
          %parallel_loop3A_504 = arith.constant 112 : index
          %parallel_loop3A_505 = tpu.vector_load %arg5[%parallel_loop3A_501, %parallel_loop3A_502, %parallel_loop3A_503, %parallel_loop3A_504] {strides = array<i32>} : memref<2x4x64x128xf32, #tpu.memory_space<vmem>>, vector<16xf32>,
          %parallel_loop3A_506 = arith.addi %add3A_54, %parallel_loop3A_421 : vector<16xi32>
          %parallel_loop3A_507 = arith.constant 16384 : i32
          %parallel_loop3A_508 = vector.broadcast %parallel_loop3A_507 : i32 to vector<16xi32>
          %parallel_loop3A_509 = arith.addi %parallel_loop3A_506, %parallel_loop3A_508 : vector<16xi32>
          tpu.vector_store_idx %arg6[%parallel_loop3A_509], %parallel_loop3A_505 : memref<32768xf32, #tpu.memory_space<vmem>>[vector<16xi32>], vector<16xf32>,
        } {sc.loop_unroll_factor = 2 : i64, sc.parallel_access}
        %mul3A_307 = arith.constant 4 : i32
        %mul3A_308 = arith.muli %add3A_93, %mul3A_307 : i32
        %add3A_309 = arith.constant 3 : i32
        %add3A_310 = arith.addi %mul3A_308, %add3A_309 : i32
        %mul3A_311 = arith.constant 128 : i32
        %mul3A_312 = arith.muli %add3A_310, %mul3A_311 : i32
        %mul3A_313 = arith.constant 128 : i32
        %mul3A_314 = arith.muli %mul3A_312, %mul3A_313 : i32
        %dma_start3A_315 = arith.constant 16384 : i32
        %dma_start3A_316 = tpu.memref_slice %arg6[%dma_start3A_315] : memref<32768xf32, #tpu.memory_space<vmem>> -> memref<16384xf32, #tpu.memory_space<vmem>>
        %dma_start3A_317 = tpu.memref_slice %arg4[%mul3A_314] : memref<128008192xf32, #tpu.memory_space<hbm>> -> memref<16384xf32, #tpu.memory_space<hbm>>
        %dma_start3A_318 = tpu.memref_slice %arg4[%mul3A_314] : memref<128008192xf32, #tpu.memory_space<hbm>> -> memref<16384xf32, #tpu.memory_space<hbm>>
        %dma_start3A_319 = arith.constant 16384 : i32
        %dma_start3A_320 = tpu.memref_slice %arg6[%dma_start3A_319] : memref<32768xf32, #tpu.memory_space<vmem>> -> memref<16384xf32, #tpu.memory_space<vmem>>
        tpu.enqueue_dma source(%dma_start3A_320 : memref<16384xf32, #tpu.memory_space<vmem>>) target(%dma_start3A_318 : memref<16384xf32, #tpu.memory_space<hbm>>) target_semaphore(%arg8 : memref<!tpu.dma_semaphore, #tpu.memory_space<semaphore_mem>>)
      } else {
      }
    }
    %scan3A_58 = arith.constant 31 : i32
    %dma_wait3A = arith.constant 0 : i32
    %dma_wait3A_59 = tpu.memref_slice %arg6[%dma_wait3A] : memref<32768xf32, #tpu.memory_space<vmem>> -> memref<16384xf32, #tpu.memory_space<vmem>>
    %dma_wait3A_60 = arith.constant 0 : i32
    %dma_wait3A_61 = tpu.memref_slice %arg4[%dma_wait3A_60] : memref<128008192xf32, #tpu.memory_space<hbm>> -> memref<16384xf32, #tpu.memory_space<hbm>>
    %dma_wait3A_62 = arith.constant 0 : i32
    %dma_wait3A_63 = tpu.memref_slice %arg6[%dma_wait3A_62] : memref<32768xf32, #tpu.memory_space<vmem>> -> memref<16384xf32, #tpu.memory_space<vmem>>
    %dma_wait3A_64 = arith.constant 0 : i32
    %dma_wait3A_65 = tpu.memref_slice %arg4[%dma_wait3A_64] : memref<128008192xf32, #tpu.memory_space<hbm>> -> memref<16384xf32, #tpu.memory_space<hbm>>
    tpu.wait_dma2 semaphore(%arg8 : memref<!tpu.dma_semaphore, #tpu.memory_space<semaphore_mem>>) src(%dma_wait3A_65 : memref<16384xf32, #tpu.memory_space<hbm>>) dst(%dma_wait3A_63 : memref<16384xf32, #tpu.memory_space<vmem>>)
    %dma_wait3A_66 = arith.constant 16384 : i32
    %dma_wait3A_67 = tpu.memref_slice %arg6[%dma_wait3A_66] : memref<32768xf32, #tpu.memory_space<vmem>> -> memref<16384xf32, #tpu.memory_space<vmem>>
    %dma_wait3A_68 = arith.constant 0 : i32
    %dma_wait3A_69 = tpu.memref_slice %arg4[%dma_wait3A_68] : memref<128008192xf32, #tpu.memory_space<hbm>> -> memref<16384xf32, #tpu.memory_space<hbm>>
    %dma_wait3A_70 = arith.constant 16384 : i32
    %dma_wait3A_71 = tpu.memref_slice %arg6[%dma_wait3A_70] : memref<32768xf32, #tpu.memory_space<vmem>> -> memref<16384xf32, #tpu.memory_space<vmem>>
    %dma_wait3A_72 = arith.constant 0 : i32
    %dma_wait3A_73 = tpu.memref_slice %arg4[%dma_wait3A_72] : memref<128008192xf32, #tpu.memory_space<hbm>> -> memref<16384xf32, #tpu.memory_space<hbm>>
    tpu.wait_dma2 semaphore(%arg8 : memref<!tpu.dma_semaphore, #tpu.memory_space<semaphore_mem>>) src(%dma_wait3A_73 : memref<16384xf32, #tpu.memory_space<hbm>>) dst(%dma_wait3A_71 : memref<16384xf32, #tpu.memory_space<vmem>>)
    %eq3A = arith.constant 31 : i32
    %eq3A_74 = arith.cmpi eq, %add3A, %eq3A : i32
    %convert_element_type3A = arith.extui %eq3A_74 : i1 to i32
    %cond3A = arith.constant 0 : i32
    %cond3A_75 = arith.cmpi ne, %convert_element_type3A, %cond3A : i32
    scf.if %cond3A_75 {
      "tpu.region"() ({
        %run_scoped3A = tpu.sem_alloc : memref<!tpu.dma_semaphore, #tpu.memory_space<semaphore_mem>>
        %dma_start3A = arith.constant 0 : i32
        %dma_start3A_76 = tpu.memref_slice %arg6[%dma_start3A] : memref<32768xf32, #tpu.memory_space<vmem>> -> memref<16384xf32, #tpu.memory_space<vmem>>
        %dma_start3A_77 = arith.constant 0 : i32
        %dma_start3A_78 = tpu.memref_slice %arg6[%dma_start3A_77] : memref<32768xf32, #tpu.memory_space<vmem>> -> memref<16384xf32, #tpu.memory_space<vmem>>
        tpu.enqueue_dma source(%arg3 : memref<16384xf32, #tpu.memory_space<hbm>>) target(%dma_start3A_78 : memref<16384xf32, #tpu.memory_space<vmem>>) target_semaphore(%run_scoped3A : memref<!tpu.dma_semaphore, #tpu.memory_space<semaphore_mem>>)
        %dma_wait3A_79 = arith.constant 0 : i32
        %dma_wait3A_80 = tpu.memref_slice %arg6[%dma_wait3A_79] : memref<32768xf32, #tpu.memory_space<vmem>> -> memref<16384xf32, #tpu.memory_space<vmem>>
        %dma_wait3A_81 = arith.constant 0 : i32
        %dma_wait3A_82 = tpu.memref_slice %arg6[%dma_wait3A_81] : memref<32768xf32, #tpu.memory_space<vmem>> -> memref<16384xf32, #tpu.memory_space<vmem>>
        tpu.wait_dma2 semaphore(%run_scoped3A : memref<!tpu.dma_semaphore, #tpu.memory_space<semaphore_mem>>) src(%arg3 : memref<16384xf32, #tpu.memory_space<hbm>>) dst(%dma_wait3A_82 : memref<16384xf32, #tpu.memory_space<vmem>>)
        tpu.yield
      }) : () -> ()
      "tpu.region"() ({
        %run_scoped3A = tpu.sem_alloc : memref<!tpu.dma_semaphore, #tpu.memory_space<semaphore_mem>>
        %dma_start3A = arith.constant 0 : i32
        %dma_start3A_76 = tpu.memref_slice %arg6[%dma_start3A] : memref<32768xf32, #tpu.memory_space<vmem>> -> memref<16384xf32, #tpu.memory_space<vmem>>
        %dma_start3A_77 = arith.constant 127991808 : i32
        %dma_start3A_78 = tpu.memref_slice %arg4[%dma_start3A_77] : memref<128008192xf32, #tpu.memory_space<hbm>> -> memref<16384xf32, #tpu.memory_space<hbm>>
        %dma_start3A_79 = arith.constant 127991808 : i32
        %dma_start3A_80 = tpu.memref_slice %arg4[%dma_start3A_79] : memref<128008192xf32, #tpu.memory_space<hbm>> -> memref<16384xf32, #tpu.memory_space<hbm>>
        %dma_start3A_81 = arith.constant 0 : i32
        %dma_start3A_82 = tpu.memref_slice %arg6[%dma_start3A_81] : memref<32768xf32, #tpu.memory_space<vmem>> -> memref<16384xf32, #tpu.memory_space<vmem>>
        tpu.enqueue_dma source(%dma_start3A_82 : memref<16384xf32, #tpu.memory_space<vmem>>) target(%dma_start3A_80 : memref<16384xf32, #tpu.memory_space<hbm>>) target_semaphore(%run_scoped3A : memref<!tpu.dma_semaphore, #tpu.memory_space<semaphore_mem>>)
        %dma_wait3A_83 = arith.constant 0 : i32
        %dma_wait3A_84 = tpu.memref_slice %arg6[%dma_wait3A_83] : memref<32768xf32, #tpu.memory_space<vmem>> -> memref<16384xf32, #tpu.memory_space<vmem>>
        %dma_wait3A_85 = arith.constant 127991808 : i32
        %dma_wait3A_86 = tpu.memref_slice %arg4[%dma_wait3A_85] : memref<128008192xf32, #tpu.memory_space<hbm>> -> memref<16384xf32, #tpu.memory_space<hbm>>
        %dma_wait3A_87 = arith.constant 127991808 : i32
        %dma_wait3A_88 = tpu.memref_slice %arg4[%dma_wait3A_87] : memref<128008192xf32, #tpu.memory_space<hbm>> -> memref<16384xf32, #tpu.memory_space<hbm>>
        %dma_wait3A_89 = arith.constant 0 : i32
        %dma_wait3A_90 = tpu.memref_slice %arg6[%dma_wait3A_89] : memref<32768xf32, #tpu.memory_space<vmem>> -> memref<16384xf32, #tpu.memory_space<vmem>>
        tpu.wait_dma2 semaphore(%run_scoped3A : memref<!tpu.dma_semaphore, #tpu.memory_space<semaphore_mem>>) src(%dma_wait3A_90 : memref<16384xf32, #tpu.memory_space<vmem>>) dst(%dma_wait3A_88 : memref<16384xf32, #tpu.memory_space<hbm>>)
        tpu.yield
      }) : () -> ()
    } else {
    }
    return
  }
}

#map = affine_map<(d0, d1) -> (0, 0)>
module attributes {stable_mosaic.version = 14 : i64} {
  func.func @k(%arg0: i32, %arg1: i32, %arg2: memref<25600x128xi32, #tpu.memory_space<hbm>>, %arg3: memref<1000064x128xf32, #tpu.memory_space<hbm>>, %arg4: memref<3276800x128xf32, #tpu.memory_space<hbm>>, %arg5: memref<32x128xi32, #tpu.memory_space<vmem>>, %arg6: memref<2x256x128xf32, #tpu.memory_space<vmem>>, %arg7: memref<!tpu.dma_semaphore, #tpu.memory_space<semaphore_mem>>, %arg8: memref<!tpu.dma_semaphore, #tpu.memory_space<semaphore_mem>>) attributes {dimension_semantics = [#tpu.dimension_semantics<core_parallel>, #tpu.dimension_semantics<subcore_parallel>], iteration_bounds = array<i64: 2, 16>, scalar_prefetch = 0 : i64, scratch_operands = 4 : i64, tpu.core_type = #tpu.core_type<sc_vector_subcore>, window_params = [{transform_indices = #map}, {transform_indices = #map}, {transform_indices = #map}]} {
    %mul3A = arith.constant 2 : i32
    %mul3A_0 = arith.muli %arg1, %mul3A : i32
    %add3A = arith.addi %mul3A_0, %arg0 : i32
    %mul3A_1 = arith.constant 800 : i32
    %mul3A_2 = arith.muli %add3A, %mul3A_1 : i32
    %mul3A_3 = arith.constant 102400 : i32
    %mul3A_4 = arith.muli %add3A, %mul3A_3 : i32
    %scan3A = arith.constant 0 : i32
    %scan3A_5 = arith.constant 25 : i32
    %scan3A_6 = arith.addi %scan3A, %scan3A_5 : i32
    %scan3A_7 = arith.constant 1 : i32
    scf.for %scan3A_34 = %scan3A to %scan3A_6 step %scan3A_7  : i32 {
      %mul3A_35 = arith.constant 1 : i32
      %mul3A_36 = arith.muli %scan3A_34, %mul3A_35 : i32
      %add3A_37 = arith.constant 0 : i32
      %add3A_38 = arith.addi %add3A_37, %mul3A_36 : i32
      %mul3A_39 = arith.constant 16 : i32
      %mul3A_40 = arith.muli %add3A_38, %mul3A_39 : i32
      %mul3A_41 = arith.constant 2 : i32
      %mul3A_42 = arith.muli %mul3A_40, %mul3A_41 : i32
      %add3A_43 = arith.addi %mul3A_2, %mul3A_42 : i32
      "tpu.region"() ({
        %run_scoped3A = tpu.sem_alloc : memref<!tpu.dma_semaphore, #tpu.memory_space<semaphore_mem>>
        %dma_start3A = arith.constant 0 : i32
        %dma_start3A_49 = tpu.memref_slice %arg2[%add3A_43, %dma_start3A] : memref<25600x128xi32, #tpu.memory_space<hbm>> -> memref<32x128xi32, #tpu.memory_space<hbm>>
        %dma_start3A_50 = arith.constant 0 : i32
        %dma_start3A_51 = tpu.memref_slice %arg2[%add3A_43, %dma_start3A_50] : memref<25600x128xi32, #tpu.memory_space<hbm>> -> memref<32x128xi32, #tpu.memory_space<hbm>>
        tpu.enqueue_dma source(%dma_start3A_51 : memref<32x128xi32, #tpu.memory_space<hbm>>) target(%arg5 : memref<32x128xi32, #tpu.memory_space<vmem>>) target_semaphore(%run_scoped3A : memref<!tpu.dma_semaphore, #tpu.memory_space<semaphore_mem>>)
        %dma_wait3A_52 = arith.constant 0 : i32
        %dma_wait3A_53 = tpu.memref_slice %arg2[%add3A_43, %dma_wait3A_52] : memref<25600x128xi32, #tpu.memory_space<hbm>> -> memref<32x128xi32, #tpu.memory_space<hbm>>
        %dma_wait3A_54 = arith.constant 0 : i32
        %dma_wait3A_55 = tpu.memref_slice %arg2[%add3A_43, %dma_wait3A_54] : memref<25600x128xi32, #tpu.memory_space<hbm>> -> memref<32x128xi32, #tpu.memory_space<hbm>>
        tpu.wait_dma2 semaphore(%run_scoped3A : memref<!tpu.dma_semaphore, #tpu.memory_space<semaphore_mem>>) src(%dma_wait3A_55 : memref<32x128xi32, #tpu.memory_space<hbm>>) dst(%arg5 : memref<32x128xi32, #tpu.memory_space<vmem>>)
        tpu.yield
      }) : () -> ()
      %scan3A_44 = arith.constant 0 : i32
      %scan3A_45 = arith.constant 8 : i32
      %scan3A_46 = arith.addi %scan3A_44, %scan3A_45 : i32
      %scan3A_47 = arith.constant 1 : i32
      scf.for %scan3A_49 = %scan3A_44 to %scan3A_46 step %scan3A_47  : i32 {
        %mul3A_50 = arith.constant 2 : i32
        %mul3A_51 = arith.muli %scan3A_49, %mul3A_50 : i32
        %add3A_52 = arith.constant 0 : i32
        %add3A_53 = arith.addi %add3A_52, %mul3A_51 : i32
        %add3A_54 = arith.constant 0 : i32
        %add3A_55 = arith.addi %add3A_53, %add3A_54 : i32
        %add3A_56 = arith.addi %mul3A_40, %add3A_55 : i32
        %ge3A = arith.constant 2 : i32
        %ge3A_57 = arith.cmpi sge, %add3A_56, %ge3A : i32
        %convert_element_type3A = arith.extui %ge3A_57 : i1 to i32
        %cond3A = arith.constant 0 : i32
        %cond3A_58 = arith.cmpi ne, %convert_element_type3A, %cond3A : i32
        scf.if %cond3A_58 {
          %dma_wait3A_202 = arith.constant 0 : i32
          %dma_wait3A_203 = arith.constant 0 : i32
          %dma_wait3A_204 = arith.constant 0 : i32
          %dma_wait3A_205 = tpu.memref_slice %arg6[%dma_wait3A_202, %dma_wait3A_203, %dma_wait3A_204] : memref<2x256x128xf32, #tpu.memory_space<vmem>> -> memref<1x256x128xf32, #tpu.memory_space<vmem>>
          %dma_wait3A_206 = tpu.memref_squeeze %dma_wait3A_205 : memref<1x256x128xf32, #tpu.memory_space<vmem>> -> memref<256x128xf32, #tpu.memory_space<vmem>>
          %dma_wait3A_207 = arith.constant 0 : i32
          %dma_wait3A_208 = tpu.memref_slice %arg4[%mul3A_4, %dma_wait3A_207] : memref<3276800x128xf32, #tpu.memory_space<hbm>> -> memref<256x128xf32, #tpu.memory_space<hbm>>
          %dma_wait3A_209 = arith.constant 0 : i32
          %dma_wait3A_210 = arith.constant 0 : i32
          %dma_wait3A_211 = tpu.memref_slice %arg6[%dma_wait3A_202, %dma_wait3A_209, %dma_wait3A_210] : memref<2x256x128xf32, #tpu.memory_space<vmem>> -> memref<1x256x128xf32, #tpu.memory_space<vmem>>
          %dma_wait3A_212 = tpu.memref_squeeze %dma_wait3A_211 : memref<1x256x128xf32, #tpu.memory_space<vmem>> -> memref<256x128xf32, #tpu.memory_space<vmem>>
          %dma_wait3A_213 = arith.constant 0 : i32
          %dma_wait3A_214 = tpu.memref_slice %arg4[%mul3A_4, %dma_wait3A_213] : memref<3276800x128xf32, #tpu.memory_space<hbm>> -> memref<256x128xf32, #tpu.memory_space<hbm>>
          tpu.wait_dma2 semaphore(%arg8 : memref<!tpu.dma_semaphore, #tpu.memory_space<semaphore_mem>>) src(%dma_wait3A_214 : memref<256x128xf32, #tpu.memory_space<hbm>>) dst(%dma_wait3A_212 : memref<256x128xf32, #tpu.memory_space<vmem>>)
        } else {
        }
        %mul3A_59 = arith.constant 2 : i32
        %mul3A_60 = arith.muli %add3A_55, %mul3A_59 : i32
        %add3A_61 = arith.constant 0 : i32
        %add3A_62 = arith.addi %mul3A_60, %add3A_61 : i32
        %dma_start3A = arith.constant 0 : i32
        %dma_start3A_63 = arith.constant 0 : i32
        %dma_start3A_64 = arith.constant 0 : i32
        %dma_start3A_65 = tpu.memref_slice %arg6[%dma_start3A, %dma_start3A_63, %dma_start3A_64] : memref<2x256x128xf32, #tpu.memory_space<vmem>> -> memref<1x128x128xf32, #tpu.memory_space<vmem>>
        %dma_start3A_66 = tpu.memref_squeeze %dma_start3A_65 : memref<1x128x128xf32, #tpu.memory_space<vmem>> -> memref<128x128xf32, #tpu.memory_space<vmem>>
        %dma_start3A_67 = arith.constant 0 : i32
        %dma_start3A_68 = tpu.memref_slice %arg5[%add3A_62, %dma_start3A_67] : memref<32x128xi32, #tpu.memory_space<vmem>> -> memref<1x128xi32, #tpu.memory_space<vmem>>
        %dma_start3A_69 = tpu.memref_squeeze %dma_start3A_68 : memref<1x128xi32, #tpu.memory_space<vmem>> -> memref<128xi32, #tpu.memory_space<vmem>>
        %dma_start3A_70 = arith.constant 0 : i32
        %dma_start3A_71 = arith.constant 0 : i32
        %dma_start3A_72 = tpu.memref_slice %arg3[%dma_start3A_70, %dma_start3A_71] : memref<1000064x128xf32, #tpu.memory_space<hbm>> -> memref<1000064x128xf32, #tpu.memory_space<hbm>>
        tpu.enqueue_indirect_dma source(%dma_start3A_72 : memref<1000064x128xf32, #tpu.memory_space<hbm>>) target(%dma_start3A_66 : memref<128x128xf32, #tpu.memory_space<vmem>>) offsets(%dma_start3A_69 : memref<128xi32, #tpu.memory_space<vmem>>) semaphore(%arg7 : memref<!tpu.dma_semaphore, #tpu.memory_space<semaphore_mem>>)
        %mul3A_73 = arith.constant 2 : i32
        %mul3A_74 = arith.muli %add3A_55, %mul3A_73 : i32
        %add3A_75 = arith.constant 1 : i32
        %add3A_76 = arith.addi %mul3A_74, %add3A_75 : i32
        %dma_start3A_77 = arith.constant 0 : i32
        %dma_start3A_78 = arith.constant 128 : i32
        %dma_start3A_79 = arith.constant 0 : i32
        %dma_start3A_80 = tpu.memref_slice %arg6[%dma_start3A_77, %dma_start3A_78, %dma_start3A_79] : memref<2x256x128xf32, #tpu.memory_space<vmem>> -> memref<1x128x128xf32, #tpu.memory_space<vmem>>
        %dma_start3A_81 = tpu.memref_squeeze %dma_start3A_80 : memref<1x128x128xf32, #tpu.memory_space<vmem>> -> memref<128x128xf32, #tpu.memory_space<vmem>>
        %dma_start3A_82 = arith.constant 0 : i32
        %dma_start3A_83 = tpu.memref_slice %arg5[%add3A_76, %dma_start3A_82] : memref<32x128xi32, #tpu.memory_space<vmem>> -> memref<1x128xi32, #tpu.memory_space<vmem>>
        %dma_start3A_84 = tpu.memref_squeeze %dma_start3A_83 : memref<1x128xi32, #tpu.memory_space<vmem>> -> memref<128xi32, #tpu.memory_space<vmem>>
        %dma_start3A_85 = arith.constant 0 : i32
        %dma_start3A_86 = arith.constant 0 : i32
        %dma_start3A_87 = tpu.memref_slice %arg3[%dma_start3A_85, %dma_start3A_86] : memref<1000064x128xf32, #tpu.memory_space<hbm>> -> memref<1000064x128xf32, #tpu.memory_space<hbm>>
        tpu.enqueue_indirect_dma source(%dma_start3A_87 : memref<1000064x128xf32, #tpu.memory_space<hbm>>) target(%dma_start3A_81 : memref<128x128xf32, #tpu.memory_space<vmem>>) offsets(%dma_start3A_84 : memref<128xi32, #tpu.memory_space<vmem>>) semaphore(%arg7 : memref<!tpu.dma_semaphore, #tpu.memory_space<semaphore_mem>>)
        %dma_wait3A_88 = arith.constant 0 : i32
        %dma_wait3A_89 = arith.constant 0 : i32
        %dma_wait3A_90 = arith.constant 0 : i32
        %dma_wait3A_91 = tpu.memref_slice %arg6[%dma_wait3A_88, %dma_wait3A_89, %dma_wait3A_90] : memref<2x256x128xf32, #tpu.memory_space<vmem>> -> memref<1x128x128xf32, #tpu.memory_space<vmem>>
        %dma_wait3A_92 = tpu.memref_squeeze %dma_wait3A_91 : memref<1x128x128xf32, #tpu.memory_space<vmem>> -> memref<128x128xf32, #tpu.memory_space<vmem>>
        %dma_wait3A_93 = arith.constant 0 : i32
        %dma_wait3A_94 = tpu.memref_slice %arg5[%add3A_62, %dma_wait3A_93] : memref<32x128xi32, #tpu.memory_space<vmem>> -> memref<1x128xi32, #tpu.memory_space<vmem>>
        %dma_wait3A_95 = tpu.memref_squeeze %dma_wait3A_94 : memref<1x128xi32, #tpu.memory_space<vmem>> -> memref<128xi32, #tpu.memory_space<vmem>>
        %dma_wait3A_96 = arith.constant 0 : i32
        %dma_wait3A_97 = arith.constant 0 : i32
        %dma_wait3A_98 = tpu.memref_slice %arg3[%dma_wait3A_96, %dma_wait3A_97] : memref<1000064x128xf32, #tpu.memory_space<hbm>> -> memref<1000064x128xf32, #tpu.memory_space<hbm>>
        tpu.wait_indirect_dma semaphore(%arg7 : memref<!tpu.dma_semaphore, #tpu.memory_space<semaphore_mem>>) src(%dma_wait3A_98 : memref<1000064x128xf32, #tpu.memory_space<hbm>>) dst(%dma_wait3A_92 : memref<128x128xf32, #tpu.memory_space<vmem>>)
        %dma_wait3A_99 = arith.constant 0 : i32
        %dma_wait3A_100 = arith.constant 128 : i32
        %dma_wait3A_101 = arith.constant 0 : i32
        %dma_wait3A_102 = tpu.memref_slice %arg6[%dma_wait3A_99, %dma_wait3A_100, %dma_wait3A_101] : memref<2x256x128xf32, #tpu.memory_space<vmem>> -> memref<1x128x128xf32, #tpu.memory_space<vmem>>
        %dma_wait3A_103 = tpu.memref_squeeze %dma_wait3A_102 : memref<1x128x128xf32, #tpu.memory_space<vmem>> -> memref<128x128xf32, #tpu.memory_space<vmem>>
        %dma_wait3A_104 = arith.constant 0 : i32
        %dma_wait3A_105 = tpu.memref_slice %arg5[%add3A_76, %dma_wait3A_104] : memref<32x128xi32, #tpu.memory_space<vmem>> -> memref<1x128xi32, #tpu.memory_space<vmem>>
        %dma_wait3A_106 = tpu.memref_squeeze %dma_wait3A_105 : memref<1x128xi32, #tpu.memory_space<vmem>> -> memref<128xi32, #tpu.memory_space<vmem>>
        %dma_wait3A_107 = arith.constant 0 : i32
        %dma_wait3A_108 = arith.constant 0 : i32
        %dma_wait3A_109 = tpu.memref_slice %arg3[%dma_wait3A_107, %dma_wait3A_108] : memref<1000064x128xf32, #tpu.memory_space<hbm>> -> memref<1000064x128xf32, #tpu.memory_space<hbm>>
        tpu.wait_indirect_dma semaphore(%arg7 : memref<!tpu.dma_semaphore, #tpu.memory_space<semaphore_mem>>) src(%dma_wait3A_109 : memref<1000064x128xf32, #tpu.memory_space<hbm>>) dst(%dma_wait3A_103 : memref<128x128xf32, #tpu.memory_space<vmem>>)
        %mul3A_110 = arith.constant 256 : i32
        %mul3A_111 = arith.muli %add3A_56, %mul3A_110 : i32
        %add3A_112 = arith.addi %mul3A_4, %mul3A_111 : i32
        %dma_start3A_113 = arith.constant 0 : i32
        %dma_start3A_114 = arith.constant 0 : i32
        %dma_start3A_115 = arith.constant 0 : i32
        %dma_start3A_116 = tpu.memref_slice %arg6[%dma_start3A_113, %dma_start3A_114, %dma_start3A_115] : memref<2x256x128xf32, #tpu.memory_space<vmem>> -> memref<1x256x128xf32, #tpu.memory_space<vmem>>
        %dma_start3A_117 = tpu.memref_squeeze %dma_start3A_116 : memref<1x256x128xf32, #tpu.memory_space<vmem>> -> memref<256x128xf32, #tpu.memory_space<vmem>>
        %dma_start3A_118 = arith.constant 0 : i32
        %dma_start3A_119 = tpu.memref_slice %arg4[%add3A_112, %dma_start3A_118] : memref<3276800x128xf32, #tpu.memory_space<hbm>> -> memref<256x128xf32, #tpu.memory_space<hbm>>
        %dma_start3A_120 = arith.constant 0 : i32
        %dma_start3A_121 = tpu.memref_slice %arg4[%add3A_112, %dma_start3A_120] : memref<3276800x128xf32, #tpu.memory_space<hbm>> -> memref<256x128xf32, #tpu.memory_space<hbm>>
        %dma_start3A_122 = arith.constant 0 : i32
        %dma_start3A_123 = arith.constant 0 : i32
        %dma_start3A_124 = tpu.memref_slice %arg6[%dma_start3A_113, %dma_start3A_122, %dma_start3A_123] : memref<2x256x128xf32, #tpu.memory_space<vmem>> -> memref<1x256x128xf32, #tpu.memory_space<vmem>>
        %dma_start3A_125 = tpu.memref_squeeze %dma_start3A_124 : memref<1x256x128xf32, #tpu.memory_space<vmem>> -> memref<256x128xf32, #tpu.memory_space<vmem>>
        tpu.enqueue_dma source(%dma_start3A_125 : memref<256x128xf32, #tpu.memory_space<vmem>>) target(%dma_start3A_121 : memref<256x128xf32, #tpu.memory_space<hbm>>) target_semaphore(%arg8 : memref<!tpu.dma_semaphore, #tpu.memory_space<semaphore_mem>>)
        %add3A_126 = arith.constant 1 : i32
        %add3A_127 = arith.addi %add3A_53, %add3A_126 : i32
        %add3A_128 = arith.addi %mul3A_40, %add3A_127 : i32
        %ge3A_129 = arith.constant 2 : i32
        %ge3A_130 = arith.cmpi sge, %add3A_128, %ge3A_129 : i32
        %convert_element_type3A_131 = arith.extui %ge3A_130 : i1 to i32
        %cond3A_132 = arith.constant 0 : i32
        %cond3A_133 = arith.cmpi ne, %convert_element_type3A_131, %cond3A_132 : i32
        scf.if %cond3A_133 {
          %dma_wait3A_202 = arith.constant 1 : i32
          %dma_wait3A_203 = arith.constant 0 : i32
          %dma_wait3A_204 = arith.constant 0 : i32
          %dma_wait3A_205 = tpu.memref_slice %arg6[%dma_wait3A_202, %dma_wait3A_203, %dma_wait3A_204] : memref<2x256x128xf32, #tpu.memory_space<vmem>> -> memref<1x256x128xf32, #tpu.memory_space<vmem>>
          %dma_wait3A_206 = tpu.memref_squeeze %dma_wait3A_205 : memref<1x256x128xf32, #tpu.memory_space<vmem>> -> memref<256x128xf32, #tpu.memory_space<vmem>>
          %dma_wait3A_207 = arith.constant 0 : i32
          %dma_wait3A_208 = tpu.memref_slice %arg4[%mul3A_4, %dma_wait3A_207] : memref<3276800x128xf32, #tpu.memory_space<hbm>> -> memref<256x128xf32, #tpu.memory_space<hbm>>
          %dma_wait3A_209 = arith.constant 0 : i32
          %dma_wait3A_210 = arith.constant 0 : i32
          %dma_wait3A_211 = tpu.memref_slice %arg6[%dma_wait3A_202, %dma_wait3A_209, %dma_wait3A_210] : memref<2x256x128xf32, #tpu.memory_space<vmem>> -> memref<1x256x128xf32, #tpu.memory_space<vmem>>
          %dma_wait3A_212 = tpu.memref_squeeze %dma_wait3A_211 : memref<1x256x128xf32, #tpu.memory_space<vmem>> -> memref<256x128xf32, #tpu.memory_space<vmem>>
          %dma_wait3A_213 = arith.constant 0 : i32
          %dma_wait3A_214 = tpu.memref_slice %arg4[%mul3A_4, %dma_wait3A_213] : memref<3276800x128xf32, #tpu.memory_space<hbm>> -> memref<256x128xf32, #tpu.memory_space<hbm>>
          tpu.wait_dma2 semaphore(%arg8 : memref<!tpu.dma_semaphore, #tpu.memory_space<semaphore_mem>>) src(%dma_wait3A_214 : memref<256x128xf32, #tpu.memory_space<hbm>>) dst(%dma_wait3A_212 : memref<256x128xf32, #tpu.memory_space<vmem>>)
        } else {
        }
        %mul3A_134 = arith.constant 2 : i32
        %mul3A_135 = arith.muli %add3A_127, %mul3A_134 : i32
        %add3A_136 = arith.constant 0 : i32
        %add3A_137 = arith.addi %mul3A_135, %add3A_136 : i32
        %dma_start3A_138 = arith.constant 1 : i32
        %dma_start3A_139 = arith.constant 0 : i32
        %dma_start3A_140 = arith.constant 0 : i32
        %dma_start3A_141 = tpu.memref_slice %arg6[%dma_start3A_138, %dma_start3A_139, %dma_start3A_140] : memref<2x256x128xf32, #tpu.memory_space<vmem>> -> memref<1x128x128xf32, #tpu.memory_space<vmem>>
        %dma_start3A_142 = tpu.memref_squeeze %dma_start3A_141 : memref<1x128x128xf32, #tpu.memory_space<vmem>> -> memref<128x128xf32, #tpu.memory_space<vmem>>
        %dma_start3A_143 = arith.constant 0 : i32
        %dma_start3A_144 = tpu.memref_slice %arg5[%add3A_137, %dma_start3A_143] : memref<32x128xi32, #tpu.memory_space<vmem>> -> memref<1x128xi32, #tpu.memory_space<vmem>>
        %dma_start3A_145 = tpu.memref_squeeze %dma_start3A_144 : memref<1x128xi32, #tpu.memory_space<vmem>> -> memref<128xi32, #tpu.memory_space<vmem>>
        %dma_start3A_146 = arith.constant 0 : i32
        %dma_start3A_147 = arith.constant 0 : i32
        %dma_start3A_148 = tpu.memref_slice %arg3[%dma_start3A_146, %dma_start3A_147] : memref<1000064x128xf32, #tpu.memory_space<hbm>> -> memref<1000064x128xf32, #tpu.memory_space<hbm>>
        tpu.enqueue_indirect_dma source(%dma_start3A_148 : memref<1000064x128xf32, #tpu.memory_space<hbm>>) target(%dma_start3A_142 : memref<128x128xf32, #tpu.memory_space<vmem>>) offsets(%dma_start3A_145 : memref<128xi32, #tpu.memory_space<vmem>>) semaphore(%arg7 : memref<!tpu.dma_semaphore, #tpu.memory_space<semaphore_mem>>)
        %mul3A_149 = arith.constant 2 : i32
        %mul3A_150 = arith.muli %add3A_127, %mul3A_149 : i32
        %add3A_151 = arith.constant 1 : i32
        %add3A_152 = arith.addi %mul3A_150, %add3A_151 : i32
        %dma_start3A_153 = arith.constant 1 : i32
        %dma_start3A_154 = arith.constant 128 : i32
        %dma_start3A_155 = arith.constant 0 : i32
        %dma_start3A_156 = tpu.memref_slice %arg6[%dma_start3A_153, %dma_start3A_154, %dma_start3A_155] : memref<2x256x128xf32, #tpu.memory_space<vmem>> -> memref<1x128x128xf32, #tpu.memory_space<vmem>>
        %dma_start3A_157 = tpu.memref_squeeze %dma_start3A_156 : memref<1x128x128xf32, #tpu.memory_space<vmem>> -> memref<128x128xf32, #tpu.memory_space<vmem>>
        %dma_start3A_158 = arith.constant 0 : i32
        %dma_start3A_159 = tpu.memref_slice %arg5[%add3A_152, %dma_start3A_158] : memref<32x128xi32, #tpu.memory_space<vmem>> -> memref<1x128xi32, #tpu.memory_space<vmem>>
        %dma_start3A_160 = tpu.memref_squeeze %dma_start3A_159 : memref<1x128xi32, #tpu.memory_space<vmem>> -> memref<128xi32, #tpu.memory_space<vmem>>
        %dma_start3A_161 = arith.constant 0 : i32
        %dma_start3A_162 = arith.constant 0 : i32
        %dma_start3A_163 = tpu.memref_slice %arg3[%dma_start3A_161, %dma_start3A_162] : memref<1000064x128xf32, #tpu.memory_space<hbm>> -> memref<1000064x128xf32, #tpu.memory_space<hbm>>
        tpu.enqueue_indirect_dma source(%dma_start3A_163 : memref<1000064x128xf32, #tpu.memory_space<hbm>>) target(%dma_start3A_157 : memref<128x128xf32, #tpu.memory_space<vmem>>) offsets(%dma_start3A_160 : memref<128xi32, #tpu.memory_space<vmem>>) semaphore(%arg7 : memref<!tpu.dma_semaphore, #tpu.memory_space<semaphore_mem>>)
        %dma_wait3A_164 = arith.constant 1 : i32
        %dma_wait3A_165 = arith.constant 0 : i32
        %dma_wait3A_166 = arith.constant 0 : i32
        %dma_wait3A_167 = tpu.memref_slice %arg6[%dma_wait3A_164, %dma_wait3A_165, %dma_wait3A_166] : memref<2x256x128xf32, #tpu.memory_space<vmem>> -> memref<1x128x128xf32, #tpu.memory_space<vmem>>
        %dma_wait3A_168 = tpu.memref_squeeze %dma_wait3A_167 : memref<1x128x128xf32, #tpu.memory_space<vmem>> -> memref<128x128xf32, #tpu.memory_space<vmem>>
        %dma_wait3A_169 = arith.constant 0 : i32
        %dma_wait3A_170 = tpu.memref_slice %arg5[%add3A_137, %dma_wait3A_169] : memref<32x128xi32, #tpu.memory_space<vmem>> -> memref<1x128xi32, #tpu.memory_space<vmem>>
        %dma_wait3A_171 = tpu.memref_squeeze %dma_wait3A_170 : memref<1x128xi32, #tpu.memory_space<vmem>> -> memref<128xi32, #tpu.memory_space<vmem>>
        %dma_wait3A_172 = arith.constant 0 : i32
        %dma_wait3A_173 = arith.constant 0 : i32
        %dma_wait3A_174 = tpu.memref_slice %arg3[%dma_wait3A_172, %dma_wait3A_173] : memref<1000064x128xf32, #tpu.memory_space<hbm>> -> memref<1000064x128xf32, #tpu.memory_space<hbm>>
        tpu.wait_indirect_dma semaphore(%arg7 : memref<!tpu.dma_semaphore, #tpu.memory_space<semaphore_mem>>) src(%dma_wait3A_174 : memref<1000064x128xf32, #tpu.memory_space<hbm>>) dst(%dma_wait3A_168 : memref<128x128xf32, #tpu.memory_space<vmem>>)
        %dma_wait3A_175 = arith.constant 1 : i32
        %dma_wait3A_176 = arith.constant 128 : i32
        %dma_wait3A_177 = arith.constant 0 : i32
        %dma_wait3A_178 = tpu.memref_slice %arg6[%dma_wait3A_175, %dma_wait3A_176, %dma_wait3A_177] : memref<2x256x128xf32, #tpu.memory_space<vmem>> -> memref<1x128x128xf32, #tpu.memory_space<vmem>>
        %dma_wait3A_179 = tpu.memref_squeeze %dma_wait3A_178 : memref<1x128x128xf32, #tpu.memory_space<vmem>> -> memref<128x128xf32, #tpu.memory_space<vmem>>
        %dma_wait3A_180 = arith.constant 0 : i32
        %dma_wait3A_181 = tpu.memref_slice %arg5[%add3A_152, %dma_wait3A_180] : memref<32x128xi32, #tpu.memory_space<vmem>> -> memref<1x128xi32, #tpu.memory_space<vmem>>
        %dma_wait3A_182 = tpu.memref_squeeze %dma_wait3A_181 : memref<1x128xi32, #tpu.memory_space<vmem>> -> memref<128xi32, #tpu.memory_space<vmem>>
        %dma_wait3A_183 = arith.constant 0 : i32
        %dma_wait3A_184 = arith.constant 0 : i32
        %dma_wait3A_185 = tpu.memref_slice %arg3[%dma_wait3A_183, %dma_wait3A_184] : memref<1000064x128xf32, #tpu.memory_space<hbm>> -> memref<1000064x128xf32, #tpu.memory_space<hbm>>
        tpu.wait_indirect_dma semaphore(%arg7 : memref<!tpu.dma_semaphore, #tpu.memory_space<semaphore_mem>>) src(%dma_wait3A_185 : memref<1000064x128xf32, #tpu.memory_space<hbm>>) dst(%dma_wait3A_179 : memref<128x128xf32, #tpu.memory_space<vmem>>)
        %mul3A_186 = arith.constant 256 : i32
        %mul3A_187 = arith.muli %add3A_128, %mul3A_186 : i32
        %add3A_188 = arith.addi %mul3A_4, %mul3A_187 : i32
        %dma_start3A_189 = arith.constant 1 : i32
        %dma_start3A_190 = arith.constant 0 : i32
        %dma_start3A_191 = arith.constant 0 : i32
        %dma_start3A_192 = tpu.memref_slice %arg6[%dma_start3A_189, %dma_start3A_190, %dma_start3A_191] : memref<2x256x128xf32, #tpu.memory_space<vmem>> -> memref<1x256x128xf32, #tpu.memory_space<vmem>>
        %dma_start3A_193 = tpu.memref_squeeze %dma_start3A_192 : memref<1x256x128xf32, #tpu.memory_space<vmem>> -> memref<256x128xf32, #tpu.memory_space<vmem>>
        %dma_start3A_194 = arith.constant 0 : i32
        %dma_start3A_195 = tpu.memref_slice %arg4[%add3A_188, %dma_start3A_194] : memref<3276800x128xf32, #tpu.memory_space<hbm>> -> memref<256x128xf32, #tpu.memory_space<hbm>>
        %dma_start3A_196 = arith.constant 0 : i32
        %dma_start3A_197 = tpu.memref_slice %arg4[%add3A_188, %dma_start3A_196] : memref<3276800x128xf32, #tpu.memory_space<hbm>> -> memref<256x128xf32, #tpu.memory_space<hbm>>
        %dma_start3A_198 = arith.constant 0 : i32
        %dma_start3A_199 = arith.constant 0 : i32
        %dma_start3A_200 = tpu.memref_slice %arg6[%dma_start3A_189, %dma_start3A_198, %dma_start3A_199] : memref<2x256x128xf32, #tpu.memory_space<vmem>> -> memref<1x256x128xf32, #tpu.memory_space<vmem>>
        %dma_start3A_201 = tpu.memref_squeeze %dma_start3A_200 : memref<1x256x128xf32, #tpu.memory_space<vmem>> -> memref<256x128xf32, #tpu.memory_space<vmem>>
        tpu.enqueue_dma source(%dma_start3A_201 : memref<256x128xf32, #tpu.memory_space<vmem>>) target(%dma_start3A_197 : memref<256x128xf32, #tpu.memory_space<hbm>>) target_semaphore(%arg8 : memref<!tpu.dma_semaphore, #tpu.memory_space<semaphore_mem>>)
      }
      %scan3A_48 = arith.constant 8 : i32
    }
    %scan3A_8 = arith.constant 25 : i32
    %dma_wait3A = arith.constant 0 : i32
    %dma_wait3A_9 = arith.constant 0 : i32
    %dma_wait3A_10 = arith.constant 0 : i32
    %dma_wait3A_11 = tpu.memref_slice %arg6[%dma_wait3A, %dma_wait3A_9, %dma_wait3A_10] : memref<2x256x128xf32, #tpu.memory_space<vmem>> -> memref<1x256x128xf32, #tpu.memory_space<vmem>>
    %dma_wait3A_12 = tpu.memref_squeeze %dma_wait3A_11 : memref<1x256x128xf32, #tpu.memory_space<vmem>> -> memref<256x128xf32, #tpu.memory_space<vmem>>
    %dma_wait3A_13 = arith.constant 0 : i32
    %dma_wait3A_14 = tpu.memref_slice %arg4[%mul3A_4, %dma_wait3A_13] : memref<3276800x128xf32, #tpu.memory_space<hbm>> -> memref<256x128xf32, #tpu.memory_space<hbm>>
    %dma_wait3A_15 = arith.constant 0 : i32
    %dma_wait3A_16 = arith.constant 0 : i32
    %dma_wait3A_17 = tpu.memref_slice %arg6[%dma_wait3A, %dma_wait3A_15, %dma_wait3A_16] : memref<2x256x128xf32, #tpu.memory_space<vmem>> -> memref<1x256x128xf32, #tpu.memory_space<vmem>>
    %dma_wait3A_18 = tpu.memref_squeeze %dma_wait3A_17 : memref<1x256x128xf32, #tpu.memory_space<vmem>> -> memref<256x128xf32, #tpu.memory_space<vmem>>
    %dma_wait3A_19 = arith.constant 0 : i32
    %dma_wait3A_20 = tpu.memref_slice %arg4[%mul3A_4, %dma_wait3A_19] : memref<3276800x128xf32, #tpu.memory_space<hbm>> -> memref<256x128xf32, #tpu.memory_space<hbm>>
    tpu.wait_dma2 semaphore(%arg8 : memref<!tpu.dma_semaphore, #tpu.memory_space<semaphore_mem>>) src(%dma_wait3A_20 : memref<256x128xf32, #tpu.memory_space<hbm>>) dst(%dma_wait3A_18 : memref<256x128xf32, #tpu.memory_space<vmem>>)
    %dma_wait3A_21 = arith.constant 1 : i32
    %dma_wait3A_22 = arith.constant 0 : i32
    %dma_wait3A_23 = arith.constant 0 : i32
    %dma_wait3A_24 = tpu.memref_slice %arg6[%dma_wait3A_21, %dma_wait3A_22, %dma_wait3A_23] : memref<2x256x128xf32, #tpu.memory_space<vmem>> -> memref<1x256x128xf32, #tpu.memory_space<vmem>>
    %dma_wait3A_25 = tpu.memref_squeeze %dma_wait3A_24 : memref<1x256x128xf32, #tpu.memory_space<vmem>> -> memref<256x128xf32, #tpu.memory_space<vmem>>
    %dma_wait3A_26 = arith.constant 0 : i32
    %dma_wait3A_27 = tpu.memref_slice %arg4[%mul3A_4, %dma_wait3A_26] : memref<3276800x128xf32, #tpu.memory_space<hbm>> -> memref<256x128xf32, #tpu.memory_space<hbm>>
    %dma_wait3A_28 = arith.constant 0 : i32
    %dma_wait3A_29 = arith.constant 0 : i32
    %dma_wait3A_30 = tpu.memref_slice %arg6[%dma_wait3A_21, %dma_wait3A_28, %dma_wait3A_29] : memref<2x256x128xf32, #tpu.memory_space<vmem>> -> memref<1x256x128xf32, #tpu.memory_space<vmem>>
    %dma_wait3A_31 = tpu.memref_squeeze %dma_wait3A_30 : memref<1x256x128xf32, #tpu.memory_space<vmem>> -> memref<256x128xf32, #tpu.memory_space<vmem>>
    %dma_wait3A_32 = arith.constant 0 : i32
    %dma_wait3A_33 = tpu.memref_slice %arg4[%mul3A_4, %dma_wait3A_32] : memref<3276800x128xf32, #tpu.memory_space<hbm>> -> memref<256x128xf32, #tpu.memory_space<hbm>>
    tpu.wait_dma2 semaphore(%arg8 : memref<!tpu.dma_semaphore, #tpu.memory_space<semaphore_mem>>) src(%dma_wait3A_33 : memref<256x128xf32, #tpu.memory_space<hbm>>) dst(%dma_wait3A_31 : memref<256x128xf32, #tpu.memory_space<vmem>>)
    return
  }
}

</mosaic_0001>

<sc_bundles>
// kernel: kernel.4.cloned.1.call-start
scs
__scs_entry_jumppad:
0x0: {  	(pc) =	sbr.rel $0x88, $3  }
0x1: {  	(tag) =	ssettag $0x0;
	lr =	simm.s32 $0x1  }
0x2: {  	[smem:$0x3F9F] =	sst lr;
	_ =	strace $0xD0000000  }
0x3: {  	_ = 	snop  }
0x4: {  	_ = 	snop  }
0x5: {  	_ = 	snop  }
0x6: {  	_ = 	snop  }
0x7: {  	_ = 	snop  }
__scs_overlays_trampoline_lowered:
0x8: {  	[smem:$0x3FAE] =	sst s0  }
0x9: {  	[smem:$0x3FAF] =	sst s1  }
0xa: {  	[smem:$0x3FB0] =	sst s2  }
0xb: {  	[smem:$0x3FB1] =	sst s3  }
0xc: {  	[smem:$0x3FB2] =	sst s4  }
0xd: {  	[smem:$0x3FB3] =	sst s5  }
0xe: {  	[smem:$0x3FB4] =	sst s6  }
0xf: {  	[smem:$0x3FB5] =	sst s7  }
0x10: {  	[smem:$0x3FB6] =	sst s8  }
0x11: {  	[smem:$0x3FB7] =	sst s9;
	s0 =	simm.s32 @!p0 $0x0  }
0x12: {  	s1 =	sld [smem:$0x3F9D];
	s0 =	simm.s32 @p0 $0x1  }
0x13: {  	[smem:$0x3FB8] =	sst s0;
	s0 =	simm.s32 @!p1 $0x0  }
0x14: {  	s2 =	sld [smem:$0x3F9C];
	s0 =	simm.s32 @p1 $0x1  }
0x15: {  	[smem:$0x3FB9] =	sst s0;
	s0 =	simm.s32 @!p2 $0x0  }
0x16: {  	s3 =	sld [smem:$0x3FDB];
	s0 =	simm.s32 @p2 $0x1  }
0x17: {  	s4 =	simm.s32 $0x1BF5;
	[smem:$0x3FBB] =	sst s0  }
0x18: {  	s0 =	sld [smem:$0x3F9E];
	_ =	swait.ge [sflag:s4], $0x0  }
0x19: {  	s7 =	sld [smem:$0x3F9F]  }
0x1a: {  	s8 =	sadd.s32 $0xFFFFE003, lr  }
0x1b: {  	s9 =	sadd.s32 $0xFFFFFEF7, lr;
	s5 =	simm.s32 $0xFFFFFFFF;
	p2 =	slt.u32 s8, $0xFFFFF086  }
0x1c: {  	p1 =	slt.u32 s9, $0xF7A;
	s5 =	simm.s32 @!p2 $0x0  }
0x1d: {  	s5 =	simm.s32 @p1 $0x1;
	p0 =	seq.s32 s7, s2  }
0x1e: {  	s7 =	smul.u32 @!p0 $0xF7A, s2;
	p2 =	seq.s32 @!p0 s5, $0x0  }
0x1f: {  	s9 =	smul.u32 $0xF7A, s1;
	s8 =	simm.s32 @!p0 $0x1BF5;
	p2 =	por !p2, p0  }
0x20: {  	[sflag:s8] =	ssyncset.s32 @!p0 $0xFFFFF086;
	s6 =	sadd.s32 @!p0 s3, s7;
	s7 =	simm.s32 @!p0 $0x108  }
0x21: {  	s3 =	sadd.s32 s3, s9;
	s6 =	sadd.s32 @!p0 $0x88, s6;
	s7 =	simm.s32 @p2 $0x1082  }
0x22: {  	[simem:s7], [sflag:s8] =	dma.local @!p0 [hbm:s6], $0xF7A  }
0x23: {  	s9 =	sor.u32 $0xD0000000, s2;
	s6 =	simm.s32 $0x108;
	_ =	swait.ge @!p0 [sflag:s8], $0x0  }
0x24: {  	s3 =	sadd.s32 $0x88, s3;
	s6 =	simm.s32 @!p1 $0x1082;
	[sflag:s4] =	ssyncset.s32 $0xFFFFF086  }
0x25: {  	[simem:s6], [sflag:s4] =	dma.local [hbm:s3], $0xF7A  }
0x26: {  	[smem:$0x3F9F] =	sst s1;
	(tag) =	ssettag s2;
	_ =	strace s9  }
0x27: {  	s1 =	sld [smem:$0x3FAF]  }
0x28: {  	s2 =	sld [smem:$0x3FB0]  }
0x29: {  	s4 =	sld [smem:$0x3FB2]  }
0x2a: {  	p0 =	seq.s32 s5, $0x0;
	s5 =	sld [smem:$0x3FB3]  }
0x2b: {  	s6 =	sld [smem:$0x3FB4]  }
0x2c: {  	s7 =	sld [smem:$0x3FB5]  }
0x2d: {  	s3 =	simm.s32 $0x108;
	s8 =	sld [smem:$0x3FB6]  }
0x2e: {  	s3 =	simm.s32 @!p0 $0x1082;
	s9 =	sld [smem:$0x3FB7]  }
0x2f: {  	lr =	sadd.s32 s0, s3;
	s0 =	sld [smem:$0x3FAE]  }
0x30: {  	s3 =	sld [smem:$0x3FB1]  }
0x31: {  	[smem:$0x3FBA] =	sst s10  }
0x32: {  	s10 =	sld [smem:$0x3FB8];
	_ =	sdelay $0x3  }
0x33: {  	p0 =	seq.s32 s10, $0x1;
	s10 =	sld [smem:$0x3FBA];
	_ =	sdelay $0x3  }
0x34: {  	[smem:$0x3FBA] =	sst s10  }
0x35: {  	s10 =	sld [smem:$0x3FB9];
	_ =	sdelay $0x3  }
0x36: {  	p1 =	seq.s32 s10, $0x1;
	s10 =	sld [smem:$0x3FBA];
	_ =	sdelay $0x3  }
0x37: {  	[smem:$0x3FBA] =	sst s10  }
0x38: {  	s10 =	sld [smem:$0x3FBB]  }
0x39: {  	_ = 	snop;
	(pc) =	sbr.ind lr, $3  }
0x3a: {  	_ = 	snop  }
0x3b: {  	_ = 	snop  }
0x3c: {  	p2 =	seq.s32 s10, $0x1;
	s10 =	sld [smem:$0x3FBA]  }
0x3d: {  	_ =	shalt  }
0x3e: {  	_ =	shalt  }
0x3f: {  	_ =	shalt  }
0x40: {  	_ =	shalt  }
0x41: {  	_ =	shalt  }
0x42: {  	_ =	shalt  }
0x43: {  	_ =	shalt  }
0x44: {  	_ =	shalt  }
0x45: {  	_ =	shalt  }
0x46: {  	_ =	shalt  }
0x47: {  	_ =	shalt  }
0x48: {  	_ =	shalt  }
0x49: {  	_ =	shalt  }
0x4a: {  	_ =	shalt  }
0x4b: {  	_ =	shalt  }
0x4c: {  	_ =	shalt  }
0x4d: {  	_ =	shalt  }
0x4e: {  	_ =	shalt  }
0x4f: {  	_ =	shalt  }
0x50: {  	_ =	shalt  }
0x51: {  	_ =	shalt  }
0x52: {  	_ =	shalt  }
0x53: {  	_ =	shalt  }
0x54: {  	_ =	shalt  }
0x55: {  	_ =	shalt  }
0x56: {  	_ =	shalt  }
0x57: {  	_ =	shalt  }
0x58: {  	_ =	shalt  }
0x59: {  	_ =	shalt  }
0x5a: {  	_ =	shalt  }
0x5b: {  	_ =	shalt  }
0x5c: {  	_ =	shalt  }
0x5d: {  	_ =	shalt  }
0x5e: {  	_ =	shalt  }
0x5f: {  	_ =	shalt  }
0x60: {  	_ =	shalt  }
0x61: {  	_ =	shalt  }
0x62: {  	_ =	shalt  }
0x63: {  	_ =	shalt  }
0x64: {  	_ =	shalt  }
0x65: {  	_ =	shalt  }
0x66: {  	_ =	shalt  }
0x67: {  	_ =	shalt  }
0x68: {  	_ =	shalt  }
0x69: {  	_ =	shalt  }
0x6a: {  	_ =	shalt  }
0x6b: {  	_ =	shalt  }
0x6c: {  	_ =	shalt  }
0x6d: {  	_ =	shalt  }
0x6e: {  	_ =	shalt  }
0x6f: {  	_ =	shalt  }
0x70: {  	_ =	shalt  }
0x71: {  	_ =	shalt  }
0x72: {  	_ =	shalt  }
0x73: {  	_ =	shalt  }
0x74: {  	_ =	shalt  }
0x75: {  	_ =	shalt  }
0x76: {  	_ =	shalt  }
0x77: {  	_ =	shalt  }
0x78: {  	_ =	shalt  }
0x79: {  	_ =	shalt  }
0x7a: {  	_ =	shalt  }
0x7b: {  	_ =	shalt  }
0x7c: {  	_ =	shalt  }
0x7d: {  	_ =	shalt  }
0x7e: {  	_ =	shalt  }
0x7f: {  	_ =	shalt  }
0x80: {  	_ =	shalt  }
0x81: {  	_ =	shalt  }
0x82: {  	_ =	shalt  }
0x83: {  	_ =	shalt  }
0x84: {  	_ =	shalt  }
0x85: {  	_ =	shalt  }
0x86: {  	_ =	shalt  }
0x87: {  	_ =	shalt  }
.Lfunc_end0:
.L_simem_size_0:
called_computation.1_lowered:
.L_overlay_start_0:
0x88: {  	s2 =	sld [smem:$0x3FD9]  }
0x89: {  	s3 =	sld [smem:$0x3FFE];
	_ =	sdelay $0x1  }
0x8a: {  	s1 =	srdreg.scid  }
0x8b: {  	s0 =	sand.u32 $0x1, s1  }
0x8c: {  	s17 =	sshll.u32 s0, $0xA;
	s2 =	sadd.s32 s3, s2  }
0x8d: {  	s2 =	sadd.s32 s2, s17  }
0x8e: {  	[smem:$0x3FC6] =	sst s2  }
0x8f: {  	_ = 	snop  }
0x90: {  	s2 =	sld [smem:$0x3FC8]  }
0x91: {  	s18 =	sld [smem:$0x3FD0];
	(tm) =	ssettm $0x1  }
0x92: {  	s4 =	sld [smem:$0x3FFB];
	_ =	sdelay $0x3  }
0x93: {  	_ =	strace s4  }
0x94: {  	s4 =	sld [smem:$0x3FFC];
	_ =	sdelay $0x3  }
0x95: {  	_ =	strace s4  }
0x96: {  	s4 =	sld [smem:$0x3FFD];
	_ =	sdelay $0x3  }
0x97: {  	_ =	strace s4  }
0x98: {  	_ =	strace $0x8FFFFFFF  }
0x99: {  	s19 =	sld [smem:$0x3FDB];
	_ =	sdelay $0x1  }
0x9a: {  	s5 =	simm.s32 $_scs_section_size  }
0x9b: {  	s6 =	simm.s32 $_size__tile_overlayer_lowered;
	s7 =	simm.s32 $_tile_overlayer_lowered  }
0x9c: {  	s22 =	simm.s32 $0x1BFF;
	s21 =	sshll.u32 s7, $0x1;
	s4 =	sadd.s32 s5, s19  }
0x9d: {  	s8 =	simm.s32 $0x0;
	s20 =	sshll.u32 s6, $0x1;
	s6 =	sadd.s32 s21, s4  }
0x9e: {  	[timem:s8], [sflag:s22] =	dma.local [hbm:s6], s20  }
0x9f: {  	_ =	swait.ge [sflag:s22], s20  }
0xa0: {  	s5 =	ssub.s32 $0x0, s20;
	[sflag:s22] =	ssyncset.done $0x0  }
0xa1: {  	[sflag:s22] =	ssyncadd.s32 s5;
	_ =	sdelay $0x1  }
0xa2: {  	s23 =	simm.s32 $0x1B8B  }
0xa3: {  	_ =	swait.ge [sflag:s23], $0x1  }
0xa4: {  	[sflag:s23] =	ssyncset.done $0x0  }
0xa5: {  	s25 =	simm.s32 $0x1B8E;
	s24 =	sld [smem:$0x3FFE];
	[sflag:s23] =	ssyncadd.s32 $0xFFFFFFFF  }
0xa6: {  	s26 =	simm.s32 $execute0_lowered;
	[smem:$0x3FD2] =	sst s25  }
0xa7: {  	s6 =	sshll.u32 s26, $0x1;
	_ =	strace $0x80000046;
	[dreg:$0x1] =	wrdreg $0xFFFFFFFF  }
0xa8: {  	s28 =	simm.s32 $_size_execute0_lowered;
	s4 =	sadd.s32 s4, s6;
	[dreg:$0x0] =	wrdreg $0x0  }
0xa9: {  	s6 =	sshll.u32 s28, $0x1;
	[dreg:$0x2] =	wrdreg s4  }
0xaa: {  	[dreg:$0x3] =	wrdreg s6  }
0xab: {  	[dreg:$0x4] =	wrdreg $0xC0  }
0xac: {  	_ =	task [dreg:s8], $0x5FFFF  }
0xad: {  	[dreg:$0x1] =	wrdreg $0xFFFFFFFF  }
0xae: {  	[dreg:$0x0] =	wrdreg $0x60  }
0xaf: {  	[dreg:$0x2] =	wrdreg s2  }
0xb0: {  	[dreg:$0x3] =	wrdreg s24  }
0xb1: {  	[dreg:$0x4] =	wrdreg s18  }
0xb2: {  	[dreg:$0x5] =	wrdreg $0x9  }
0xb3: {  	_ =	task.clear_ibuf [dreg:s8], $0x6FFFF;
	_ =	strace $0x90000046  }
0xb4: {  	s29 =	simm.s32 $0x9;
	_ =	strace $0x80000048  }
0xb5: {  	_ =	swait.ge [sflag:s29], $0x1  }
0xb6: {  	[sflag:s29] =	ssyncadd.s32 $0xFFFFFFFF  }
0xb7: {  	_ =	strace $0x90000048  }
0xb8: {  	_ =	sfence  }
0xb9: {  	s30 =	sld [smem:$0x0];
	_ =	sdelay $0x2  }
0xba: {  	s31 =	sshll.u32 s1, $0xD;
	s1 =	sshrl.u32 s1, $0x2  }
0xbb: {  	s3 =	sand.u32 $0x4000, s31;
	s1 =	sadd.s32 s1, s30  }
0xbc: {  	s0 =	sor.u32 s3, s0;
	s1 =	sshll.u32 s1, $0x11  }
0xbd: {  	s0 =	sor.u32 s1, s0  }
0xbe: {  	s0 =	sadd.s32 $0x8F2B, s0  }
0xbf: {  	[sflag:s0] =	ssyncadd.remote.s32 $0x1  }
0xc0: {  	_ =	sfence.sel $0xFFFF  }
0xc1: {  	[dreg:$0x0] =	wrdreg $0xFFFFFFFF;
	(pc) =	sbr.abs _section_cstart, $3  }
0xc2: {  	[dreg:$0x1] =	wrdreg $0xFFFFFFFF  }
0xc3: {  	_ =	task.clear_ibuf [dreg:s8], $0x2FFFF;
	_ =	strace $0x9FFFFFFF  }
0xc4: {  	(tm) =	ssettm $0x7FFFFFFF  }
0xc5: {  	_ =	shalt  }
tec
execute0_lowered:
.L_overlay_start_1:
0x0: {  	(tag) =	ssettag $0x1  }
0x1: {  	s1 =	rddreg [dreg:$0x0]  }
0x2: {  	s0 =	rddreg [dreg:$0x1]  }
0x3: {  	s2 =	rddreg [dreg:$0x2];
	s3 =	srdreg.scid  }
0x4: {  	s4 =	simm.s32 $0x0;
	s7 =	stileid.u32;
	s8 =	simm.s32 $0x1  }
0x5: {  	s11 =	simm.s32 $0x400;
	s12 =	simm.s32 $0x7A1400;
	s20 =	simm.s32 $0x10000  }
0x6: {  	s21 =	simm.s32 $0x14000;
	s22 =	simm.s32 $0x2;
	s29 =	simm.s32 $0xD800  }
0x7: {  	s30 =	simm.s32 $0xE000;
	s31 =	simm.s32 $0xF800;
	s3 =	sand.u32 $0x1, s3  }
0x8: {  	v0 =	vlaneseq.u32;
	[smem:$0x7FF] =	sst s4;
	s7 =	sshll.u32 s7, $0x1;
	s0 =	sadd.s32 $0xE00, s0  }
0x9: {  	s28 =	sadd.s32 $0xF42000, s2;
	v0 =	vmul.u32 $0x80, v0;
	s5 =	ssub.s32 $0x2, s3;
	_ =	strace $0x80000047  }
0xa: {  	[dreg:$0x4] =	wrdreg s0;
	s3 =	sor.u32 s3, s7;
	s7 =	simm.s32 $0x1  }
.Ltmp0:
0xb: {  	[dreg:$0x5] =	wrdreg s28;
	s6 =	sshrl.u32 s5, $0x1;
	v1 =	vor.u32 $0x800, v0;
	v2 =	vor.u32 $0x1000, v0;
	v3 =	vor.u32 $0x1800, v0;
	(pc) =	sbr.rel .LBB2_1-.Ltmp0, $4  }
0xc: {  	s26 =	smul.u32 $0x3D, s3;
	p0 =	sne.s32 s3, $0x0;
	v4 =	vor.u32 $0x2000, v0;
	v5 =	vor.u32 $0x2800, v0;
	v6 =	vor.u32 $0x3000, v0;
	s25 =	ssub.s32 s5, s6  }
0xd: {  	v7 =	vor.u32 $0x3800, v0;
	v8 =	vor.u32 $0x4000, v0;
	v9 =	vor.u32 $0x4800, v0;
	s8 =	simm.s32 @!p0 $0x0;
	p0 =	seq.s32 s3, $0x0;
	s6 =	simm.s32 $0x3E  }
0xe: {  	v10 =	vor.u32 $0x5000, v0;
	v11 =	vor.u32 $0x5800, v0;
	v12 =	vor.u32 $0x6000, v0;
	s6 =	simm.s32 @!p0 $0x3D;
	s8 =	sadd.s32 s8, s26;
	s0 =	smax.u32 s25, $0x1  }
0xf: {  	v13 =	vor.u32 $0x6800, v0;
	v14 =	vor.u32 $0x7000, v0;
	v15 =	vor.u32 $0x7800, v0;
	p0 =	sne.s32 s3, $0x1F;
	s3 =	simm.s32 $0x0;
	[dreg:$0x6] =	wrdreg s0  }
.LBB2_23:
0x10: {  	_ =	swait.ge [sflag:s22], $0x4000  }
0x11: {  	[sflag:s22] =	ssyncset.done $0x0  }
0x12: {  	[sflag:s22] =	ssyncadd.s32 $0xFFFFC000  }
0x13: {  	_ =	swait.ge [sflag:s22], $0x4000  }
0x14: {  	s0 =	simm.s32 @!p0 $0x0;
	[sflag:s22] =	ssyncset.done $0x0  }
0x15: {  	s3 =	simm.s32 @!p0 $0x10000;
	s5 =	rddreg [dreg:$0x4];
	[sflag:s22] =	ssyncadd.s32 $0xFFFFC000  }
0x16: {  	[tilespmem:s3], [sflag:$0x3] =	stream.linear.gather @!p0 [hbm4b:s5+s0], $0x4000, $0x38;
	[tilespmem:$0x18000] =	vst v63  }
0x17: {  	s5 =	simm.s32 @!p0 $0x3  }
0x18: {  	_ =	swait.ge @!p0 [sflag:s5], $0x4000  }
0x19: {  	[sflag:s5] =	ssyncset.done @!p0 $0x0  }
0x1a: {  	s9 =	rddreg [dreg:$0x5];
	[sflag:s5] =	ssyncadd.s32 @!p0 $0xFFFFC000  }
0x1b: {  	[hbm4b:s9+s0] =	stream.linear.scatter @!p0 [tilespmem:s3], [sflag:$0x3], $0x4000, $0x38;
	[tilespmem:$0x18000] =	vst v63  }
0x1c: {  	_ =	swait.ge @!p0 [sflag:s5], $0x4000  }
0x1d: {  	s26 =	rddreg [dreg:$0x7]  }
0x1e: {  	s28 =	rddreg [dreg:$0x6];
	s3 =	sadd.s32 $0x1, s26  }
0x1f: {  	p1 =	sne.s32 s3, s28  }
.Ltmp1:
0x20: {  	_ = 	snop;
	(pc) =	sbr.rel @!p1 .LBB2_24-.Ltmp1, $3  }
0x21: {  	_ =	sdelay $0x1  }
0x22: {  	[sflag:s5] =	ssyncset.done @!p0 $0x0  }
0x23: {  	[sflag:s5] =	ssyncadd.s32 @!p0 $0xFFFFC000  }
.LBB2_1:
.Ltmp2:
0x24: {  	(pc) =	sbr.rel .LBB2_2-.Ltmp2, $2  }
0x25: {  	_ =	sdelay $0x2  }
0x26: {  	[dreg:$0x7] =	wrdreg s3;
	s3 =	simm.s32 $0x0  }
.LBB2_22:
0x27: {  	s3 =	sadd.s32 $0x1, s3  }
0x28: {  	p1 =	sne.s32 s3, $0x1F  }
.Ltmp3:
0x29: {  	_ = 	snop;
	(pc) =	sbr.rel @!p1 .LBB2_23-.Ltmp3, $1  }
0x2a: {  	_ =	sdelay $0x3  }
.LBB2_2:
0x2b: {  	s5 =	sshll.u32 s3, $0x1  }
0x2c: {  	p1 =	sge.u32 s5, s6  }
.Ltmp4:
0x2d: {  	_ = 	snop;
	(pc) =	sbr.rel @p1 .LBB2_12-.Ltmp4, $1  }
0x2e: {  	_ =	sdelay $0x3  }
0x2f: {  	s13 =	sadd.s32 s8, s5  }
0x30: {  	s0 =	sshll.u32 s13, $0x9  }
0x31: {  	s0 =	sand.u32 $0x1FFFFE00, s0  }
0x32: {  	s0 =	sadd.s32 s1, s0  }
0x33: {  	[tilespmem:s4], [sflag:$0x1] =	stream.strided.gather [hbm4b:s0+s11], $0x1800, s12, s11, $0x38;
	[tilespmem:$0x18000] =	vst v63  }
0x34: {  	s9 =	simm.s32 $0x1800;
	s18 =	sshll.u32 s13, $0x2;
	s0 =	sadd.s32 $0x5B8F00, s0  }
0x35: {  	[tilespmem:s9], [sflag:$0x1] =	stream.linear.gather [hbm4b:s0+s4], $0x100, $0x38;
	[tilespmem:$0x18000] =	vst v63  }
0x36: {  	s0 =	sor.u32 $0x1, s18  }
0x37: {  	s10 =	sshll.u32 s0, $0x7  }
0x38: {  	s10 =	sand.u32 $0x1FFFFE80, s10  }
0x39: {  	s14 =	simm.s32 $0x2000;
	s10 =	sadd.s32 s1, s10  }
0x3a: {  	[tilespmem:s14], [sflag:$0x1] =	stream.strided.gather [hbm4b:s10+s11], $0x1800, s12, s11, $0x38;
	[tilespmem:$0x18000] =	vst v63  }
0x3b: {  	s19 =	simm.s32 $0x3800;
	s10 =	sadd.s32 $0x5B8F00, s10  }
0x3c: {  	[tilespmem:s19], [sflag:$0x1] =	stream.linear.gather [hbm4b:s10+s4], $0x100, $0x38;
	[tilespmem:$0x18000] =	vst v63  }
0x3d: {  	s10 =	sor.u32 $0x2, s18  }
0x3e: {  	s9 =	sshll.u32 s10, $0x7  }
0x3f: {  	s9 =	sand.u32 $0x1FFFFF00, s9  }
0x40: {  	s23 =	simm.s32 $0x4000;
	s9 =	sadd.s32 s1, s9  }
0x41: {  	[tilespmem:s23], [sflag:$0x1] =	stream.strided.gather [hbm4b:s9+s11], $0x1800, s12, s11, $0x38;
	[tilespmem:$0x18000] =	vst v63  }
0x42: {  	s24 =	simm.s32 $0x5800;
	s9 =	sadd.s32 $0x5B8F00, s9  }
0x43: {  	[tilespmem:s24], [sflag:$0x1] =	stream.linear.gather [hbm4b:s9+s4], $0x100, $0x38;
	[tilespmem:$0x18000] =	vst v63  }
0x44: {  	s9 =	sshllo.u32 s13, $0x2  }
0x45: {  	s25 =	sshll.u32 s9, $0x7  }
0x46: {  	s14 =	sand.u32 $0x1FFFFF80, s25  }
0x47: {  	s15 =	simm.s32 $0x6000;
	s14 =	sadd.s32 s1, s14  }
0x48: {  	[tilespmem:s15], [sflag:$0x1] =	stream.strided.gather [hbm4b:s14+s11], $0x1800, s12, s11, $0x38;
	[tilespmem:$0x18000] =	vst v63  }
0x49: {  	s26 =	simm.s32 $0x7800;
	s14 =	sadd.s32 $0x5B8F00, s14  }
0x4a: {  	[tilespmem:s26], [sflag:$0x1] =	stream.linear.gather [hbm4b:s14+s4], $0x100, $0x38;
	[tilespmem:$0x18000] =	vst v63  }
0x4b: {  	_ =	swait.ge [sflag:s7], $0x1900  }
0x4c: {  	[sflag:s7] =	ssyncset.done $0x0  }
0x4d: {  	[sflag:s7] =	ssyncadd.s32 $0xFFFFE700  }
0x4e: {  	_ =	swait.ge [sflag:s7], $0x1900  }
0x4f: {  	[sflag:s7] =	ssyncset.done $0x0  }
0x50: {  	[sflag:s7] =	ssyncadd.s32 $0xFFFFE700  }
0x51: {  	_ =	swait.ge [sflag:s7], $0x1900  }
0x52: {  	[sflag:s7] =	ssyncset.done $0x0  }
0x53: {  	[sflag:s7] =	ssyncadd.s32 $0xFFFFE700  }
0x54: {  	_ =	swait.ge [sflag:s7], $0x1900  }
0x55: {  	p1 =	seq.s32 s3, $0x0;
	[sflag:s7] =	ssyncset.done $0x0  }
0x56: {  	s14 =	simm.s32 @!p1 $0x2;
	[sflag:s7] =	ssyncadd.s32 $0xFFFFE700  }
0x57: {  	_ =	swait.ge @!p1 [sflag:s14], $0x4000  }
0x58: {  	[sflag:s14] =	ssyncset.done @!p1 $0x0  }
0x59: {  	s28 =	simm.s32 $0x2;
	s18 =	simm.s32 $0x100;
	[sflag:s14] =	ssyncadd.s32 @!p1 $0xFFFFC000  }
0x5a: {  	v17 =	vor.u32 s28, v0;
	s19 =	simm.s32 $0x0;
	v16 =	vld [tilespmem:s18+$0x0]  }
0x5b: {  	v19 =	vor.u32 s19, v0;
	v18 =	vld [tilespmem:s18+$0xFFFFFF00];
	_ =	sdelay $0x3  }
0x5c: {  	[tilespmem:v17+s20+$0x0] =	vst.idx.msk $0xffff, v16  }
0x5d: {  	[tilespmem:v19+s20+$0x0] =	vst.idx.msk $0xffff, v18;
	v17 =	vor.u32 s28, v1;
	v16 =	vld [tilespmem:s18+$0x10]  }
0x5e: {  	v19 =	vor.u32 s19, v1;
	v18 =	vld [tilespmem:s18+$0xFFFFFF10];
	_ =	sdelay $0x3  }
0x5f: {  	[tilespmem:v17+s20+$0x0] =	vst.idx.msk $0xffff, v16  }
0x60: {  	[tilespmem:v19+s20+$0x0] =	vst.idx.msk $0xffff, v18;
	v17 =	vor.u32 s28, v2;
	v16 =	vld [tilespmem:s18+$0x20]  }
0x61: {  	v19 =	vor.u32 s19, v2;
	v18 =	vld [tilespmem:s18+$0xFFFFFF20];
	_ =	sdelay $0x3  }
0x62: {  	[tilespmem:v17+s20+$0x0] =	vst.idx.msk $0xffff, v16  }
0x63: {  	[tilespmem:v19+s20+$0x0] =	vst.idx.msk $0xffff, v18;
	v17 =	vor.u32 s28, v3;
	v16 =	vld [tilespmem:s18+$0x30]  }
0x64: {  	v19 =	vor.u32 s19, v3;
	v18 =	vld [tilespmem:s18+$0xFFFFFF30];
	_ =	sdelay $0x3  }
0x65: {  	[tilespmem:v17+s20+$0x0] =	vst.idx.msk $0xffff, v16  }
0x66: {  	[tilespmem:v19+s20+$0x0] =	vst.idx.msk $0xffff, v18;
	v17 =	vor.u32 s28, v4;
	v16 =	vld [tilespmem:s18+$0x40]  }
0x67: {  	v19 =	vor.u32 s19, v4;
	v18 =	vld [tilespmem:s18+$0xFFFFFF40];
	_ =	sdelay $0x3  }
0x68: {  	[tilespmem:v17+s20+$0x0] =	vst.idx.msk $0xffff, v16  }
0x69: {  	[tilespmem:v19+s20+$0x0] =	vst.idx.msk $0xffff, v18;
	v17 =	vor.u32 s28, v5;
	v16 =	vld [tilespmem:s18+$0x50]  }
0x6a: {  	s16 =	simm.s32 $0x6;
	s14 =	simm.s32 $0x300;
	v19 =	vor.u32 s19, v5;
	v18 =	vld [tilespmem:s18+$0xFFFFFF50]  }
0x6b: {  	s17 =	simm.s32 $0x4;
	v21 =	vor.u32 s16, v0;
	v20 =	vld [tilespmem:s14+$0x0]  }
0x6c: {  	v23 =	vor.u32 s17, v0;
	v22 =	vld [tilespmem:s14+$0xFFFFFF00];
	_ =	sdelay $0x1  }
0x6d: {  	[tilespmem:v17+s20+$0x0] =	vst.idx.msk $0xffff, v16  }
0x6e: {  	[tilespmem:v19+s20+$0x0] =	vst.idx.msk $0xffff, v18;
	v17 =	vor.u32 s28, v6;
	v16 =	vld [tilespmem:s18+$0x60]  }
0x6f: {  	[tilespmem:v21+s20+$0x0] =	vst.idx.msk $0xffff, v20;
	v19 =	vor.u32 s19, v6;
	v18 =	vld [tilespmem:s18+$0xFFFFFF60]  }
0x70: {  	[tilespmem:v23+s20+$0x0] =	vst.idx.msk $0xffff, v22;
	v21 =	vor.u32 s16, v1;
	v20 =	vld [tilespmem:s14+$0x10]  }
0x71: {  	v23 =	vor.u32 s17, v1;
	v22 =	vld [tilespmem:s14+$0xFFFFFF10];
	_ =	sdelay $0x1  }
0x72: {  	[tilespmem:v17+s20+$0x0] =	vst.idx.msk $0xffff, v16  }
0x73: {  	[tilespmem:v19+s20+$0x0] =	vst.idx.msk $0xffff, v18;
	v17 =	vor.u32 s28, v7;
	v16 =	vld [tilespmem:s18+$0x70]  }
0x74: {  	[tilespmem:v21+s20+$0x0] =	vst.idx.msk $0xffff, v20;
	v19 =	vor.u32 s19, v7;
	v18 =	vld [tilespmem:s18+$0xFFFFFF70]  }
0x75: {  	[tilespmem:v23+s20+$0x0] =	vst.idx.msk $0xffff, v22;
	v21 =	vor.u32 s16, v2;
	v20 =	vld [tilespmem:s14+$0x20]  }
0x76: {  	v23 =	vor.u32 s17, v2;
	v22 =	vld [tilespmem:s14+$0xFFFFFF20];
	_ =	sdelay $0x1  }
0x77: {  	s25 =	simm.s32 $0x3;
	[tilespmem:v17+s20+$0x0] =	vst.idx.msk $0xffff, v16  }
0x78: {  	s24 =	simm.s32 $0x1;
	[tilespmem:v19+s20+$0x0] =	vst.idx.msk $0xffff, v18;
	v17 =	vor.u32 s25, v0;
	v16 =	vld [tilespmem:s18+$0x80]  }
0x79: {  	[tilespmem:v21+s20+$0x0] =	vst.idx.msk $0xffff, v20;
	v19 =	vor.u32 s24, v0;
	v18 =	vld [tilespmem:s18+$0xFFFFFF80]  }
0x7a: {  	[tilespmem:v23+s20+$0x0] =	vst.idx.msk $0xffff, v22;
	v21 =	vor.u32 s16, v3;
	v20 =	vld [tilespmem:s14+$0x30]  }
0x7b: {  	v23 =	vor.u32 s17, v3;
	v22 =	vld [tilespmem:s14+$0xFFFFFF30];
	_ =	sdelay $0x1  }
0x7c: {  	[tilespmem:v17+s20+$0x0] =	vst.idx.msk $0xffff, v16  }
0x7d: {  	[tilespmem:v19+s20+$0x0] =	vst.idx.msk $0xffff, v18;
	v17 =	vor.u32 s25, v1;
	v16 =	vld [tilespmem:s18+$0x90]  }
0x7e: {  	[tilespmem:v21+s20+$0x0] =	vst.idx.msk $0xffff, v20;
	v19 =	vor.u32 s24, v1;
	v18 =	vld [tilespmem:s18+$0xFFFFFF90]  }
0x7f: {  	[tilespmem:v23+s20+$0x0] =	vst.idx.msk $0xffff, v22;
	v21 =	vor.u32 s16, v4;
	v20 =	vld [tilespmem:s14+$0x40]  }
0x80: {  	v23 =	vor.u32 s17, v4;
	v22 =	vld [tilespmem:s14+$0xFFFFFF40];
	_ =	sdelay $0x1  }
0x81: {  	[tilespmem:v17+s20+$0x0] =	vst.idx.msk $0xffff, v16  }
0x82: {  	[tilespmem:v19+s20+$0x0] =	vst.idx.msk $0xffff, v18;
	v17 =	vor.u32 s25, v2;
	v16 =	vld [tilespmem:s18+$0xA0]  }
0x83: {  	[tilespmem:v21+s20+$0x0] =	vst.idx.msk $0xffff, v20;
	v19 =	vor.u32 s24, v2;
	v18 =	vld [tilespmem:s18+$0xFFFFFFA0]  }
0x84: {  	[tilespmem:v23+s20+$0x0] =	vst.idx.msk $0xffff, v22;
	v21 =	vor.u32 s16, v5;
	v20 =	vld [tilespmem:s14+$0x50]  }
0x85: {  	s23 =	simm.s32 $0xA;
	s15 =	simm.s32 $0x500;
	v23 =	vor.u32 s17, v5;
	v22 =	vld [tilespmem:s14+$0xFFFFFF50]  }
0x86: {  	v25 =	vor.u32 s23, v0;
	v24 =	vld [tilespmem:s15+$0x0];
	s19 =	simm.s32 $0x8  }
0x87: {  	v26 =	vld [tilespmem:s15+$0xFFFFFF00];
	v27 =	vor.u32 s19, v0;
	[tilespmem:v17+s20+$0x0] =	vst.idx.msk $0xffff, v16  }
0x88: {  	[tilespmem:v19+s20+$0x0] =	vst.idx.msk $0xffff, v18;
	v17 =	vor.u32 s25, v3;
	v16 =	vld [tilespmem:s18+$0xB0]  }
0x89: {  	[tilespmem:v21+s20+$0x0] =	vst.idx.msk $0xffff, v20;
	v19 =	vor.u32 s24, v3;
	v18 =	vld [tilespmem:s18+$0xFFFFFFB0]  }
0x8a: {  	[tilespmem:v23+s20+$0x0] =	vst.idx.msk $0xffff, v22;
	v21 =	vor.u32 s16, v6;
	v20 =	vld [tilespmem:s14+$0x60]  }
0x8b: {  	[tilespmem:v25+s20+$0x0] =	vst.idx.msk $0xffff, v24;
	v23 =	vor.u32 s17, v6;
	v22 =	vld [tilespmem:s14+$0xFFFFFF60]  }
0x8c: {  	v25 =	vor.u32 s23, v1;
	v24 =	vld [tilespmem:s15+$0x10];
	[tilespmem:v27+s20+$0x0] =	vst.idx.msk $0xffff, v26  }
0x8d: {  	v27 =	vor.u32 s19, v1;
	v26 =	vld [tilespmem:s15+$0xFFFFFF10];
	[tilespmem:v17+s20+$0x0] =	vst.idx.msk $0xffff, v16  }
0x8e: {  	[tilespmem:v19+s20+$0x0] =	vst.idx.msk $0xffff, v18;
	v17 =	vor.u32 s25, v4;
	v16 =	vld [tilespmem:s18+$0xC0]  }
0x8f: {  	[tilespmem:v21+s20+$0x0] =	vst.idx.msk $0xffff, v20;
	v19 =	vor.u32 s24, v4;
	v18 =	vld [tilespmem:s18+$0xFFFFFFC0]  }
0x90: {  	[tilespmem:v23+s20+$0x0] =	vst.idx.msk $0xffff, v22;
	v21 =	vor.u32 s16, v7;
	v20 =	vld [tilespmem:s14+$0x70]  }
0x91: {  	[tilespmem:v25+s20+$0x0] =	vst.idx.msk $0xffff, v24;
	v23 =	vor.u32 s17, v7;
	v22 =	vld [tilespmem:s14+$0xFFFFFF70]  }
0x92: {  	v25 =	vor.u32 s23, v2;
	v24 =	vld [tilespmem:s15+$0x20];
	[tilespmem:v27+s20+$0x0] =	vst.idx.msk $0xffff, v26  }
0x93: {  	v27 =	vor.u32 s19, v2;
	v26 =	vld [tilespmem:s15+$0xFFFFFF20];
	[tilespmem:v17+s20+$0x0] =	vst.idx.msk $0xffff, v16  }
0x94: {  	[tilespmem:v19+s20+$0x0] =	vst.idx.msk $0xffff, v18;
	v17 =	vor.u32 s25, v5;
	v16 =	vld [tilespmem:s18+$0xD0]  }
0x95: {  	s16 =	simm.s32 $0x7;
	[tilespmem:v21+s20+$0x0] =	vst.idx.msk $0xffff, v20;
	v19 =	vor.u32 s24, v5;
	v18 =	vld [tilespmem:s18+$0xFFFFFFD0]  }
0x96: {  	s17 =	simm.s32 $0x5;
	[tilespmem:v23+s20+$0x0] =	vst.idx.msk $0xffff, v22;
	v21 =	vor.u32 s16, v0;
	v20 =	vld [tilespmem:s14+$0x80]  }
0x97: {  	[tilespmem:v25+s20+$0x0] =	vst.idx.msk $0xffff, v24;
	v23 =	vor.u32 s17, v0;
	v22 =	vld [tilespmem:s14+$0xFFFFFF80]  }
0x98: {  	v25 =	vor.u32 s23, v3;
	v24 =	vld [tilespmem:s15+$0x30];
	[tilespmem:v27+s20+$0x0] =	vst.idx.msk $0xffff, v26  }
0x99: {  	v27 =	vor.u32 s19, v3;
	v26 =	vld [tilespmem:s15+$0xFFFFFF30];
	[tilespmem:v17+s20+$0x0] =	vst.idx.msk $0xffff, v16  }
0x9a: {  	[tilespmem:v19+s20+$0x0] =	vst.idx.msk $0xffff, v18;
	v17 =	vor.u32 s25, v6;
	v16 =	vld [tilespmem:s18+$0xE0]  }
0x9b: {  	[tilespmem:v21+s20+$0x0] =	vst.idx.msk $0xffff, v20;
	v19 =	vor.u32 s24, v6;
	v18 =	vld [tilespmem:s18+$0xFFFFFFE0]  }
0x9c: {  	[tilespmem:v23+s20+$0x0] =	vst.idx.msk $0xffff, v22;
	v21 =	vor.u32 s16, v1;
	v20 =	vld [tilespmem:s14+$0x90]  }
0x9d: {  	[tilespmem:v25+s20+$0x0] =	vst.idx.msk $0xffff, v24;
	v23 =	vor.u32 s17, v1;
	v22 =	vld [tilespmem:s14+$0xFFFFFF90]  }
0x9e: {  	v25 =	vor.u32 s23, v4;
	v24 =	vld [tilespmem:s15+$0x40];
	[tilespmem:v27+s20+$0x0] =	vst.idx.msk $0xffff, v26  }
0x9f: {  	v27 =	vor.u32 s19, v4;
	v26 =	vld [tilespmem:s15+$0xFFFFFF40];
	[tilespmem:v17+s20+$0x0] =	vst.idx.msk $0xffff, v16  }
0xa0: {  	v29 =	vor.u32 s25, v7;
	[tilespmem:v19+s20+$0x0] =	vst.idx.msk $0xffff, v18;
	v28 =	vld [tilespmem:s18+$0xF0]  }
0xa1: {  	[tilespmem:v21+s20+$0x0] =	vst.idx.msk $0xffff, v20;
	v21 =	vor.u32 s24, v7;
	v19 =	vld [tilespmem:s18+$0xFFFFFFF0]  }
0xa2: {  	[tilespmem:v23+s20+$0x0] =	vst.idx.msk $0xffff, v22;
	v16 =	vld [tilespmem:s14+$0xA0];
	v18 =	vor.u32 s16, v2  }
0xa3: {  	[tilespmem:v25+s20+$0x0] =	vst.idx.msk $0xffff, v24;
	v20 =	vor.u32 s17, v2;
	v17 =	vld [tilespmem:s14+$0xFFFFFFA0]  }
0xa4: {  	s26 =	simm.s32 $0xE;
	v22 =	vld [tilespmem:s15+$0x50];
	v23 =	vor.u32 s23, v5;
	[tilespmem:v27+s20+$0x0] =	vst.idx.msk $0xffff, v26  }
0xa5: {  	v25 =	vor.u32 s19, v5;
	v24 =	vld [tilespmem:s15+$0xFFFFFF50];
	s24 =	simm.s32 $0xC;
	s25 =	simm.s32 $0x10;
	s18 =	simm.s32 $0x700;
	[tilespmem:v29+s20+$0x0] =	vst.idx.msk $0xffff, v28  }
.LBB2_4:
0xa6: {  	p2 =	slt.u32 s25, $0x3C;
	v26 =	vld [tilespmem:s18+$0x0];
	v27 =	vor.u32 s26, v0;
	[tilespmem:v21+s20+$0x0] =	vst.idx.msk $0xffff, v19  }
0xa7: {  	v21 =	vor.u32 s24, v0;
	v19 =	vld [tilespmem:s18+$0xFFFFFF00];
	[tilespmem:v18+s20+$0x0] =	vst.idx.msk $0xffff, v16  }
0xa8: {  	[tilespmem:v20+s20+$0x0] =	vst.idx.msk $0xffff, v17;
	v16 =	vld [tilespmem:s14+$0xB0];
	v17 =	vor.u32 s16, v3  }
0xa9: {  	v20 =	vor.u32 s17, v3;
	[tilespmem:v23+s20+$0x0] =	vst.idx.msk $0xffff, v22;
	v18 =	vld [tilespmem:s14+$0xFFFFFFB0]  }
0xaa: {  	v23 =	vor.u32 s23, v6;
	[tilespmem:v25+s20+$0x0] =	vst.idx.msk $0xffff, v24;
	v22 =	vld [tilespmem:s15+$0x60]  }
0xab: {  	v25 =	vor.u32 s19, v6;
	[tilespmem:v27+s20+$0x0] =	vst.idx.msk $0xffff, v26;
	v24 =	vld [tilespmem:s15+$0xFFFFFF60]  }
0xac: {  	[tilespmem:v21+s20+$0x0] =	vst.idx.msk $0xffff, v19;
	v19 =	vld [tilespmem:s18+$0x10];
	v21 =	vor.u32 s26, v1  }
0xad: {  	v27 =	vor.u32 s24, v1;
	v26 =	vld [tilespmem:s18+$0xFFFFFF10];
	[tilespmem:v17+s20+$0x0] =	vst.idx.msk $0xffff, v16  }
0xae: {  	v17 =	vor.u32 s16, v4;
	[tilespmem:v20+s20+$0x0] =	vst.idx.msk $0xffff, v18;
	v16 =	vld [tilespmem:s14+$0xC0]  }
0xaf: {  	v20 =	vor.u32 s17, v4;
	[tilespmem:v23+s20+$0x0] =	vst.idx.msk $0xffff, v22;
	v18 =	vld [tilespmem:s14+$0xFFFFFFC0]  }
0xb0: {  	v23 =	vor.u32 s23, v7;
	s23 =	smov.u32 s26;
	[tilespmem:v25+s20+$0x0] =	vst.idx.msk $0xffff, v24;
	v22 =	vld [tilespmem:s15+$0x70]  }
0xb1: {  	[tilespmem:v21+s20+$0x0] =	vst.idx.msk $0xffff, v19;
	v19 =	vld [tilespmem:s15+$0xFFFFFF70];
	v21 =	vor.u32 s19, v7  }
0xb2: {  	v25 =	vor.u32 s23, v2;
	[tilespmem:v27+s20+$0x0] =	vst.idx.msk $0xffff, v26;
	v24 =	vld [tilespmem:s18+$0x20]  }
0xb3: {  	v27 =	vor.u32 s24, v2;
	v26 =	vld [tilespmem:s18+$0xFFFFFF20];
	[tilespmem:v17+s20+$0x0] =	vst.idx.msk $0xffff, v16  }
0xb4: {  	v17 =	vor.u32 s16, v5;
	[tilespmem:v20+s20+$0x0] =	vst.idx.msk $0xffff, v18;
	v16 =	vld [tilespmem:s14+$0xD0]  }
0xb5: {  	s26 =	sadd.s32 $0x3, s19;
	v20 =	vor.u32 s17, v5;
	[tilespmem:v23+s20+$0x0] =	vst.idx.msk $0xffff, v22;
	v18 =	vld [tilespmem:s14+$0xFFFFFFD0]  }
0xb6: {  	s28 =	sadd.s32 $0x1, s19;
	s19 =	smov.u32 s24;
	s24 =	smov.u32 s25;
	[tilespmem:v21+s20+$0x0] =	vst.idx.msk $0xffff, v19;
	v19 =	vld [tilespmem:s15+$0x80];
	v21 =	vor.u32 s26, v0  }
0xb7: {  	v23 =	vor.u32 s28, v0;
	[tilespmem:v25+s20+$0x0] =	vst.idx.msk $0xffff, v24;
	v22 =	vld [tilespmem:s15+$0xFFFFFF80]  }
0xb8: {  	v25 =	vor.u32 s23, v3;
	[tilespmem:v27+s20+$0x0] =	vst.idx.msk $0xffff, v26;
	v24 =	vld [tilespmem:s18+$0x30]  }
0xb9: {  	v27 =	vor.u32 s19, v3;
	v26 =	vld [tilespmem:s18+$0xFFFFFF30];
	[tilespmem:v17+s20+$0x0] =	vst.idx.msk $0xffff, v16  }
0xba: {  	v17 =	vor.u32 s16, v6;
	[tilespmem:v20+s20+$0x0] =	vst.idx.msk $0xffff, v18;
	v16 =	vld [tilespmem:s14+$0xE0]  }
0xbb: {  	[tilespmem:v21+s20+$0x0] =	vst.idx.msk $0xffff, v19;
	v18 =	vld [tilespmem:s14+$0xFFFFFFE0];
	v19 =	vor.u32 s17, v6  }
0xbc: {  	v21 =	vor.u32 s26, v1;
	[tilespmem:v23+s20+$0x0] =	vst.idx.msk $0xffff, v22;
	v20 =	vld [tilespmem:s15+$0x90]  }
0xbd: {  	v23 =	vor.u32 s28, v1;
	[tilespmem:v25+s20+$0x0] =	vst.idx.msk $0xffff, v24;
	v22 =	vld [tilespmem:s15+$0xFFFFFF90]  }
0xbe: {  	v25 =	vor.u32 s23, v4;
	[tilespmem:v27+s20+$0x0] =	vst.idx.msk $0xffff, v26;
	v24 =	vld [tilespmem:s18+$0x40]  }
0xbf: {  	v27 =	vor.u32 s19, v4;
	v26 =	vld [tilespmem:s18+$0xFFFFFF40];
	[tilespmem:v17+s20+$0x0] =	vst.idx.msk $0xffff, v16  }
0xc0: {  	v29 =	vor.u32 s16, v7;
	s16 =	smov.u32 s26;
	[tilespmem:v19+s20+$0x0] =	vst.idx.msk $0xffff, v18;
	v28 =	vld [tilespmem:s14+$0xF0]  }
.Ltmp5:
0xc1: {  	[tilespmem:v21+s20+$0x0] =	vst.idx.msk $0xffff, v20;
	v19 =	vld [tilespmem:s14+$0xFFFFFFF0];
	v21 =	vor.u32 s17, v7;
	s17 =	smov.u32 s28;
	s14 =	smov.u32 s15;
	(pc) =	sbr.rel @p2 .LBB2_4-.Ltmp5, $4  }
0xc2: {  	v18 =	vor.u32 s16, v2;
	s15 =	smov.u32 s18;
	[tilespmem:v23+s20+$0x0] =	vst.idx.msk $0xffff, v22;
	v16 =	vld [tilespmem:s14+$0xA0]  }
0xc3: {  	v20 =	vor.u32 s17, v2;
	[tilespmem:v25+s20+$0x0] =	vst.idx.msk $0xffff, v24;
	v17 =	vld [tilespmem:s14+$0xFFFFFFA0]  }
0xc4: {  	v23 =	vor.u32 s23, v5;
	[tilespmem:v27+s20+$0x0] =	vst.idx.msk $0xffff, v26;
	v22 =	vld [tilespmem:s18+$0x50]  }
0xc5: {  	s25 =	sadd.s32 $0x4, s25;
	s26 =	sadd.s32 $0x2, s24;
	v25 =	vor.u32 s19, v5;
	s18 =	sadd.s32 $0x200, s18;
	v24 =	vld [tilespmem:s15+$0xFFFFFF50];
	[tilespmem:v29+s20+$0x0] =	vst.idx.msk $0xffff, v28  }
0xc6: {  	v26 =	vld [tilespmem:s18+$0x0];
	v27 =	vor.u32 s26, v0  }
0xc7: {  	v28 =	vld [tilespmem:s18+$0xFFFFFF00];
	v29 =	vor.u32 s24, v0;
	_ =	sdelay $0x3  }
0xc8: {  	[tilespmem:v27+s20+$0x0] =	vst.idx.msk $0xffff, v26  }
0xc9: {  	[tilespmem:v29+s20+$0x0] =	vst.idx.msk $0xffff, v28;
	v27 =	vor.u32 s26, v1;
	v26 =	vld [tilespmem:s18+$0x10]  }
0xca: {  	v53 =	vor.u32 s24, v1;
	v28 =	vld [tilespmem:s18+$0xFFFFFF10];
	_ =	sdelay $0x3  }
0xcb: {  	[tilespmem:v27+s20+$0x0] =	vst.idx.msk $0xffff, v26  }
0xcc: {  	[tilespmem:v53+s20+$0x0] =	vst.idx.msk $0xffff, v28;
	v27 =	vor.u32 s26, v2;
	v26 =	vld [tilespmem:s18+$0x20]  }
0xcd: {  	v54 =	vor.u32 s24, v2;
	v28 =	vld [tilespmem:s18+$0xFFFFFF20];
	_ =	sdelay $0x3  }
0xce: {  	[tilespmem:v27+s20+$0x0] =	vst.idx.msk $0xffff, v26  }
0xcf: {  	[tilespmem:v54+s20+$0x0] =	vst.idx.msk $0xffff, v28;
	v27 =	vor.u32 s26, v3;
	v26 =	vld [tilespmem:s18+$0x30]  }
0xd0: {  	v55 =	vor.u32 s24, v3;
	v28 =	vld [tilespmem:s18+$0xFFFFFF30];
	_ =	sdelay $0x3  }
0xd1: {  	[tilespmem:v27+s20+$0x0] =	vst.idx.msk $0xffff, v26  }
0xd2: {  	[tilespmem:v55+s20+$0x0] =	vst.idx.msk $0xffff, v28;
	v27 =	vor.u32 s26, v4;
	v26 =	vld [tilespmem:s18+$0x40]  }
0xd3: {  	v56 =	vor.u32 s24, v4;
	v28 =	vld [tilespmem:s18+$0xFFFFFF40];
	_ =	sdelay $0x3  }
0xd4: {  	[tilespmem:v27+s20+$0x0] =	vst.idx.msk $0xffff, v26  }
0xd5: {  	[tilespmem:v56+s20+$0x0] =	vst.idx.msk $0xffff, v28;
	v27 =	vor.u32 s26, v5;
	v26 =	vld [tilespmem:s18+$0x50]  }
0xd6: {  	v57 =	vor.u32 s24, v5;
	[tilespmem:v23+s20+$0x0] =	vst.idx.msk $0xffff, v22;
	v28 =	vld [tilespmem:s18+$0xFFFFFF50]  }
0xd7: {  	v23 =	vor.u32 s23, v6;
	v22 =	vld [tilespmem:s15+$0x60];
	_ =	sdelay $0x1  }
0xd8: {  	[tilespmem:v25+s20+$0x0] =	vst.idx.msk $0xffff, v24  }
0xd9: {  	v25 =	vor.u32 s19, v6;
	v24 =	vld [tilespmem:s15+$0xFFFFFF60];
	[tilespmem:v27+s20+$0x0] =	vst.idx.msk $0xffff, v26  }
0xda: {  	[tilespmem:v57+s20+$0x0] =	vst.idx.msk $0xffff, v28;
	v27 =	vor.u32 s26, v6;
	v26 =	vld [tilespmem:s18+$0x60]  }
0xdb: {  	v58 =	vor.u32 s24, v6;
	[tilespmem:v23+s20+$0x0] =	vst.idx.msk $0xffff, v22;
	v28 =	vld [tilespmem:s18+$0xFFFFFF60]  }
0xdc: {  	v23 =	vor.u32 s23, v7;
	v22 =	vld [tilespmem:s15+$0x70];
	_ =	sdelay $0x1  }
0xdd: {  	[tilespmem:v25+s20+$0x0] =	vst.idx.msk $0xffff, v24  }
0xde: {  	v25 =	vor.u32 s19, v7;
	v24 =	vld [tilespmem:s15+$0xFFFFFF70];
	[tilespmem:v27+s20+$0x0] =	vst.idx.msk $0xffff, v26  }
0xdf: {  	[tilespmem:v58+s20+$0x0] =	vst.idx.msk $0xffff, v28;
	v27 =	vor.u32 s26, v7;
	v26 =	vld [tilespmem:s18+$0x70]  }
0xe0: {  	v59 =	vor.u32 s24, v7;
	s23 =	sadd.s32 $0x3, s19;
	[tilespmem:v23+s20+$0x0] =	vst.idx.msk $0xffff, v22;
	v28 =	vld [tilespmem:s18+$0xFFFFFF70]  }
0xe1: {  	v23 =	vor.u32 s23, v0;
	v22 =	vld [tilespmem:s15+$0x80];
	_ =	sdelay $0x1  }
0xe2: {  	[tilespmem:v25+s20+$0x0] =	vst.idx.msk $0xffff, v24;
	s26 =	sadd.s32 $0x1, s19  }
0xe3: {  	s25 =	sadd.s32 $0x3, s24;
	v24 =	vld [tilespmem:s15+$0xFFFFFF80];
	v25 =	vor.u32 s26, v0;
	[tilespmem:v27+s20+$0x0] =	vst.idx.msk $0xffff, v26  }
0xe4: {  	s28 =	sadd.s32 $0x1, s24;
	[tilespmem:v59+s20+$0x0] =	vst.idx.msk $0xffff, v28;
	v27 =	vor.u32 s25, v0;
	v26 =	vld [tilespmem:s18+$0x80]  }
0xe5: {  	v60 =	vor.u32 s28, v0;
	[tilespmem:v23+s20+$0x0] =	vst.idx.msk $0xffff, v22;
	v28 =	vld [tilespmem:s18+$0xFFFFFF80]  }
0xe6: {  	v23 =	vor.u32 s23, v1;
	v22 =	vld [tilespmem:s15+$0x90]  }
0xe7: {  	[tilespmem:v21+s20+$0x0] =	vst.idx.msk $0xffff, v19  }
0xe8: {  	[tilespmem:v25+s20+$0x0] =	vst.idx.msk $0xffff, v24  }
0xe9: {  	v25 =	vor.u32 s26, v1;
	v24 =	vld [tilespmem:s15+$0xFFFFFF90];
	[tilespmem:v27+s20+$0x0] =	vst.idx.msk $0xffff, v26  }
0xea: {  	[tilespmem:v60+s20+$0x0] =	vst.idx.msk $0xffff, v28;
	v27 =	vor.u32 s25, v1;
	v26 =	vld [tilespmem:s18+$0x90]  }
0xeb: {  	v61 =	vor.u32 s28, v1;
	[tilespmem:v23+s20+$0x0] =	vst.idx.msk $0xffff, v22;
	v28 =	vld [tilespmem:s18+$0xFFFFFF90]  }
0xec: {  	[tilespmem:v18+s20+$0x0] =	vst.idx.msk $0xffff, v16;
	v21 =	vor.u32 s23, v2;
	v19 =	vld [tilespmem:s15+$0xA0]  }
0xed: {  	[tilespmem:v20+s20+$0x0] =	vst.idx.msk $0xffff, v17  }
0xee: {  	v17 =	vld [tilespmem:s14+$0xB0];
	v20 =	vor.u32 s16, v3;
	[tilespmem:v25+s20+$0x0] =	vst.idx.msk $0xffff, v24  }
0xef: {  	v23 =	vor.u32 s26, v2;
	v22 =	vld [tilespmem:s15+$0xFFFFFFA0];
	[tilespmem:v27+s20+$0x0] =	vst.idx.msk $0xffff, v26  }
0xf0: {  	v25 =	vor.u32 s25, v2;
	[tilespmem:v61+s20+$0x0] =	vst.idx.msk $0xffff, v28;
	v24 =	vld [tilespmem:s18+$0xA0]  }
0xf1: {  	v18 =	vor.u32 s28, v2;
	[tilespmem:v21+s20+$0x0] =	vst.idx.msk $0xffff, v19;
	v16 =	vld [tilespmem:s18+$0xFFFFFFA0]  }
0xf2: {  	v21 =	vor.u32 s23, v3;
	v19 =	vld [tilespmem:s15+$0xB0]  }
0xf3: {  	[tilespmem:v20+s20+$0x0] =	vst.idx.msk $0xffff, v17  }
0xf4: {  	v26 =	vld [tilespmem:s14+$0xFFFFFFB0];
	v27 =	vor.u32 s17, v3;
	[tilespmem:v23+s20+$0x0] =	vst.idx.msk $0xffff, v22  }
0xf5: {  	v23 =	vor.u32 s26, v3;
	v22 =	vld [tilespmem:s15+$0xFFFFFFB0];
	[tilespmem:v25+s20+$0x0] =	vst.idx.msk $0xffff, v24  }
0xf6: {  	[tilespmem:v18+s20+$0x0] =	vst.idx.msk $0xffff, v16;
	v18 =	vor.u32 s25, v3;
	v16 =	vld [tilespmem:s18+$0xB0]  }
0xf7: {  	v20 =	vor.u32 s28, v3;
	[tilespmem:v21+s20+$0x0] =	vst.idx.msk $0xffff, v19;
	v17 =	vld [tilespmem:s18+$0xFFFFFFB0]  }
0xf8: {  	v21 =	vor.u32 s23, v4;
	v19 =	vld [tilespmem:s15+$0xC0]  }
0xf9: {  	[tilespmem:v27+s20+$0x0] =	vst.idx.msk $0xffff, v26;
	v24 =	vld [tilespmem:s14+$0xC0];
	v25 =	vor.u32 s16, v4  }
0xfa: {  	v27 =	vor.u32 s17, v4;
	v26 =	vld [tilespmem:s14+$0xFFFFFFC0];
	[tilespmem:v23+s20+$0x0] =	vst.idx.msk $0xffff, v22  }
0xfb: {  	v23 =	vor.u32 s26, v4;
	v22 =	vld [tilespmem:s15+$0xFFFFFFC0];
	[tilespmem:v18+s20+$0x0] =	vst.idx.msk $0xffff, v16  }
0xfc: {  	[tilespmem:v20+s20+$0x0] =	vst.idx.msk $0xffff, v17;
	v17 =	vor.u32 s25, v4;
	v16 =	vld [tilespmem:s18+$0xC0]  }
0xfd: {  	[tilespmem:v21+s20+$0x0] =	vst.idx.msk $0xffff, v19;
	v20 =	vor.u32 s28, v4;
	v18 =	vld [tilespmem:s18+$0xFFFFFFC0]  }
0xfe: {  	v21 =	vor.u32 s23, v5;
	v19 =	vld [tilespmem:s15+$0xD0];
	[tilespmem:v25+s20+$0x0] =	vst.idx.msk $0xffff, v24  }
0xff: {  	[tilespmem:v27+s20+$0x0] =	vst.idx.msk $0xffff, v26;
	v25 =	vor.u32 s16, v5;
	v24 =	vld [tilespmem:s14+$0xD0]  }
0x100: {  	v27 =	vor.u32 s17, v5;
	v26 =	vld [tilespmem:s14+$0xFFFFFFD0];
	[tilespmem:v23+s20+$0x0] =	vst.idx.msk $0xffff, v22  }
0x101: {  	v23 =	vor.u32 s26, v5;
	v22 =	vld [tilespmem:s15+$0xFFFFFFD0];
	[tilespmem:v17+s20+$0x0] =	vst.idx.msk $0xffff, v16  }
0x102: {  	[tilespmem:v20+s20+$0x0] =	vst.idx.msk $0xffff, v18;
	v17 =	vor.u32 s25, v5;
	v16 =	vld [tilespmem:s18+$0xD0]  }
0x103: {  	[tilespmem:v21+s20+$0x0] =	vst.idx.msk $0xffff, v19;
	v20 =	vor.u32 s28, v5;
	v18 =	vld [tilespmem:s18+$0xFFFFFFD0]  }
0x104: {  	v21 =	vor.u32 s23, v6;
	v19 =	vld [tilespmem:s15+$0xE0];
	[tilespmem:v25+s20+$0x0] =	vst.idx.msk $0xffff, v24  }
0x105: {  	[tilespmem:v27+s20+$0x0] =	vst.idx.msk $0xffff, v26;
	v25 =	vor.u32 s16, v6;
	v24 =	vld [tilespmem:s14+$0xE0]  }
0x106: {  	v27 =	vor.u32 s17, v6;
	v26 =	vld [tilespmem:s14+$0xFFFFFFE0];
	[tilespmem:v23+s20+$0x0] =	vst.idx.msk $0xffff, v22  }
0x107: {  	v23 =	vor.u32 s26, v6;
	v22 =	vld [tilespmem:s15+$0xFFFFFFE0];
	[tilespmem:v17+s20+$0x0] =	vst.idx.msk $0xffff, v16  }
0x108: {  	[tilespmem:v20+s20+$0x0] =	vst.idx.msk $0xffff, v18;
	v17 =	vor.u32 s25, v6;
	v16 =	vld [tilespmem:s18+$0xE0]  }
0x109: {  	[tilespmem:v21+s20+$0x0] =	vst.idx.msk $0xffff, v19;
	v20 =	vor.u32 s28, v6;
	v18 =	vld [tilespmem:s18+$0xFFFFFFE0]  }
0x10a: {  	v21 =	vor.u32 s23, v7;
	v19 =	vld [tilespmem:s15+$0xF0];
	[tilespmem:v25+s20+$0x0] =	vst.idx.msk $0xffff, v24  }
0x10b: {  	[tilespmem:v27+s20+$0x0] =	vst.idx.msk $0xffff, v26;
	v25 =	vor.u32 s16, v7;
	v24 =	vld [tilespmem:s14+$0xF0]  }
0x10c: {  	v27 =	vor.u32 s17, v7;
	v26 =	vld [tilespmem:s14+$0xFFFFFFF0];
	[tilespmem:v23+s20+$0x0] =	vst.idx.msk $0xffff, v22  }
0x10d: {  	v23 =	vor.u32 s26, v7;
	v22 =	vld [tilespmem:s15+$0xFFFFFFF0];
	[tilespmem:v17+s20+$0x0] =	vst.idx.msk $0xffff, v16  }
0x10e: {  	[tilespmem:v20+s20+$0x0] =	vst.idx.msk $0xffff, v18;
	v17 =	vor.u32 s25, v7;
	v16 =	vld [tilespmem:s18+$0xF0]  }
0x10f: {  	[tilespmem:v21+s20+$0x0] =	vst.idx.msk $0xffff, v19;
	v20 =	vor.u32 s28, v7;
	v18 =	vld [tilespmem:s18+$0xFFFFFFF0]  }
0x110: {  	[tilespmem:v25+s20+$0x0] =	vst.idx.msk $0xffff, v24  }
0x111: {  	[tilespmem:v27+s20+$0x0] =	vst.idx.msk $0xffff, v26  }
0x112: {  	s13 =	sshll.u32 s13, $0xD;
	[tilespmem:v23+s20+$0x0] =	vst.idx.msk $0xffff, v22  }
0x113: {  	s13 =	sand.u32 $0x1FFFE000, s13;
	[tilespmem:v17+s20+$0x0] =	vst.idx.msk $0xffff, v16  }
0x114: {  	s13 =	sadd.s32 s2, s13;
	[tilespmem:v20+s20+$0x0] =	vst.idx.msk $0xffff, v18  }
0x115: {  	[hbm4b:s13+s4] =	stream.linear.scatter [tilespmem:s20], [sflag:$0x2], $0x4000, $0x38;
	[tilespmem:$0x18000] =	vst v63  }
0x116: {  	s13 =	simm.s32 @!p1 $0x2  }
0x117: {  	_ =	swait.ge @!p1 [sflag:s13], $0x4000  }
0x118: {  	[sflag:s13] =	ssyncset.done @!p1 $0x0  }
0x119: {  	s19 =	simm.s32 $0x2;
	s17 =	simm.s32 $0x21F0;
	[sflag:s13] =	ssyncadd.s32 @!p1 $0xFFFFC000  }
0x11a: {  	s23 =	simm.s32 $0x0;
	v17 =	vor.u32 s19, v8;
	v16 =	vld [tilespmem:s17+$0xFFFFFF10]  }
0x11b: {  	v19 =	vor.u32 s23, v8;
	v18 =	vld [tilespmem:s17+$0xFFFFFE10];
	_ =	sdelay $0x3  }
0x11c: {  	[tilespmem:v17+s20+$0x0] =	vst.idx.msk $0xffff, v16  }
0x11d: {  	[tilespmem:v19+s20+$0x0] =	vst.idx.msk $0xffff, v18;
	v17 =	vor.u32 s19, v9;
	v16 =	vld [tilespmem:s17+$0xFFFFFF20]  }
0x11e: {  	v19 =	vor.u32 s23, v9;
	v18 =	vld [tilespmem:s17+$0xFFFFFE20];
	_ =	sdelay $0x3  }
0x11f: {  	[tilespmem:v17+s20+$0x0] =	vst.idx.msk $0xffff, v16  }
0x120: {  	[tilespmem:v19+s20+$0x0] =	vst.idx.msk $0xffff, v18;
	v17 =	vor.u32 s19, v10;
	v16 =	vld [tilespmem:s17+$0xFFFFFF30]  }
0x121: {  	v19 =	vor.u32 s23, v10;
	v18 =	vld [tilespmem:s17+$0xFFFFFE30];
	_ =	sdelay $0x3  }
0x122: {  	[tilespmem:v17+s20+$0x0] =	vst.idx.msk $0xffff, v16  }
0x123: {  	[tilespmem:v19+s20+$0x0] =	vst.idx.msk $0xffff, v18;
	v17 =	vor.u32 s19, v11;
	v16 =	vld [tilespmem:s17+$0xFFFFFF40]  }
0x124: {  	v19 =	vor.u32 s23, v11;
	v18 =	vld [tilespmem:s17+$0xFFFFFE40];
	_ =	sdelay $0x3  }
0x125: {  	[tilespmem:v17+s20+$0x0] =	vst.idx.msk $0xffff, v16  }
0x126: {  	[tilespmem:v19+s20+$0x0] =	vst.idx.msk $0xffff, v18;
	v17 =	vor.u32 s19, v12;
	v16 =	vld [tilespmem:s17+$0xFFFFFF50]  }
0x127: {  	v19 =	vor.u32 s23, v12;
	v18 =	vld [tilespmem:s17+$0xFFFFFE50];
	_ =	sdelay $0x3  }
0x128: {  	[tilespmem:v17+s20+$0x0] =	vst.idx.msk $0xffff, v16  }
0x129: {  	[tilespmem:v19+s20+$0x0] =	vst.idx.msk $0xffff, v18;
	v17 =	vor.u32 s19, v13;
	v16 =	vld [tilespmem:s17+$0xFFFFFF60]  }
0x12a: {  	s24 =	simm.s32 $0x6;
	s13 =	simm.s32 $0x23F0;
	v19 =	vor.u32 s23, v13;
	v18 =	vld [tilespmem:s17+$0xFFFFFE60]  }
0x12b: {  	v21 =	vor.u32 s24, v8;
	s25 =	simm.s32 $0x4;
	v20 =	vld [tilespmem:s13+$0xFFFFFF10]  }
0x12c: {  	v23 =	vor.u32 s25, v8;
	v22 =	vld [tilespmem:s13+$0xFFFFFE10];
	_ =	sdelay $0x1  }
0x12d: {  	[tilespmem:v17+s20+$0x0] =	vst.idx.msk $0xffff, v16  }
0x12e: {  	[tilespmem:v19+s20+$0x0] =	vst.idx.msk $0xffff, v18;
	v17 =	vor.u32 s19, v14;
	v16 =	vld [tilespmem:s17+$0xFFFFFF70]  }
0x12f: {  	[tilespmem:v21+s20+$0x0] =	vst.idx.msk $0xffff, v20;
	v19 =	vor.u32 s23, v14;
	v18 =	vld [tilespmem:s17+$0xFFFFFE70]  }
0x130: {  	[tilespmem:v23+s20+$0x0] =	vst.idx.msk $0xffff, v22;
	v21 =	vor.u32 s24, v9;
	v20 =	vld [tilespmem:s13+$0xFFFFFF20]  }
0x131: {  	v23 =	vor.u32 s25, v9;
	v22 =	vld [tilespmem:s13+$0xFFFFFE20];
	_ =	sdelay $0x1  }
0x132: {  	[tilespmem:v17+s20+$0x0] =	vst.idx.msk $0xffff, v16  }
0x133: {  	[tilespmem:v19+s20+$0x0] =	vst.idx.msk $0xffff, v18;
	v17 =	vor.u32 s19, v15;
	v16 =	vld [tilespmem:s17+$0xFFFFFF80]  }
0x134: {  	[tilespmem:v21+s20+$0x0] =	vst.idx.msk $0xffff, v20;
	v19 =	vor.u32 s23, v15;
	v18 =	vld [tilespmem:s17+$0xFFFFFE80]  }
0x135: {  	[tilespmem:v23+s20+$0x0] =	vst.idx.msk $0xffff, v22;
	v21 =	vor.u32 s24, v10;
	v20 =	vld [tilespmem:s13+$0xFFFFFF30]  }
0x136: {  	v23 =	vor.u32 s25, v10;
	v22 =	vld [tilespmem:s13+$0xFFFFFE30];
	_ =	sdelay $0x1  }
0x137: {  	s26 =	simm.s32 $0x3;
	[tilespmem:v17+s20+$0x0] =	vst.idx.msk $0xffff, v16  }
0x138: {  	s28 =	simm.s32 $0x1;
	[tilespmem:v19+s20+$0x0] =	vst.idx.msk $0xffff, v18;
	v17 =	vor.u32 s26, v8;
	v16 =	vld [tilespmem:s17+$0xFFFFFF90]  }
0x139: {  	[tilespmem:v21+s20+$0x0] =	vst.idx.msk $0xffff, v20;
	v19 =	vor.u32 s28, v8;
	v18 =	vld [tilespmem:s17+$0xFFFFFE90]  }
0x13a: {  	[tilespmem:v23+s20+$0x0] =	vst.idx.msk $0xffff, v22;
	v21 =	vor.u32 s24, v11;
	v20 =	vld [tilespmem:s13+$0xFFFFFF40]  }
0x13b: {  	v23 =	vor.u32 s25, v11;
	v22 =	vld [tilespmem:s13+$0xFFFFFE40];
	_ =	sdelay $0x1  }
0x13c: {  	[tilespmem:v17+s20+$0x0] =	vst.idx.msk $0xffff, v16  }
0x13d: {  	[tilespmem:v19+s20+$0x0] =	vst.idx.msk $0xffff, v18;
	v17 =	vor.u32 s26, v9;
	v16 =	vld [tilespmem:s17+$0xFFFFFFA0]  }
0x13e: {  	[tilespmem:v21+s20+$0x0] =	vst.idx.msk $0xffff, v20;
	v19 =	vor.u32 s28, v9;
	v18 =	vld [tilespmem:s17+$0xFFFFFEA0]  }
0x13f: {  	[tilespmem:v23+s20+$0x0] =	vst.idx.msk $0xffff, v22;
	v21 =	vor.u32 s24, v12;
	v20 =	vld [tilespmem:s13+$0xFFFFFF50]  }
0x140: {  	v23 =	vor.u32 s25, v12;
	v22 =	vld [tilespmem:s13+$0xFFFFFE50];
	_ =	sdelay $0x1  }
0x141: {  	[tilespmem:v17+s20+$0x0] =	vst.idx.msk $0xffff, v16  }
0x142: {  	[tilespmem:v19+s20+$0x0] =	vst.idx.msk $0xffff, v18;
	v17 =	vor.u32 s26, v10;
	v16 =	vld [tilespmem:s17+$0xFFFFFFB0]  }
0x143: {  	[tilespmem:v21+s20+$0x0] =	vst.idx.msk $0xffff, v20;
	v19 =	vor.u32 s28, v10;
	v18 =	vld [tilespmem:s17+$0xFFFFFEB0]  }
0x144: {  	[tilespmem:v23+s20+$0x0] =	vst.idx.msk $0xffff, v22;
	v21 =	vor.u32 s24, v13;
	v20 =	vld [tilespmem:s13+$0xFFFFFF60]  }
0x145: {  	s14 =	simm.s32 $0x25F0;
	v23 =	vor.u32 s25, v13;
	v22 =	vld [tilespmem:s13+$0xFFFFFE60];
	s19 =	simm.s32 $0xA  }
0x146: {  	s18 =	simm.s32 $0x8;
	v24 =	vld [tilespmem:s14+$0xFFFFFF10];
	v25 =	vor.u32 s19, v8  }
0x147: {  	v27 =	vor.u32 s18, v8;
	v26 =	vld [tilespmem:s14+$0xFFFFFE10];
	[tilespmem:v17+s20+$0x0] =	vst.idx.msk $0xffff, v16  }
0x148: {  	[tilespmem:v19+s20+$0x0] =	vst.idx.msk $0xffff, v18;
	v17 =	vor.u32 s26, v11;
	v16 =	vld [tilespmem:s17+$0xFFFFFFC0]  }
0x149: {  	[tilespmem:v21+s20+$0x0] =	vst.idx.msk $0xffff, v20;
	v19 =	vor.u32 s28, v11;
	v18 =	vld [tilespmem:s17+$0xFFFFFEC0]  }
0x14a: {  	[tilespmem:v23+s20+$0x0] =	vst.idx.msk $0xffff, v22;
	v21 =	vor.u32 s24, v14;
	v20 =	vld [tilespmem:s13+$0xFFFFFF70]  }
0x14b: {  	v23 =	vor.u32 s25, v14;
	v22 =	vld [tilespmem:s13+$0xFFFFFE70];
	[tilespmem:v25+s20+$0x0] =	vst.idx.msk $0xffff, v24  }
0x14c: {  	[tilespmem:v27+s20+$0x0] =	vst.idx.msk $0xffff, v26;
	v25 =	vor.u32 s19, v9;
	v24 =	vld [tilespmem:s14+$0xFFFFFF20]  }
0x14d: {  	v27 =	vor.u32 s18, v9;
	v26 =	vld [tilespmem:s14+$0xFFFFFE20];
	[tilespmem:v17+s20+$0x0] =	vst.idx.msk $0xffff, v16  }
0x14e: {  	[tilespmem:v19+s20+$0x0] =	vst.idx.msk $0xffff, v18;
	v17 =	vor.u32 s26, v12;
	v16 =	vld [tilespmem:s17+$0xFFFFFFD0]  }
0x14f: {  	[tilespmem:v21+s20+$0x0] =	vst.idx.msk $0xffff, v20;
	v19 =	vor.u32 s28, v12;
	v18 =	vld [tilespmem:s17+$0xFFFFFED0]  }
0x150: {  	[tilespmem:v23+s20+$0x0] =	vst.idx.msk $0xffff, v22;
	v21 =	vor.u32 s24, v15;
	v20 =	vld [tilespmem:s13+$0xFFFFFF80]  }
0x151: {  	v23 =	vor.u32 s25, v15;
	v22 =	vld [tilespmem:s13+$0xFFFFFE80];
	[tilespmem:v25+s20+$0x0] =	vst.idx.msk $0xffff, v24  }
0x152: {  	[tilespmem:v27+s20+$0x0] =	vst.idx.msk $0xffff, v26;
	v25 =	vor.u32 s19, v10;
	v24 =	vld [tilespmem:s14+$0xFFFFFF30]  }
0x153: {  	v27 =	vor.u32 s18, v10;
	v26 =	vld [tilespmem:s14+$0xFFFFFE30];
	[tilespmem:v17+s20+$0x0] =	vst.idx.msk $0xffff, v16  }
0x154: {  	[tilespmem:v19+s20+$0x0] =	vst.idx.msk $0xffff, v18;
	v17 =	vor.u32 s26, v13;
	v16 =	vld [tilespmem:s17+$0xFFFFFFE0]  }
0x155: {  	s15 =	simm.s32 $0x7;
	[tilespmem:v21+s20+$0x0] =	vst.idx.msk $0xffff, v20;
	v19 =	vor.u32 s28, v13;
	v18 =	vld [tilespmem:s17+$0xFFFFFEE0]  }
0x156: {  	s16 =	simm.s32 $0x5;
	[tilespmem:v23+s20+$0x0] =	vst.idx.msk $0xffff, v22;
	v21 =	vor.u32 s15, v8;
	v20 =	vld [tilespmem:s13+$0xFFFFFF90]  }
0x157: {  	v23 =	vor.u32 s16, v8;
	v22 =	vld [tilespmem:s13+$0xFFFFFE90];
	[tilespmem:v25+s20+$0x0] =	vst.idx.msk $0xffff, v24  }
0x158: {  	[tilespmem:v27+s20+$0x0] =	vst.idx.msk $0xffff, v26;
	v25 =	vor.u32 s19, v11;
	v24 =	vld [tilespmem:s14+$0xFFFFFF40]  }
0x159: {  	v27 =	vor.u32 s18, v11;
	v26 =	vld [tilespmem:s14+$0xFFFFFE40];
	[tilespmem:v17+s20+$0x0] =	vst.idx.msk $0xffff, v16  }
0x15a: {  	[tilespmem:v19+s20+$0x0] =	vst.idx.msk $0xffff, v18;
	v17 =	vor.u32 s26, v14;
	v16 =	vld [tilespmem:s17+$0xFFFFFFF0]  }
0x15b: {  	[tilespmem:v21+s20+$0x0] =	vst.idx.msk $0xffff, v20;
	v19 =	vor.u32 s28, v14;
	v18 =	vld [tilespmem:s17+$0xFFFFFEF0]  }
0x15c: {  	[tilespmem:v23+s20+$0x0] =	vst.idx.msk $0xffff, v22;
	v21 =	vor.u32 s15, v9;
	v20 =	vld [tilespmem:s13+$0xFFFFFFA0]  }
0x15d: {  	v23 =	vor.u32 s16, v9;
	v22 =	vld [tilespmem:s13+$0xFFFFFEA0];
	[tilespmem:v25+s20+$0x0] =	vst.idx.msk $0xffff, v24  }
0x15e: {  	[tilespmem:v27+s20+$0x0] =	vst.idx.msk $0xffff, v26;
	v25 =	vor.u32 s19, v12;
	v24 =	vld [tilespmem:s14+$0xFFFFFF50]  }
0x15f: {  	v27 =	vor.u32 s18, v12;
	v26 =	vld [tilespmem:s14+$0xFFFFFE50];
	[tilespmem:v17+s20+$0x0] =	vst.idx.msk $0xffff, v16  }
0x160: {  	v63 =	vor.u32 s26, v15;
	[tilespmem:v19+s20+$0x0] =	vst.idx.msk $0xffff, v18;
	v62 =	vld [tilespmem:s17+$0x0]  }
0x161: {  	[tilespmem:v21+s20+$0x0] =	vst.idx.msk $0xffff, v20;
	v21 =	vor.u32 s28, v15;
	v19 =	vld [tilespmem:s17+$0xFFFFFF00]  }
0x162: {  	[tilespmem:v23+s20+$0x0] =	vst.idx.msk $0xffff, v22;
	v16 =	vld [tilespmem:s13+$0xFFFFFFB0];
	v18 =	vor.u32 s15, v10  }
0x163: {  	v20 =	vor.u32 s16, v10;
	[tilespmem:v25+s20+$0x0] =	vst.idx.msk $0xffff, v24;
	v17 =	vld [tilespmem:s13+$0xFFFFFEB0]  }
0x164: {  	[tilespmem:v27+s20+$0x0] =	vst.idx.msk $0xffff, v26;
	s23 =	simm.s32 $0xC;
	v23 =	vor.u32 s19, v13;
	v22 =	vld [tilespmem:s14+$0xFFFFFF60]  }
0x165: {  	s25 =	simm.s32 $0xE;
	s24 =	simm.s32 $0x10;
	v24 =	vld [tilespmem:s14+$0xFFFFFE60];
	v25 =	vor.u32 s18, v13;
	s17 =	simm.s32 $0x27F0;
	[tilespmem:v63+s20+$0x0] =	vst.idx.msk $0xffff, v62  }
.LBB2_6:
0x166: {  	p1 =	slt.u32 s24, $0x3C;
	v26 =	vld [tilespmem:s17+$0xFFFFFF10];
	v27 =	vor.u32 s25, v8;
	[tilespmem:v21+s20+$0x0] =	vst.idx.msk $0xffff, v19  }
0x167: {  	v21 =	vor.u32 s23, v8;
	v19 =	vld [tilespmem:s17+$0xFFFFFE10];
	[tilespmem:v18+s20+$0x0] =	vst.idx.msk $0xffff, v16  }
0x168: {  	[tilespmem:v20+s20+$0x0] =	vst.idx.msk $0xffff, v17;
	v16 =	vld [tilespmem:s13+$0xFFFFFFC0];
	v17 =	vor.u32 s15, v11  }
0x169: {  	v20 =	vor.u32 s16, v11;
	[tilespmem:v23+s20+$0x0] =	vst.idx.msk $0xffff, v22;
	v18 =	vld [tilespmem:s13+$0xFFFFFEC0]  }
0x16a: {  	v23 =	vor.u32 s19, v14;
	[tilespmem:v25+s20+$0x0] =	vst.idx.msk $0xffff, v24;
	v22 =	vld [tilespmem:s14+$0xFFFFFF70]  }
0x16b: {  	v25 =	vor.u32 s18, v14;
	[tilespmem:v27+s20+$0x0] =	vst.idx.msk $0xffff, v26;
	v24 =	vld [tilespmem:s14+$0xFFFFFE70]  }
0x16c: {  	[tilespmem:v21+s20+$0x0] =	vst.idx.msk $0xffff, v19;
	v19 =	vld [tilespmem:s17+$0xFFFFFF20];
	v21 =	vor.u32 s25, v9  }
0x16d: {  	v27 =	vor.u32 s23, v9;
	v26 =	vld [tilespmem:s17+$0xFFFFFE20];
	[tilespmem:v17+s20+$0x0] =	vst.idx.msk $0xffff, v16  }
0x16e: {  	v17 =	vor.u32 s15, v12;
	[tilespmem:v20+s20+$0x0] =	vst.idx.msk $0xffff, v18;
	v16 =	vld [tilespmem:s13+$0xFFFFFFD0]  }
0x16f: {  	v20 =	vor.u32 s16, v12;
	[tilespmem:v23+s20+$0x0] =	vst.idx.msk $0xffff, v22;
	v18 =	vld [tilespmem:s13+$0xFFFFFED0]  }
0x170: {  	v23 =	vor.u32 s19, v15;
	s19 =	smov.u32 s25;
	[tilespmem:v25+s20+$0x0] =	vst.idx.msk $0xffff, v24;
	v22 =	vld [tilespmem:s14+$0xFFFFFF80]  }
0x171: {  	[tilespmem:v21+s20+$0x0] =	vst.idx.msk $0xffff, v19;
	v19 =	vld [tilespmem:s14+$0xFFFFFE80];
	v21 =	vor.u32 s18, v15  }
0x172: {  	v25 =	vor.u32 s19, v10;
	[tilespmem:v27+s20+$0x0] =	vst.idx.msk $0xffff, v26;
	v24 =	vld [tilespmem:s17+$0xFFFFFF30]  }
0x173: {  	v27 =	vor.u32 s23, v10;
	v26 =	vld [tilespmem:s17+$0xFFFFFE30];
	[tilespmem:v17+s20+$0x0] =	vst.idx.msk $0xffff, v16  }
0x174: {  	v17 =	vor.u32 s15, v13;
	[tilespmem:v20+s20+$0x0] =	vst.idx.msk $0xffff, v18;
	v16 =	vld [tilespmem:s13+$0xFFFFFFE0]  }
0x175: {  	s25 =	sadd.s32 $0x3, s18;
	v20 =	vor.u32 s16, v13;
	[tilespmem:v23+s20+$0x0] =	vst.idx.msk $0xffff, v22;
	v18 =	vld [tilespmem:s13+$0xFFFFFEE0]  }
0x176: {  	s26 =	sadd.s32 $0x1, s18;
	s18 =	smov.u32 s23;
	s23 =	smov.u32 s24;
	[tilespmem:v21+s20+$0x0] =	vst.idx.msk $0xffff, v19;
	v19 =	vld [tilespmem:s14+$0xFFFFFF90];
	v21 =	vor.u32 s25, v8  }
0x177: {  	v23 =	vor.u32 s26, v8;
	[tilespmem:v25+s20+$0x0] =	vst.idx.msk $0xffff, v24;
	v22 =	vld [tilespmem:s14+$0xFFFFFE90]  }
0x178: {  	v25 =	vor.u32 s19, v11;
	[tilespmem:v27+s20+$0x0] =	vst.idx.msk $0xffff, v26;
	v24 =	vld [tilespmem:s17+$0xFFFFFF40]  }
0x179: {  	v27 =	vor.u32 s18, v11;
	v26 =	vld [tilespmem:s17+$0xFFFFFE40];
	[tilespmem:v17+s20+$0x0] =	vst.idx.msk $0xffff, v16  }
0x17a: {  	v17 =	vor.u32 s15, v14;
	[tilespmem:v20+s20+$0x0] =	vst.idx.msk $0xffff, v18;
	v16 =	vld [tilespmem:s13+$0xFFFFFFF0]  }
0x17b: {  	[tilespmem:v21+s20+$0x0] =	vst.idx.msk $0xffff, v19;
	v18 =	vld [tilespmem:s13+$0xFFFFFEF0];
	v19 =	vor.u32 s16, v14  }
0x17c: {  	v21 =	vor.u32 s25, v9;
	[tilespmem:v23+s20+$0x0] =	vst.idx.msk $0xffff, v22;
	v20 =	vld [tilespmem:s14+$0xFFFFFFA0]  }
0x17d: {  	v23 =	vor.u32 s26, v9;
	[tilespmem:v25+s20+$0x0] =	vst.idx.msk $0xffff, v24;
	v22 =	vld [tilespmem:s14+$0xFFFFFEA0]  }
0x17e: {  	v25 =	vor.u32 s19, v12;
	[tilespmem:v27+s20+$0x0] =	vst.idx.msk $0xffff, v26;
	v24 =	vld [tilespmem:s17+$0xFFFFFF50]  }
0x17f: {  	v27 =	vor.u32 s18, v12;
	v26 =	vld [tilespmem:s17+$0xFFFFFE50];
	[tilespmem:v17+s20+$0x0] =	vst.idx.msk $0xffff, v16  }
0x180: {  	v29 =	vor.u32 s15, v15;
	s15 =	smov.u32 s25;
	[tilespmem:v19+s20+$0x0] =	vst.idx.msk $0xffff, v18;
	v28 =	vld [tilespmem:s13+$0x0]  }
.Ltmp6:
0x181: {  	[tilespmem:v21+s20+$0x0] =	vst.idx.msk $0xffff, v20;
	v19 =	vld [tilespmem:s13+$0xFFFFFF00];
	v21 =	vor.u32 s16, v15;
	s16 =	smov.u32 s26;
	s13 =	smov.u32 s14;
	(pc) =	sbr.rel @p1 .LBB2_6-.Ltmp6, $4  }
0x182: {  	v18 =	vor.u32 s15, v10;
	s14 =	smov.u32 s17;
	[tilespmem:v23+s20+$0x0] =	vst.idx.msk $0xffff, v22;
	v16 =	vld [tilespmem:s13+$0xFFFFFFB0]  }
0x183: {  	v20 =	vor.u32 s16, v10;
	[tilespmem:v25+s20+$0x0] =	vst.idx.msk $0xffff, v24;
	v17 =	vld [tilespmem:s13+$0xFFFFFEB0]  }
0x184: {  	v23 =	vor.u32 s19, v13;
	[tilespmem:v27+s20+$0x0] =	vst.idx.msk $0xffff, v26;
	v22 =	vld [tilespmem:s17+$0xFFFFFF60]  }
0x185: {  	s24 =	sadd.s32 $0x4, s24;
	s25 =	sadd.s32 $0x2, s23;
	v25 =	vor.u32 s18, v13;
	s17 =	sadd.s32 $0x200, s17;
	v24 =	vld [tilespmem:s14+$0xFFFFFE60];
	[tilespmem:v29+s20+$0x0] =	vst.idx.msk $0xffff, v28  }
0x186: {  	v26 =	vld [tilespmem:s17+$0xFFFFFF10];
	v27 =	vor.u32 s25, v8  }
0x187: {  	v28 =	vld [tilespmem:s17+$0xFFFFFE10];
	v29 =	vor.u32 s23, v8;
	_ =	sdelay $0x3  }
0x188: {  	[tilespmem:v27+s20+$0x0] =	vst.idx.msk $0xffff, v26  }
0x189: {  	[tilespmem:v29+s20+$0x0] =	vst.idx.msk $0xffff, v28;
	v27 =	vor.u32 s25, v9;
	v26 =	vld [tilespmem:s17+$0xFFFFFF20]  }
0x18a: {  	v53 =	vor.u32 s23, v9;
	v28 =	vld [tilespmem:s17+$0xFFFFFE20];
	_ =	sdelay $0x3  }
0x18b: {  	[tilespmem:v27+s20+$0x0] =	vst.idx.msk $0xffff, v26  }
0x18c: {  	[tilespmem:v53+s20+$0x0] =	vst.idx.msk $0xffff, v28;
	v27 =	vor.u32 s25, v10;
	v26 =	vld [tilespmem:s17+$0xFFFFFF30]  }
0x18d: {  	v54 =	vor.u32 s23, v10;
	v28 =	vld [tilespmem:s17+$0xFFFFFE30];
	_ =	sdelay $0x3  }
0x18e: {  	[tilespmem:v27+s20+$0x0] =	vst.idx.msk $0xffff, v26  }
0x18f: {  	[tilespmem:v54+s20+$0x0] =	vst.idx.msk $0xffff, v28;
	v27 =	vor.u32 s25, v11;
	v26 =	vld [tilespmem:s17+$0xFFFFFF40]  }
0x190: {  	v55 =	vor.u32 s23, v11;
	v28 =	vld [tilespmem:s17+$0xFFFFFE40];
	_ =	sdelay $0x3  }
0x191: {  	[tilespmem:v27+s20+$0x0] =	vst.idx.msk $0xffff, v26  }
0x192: {  	[tilespmem:v55+s20+$0x0] =	vst.idx.msk $0xffff, v28;
	v27 =	vor.u32 s25, v12;
	v26 =	vld [tilespmem:s17+$0xFFFFFF50]  }
0x193: {  	v56 =	vor.u32 s23, v12;
	v28 =	vld [tilespmem:s17+$0xFFFFFE50];
	_ =	sdelay $0x3  }
0x194: {  	[tilespmem:v27+s20+$0x0] =	vst.idx.msk $0xffff, v26  }
0x195: {  	[tilespmem:v56+s20+$0x0] =	vst.idx.msk $0xffff, v28;
	v27 =	vor.u32 s25, v13;
	v26 =	vld [tilespmem:s17+$0xFFFFFF60]  }
0x196: {  	v57 =	vor.u32 s23, v13;
	v28 =	vld [tilespmem:s17+$0xFFFFFE60];
	_ =	sdelay $0x1  }
0x197: {  	[tilespmem:v25+s20+$0x0] =	vst.idx.msk $0xffff, v24  }
0x198: {  	[tilespmem:v23+s20+$0x0] =	vst.idx.msk $0xffff, v22;
	v25 =	vor.u32 s18, v14;
	v24 =	vld [tilespmem:s14+$0xFFFFFE70]  }
0x199: {  	v23 =	vor.u32 s19, v14;
	v22 =	vld [tilespmem:s14+$0xFFFFFF70];
	[tilespmem:v27+s20+$0x0] =	vst.idx.msk $0xffff, v26  }
0x19a: {  	[tilespmem:v57+s20+$0x0] =	vst.idx.msk $0xffff, v28;
	v27 =	vor.u32 s25, v14;
	v26 =	vld [tilespmem:s17+$0xFFFFFF70]  }
0x19b: {  	v58 =	vor.u32 s23, v14;
	v28 =	vld [tilespmem:s17+$0xFFFFFE70];
	_ =	sdelay $0x1  }
0x19c: {  	[tilespmem:v25+s20+$0x0] =	vst.idx.msk $0xffff, v24  }
0x19d: {  	[tilespmem:v23+s20+$0x0] =	vst.idx.msk $0xffff, v22;
	v25 =	vor.u32 s18, v15;
	v24 =	vld [tilespmem:s14+$0xFFFFFE80]  }
0x19e: {  	v23 =	vor.u32 s19, v15;
	v22 =	vld [tilespmem:s14+$0xFFFFFF80];
	[tilespmem:v27+s20+$0x0] =	vst.idx.msk $0xffff, v26  }
0x19f: {  	[tilespmem:v58+s20+$0x0] =	vst.idx.msk $0xffff, v28;
	v27 =	vor.u32 s25, v15;
	v26 =	vld [tilespmem:s17+$0xFFFFFF80]  }
0x1a0: {  	v59 =	vor.u32 s23, v15;
	v28 =	vld [tilespmem:s17+$0xFFFFFE80];
	_ =	sdelay $0x1  }
0x1a1: {  	s26 =	sadd.s32 $0x1, s18;
	[tilespmem:v25+s20+$0x0] =	vst.idx.msk $0xffff, v24  }
0x1a2: {  	[tilespmem:v23+s20+$0x0] =	vst.idx.msk $0xffff, v22;
	v25 =	vor.u32 s26, v8;
	v24 =	vld [tilespmem:s14+$0xFFFFFE90];
	s25 =	sadd.s32 $0x3, s18  }
0x1a3: {  	s24 =	sadd.s32 $0x3, s23;
	v22 =	vld [tilespmem:s14+$0xFFFFFF90];
	v23 =	vor.u32 s25, v8;
	[tilespmem:v27+s20+$0x0] =	vst.idx.msk $0xffff, v26  }
0x1a4: {  	s28 =	sadd.s32 $0x1, s23;
	[tilespmem:v59+s20+$0x0] =	vst.idx.msk $0xffff, v28;
	v27 =	vor.u32 s24, v8;
	v26 =	vld [tilespmem:s17+$0xFFFFFF90]  }
0x1a5: {  	v60 =	vor.u32 s28, v8;
	v28 =	vld [tilespmem:s17+$0xFFFFFE90];
	_ =	sdelay $0x1  }
0x1a6: {  	[tilespmem:v25+s20+$0x0] =	vst.idx.msk $0xffff, v24  }
0x1a7: {  	v25 =	vor.u32 s26, v9;
	v24 =	vld [tilespmem:s14+$0xFFFFFEA0];
	[tilespmem:v23+s20+$0x0] =	vst.idx.msk $0xffff, v22  }
0x1a8: {  	v23 =	vor.u32 s25, v9;
	v22 =	vld [tilespmem:s14+$0xFFFFFFA0];
	[tilespmem:v27+s20+$0x0] =	vst.idx.msk $0xffff, v26  }
0x1a9: {  	[tilespmem:v60+s20+$0x0] =	vst.idx.msk $0xffff, v28;
	v27 =	vor.u32 s24, v9;
	v26 =	vld [tilespmem:s17+$0xFFFFFFA0]  }
0x1aa: {  	v61 =	vor.u32 s28, v9;
	v28 =	vld [tilespmem:s17+$0xFFFFFEA0]  }
0x1ab: {  	[tilespmem:v21+s20+$0x0] =	vst.idx.msk $0xffff, v19  }
0x1ac: {  	[tilespmem:v25+s20+$0x0] =	vst.idx.msk $0xffff, v24  }
0x1ad: {  	[tilespmem:v23+s20+$0x0] =	vst.idx.msk $0xffff, v22;
	v22 =	vld [tilespmem:s14+$0xFFFFFEB0];
	v23 =	vor.u32 s26, v10  }
0x1ae: {  	v21 =	vor.u32 s25, v10;
	v19 =	vld [tilespmem:s14+$0xFFFFFFB0];
	[tilespmem:v27+s20+$0x0] =	vst.idx.msk $0xffff, v26  }
0x1af: {  	v25 =	vor.u32 s24, v10;
	[tilespmem:v61+s20+$0x0] =	vst.idx.msk $0xffff, v28;
	v24 =	vld [tilespmem:s17+$0xFFFFFFB0]  }
0x1b0: {  	[tilespmem:v18+s20+$0x0] =	vst.idx.msk $0xffff, v16;
	v18 =	vor.u32 s28, v10;
	v16 =	vld [tilespmem:s17+$0xFFFFFEB0]  }
0x1b1: {  	[tilespmem:v20+s20+$0x0] =	vst.idx.msk $0xffff, v17;
	v17 =	vld [tilespmem:s13+$0xFFFFFFC0];
	v20 =	vor.u32 s15, v11  }
0x1b2: {  	[tilespmem:v23+s20+$0x0] =	vst.idx.msk $0xffff, v22;
	v26 =	vld [tilespmem:s13+$0xFFFFFEC0];
	v27 =	vor.u32 s16, v11  }
0x1b3: {  	v23 =	vor.u32 s26, v11;
	[tilespmem:v21+s20+$0x0] =	vst.idx.msk $0xffff, v19;
	v22 =	vld [tilespmem:s14+$0xFFFFFEC0]  }
0x1b4: {  	v21 =	vor.u32 s25, v11;
	v19 =	vld [tilespmem:s14+$0xFFFFFFC0];
	[tilespmem:v25+s20+$0x0] =	vst.idx.msk $0xffff, v24  }
0x1b5: {  	[tilespmem:v18+s20+$0x0] =	vst.idx.msk $0xffff, v16;
	v18 =	vor.u32 s24, v11;
	v16 =	vld [tilespmem:s17+$0xFFFFFFC0]  }
0x1b6: {  	[tilespmem:v20+s20+$0x0] =	vst.idx.msk $0xffff, v17;
	v20 =	vor.u32 s28, v11;
	v17 =	vld [tilespmem:s17+$0xFFFFFEC0]  }
0x1b7: {  	[tilespmem:v27+s20+$0x0] =	vst.idx.msk $0xffff, v26;
	v24 =	vld [tilespmem:s13+$0xFFFFFFD0];
	v25 =	vor.u32 s15, v12  }
0x1b8: {  	v27 =	vor.u32 s16, v12;
	[tilespmem:v23+s20+$0x0] =	vst.idx.msk $0xffff, v22;
	v26 =	vld [tilespmem:s13+$0xFFFFFED0]  }
0x1b9: {  	v23 =	vor.u32 s26, v12;
	[tilespmem:v21+s20+$0x0] =	vst.idx.msk $0xffff, v19;
	v22 =	vld [tilespmem:s14+$0xFFFFFED0]  }
0x1ba: {  	v21 =	vor.u32 s25, v12;
	v19 =	vld [tilespmem:s14+$0xFFFFFFD0];
	[tilespmem:v18+s20+$0x0] =	vst.idx.msk $0xffff, v16  }
0x1bb: {  	[tilespmem:v20+s20+$0x0] =	vst.idx.msk $0xffff, v17;
	v17 =	vor.u32 s24, v12;
	v16 =	vld [tilespmem:s17+$0xFFFFFFD0]  }
0x1bc: {  	[tilespmem:v25+s20+$0x0] =	vst.idx.msk $0xffff, v24;
	v20 =	vor.u32 s28, v12;
	v18 =	vld [tilespmem:s17+$0xFFFFFED0]  }
0x1bd: {  	[tilespmem:v27+s20+$0x0] =	vst.idx.msk $0xffff, v26;
	v25 =	vor.u32 s15, v13;
	v24 =	vld [tilespmem:s13+$0xFFFFFFE0]  }
0x1be: {  	v27 =	vor.u32 s16, v13;
	[tilespmem:v23+s20+$0x0] =	vst.idx.msk $0xffff, v22;
	v26 =	vld [tilespmem:s13+$0xFFFFFEE0]  }
0x1bf: {  	v23 =	vor.u32 s26, v13;
	[tilespmem:v21+s20+$0x0] =	vst.idx.msk $0xffff, v19;
	v22 =	vld [tilespmem:s14+$0xFFFFFEE0]  }
0x1c0: {  	v21 =	vor.u32 s25, v13;
	v19 =	vld [tilespmem:s14+$0xFFFFFFE0];
	[tilespmem:v17+s20+$0x0] =	vst.idx.msk $0xffff, v16  }
0x1c1: {  	[tilespmem:v20+s20+$0x0] =	vst.idx.msk $0xffff, v18;
	v17 =	vor.u32 s24, v13;
	v16 =	vld [tilespmem:s17+$0xFFFFFFE0]  }
0x1c2: {  	[tilespmem:v25+s20+$0x0] =	vst.idx.msk $0xffff, v24;
	v20 =	vor.u32 s28, v13;
	v18 =	vld [tilespmem:s17+$0xFFFFFEE0]  }
0x1c3: {  	[tilespmem:v27+s20+$0x0] =	vst.idx.msk $0xffff, v26;
	v25 =	vor.u32 s15, v14;
	v24 =	vld [tilespmem:s13+$0xFFFFFFF0]  }
0x1c4: {  	v27 =	vor.u32 s16, v14;
	[tilespmem:v23+s20+$0x0] =	vst.idx.msk $0xffff, v22;
	v26 =	vld [tilespmem:s13+$0xFFFFFEF0]  }
0x1c5: {  	v23 =	vor.u32 s26, v14;
	[tilespmem:v21+s20+$0x0] =	vst.idx.msk $0xffff, v19;
	v22 =	vld [tilespmem:s14+$0xFFFFFEF0]  }
0x1c6: {  	v21 =	vor.u32 s25, v14;
	v19 =	vld [tilespmem:s14+$0xFFFFFFF0];
	[tilespmem:v17+s20+$0x0] =	vst.idx.msk $0xffff, v16  }
0x1c7: {  	[tilespmem:v20+s20+$0x0] =	vst.idx.msk $0xffff, v18;
	v17 =	vor.u32 s24, v14;
	v16 =	vld [tilespmem:s17+$0xFFFFFFF0]  }
0x1c8: {  	[tilespmem:v25+s20+$0x0] =	vst.idx.msk $0xffff, v24;
	v20 =	vor.u32 s28, v14;
	v18 =	vld [tilespmem:s17+$0xFFFFFEF0]  }
0x1c9: {  	[tilespmem:v27+s20+$0x0] =	vst.idx.msk $0xffff, v26;
	v25 =	vor.u32 s15, v15;
	v24 =	vld [tilespmem:s13+$0x0]  }
0x1ca: {  	v27 =	vor.u32 s16, v15;
	[tilespmem:v23+s20+$0x0] =	vst.idx.msk $0xffff, v22;
	v26 =	vld [tilespmem:s13+$0xFFFFFF00]  }
0x1cb: {  	v23 =	vor.u32 s26, v15;
	[tilespmem:v21+s20+$0x0] =	vst.idx.msk $0xffff, v19;
	v22 =	vld [tilespmem:s14+$0xFFFFFF00]  }
0x1cc: {  	v21 =	vor.u32 s25, v15;
	v19 =	vld [tilespmem:s14+$0x0];
	[tilespmem:v17+s20+$0x0] =	vst.idx.msk $0xffff, v16  }
0x1cd: {  	[tilespmem:v20+s20+$0x0] =	vst.idx.msk $0xffff, v18;
	v17 =	vor.u32 s24, v15;
	v16 =	vld [tilespmem:s17+$0x0]  }
0x1ce: {  	[tilespmem:v25+s20+$0x0] =	vst.idx.msk $0xffff, v24;
	v20 =	vor.u32 s28, v15;
	v18 =	vld [tilespmem:s17+$0xFFFFFF00]  }
0x1cf: {  	[tilespmem:v27+s20+$0x0] =	vst.idx.msk $0xffff, v26  }
0x1d0: {  	[tilespmem:v23+s20+$0x0] =	vst.idx.msk $0xffff, v22  }
0x1d1: {  	s0 =	sshll.u32 s0, $0xB;
	[tilespmem:v21+s20+$0x0] =	vst.idx.msk $0xffff, v19  }
0x1d2: {  	s0 =	sand.u32 $0x1FFFE800, s0;
	[tilespmem:v17+s20+$0x0] =	vst.idx.msk $0xffff, v16  }
0x1d3: {  	s0 =	sadd.s32 s2, s0;
	s18 =	simm.s32 $0x0;
	[tilespmem:v20+s20+$0x0] =	vst.idx.msk $0xffff, v18  }
0x1d4: {  	[hbm4b:s0+s18] =	stream.linear.scatter [tilespmem:s21], [sflag:$0x2], $0x4000, $0x38;
	[tilespmem:$0x18000] =	vst v63  }
0x1d5: {  	_ =	swait.ge [sflag:s22], $0x4000  }
0x1d6: {  	[sflag:s22] =	ssyncset.done $0x0  }
0x1d7: {  	s23 =	simm.s32 $0x2;
	s19 =	simm.s32 $0x41F0;
	[sflag:s22] =	ssyncadd.s32 $0xFFFFC000  }
0x1d8: {  	v17 =	vor.u32 s23, v0;
	v16 =	vld [tilespmem:s19+$0xFFFFFF10]  }
0x1d9: {  	v19 =	vor.u32 s18, v0;
	v18 =	vld [tilespmem:s19+$0xFFFFFE10];
	_ =	sdelay $0x3  }
0x1da: {  	[tilespmem:v17+s20+$0x0] =	vst.idx.msk $0xffff, v16  }
0x1db: {  	[tilespmem:v19+s20+$0x0] =	vst.idx.msk $0xffff, v18;
	v17 =	vor.u32 s23, v1;
	v16 =	vld [tilespmem:s19+$0xFFFFFF20]  }
0x1dc: {  	v19 =	vor.u32 s18, v1;
	v18 =	vld [tilespmem:s19+$0xFFFFFE20];
	_ =	sdelay $0x3  }
0x1dd: {  	[tilespmem:v17+s20+$0x0] =	vst.idx.msk $0xffff, v16  }
0x1de: {  	[tilespmem:v19+s20+$0x0] =	vst.idx.msk $0xffff, v18;
	v17 =	vor.u32 s23, v2;
	v16 =	vld [tilespmem:s19+$0xFFFFFF30]  }
0x1df: {  	v19 =	vor.u32 s18, v2;
	v18 =	vld [tilespmem:s19+$0xFFFFFE30];
	_ =	sdelay $0x3  }
0x1e0: {  	[tilespmem:v17+s20+$0x0] =	vst.idx.msk $0xffff, v16  }
0x1e1: {  	[tilespmem:v19+s20+$0x0] =	vst.idx.msk $0xffff, v18;
	v17 =	vor.u32 s23, v3;
	v16 =	vld [tilespmem:s19+$0xFFFFFF40]  }
0x1e2: {  	v19 =	vor.u32 s18, v3;
	v18 =	vld [tilespmem:s19+$0xFFFFFE40];
	_ =	sdelay $0x3  }
0x1e3: {  	[tilespmem:v17+s20+$0x0] =	vst.idx.msk $0xffff, v16  }
0x1e4: {  	[tilespmem:v19+s20+$0x0] =	vst.idx.msk $0xffff, v18;
	v17 =	vor.u32 s23, v4;
	v16 =	vld [tilespmem:s19+$0xFFFFFF50]  }
0x1e5: {  	v19 =	vor.u32 s18, v4;
	v18 =	vld [tilespmem:s19+$0xFFFFFE50];
	_ =	sdelay $0x3  }
0x1e6: {  	[tilespmem:v17+s20+$0x0] =	vst.idx.msk $0xffff, v16  }
0x1e7: {  	[tilespmem:v19+s20+$0x0] =	vst.idx.msk $0xffff, v18;
	v17 =	vor.u32 s23, v5;
	v16 =	vld [tilespmem:s19+$0xFFFFFF60]  }
0x1e8: {  	s24 =	simm.s32 $0x6;
	s0 =	simm.s32 $0x43F0;
	v19 =	vor.u32 s18, v5;
	v18 =	vld [tilespmem:s19+$0xFFFFFE60]  }
0x1e9: {  	s25 =	simm.s32 $0x4;
	v21 =	vor.u32 s24, v0;
	v20 =	vld [tilespmem:s0+$0xFFFFFF10]  }
0x1ea: {  	v23 =	vor.u32 s25, v0;
	v22 =	vld [tilespmem:s0+$0xFFFFFE10];
	_ =	sdelay $0x1  }
0x1eb: {  	[tilespmem:v17+s20+$0x0] =	vst.idx.msk $0xffff, v16  }
0x1ec: {  	[tilespmem:v19+s20+$0x0] =	vst.idx.msk $0xffff, v18;
	v17 =	vor.u32 s23, v6;
	v16 =	vld [tilespmem:s19+$0xFFFFFF70]  }
0x1ed: {  	[tilespmem:v21+s20+$0x0] =	vst.idx.msk $0xffff, v20;
	v19 =	vor.u32 s18, v6;
	v18 =	vld [tilespmem:s19+$0xFFFFFE70]  }
0x1ee: {  	[tilespmem:v23+s20+$0x0] =	vst.idx.msk $0xffff, v22;
	v21 =	vor.u32 s24, v1;
	v20 =	vld [tilespmem:s0+$0xFFFFFF20]  }
0x1ef: {  	v23 =	vor.u32 s25, v1;
	v22 =	vld [tilespmem:s0+$0xFFFFFE20];
	_ =	sdelay $0x1  }
0x1f0: {  	[tilespmem:v17+s20+$0x0] =	vst.idx.msk $0xffff, v16  }
0x1f1: {  	[tilespmem:v19+s20+$0x0] =	vst.idx.msk $0xffff, v18;
	v17 =	vor.u32 s23, v7;
	v16 =	vld [tilespmem:s19+$0xFFFFFF80]  }
0x1f2: {  	[tilespmem:v21+s20+$0x0] =	vst.idx.msk $0xffff, v20;
	v19 =	vor.u32 s18, v7;
	v18 =	vld [tilespmem:s19+$0xFFFFFE80]  }
0x1f3: {  	[tilespmem:v23+s20+$0x0] =	vst.idx.msk $0xffff, v22;
	v21 =	vor.u32 s24, v2;
	v20 =	vld [tilespmem:s0+$0xFFFFFF30]  }
0x1f4: {  	v23 =	vor.u32 s25, v2;
	v22 =	vld [tilespmem:s0+$0xFFFFFE30];
	_ =	sdelay $0x1  }
0x1f5: {  	s26 =	simm.s32 $0x3;
	[tilespmem:v17+s20+$0x0] =	vst.idx.msk $0xffff, v16  }
0x1f6: {  	s28 =	simm.s32 $0x1;
	[tilespmem:v19+s20+$0x0] =	vst.idx.msk $0xffff, v18;
	v17 =	vor.u32 s26, v0;
	v16 =	vld [tilespmem:s19+$0xFFFFFF90]  }
0x1f7: {  	[tilespmem:v21+s20+$0x0] =	vst.idx.msk $0xffff, v20;
	v19 =	vor.u32 s28, v0;
	v18 =	vld [tilespmem:s19+$0xFFFFFE90]  }
0x1f8: {  	[tilespmem:v23+s20+$0x0] =	vst.idx.msk $0xffff, v22;
	v21 =	vor.u32 s24, v3;
	v20 =	vld [tilespmem:s0+$0xFFFFFF40]  }
0x1f9: {  	v23 =	vor.u32 s25, v3;
	v22 =	vld [tilespmem:s0+$0xFFFFFE40];
	_ =	sdelay $0x1  }
0x1fa: {  	[tilespmem:v17+s20+$0x0] =	vst.idx.msk $0xffff, v16  }
0x1fb: {  	[tilespmem:v19+s20+$0x0] =	vst.idx.msk $0xffff, v18;
	v17 =	vor.u32 s26, v1;
	v16 =	vld [tilespmem:s19+$0xFFFFFFA0]  }
0x1fc: {  	[tilespmem:v21+s20+$0x0] =	vst.idx.msk $0xffff, v20;
	v19 =	vor.u32 s28, v1;
	v18 =	vld [tilespmem:s19+$0xFFFFFEA0]  }
0x1fd: {  	[tilespmem:v23+s20+$0x0] =	vst.idx.msk $0xffff, v22;
	v21 =	vor.u32 s24, v4;
	v20 =	vld [tilespmem:s0+$0xFFFFFF50]  }
0x1fe: {  	v23 =	vor.u32 s25, v4;
	v22 =	vld [tilespmem:s0+$0xFFFFFE50];
	_ =	sdelay $0x1  }
0x1ff: {  	[tilespmem:v17+s20+$0x0] =	vst.idx.msk $0xffff, v16  }
0x200: {  	[tilespmem:v19+s20+$0x0] =	vst.idx.msk $0xffff, v18;
	v17 =	vor.u32 s26, v2;
	v16 =	vld [tilespmem:s19+$0xFFFFFFB0]  }
0x201: {  	[tilespmem:v21+s20+$0x0] =	vst.idx.msk $0xffff, v20;
	v19 =	vor.u32 s28, v2;
	v18 =	vld [tilespmem:s19+$0xFFFFFEB0]  }
0x202: {  	[tilespmem:v23+s20+$0x0] =	vst.idx.msk $0xffff, v22;
	v21 =	vor.u32 s24, v5;
	v20 =	vld [tilespmem:s0+$0xFFFFFF60]  }
0x203: {  	s13 =	simm.s32 $0x45F0;
	v23 =	vor.u32 s25, v5;
	v22 =	vld [tilespmem:s0+$0xFFFFFE60];
	s18 =	simm.s32 $0xA  }
0x204: {  	s17 =	simm.s32 $0x8;
	v24 =	vld [tilespmem:s13+$0xFFFFFF10];
	v25 =	vor.u32 s18, v0  }
0x205: {  	v27 =	vor.u32 s17, v0;
	v26 =	vld [tilespmem:s13+$0xFFFFFE10];
	[tilespmem:v17+s20+$0x0] =	vst.idx.msk $0xffff, v16  }
0x206: {  	[tilespmem:v19+s20+$0x0] =	vst.idx.msk $0xffff, v18;
	v17 =	vor.u32 s26, v3;
	v16 =	vld [tilespmem:s19+$0xFFFFFFC0]  }
0x207: {  	[tilespmem:v21+s20+$0x0] =	vst.idx.msk $0xffff, v20;
	v19 =	vor.u32 s28, v3;
	v18 =	vld [tilespmem:s19+$0xFFFFFEC0]  }
0x208: {  	[tilespmem:v23+s20+$0x0] =	vst.idx.msk $0xffff, v22;
	v21 =	vor.u32 s24, v6;
	v20 =	vld [tilespmem:s0+$0xFFFFFF70]  }
0x209: {  	v23 =	vor.u32 s25, v6;
	v22 =	vld [tilespmem:s0+$0xFFFFFE70];
	[tilespmem:v25+s20+$0x0] =	vst.idx.msk $0xffff, v24  }
0x20a: {  	[tilespmem:v27+s20+$0x0] =	vst.idx.msk $0xffff, v26;
	v25 =	vor.u32 s18, v1;
	v24 =	vld [tilespmem:s13+$0xFFFFFF20]  }
0x20b: {  	v27 =	vor.u32 s17, v1;
	v26 =	vld [tilespmem:s13+$0xFFFFFE20];
	[tilespmem:v17+s20+$0x0] =	vst.idx.msk $0xffff, v16  }
0x20c: {  	[tilespmem:v19+s20+$0x0] =	vst.idx.msk $0xffff, v18;
	v17 =	vor.u32 s26, v4;
	v16 =	vld [tilespmem:s19+$0xFFFFFFD0]  }
0x20d: {  	[tilespmem:v21+s20+$0x0] =	vst.idx.msk $0xffff, v20;
	v19 =	vor.u32 s28, v4;
	v18 =	vld [tilespmem:s19+$0xFFFFFED0]  }
0x20e: {  	[tilespmem:v23+s20+$0x0] =	vst.idx.msk $0xffff, v22;
	v21 =	vor.u32 s24, v7;
	v20 =	vld [tilespmem:s0+$0xFFFFFF80]  }
0x20f: {  	v23 =	vor.u32 s25, v7;
	v22 =	vld [tilespmem:s0+$0xFFFFFE80];
	[tilespmem:v25+s20+$0x0] =	vst.idx.msk $0xffff, v24  }
0x210: {  	[tilespmem:v27+s20+$0x0] =	vst.idx.msk $0xffff, v26;
	v25 =	vor.u32 s18, v2;
	v24 =	vld [tilespmem:s13+$0xFFFFFF30]  }
0x211: {  	v27 =	vor.u32 s17, v2;
	v26 =	vld [tilespmem:s13+$0xFFFFFE30];
	[tilespmem:v17+s20+$0x0] =	vst.idx.msk $0xffff, v16  }
0x212: {  	[tilespmem:v19+s20+$0x0] =	vst.idx.msk $0xffff, v18;
	v17 =	vor.u32 s26, v5;
	v16 =	vld [tilespmem:s19+$0xFFFFFFE0]  }
0x213: {  	s14 =	simm.s32 $0x7;
	[tilespmem:v21+s20+$0x0] =	vst.idx.msk $0xffff, v20;
	v19 =	vor.u32 s28, v5;
	v18 =	vld [tilespmem:s19+$0xFFFFFEE0]  }
0x214: {  	s15 =	simm.s32 $0x5;
	[tilespmem:v23+s20+$0x0] =	vst.idx.msk $0xffff, v22;
	v21 =	vor.u32 s14, v0;
	v20 =	vld [tilespmem:s0+$0xFFFFFF90]  }
0x215: {  	v23 =	vor.u32 s15, v0;
	v22 =	vld [tilespmem:s0+$0xFFFFFE90];
	[tilespmem:v25+s20+$0x0] =	vst.idx.msk $0xffff, v24  }
0x216: {  	[tilespmem:v27+s20+$0x0] =	vst.idx.msk $0xffff, v26;
	v25 =	vor.u32 s18, v3;
	v24 =	vld [tilespmem:s13+$0xFFFFFF40]  }
0x217: {  	v27 =	vor.u32 s17, v3;
	v26 =	vld [tilespmem:s13+$0xFFFFFE40];
	[tilespmem:v17+s20+$0x0] =	vst.idx.msk $0xffff, v16  }
0x218: {  	[tilespmem:v19+s20+$0x0] =	vst.idx.msk $0xffff, v18;
	v17 =	vor.u32 s26, v6;
	v16 =	vld [tilespmem:s19+$0xFFFFFFF0]  }
0x219: {  	[tilespmem:v21+s20+$0x0] =	vst.idx.msk $0xffff, v20;
	v19 =	vor.u32 s28, v6;
	v18 =	vld [tilespmem:s19+$0xFFFFFEF0]  }
0x21a: {  	[tilespmem:v23+s20+$0x0] =	vst.idx.msk $0xffff, v22;
	v21 =	vor.u32 s14, v1;
	v20 =	vld [tilespmem:s0+$0xFFFFFFA0]  }
0x21b: {  	v23 =	vor.u32 s15, v1;
	v22 =	vld [tilespmem:s0+$0xFFFFFEA0];
	[tilespmem:v25+s20+$0x0] =	vst.idx.msk $0xffff, v24  }
0x21c: {  	[tilespmem:v27+s20+$0x0] =	vst.idx.msk $0xffff, v26;
	v25 =	vor.u32 s18, v4;
	v24 =	vld [tilespmem:s13+$0xFFFFFF50]  }
0x21d: {  	v27 =	vor.u32 s17, v4;
	v26 =	vld [tilespmem:s13+$0xFFFFFE50];
	[tilespmem:v17+s20+$0x0] =	vst.idx.msk $0xffff, v16  }
0x21e: {  	v63 =	vor.u32 s26, v7;
	[tilespmem:v19+s20+$0x0] =	vst.idx.msk $0xffff, v18;
	v62 =	vld [tilespmem:s19+$0x0]  }
0x21f: {  	[tilespmem:v21+s20+$0x0] =	vst.idx.msk $0xffff, v20;
	v21 =	vor.u32 s28, v7;
	v19 =	vld [tilespmem:s19+$0xFFFFFF00]  }
0x220: {  	[tilespmem:v23+s20+$0x0] =	vst.idx.msk $0xffff, v22;
	v16 =	vld [tilespmem:s0+$0xFFFFFFB0];
	v18 =	vor.u32 s14, v2  }
0x221: {  	v20 =	vor.u32 s15, v2;
	[tilespmem:v25+s20+$0x0] =	vst.idx.msk $0xffff, v24;
	v17 =	vld [tilespmem:s0+$0xFFFFFEB0]  }
0x222: {  	s16 =	simm.s32 $0x47F0;
	[tilespmem:v27+s20+$0x0] =	vst.idx.msk $0xffff, v26;
	v23 =	vor.u32 s18, v5;
	v22 =	vld [tilespmem:s13+$0xFFFFFF60]  }
0x223: {  	s24 =	simm.s32 $0xE;
	s23 =	simm.s32 $0x10;
	v24 =	vld [tilespmem:s13+$0xFFFFFE60];
	v25 =	vor.u32 s17, v5;
	s19 =	simm.s32 $0xC;
	[tilespmem:v63+s20+$0x0] =	vst.idx.msk $0xffff, v62  }
.LBB2_8:
0x224: {  	p1 =	slt.u32 s23, $0x3C;
	v26 =	vld [tilespmem:s16+$0xFFFFFF10];
	v27 =	vor.u32 s24, v0;
	[tilespmem:v21+s20+$0x0] =	vst.idx.msk $0xffff, v19  }
0x225: {  	v21 =	vor.u32 s19, v0;
	v19 =	vld [tilespmem:s16+$0xFFFFFE10];
	[tilespmem:v18+s20+$0x0] =	vst.idx.msk $0xffff, v16  }
0x226: {  	[tilespmem:v20+s20+$0x0] =	vst.idx.msk $0xffff, v17;
	v16 =	vld [tilespmem:s0+$0xFFFFFFC0];
	v17 =	vor.u32 s14, v3  }
0x227: {  	v20 =	vor.u32 s15, v3;
	[tilespmem:v23+s20+$0x0] =	vst.idx.msk $0xffff, v22;
	v18 =	vld [tilespmem:s0+$0xFFFFFEC0]  }
0x228: {  	v23 =	vor.u32 s18, v6;
	[tilespmem:v25+s20+$0x0] =	vst.idx.msk $0xffff, v24;
	v22 =	vld [tilespmem:s13+$0xFFFFFF70]  }
0x229: {  	v25 =	vor.u32 s17, v6;
	[tilespmem:v27+s20+$0x0] =	vst.idx.msk $0xffff, v26;
	v24 =	vld [tilespmem:s13+$0xFFFFFE70]  }
0x22a: {  	[tilespmem:v21+s20+$0x0] =	vst.idx.msk $0xffff, v19;
	v19 =	vld [tilespmem:s16+$0xFFFFFF20];
	v21 =	vor.u32 s24, v1  }
0x22b: {  	v27 =	vor.u32 s19, v1;
	v26 =	vld [tilespmem:s16+$0xFFFFFE20];
	[tilespmem:v17+s20+$0x0] =	vst.idx.msk $0xffff, v16  }
0x22c: {  	v17 =	vor.u32 s14, v4;
	[tilespmem:v20+s20+$0x0] =	vst.idx.msk $0xffff, v18;
	v16 =	vld [tilespmem:s0+$0xFFFFFFD0]  }
0x22d: {  	v20 =	vor.u32 s15, v4;
	[tilespmem:v23+s20+$0x0] =	vst.idx.msk $0xffff, v22;
	v18 =	vld [tilespmem:s0+$0xFFFFFED0]  }
0x22e: {  	v23 =	vor.u32 s18, v7;
	s18 =	smov.u32 s24;
	[tilespmem:v25+s20+$0x0] =	vst.idx.msk $0xffff, v24;
	v22 =	vld [tilespmem:s13+$0xFFFFFF80]  }
0x22f: {  	[tilespmem:v21+s20+$0x0] =	vst.idx.msk $0xffff, v19;
	v19 =	vld [tilespmem:s13+$0xFFFFFE80];
	v21 =	vor.u32 s17, v7  }
0x230: {  	v25 =	vor.u32 s18, v2;
	[tilespmem:v27+s20+$0x0] =	vst.idx.msk $0xffff, v26;
	v24 =	vld [tilespmem:s16+$0xFFFFFF30]  }
0x231: {  	v27 =	vor.u32 s19, v2;
	v26 =	vld [tilespmem:s16+$0xFFFFFE30];
	[tilespmem:v17+s20+$0x0] =	vst.idx.msk $0xffff, v16  }
0x232: {  	v17 =	vor.u32 s14, v5;
	[tilespmem:v20+s20+$0x0] =	vst.idx.msk $0xffff, v18;
	v16 =	vld [tilespmem:s0+$0xFFFFFFE0]  }
0x233: {  	s24 =	sadd.s32 $0x3, s17;
	v20 =	vor.u32 s15, v5;
	[tilespmem:v23+s20+$0x0] =	vst.idx.msk $0xffff, v22;
	v18 =	vld [tilespmem:s0+$0xFFFFFEE0]  }
0x234: {  	s25 =	sadd.s32 $0x1, s17;
	s17 =	smov.u32 s19;
	s19 =	smov.u32 s23;
	[tilespmem:v21+s20+$0x0] =	vst.idx.msk $0xffff, v19;
	v19 =	vld [tilespmem:s13+$0xFFFFFF90];
	v21 =	vor.u32 s24, v0  }
0x235: {  	v23 =	vor.u32 s25, v0;
	[tilespmem:v25+s20+$0x0] =	vst.idx.msk $0xffff, v24;
	v22 =	vld [tilespmem:s13+$0xFFFFFE90]  }
0x236: {  	v25 =	vor.u32 s18, v3;
	[tilespmem:v27+s20+$0x0] =	vst.idx.msk $0xffff, v26;
	v24 =	vld [tilespmem:s16+$0xFFFFFF40]  }
0x237: {  	v27 =	vor.u32 s17, v3;
	v26 =	vld [tilespmem:s16+$0xFFFFFE40];
	[tilespmem:v17+s20+$0x0] =	vst.idx.msk $0xffff, v16  }
0x238: {  	v17 =	vor.u32 s14, v6;
	[tilespmem:v20+s20+$0x0] =	vst.idx.msk $0xffff, v18;
	v16 =	vld [tilespmem:s0+$0xFFFFFFF0]  }
0x239: {  	[tilespmem:v21+s20+$0x0] =	vst.idx.msk $0xffff, v19;
	v18 =	vld [tilespmem:s0+$0xFFFFFEF0];
	v19 =	vor.u32 s15, v6  }
0x23a: {  	v21 =	vor.u32 s24, v1;
	[tilespmem:v23+s20+$0x0] =	vst.idx.msk $0xffff, v22;
	v20 =	vld [tilespmem:s13+$0xFFFFFFA0]  }
0x23b: {  	v23 =	vor.u32 s25, v1;
	[tilespmem:v25+s20+$0x0] =	vst.idx.msk $0xffff, v24;
	v22 =	vld [tilespmem:s13+$0xFFFFFEA0]  }
0x23c: {  	v25 =	vor.u32 s18, v4;
	[tilespmem:v27+s20+$0x0] =	vst.idx.msk $0xffff, v26;
	v24 =	vld [tilespmem:s16+$0xFFFFFF50]  }
0x23d: {  	v27 =	vor.u32 s17, v4;
	v26 =	vld [tilespmem:s16+$0xFFFFFE50];
	[tilespmem:v17+s20+$0x0] =	vst.idx.msk $0xffff, v16  }
0x23e: {  	v29 =	vor.u32 s14, v7;
	s14 =	smov.u32 s24;
	[tilespmem:v19+s20+$0x0] =	vst.idx.msk $0xffff, v18;
	v28 =	vld [tilespmem:s0+$0x0]  }
.Ltmp7:
0x23f: {  	[tilespmem:v21+s20+$0x0] =	vst.idx.msk $0xffff, v20;
	v19 =	vld [tilespmem:s0+$0xFFFFFF00];
	v21 =	vor.u32 s15, v7;
	s15 =	smov.u32 s25;
	s0 =	smov.u32 s13;
	(pc) =	sbr.rel @p1 .LBB2_8-.Ltmp7, $4  }
0x240: {  	v18 =	vor.u32 s14, v2;
	s13 =	smov.u32 s16;
	[tilespmem:v23+s20+$0x0] =	vst.idx.msk $0xffff, v22;
	v16 =	vld [tilespmem:s0+$0xFFFFFFB0]  }
0x241: {  	v20 =	vor.u32 s15, v2;
	[tilespmem:v25+s20+$0x0] =	vst.idx.msk $0xffff, v24;
	v17 =	vld [tilespmem:s0+$0xFFFFFEB0]  }
0x242: {  	v23 =	vor.u32 s18, v5;
	[tilespmem:v27+s20+$0x0] =	vst.idx.msk $0xffff, v26;
	v22 =	vld [tilespmem:s16+$0xFFFFFF60]  }
0x243: {  	s23 =	sadd.s32 $0x4, s23;
	s24 =	sadd.s32 $0x2, s19;
	v25 =	vor.u32 s17, v5;
	s16 =	sadd.s32 $0x200, s16;
	v24 =	vld [tilespmem:s13+$0xFFFFFE60];
	[tilespmem:v29+s20+$0x0] =	vst.idx.msk $0xffff, v28  }
0x244: {  	v26 =	vld [tilespmem:s16+$0xFFFFFF10];
	v27 =	vor.u32 s24, v0  }
0x245: {  	v28 =	vld [tilespmem:s16+$0xFFFFFE10];
	v29 =	vor.u32 s19, v0;
	_ =	sdelay $0x3  }
0x246: {  	[tilespmem:v27+s20+$0x0] =	vst.idx.msk $0xffff, v26  }
0x247: {  	[tilespmem:v29+s20+$0x0] =	vst.idx.msk $0xffff, v28;
	v27 =	vor.u32 s24, v1;
	v26 =	vld [tilespmem:s16+$0xFFFFFF20]  }
0x248: {  	v53 =	vor.u32 s19, v1;
	v28 =	vld [tilespmem:s16+$0xFFFFFE20];
	_ =	sdelay $0x3  }
0x249: {  	[tilespmem:v27+s20+$0x0] =	vst.idx.msk $0xffff, v26  }
0x24a: {  	[tilespmem:v53+s20+$0x0] =	vst.idx.msk $0xffff, v28;
	v27 =	vor.u32 s24, v2;
	v26 =	vld [tilespmem:s16+$0xFFFFFF30]  }
0x24b: {  	v54 =	vor.u32 s19, v2;
	v28 =	vld [tilespmem:s16+$0xFFFFFE30];
	_ =	sdelay $0x3  }
0x24c: {  	[tilespmem:v27+s20+$0x0] =	vst.idx.msk $0xffff, v26  }
0x24d: {  	[tilespmem:v54+s20+$0x0] =	vst.idx.msk $0xffff, v28;
	v27 =	vor.u32 s24, v3;
	v26 =	vld [tilespmem:s16+$0xFFFFFF40]  }
0x24e: {  	v55 =	vor.u32 s19, v3;
	v28 =	vld [tilespmem:s16+$0xFFFFFE40];
	_ =	sdelay $0x3  }
0x24f: {  	[tilespmem:v27+s20+$0x0] =	vst.idx.msk $0xffff, v26  }
0x250: {  	[tilespmem:v55+s20+$0x0] =	vst.idx.msk $0xffff, v28;
	v27 =	vor.u32 s24, v4;
	v26 =	vld [tilespmem:s16+$0xFFFFFF50]  }
0x251: {  	v56 =	vor.u32 s19, v4;
	v28 =	vld [tilespmem:s16+$0xFFFFFE50];
	_ =	sdelay $0x3  }
0x252: {  	[tilespmem:v27+s20+$0x0] =	vst.idx.msk $0xffff, v26  }
0x253: {  	[tilespmem:v56+s20+$0x0] =	vst.idx.msk $0xffff, v28;
	v27 =	vor.u32 s24, v5;
	v26 =	vld [tilespmem:s16+$0xFFFFFF60]  }
0x254: {  	v57 =	vor.u32 s19, v5;
	[tilespmem:v23+s20+$0x0] =	vst.idx.msk $0xffff, v22;
	v28 =	vld [tilespmem:s16+$0xFFFFFE60]  }
0x255: {  	v23 =	vor.u32 s18, v6;
	[tilespmem:v25+s20+$0x0] =	vst.idx.msk $0xffff, v24;
	v22 =	vld [tilespmem:s13+$0xFFFFFF70]  }
0x256: {  	v25 =	vor.u32 s17, v6;
	v24 =	vld [tilespmem:s13+$0xFFFFFE70];
	_ =	sdelay $0x1  }
0x257: {  	[tilespmem:v27+s20+$0x0] =	vst.idx.msk $0xffff, v26  }
0x258: {  	[tilespmem:v57+s20+$0x0] =	vst.idx.msk $0xffff, v28;
	v27 =	vor.u32 s24, v6;
	v26 =	vld [tilespmem:s16+$0xFFFFFF70]  }
0x259: {  	v58 =	vor.u32 s19, v6;
	[tilespmem:v23+s20+$0x0] =	vst.idx.msk $0xffff, v22;
	v28 =	vld [tilespmem:s16+$0xFFFFFE70]  }
0x25a: {  	v23 =	vor.u32 s18, v7;
	[tilespmem:v25+s20+$0x0] =	vst.idx.msk $0xffff, v24;
	v22 =	vld [tilespmem:s13+$0xFFFFFF80]  }
0x25b: {  	v25 =	vor.u32 s17, v7;
	v24 =	vld [tilespmem:s13+$0xFFFFFE80];
	_ =	sdelay $0x1  }
0x25c: {  	[tilespmem:v27+s20+$0x0] =	vst.idx.msk $0xffff, v26  }
0x25d: {  	[tilespmem:v58+s20+$0x0] =	vst.idx.msk $0xffff, v28;
	v27 =	vor.u32 s24, v7;
	v26 =	vld [tilespmem:s16+$0xFFFFFF80]  }
0x25e: {  	v59 =	vor.u32 s19, v7;
	s25 =	sadd.s32 $0x3, s17;
	[tilespmem:v23+s20+$0x0] =	vst.idx.msk $0xffff, v22;
	v28 =	vld [tilespmem:s16+$0xFFFFFE80]  }
0x25f: {  	s26 =	sadd.s32 $0x1, s17;
	v23 =	vor.u32 s25, v0;
	[tilespmem:v25+s20+$0x0] =	vst.idx.msk $0xffff, v24;
	v22 =	vld [tilespmem:s13+$0xFFFFFF90]  }
0x260: {  	v25 =	vor.u32 s26, v0;
	v24 =	vld [tilespmem:s13+$0xFFFFFE90];
	_ =	sdelay $0x1  }
0x261: {  	s23 =	sadd.s32 $0x3, s19;
	[tilespmem:v27+s20+$0x0] =	vst.idx.msk $0xffff, v26  }
0x262: {  	s28 =	sadd.s32 $0x1, s19;
	[tilespmem:v59+s20+$0x0] =	vst.idx.msk $0xffff, v28;
	v27 =	vor.u32 s23, v0;
	v26 =	vld [tilespmem:s16+$0xFFFFFF90]  }
0x263: {  	v60 =	vor.u32 s28, v0;
	[tilespmem:v23+s20+$0x0] =	vst.idx.msk $0xffff, v22;
	v28 =	vld [tilespmem:s16+$0xFFFFFE90]  }
0x264: {  	v23 =	vor.u32 s25, v1;
	[tilespmem:v25+s20+$0x0] =	vst.idx.msk $0xffff, v24;
	v22 =	vld [tilespmem:s13+$0xFFFFFFA0]  }
0x265: {  	v25 =	vor.u32 s26, v1;
	v24 =	vld [tilespmem:s13+$0xFFFFFEA0]  }
0x266: {  	[tilespmem:v21+s20+$0x0] =	vst.idx.msk $0xffff, v19  }
0x267: {  	[tilespmem:v27+s20+$0x0] =	vst.idx.msk $0xffff, v26  }
0x268: {  	[tilespmem:v60+s20+$0x0] =	vst.idx.msk $0xffff, v28;
	v27 =	vor.u32 s23, v1;
	v26 =	vld [tilespmem:s16+$0xFFFFFFA0]  }
0x269: {  	v61 =	vor.u32 s28, v1;
	[tilespmem:v23+s20+$0x0] =	vst.idx.msk $0xffff, v22;
	v28 =	vld [tilespmem:s16+$0xFFFFFEA0]  }
0x26a: {  	v21 =	vor.u32 s25, v2;
	[tilespmem:v25+s20+$0x0] =	vst.idx.msk $0xffff, v24;
	v19 =	vld [tilespmem:s13+$0xFFFFFFB0]  }
0x26b: {  	[tilespmem:v18+s20+$0x0] =	vst.idx.msk $0xffff, v16;
	v23 =	vor.u32 s26, v2;
	v22 =	vld [tilespmem:s13+$0xFFFFFEB0]  }
0x26c: {  	[tilespmem:v20+s20+$0x0] =	vst.idx.msk $0xffff, v17  }
0x26d: {  	v17 =	vld [tilespmem:s0+$0xFFFFFFC0];
	v20 =	vor.u32 s14, v3;
	[tilespmem:v27+s20+$0x0] =	vst.idx.msk $0xffff, v26  }
0x26e: {  	v25 =	vor.u32 s23, v2;
	[tilespmem:v61+s20+$0x0] =	vst.idx.msk $0xffff, v28;
	v24 =	vld [tilespmem:s16+$0xFFFFFFB0]  }
0x26f: {  	v18 =	vor.u32 s28, v2;
	[tilespmem:v21+s20+$0x0] =	vst.idx.msk $0xffff, v19;
	v16 =	vld [tilespmem:s16+$0xFFFFFEB0]  }
0x270: {  	v21 =	vor.u32 s25, v3;
	[tilespmem:v23+s20+$0x0] =	vst.idx.msk $0xffff, v22;
	v19 =	vld [tilespmem:s13+$0xFFFFFFC0]  }
0x271: {  	v23 =	vor.u32 s26, v3;
	v22 =	vld [tilespmem:s13+$0xFFFFFEC0]  }
0x272: {  	[tilespmem:v20+s20+$0x0] =	vst.idx.msk $0xffff, v17  }
0x273: {  	v26 =	vld [tilespmem:s0+$0xFFFFFEC0];
	v27 =	vor.u32 s15, v3;
	[tilespmem:v25+s20+$0x0] =	vst.idx.msk $0xffff, v24  }
0x274: {  	[tilespmem:v18+s20+$0x0] =	vst.idx.msk $0xffff, v16;
	v18 =	vor.u32 s23, v3;
	v16 =	vld [tilespmem:s16+$0xFFFFFFC0]  }
0x275: {  	v20 =	vor.u32 s28, v3;
	[tilespmem:v21+s20+$0x0] =	vst.idx.msk $0xffff, v19;
	v17 =	vld [tilespmem:s16+$0xFFFFFEC0]  }
0x276: {  	v21 =	vor.u32 s25, v4;
	[tilespmem:v23+s20+$0x0] =	vst.idx.msk $0xffff, v22;
	v19 =	vld [tilespmem:s13+$0xFFFFFFD0]  }
0x277: {  	v23 =	vor.u32 s26, v4;
	v22 =	vld [tilespmem:s13+$0xFFFFFED0]  }
0x278: {  	[tilespmem:v27+s20+$0x0] =	vst.idx.msk $0xffff, v26;
	v24 =	vld [tilespmem:s0+$0xFFFFFFD0];
	v25 =	vor.u32 s14, v4  }
0x279: {  	v27 =	vor.u32 s15, v4;
	v26 =	vld [tilespmem:s0+$0xFFFFFED0];
	[tilespmem:v18+s20+$0x0] =	vst.idx.msk $0xffff, v16  }
0x27a: {  	[tilespmem:v20+s20+$0x0] =	vst.idx.msk $0xffff, v17;
	v17 =	vor.u32 s23, v4;
	v16 =	vld [tilespmem:s16+$0xFFFFFFD0]  }
0x27b: {  	[tilespmem:v21+s20+$0x0] =	vst.idx.msk $0xffff, v19;
	v20 =	vor.u32 s28, v4;
	v18 =	vld [tilespmem:s16+$0xFFFFFED0]  }
0x27c: {  	v21 =	vor.u32 s25, v5;
	[tilespmem:v23+s20+$0x0] =	vst.idx.msk $0xffff, v22;
	v19 =	vld [tilespmem:s13+$0xFFFFFFE0]  }
0x27d: {  	v23 =	vor.u32 s26, v5;
	v22 =	vld [tilespmem:s13+$0xFFFFFEE0];
	[tilespmem:v25+s20+$0x0] =	vst.idx.msk $0xffff, v24  }
0x27e: {  	[tilespmem:v27+s20+$0x0] =	vst.idx.msk $0xffff, v26;
	v25 =	vor.u32 s14, v5;
	v24 =	vld [tilespmem:s0+$0xFFFFFFE0]  }
0x27f: {  	v27 =	vor.u32 s15, v5;
	v26 =	vld [tilespmem:s0+$0xFFFFFEE0];
	[tilespmem:v17+s20+$0x0] =	vst.idx.msk $0xffff, v16  }
0x280: {  	[tilespmem:v20+s20+$0x0] =	vst.idx.msk $0xffff, v18;
	v17 =	vor.u32 s23, v5;
	v16 =	vld [tilespmem:s16+$0xFFFFFFE0]  }
0x281: {  	[tilespmem:v21+s20+$0x0] =	vst.idx.msk $0xffff, v19;
	v20 =	vor.u32 s28, v5;
	v18 =	vld [tilespmem:s16+$0xFFFFFEE0]  }
0x282: {  	v21 =	vor.u32 s25, v6;
	[tilespmem:v23+s20+$0x0] =	vst.idx.msk $0xffff, v22;
	v19 =	vld [tilespmem:s13+$0xFFFFFFF0]  }
0x283: {  	v23 =	vor.u32 s26, v6;
	v22 =	vld [tilespmem:s13+$0xFFFFFEF0];
	[tilespmem:v25+s20+$0x0] =	vst.idx.msk $0xffff, v24  }
0x284: {  	[tilespmem:v27+s20+$0x0] =	vst.idx.msk $0xffff, v26;
	v25 =	vor.u32 s14, v6;
	v24 =	vld [tilespmem:s0+$0xFFFFFFF0]  }
0x285: {  	v27 =	vor.u32 s15, v6;
	v26 =	vld [tilespmem:s0+$0xFFFFFEF0];
	[tilespmem:v17+s20+$0x0] =	vst.idx.msk $0xffff, v16  }
0x286: {  	[tilespmem:v20+s20+$0x0] =	vst.idx.msk $0xffff, v18;
	v17 =	vor.u32 s23, v6;
	v16 =	vld [tilespmem:s16+$0xFFFFFFF0]  }
0x287: {  	[tilespmem:v21+s20+$0x0] =	vst.idx.msk $0xffff, v19;
	v20 =	vor.u32 s28, v6;
	v18 =	vld [tilespmem:s16+$0xFFFFFEF0]  }
0x288: {  	v21 =	vor.u32 s25, v7;
	[tilespmem:v23+s20+$0x0] =	vst.idx.msk $0xffff, v22;
	v19 =	vld [tilespmem:s13+$0x0]  }
0x289: {  	v23 =	vor.u32 s26, v7;
	v22 =	vld [tilespmem:s13+$0xFFFFFF00];
	[tilespmem:v25+s20+$0x0] =	vst.idx.msk $0xffff, v24  }
0x28a: {  	[tilespmem:v27+s20+$0x0] =	vst.idx.msk $0xffff, v26;
	v25 =	vor.u32 s14, v7;
	v24 =	vld [tilespmem:s0+$0x0]  }
0x28b: {  	v27 =	vor.u32 s15, v7;
	v26 =	vld [tilespmem:s0+$0xFFFFFF00];
	[tilespmem:v17+s20+$0x0] =	vst.idx.msk $0xffff, v16  }
0x28c: {  	[tilespmem:v20+s20+$0x0] =	vst.idx.msk $0xffff, v18;
	v17 =	vor.u32 s23, v7;
	v16 =	vld [tilespmem:s16+$0x0]  }
0x28d: {  	[tilespmem:v21+s20+$0x0] =	vst.idx.msk $0xffff, v19;
	v20 =	vor.u32 s28, v7;
	v18 =	vld [tilespmem:s16+$0xFFFFFF00]  }
0x28e: {  	[tilespmem:v23+s20+$0x0] =	vst.idx.msk $0xffff, v22  }
0x28f: {  	[tilespmem:v25+s20+$0x0] =	vst.idx.msk $0xffff, v24  }
0x290: {  	[tilespmem:v27+s20+$0x0] =	vst.idx.msk $0xffff, v26;
	s16 =	sshll.u32 s10, $0xB  }
0x291: {  	s0 =	sand.u32 $0x1FFFF000, s16;
	[tilespmem:v17+s20+$0x0] =	vst.idx.msk $0xffff, v16  }
0x292: {  	s17 =	simm.s32 $0x0;
	s0 =	sadd.s32 s2, s0;
	[tilespmem:v20+s20+$0x0] =	vst.idx.msk $0xffff, v18  }
0x293: {  	[hbm4b:s0+s17] =	stream.linear.scatter [tilespmem:s20], [sflag:$0x2], $0x4000, $0x38;
	[tilespmem:$0x18000] =	vst v63  }
0x294: {  	_ =	swait.ge [sflag:s22], $0x4000  }
0x295: {  	[sflag:s22] =	ssyncset.done $0x0  }
0x296: {  	s18 =	simm.s32 $0x61F0;
	s23 =	simm.s32 $0x2;
	[sflag:s22] =	ssyncadd.s32 $0xFFFFC000  }
0x297: {  	v17 =	vor.u32 s23, v8;
	v16 =	vld [tilespmem:s18+$0xFFFFFF10]  }
0x298: {  	v19 =	vor.u32 s17, v8;
	v18 =	vld [tilespmem:s18+$0xFFFFFE10];
	_ =	sdelay $0x3  }
0x299: {  	[tilespmem:v17+s20+$0x0] =	vst.idx.msk $0xffff, v16  }
0x29a: {  	[tilespmem:v19+s20+$0x0] =	vst.idx.msk $0xffff, v18;
	v17 =	vor.u32 s23, v9;
	v16 =	vld [tilespmem:s18+$0xFFFFFF20]  }
0x29b: {  	v19 =	vor.u32 s17, v9;
	v18 =	vld [tilespmem:s18+$0xFFFFFE20];
	_ =	sdelay $0x3  }
0x29c: {  	[tilespmem:v17+s20+$0x0] =	vst.idx.msk $0xffff, v16  }
0x29d: {  	[tilespmem:v19+s20+$0x0] =	vst.idx.msk $0xffff, v18;
	v17 =	vor.u32 s23, v10;
	v16 =	vld [tilespmem:s18+$0xFFFFFF30]  }
0x29e: {  	v19 =	vor.u32 s17, v10;
	v18 =	vld [tilespmem:s18+$0xFFFFFE30];
	_ =	sdelay $0x3  }
0x29f: {  	[tilespmem:v17+s20+$0x0] =	vst.idx.msk $0xffff, v16  }
0x2a0: {  	[tilespmem:v19+s20+$0x0] =	vst.idx.msk $0xffff, v18;
	v17 =	vor.u32 s23, v11;
	v16 =	vld [tilespmem:s18+$0xFFFFFF40]  }
0x2a1: {  	v19 =	vor.u32 s17, v11;
	v18 =	vld [tilespmem:s18+$0xFFFFFE40];
	_ =	sdelay $0x3  }
0x2a2: {  	[tilespmem:v17+s20+$0x0] =	vst.idx.msk $0xffff, v16  }
0x2a3: {  	[tilespmem:v19+s20+$0x0] =	vst.idx.msk $0xffff, v18;
	v17 =	vor.u32 s23, v12;
	v16 =	vld [tilespmem:s18+$0xFFFFFF50]  }
0x2a4: {  	v19 =	vor.u32 s17, v12;
	v18 =	vld [tilespmem:s18+$0xFFFFFE50];
	_ =	sdelay $0x3  }
0x2a5: {  	[tilespmem:v17+s20+$0x0] =	vst.idx.msk $0xffff, v16  }
0x2a6: {  	[tilespmem:v19+s20+$0x0] =	vst.idx.msk $0xffff, v18;
	v17 =	vor.u32 s23, v13;
	v16 =	vld [tilespmem:s18+$0xFFFFFF60]  }
0x2a7: {  	s24 =	simm.s32 $0x6;
	s0 =	simm.s32 $0x63F0;
	v19 =	vor.u32 s17, v13;
	v18 =	vld [tilespmem:s18+$0xFFFFFE60]  }
0x2a8: {  	s25 =	simm.s32 $0x4;
	v21 =	vor.u32 s24, v8;
	v20 =	vld [tilespmem:s0+$0xFFFFFF10]  }
0x2a9: {  	v23 =	vor.u32 s25, v8;
	v22 =	vld [tilespmem:s0+$0xFFFFFE10];
	_ =	sdelay $0x1  }
0x2aa: {  	[tilespmem:v17+s20+$0x0] =	vst.idx.msk $0xffff, v16  }
0x2ab: {  	[tilespmem:v19+s20+$0x0] =	vst.idx.msk $0xffff, v18;
	v17 =	vor.u32 s23, v14;
	v16 =	vld [tilespmem:s18+$0xFFFFFF70]  }
0x2ac: {  	[tilespmem:v21+s20+$0x0] =	vst.idx.msk $0xffff, v20;
	v19 =	vor.u32 s17, v14;
	v18 =	vld [tilespmem:s18+$0xFFFFFE70]  }
0x2ad: {  	[tilespmem:v23+s20+$0x0] =	vst.idx.msk $0xffff, v22;
	v21 =	vor.u32 s24, v9;
	v20 =	vld [tilespmem:s0+$0xFFFFFF20]  }
0x2ae: {  	v23 =	vor.u32 s25, v9;
	v22 =	vld [tilespmem:s0+$0xFFFFFE20];
	_ =	sdelay $0x1  }
0x2af: {  	[tilespmem:v17+s20+$0x0] =	vst.idx.msk $0xffff, v16  }
0x2b0: {  	[tilespmem:v19+s20+$0x0] =	vst.idx.msk $0xffff, v18;
	v17 =	vor.u32 s23, v15;
	v16 =	vld [tilespmem:s18+$0xFFFFFF80]  }
0x2b1: {  	[tilespmem:v21+s20+$0x0] =	vst.idx.msk $0xffff, v20;
	v19 =	vor.u32 s17, v15;
	v18 =	vld [tilespmem:s18+$0xFFFFFE80]  }
0x2b2: {  	[tilespmem:v23+s20+$0x0] =	vst.idx.msk $0xffff, v22;
	v21 =	vor.u32 s24, v10;
	v20 =	vld [tilespmem:s0+$0xFFFFFF30]  }
0x2b3: {  	v23 =	vor.u32 s25, v10;
	v22 =	vld [tilespmem:s0+$0xFFFFFE30];
	_ =	sdelay $0x1  }
0x2b4: {  	s26 =	simm.s32 $0x3;
	[tilespmem:v17+s20+$0x0] =	vst.idx.msk $0xffff, v16  }
0x2b5: {  	s28 =	simm.s32 $0x1;
	[tilespmem:v19+s20+$0x0] =	vst.idx.msk $0xffff, v18;
	v17 =	vor.u32 s26, v8;
	v16 =	vld [tilespmem:s18+$0xFFFFFF90]  }
0x2b6: {  	[tilespmem:v21+s20+$0x0] =	vst.idx.msk $0xffff, v20;
	v19 =	vor.u32 s28, v8;
	v18 =	vld [tilespmem:s18+$0xFFFFFE90]  }
0x2b7: {  	[tilespmem:v23+s20+$0x0] =	vst.idx.msk $0xffff, v22;
	v21 =	vor.u32 s24, v11;
	v20 =	vld [tilespmem:s0+$0xFFFFFF40]  }
0x2b8: {  	v23 =	vor.u32 s25, v11;
	v22 =	vld [tilespmem:s0+$0xFFFFFE40];
	_ =	sdelay $0x1  }
0x2b9: {  	[tilespmem:v17+s20+$0x0] =	vst.idx.msk $0xffff, v16  }
0x2ba: {  	[tilespmem:v19+s20+$0x0] =	vst.idx.msk $0xffff, v18;
	v17 =	vor.u32 s26, v9;
	v16 =	vld [tilespmem:s18+$0xFFFFFFA0]  }
0x2bb: {  	[tilespmem:v21+s20+$0x0] =	vst.idx.msk $0xffff, v20;
	v19 =	vor.u32 s28, v9;
	v18 =	vld [tilespmem:s18+$0xFFFFFEA0]  }
0x2bc: {  	[tilespmem:v23+s20+$0x0] =	vst.idx.msk $0xffff, v22;
	v21 =	vor.u32 s24, v12;
	v20 =	vld [tilespmem:s0+$0xFFFFFF50]  }
0x2bd: {  	v23 =	vor.u32 s25, v12;
	v22 =	vld [tilespmem:s0+$0xFFFFFE50];
	_ =	sdelay $0x1  }
0x2be: {  	[tilespmem:v17+s20+$0x0] =	vst.idx.msk $0xffff, v16  }
0x2bf: {  	[tilespmem:v19+s20+$0x0] =	vst.idx.msk $0xffff, v18;
	v17 =	vor.u32 s26, v10;
	v16 =	vld [tilespmem:s18+$0xFFFFFFB0]  }
0x2c0: {  	[tilespmem:v21+s20+$0x0] =	vst.idx.msk $0xffff, v20;
	v19 =	vor.u32 s28, v10;
	v18 =	vld [tilespmem:s18+$0xFFFFFEB0]  }
0x2c1: {  	[tilespmem:v23+s20+$0x0] =	vst.idx.msk $0xffff, v22;
	v21 =	vor.u32 s24, v13;
	v20 =	vld [tilespmem:s0+$0xFFFFFF60]  }
0x2c2: {  	s10 =	simm.s32 $0x65F0;
	v23 =	vor.u32 s25, v13;
	v22 =	vld [tilespmem:s0+$0xFFFFFE60];
	s17 =	simm.s32 $0xA  }
0x2c3: {  	s16 =	simm.s32 $0x8;
	v24 =	vld [tilespmem:s10+$0xFFFFFF10];
	v25 =	vor.u32 s17, v8  }
0x2c4: {  	v27 =	vor.u32 s16, v8;
	v26 =	vld [tilespmem:s10+$0xFFFFFE10];
	[tilespmem:v17+s20+$0x0] =	vst.idx.msk $0xffff, v16  }
0x2c5: {  	[tilespmem:v19+s20+$0x0] =	vst.idx.msk $0xffff, v18;
	v17 =	vor.u32 s26, v11;
	v16 =	vld [tilespmem:s18+$0xFFFFFFC0]  }
0x2c6: {  	[tilespmem:v21+s20+$0x0] =	vst.idx.msk $0xffff, v20;
	v19 =	vor.u32 s28, v11;
	v18 =	vld [tilespmem:s18+$0xFFFFFEC0]  }
0x2c7: {  	[tilespmem:v23+s20+$0x0] =	vst.idx.msk $0xffff, v22;
	v21 =	vor.u32 s24, v14;
	v20 =	vld [tilespmem:s0+$0xFFFFFF70]  }
0x2c8: {  	v23 =	vor.u32 s25, v14;
	v22 =	vld [tilespmem:s0+$0xFFFFFE70];
	[tilespmem:v25+s20+$0x0] =	vst.idx.msk $0xffff, v24  }
0x2c9: {  	[tilespmem:v27+s20+$0x0] =	vst.idx.msk $0xffff, v26;
	v25 =	vor.u32 s17, v9;
	v24 =	vld [tilespmem:s10+$0xFFFFFF20]  }
0x2ca: {  	v27 =	vor.u32 s16, v9;
	v26 =	vld [tilespmem:s10+$0xFFFFFE20];
	[tilespmem:v17+s20+$0x0] =	vst.idx.msk $0xffff, v16  }
0x2cb: {  	[tilespmem:v19+s20+$0x0] =	vst.idx.msk $0xffff, v18;
	v17 =	vor.u32 s26, v12;
	v16 =	vld [tilespmem:s18+$0xFFFFFFD0]  }
0x2cc: {  	[tilespmem:v21+s20+$0x0] =	vst.idx.msk $0xffff, v20;
	v19 =	vor.u32 s28, v12;
	v18 =	vld [tilespmem:s18+$0xFFFFFED0]  }
0x2cd: {  	[tilespmem:v23+s20+$0x0] =	vst.idx.msk $0xffff, v22;
	v21 =	vor.u32 s24, v15;
	v20 =	vld [tilespmem:s0+$0xFFFFFF80]  }
0x2ce: {  	v23 =	vor.u32 s25, v15;
	v22 =	vld [tilespmem:s0+$0xFFFFFE80];
	[tilespmem:v25+s20+$0x0] =	vst.idx.msk $0xffff, v24  }
0x2cf: {  	[tilespmem:v27+s20+$0x0] =	vst.idx.msk $0xffff, v26;
	v25 =	vor.u32 s17, v10;
	v24 =	vld [tilespmem:s10+$0xFFFFFF30]  }
0x2d0: {  	v27 =	vor.u32 s16, v10;
	v26 =	vld [tilespmem:s10+$0xFFFFFE30];
	[tilespmem:v17+s20+$0x0] =	vst.idx.msk $0xffff, v16  }
0x2d1: {  	[tilespmem:v19+s20+$0x0] =	vst.idx.msk $0xffff, v18;
	v17 =	vor.u32 s26, v13;
	v16 =	vld [tilespmem:s18+$0xFFFFFFE0]  }
0x2d2: {  	s13 =	simm.s32 $0x7;
	[tilespmem:v21+s20+$0x0] =	vst.idx.msk $0xffff, v20;
	v19 =	vor.u32 s28, v13;
	v18 =	vld [tilespmem:s18+$0xFFFFFEE0]  }
0x2d3: {  	s14 =	simm.s32 $0x5;
	[tilespmem:v23+s20+$0x0] =	vst.idx.msk $0xffff, v22;
	v21 =	vor.u32 s13, v8;
	v20 =	vld [tilespmem:s0+$0xFFFFFF90]  }
0x2d4: {  	v23 =	vor.u32 s14, v8;
	v22 =	vld [tilespmem:s0+$0xFFFFFE90];
	[tilespmem:v25+s20+$0x0] =	vst.idx.msk $0xffff, v24  }
0x2d5: {  	[tilespmem:v27+s20+$0x0] =	vst.idx.msk $0xffff, v26;
	v25 =	vor.u32 s17, v11;
	v24 =	vld [tilespmem:s10+$0xFFFFFF40]  }
0x2d6: {  	v27 =	vor.u32 s16, v11;
	v26 =	vld [tilespmem:s10+$0xFFFFFE40];
	[tilespmem:v17+s20+$0x0] =	vst.idx.msk $0xffff, v16  }
0x2d7: {  	[tilespmem:v19+s20+$0x0] =	vst.idx.msk $0xffff, v18;
	v17 =	vor.u32 s26, v14;
	v16 =	vld [tilespmem:s18+$0xFFFFFFF0]  }
0x2d8: {  	[tilespmem:v21+s20+$0x0] =	vst.idx.msk $0xffff, v20;
	v19 =	vor.u32 s28, v14;
	v18 =	vld [tilespmem:s18+$0xFFFFFEF0]  }
0x2d9: {  	[tilespmem:v23+s20+$0x0] =	vst.idx.msk $0xffff, v22;
	v21 =	vor.u32 s13, v9;
	v20 =	vld [tilespmem:s0+$0xFFFFFFA0]  }
0x2da: {  	v23 =	vor.u32 s14, v9;
	v22 =	vld [tilespmem:s0+$0xFFFFFEA0];
	[tilespmem:v25+s20+$0x0] =	vst.idx.msk $0xffff, v24  }
0x2db: {  	[tilespmem:v27+s20+$0x0] =	vst.idx.msk $0xffff, v26;
	v25 =	vor.u32 s17, v12;
	v24 =	vld [tilespmem:s10+$0xFFFFFF50]  }
0x2dc: {  	v27 =	vor.u32 s16, v12;
	v26 =	vld [tilespmem:s10+$0xFFFFFE50];
	[tilespmem:v17+s20+$0x0] =	vst.idx.msk $0xffff, v16  }
0x2dd: {  	v63 =	vor.u32 s26, v15;
	[tilespmem:v19+s20+$0x0] =	vst.idx.msk $0xffff, v18;
	v62 =	vld [tilespmem:s18+$0x0]  }
0x2de: {  	[tilespmem:v21+s20+$0x0] =	vst.idx.msk $0xffff, v20;
	v21 =	vor.u32 s28, v15;
	v19 =	vld [tilespmem:s18+$0xFFFFFF00]  }
0x2df: {  	[tilespmem:v23+s20+$0x0] =	vst.idx.msk $0xffff, v22;
	v16 =	vld [tilespmem:s0+$0xFFFFFFB0];
	v18 =	vor.u32 s13, v10  }
0x2e0: {  	v20 =	vor.u32 s14, v10;
	[tilespmem:v25+s20+$0x0] =	vst.idx.msk $0xffff, v24;
	v17 =	vld [tilespmem:s0+$0xFFFFFEB0]  }
0x2e1: {  	s19 =	simm.s32 $0x10;
	[tilespmem:v27+s20+$0x0] =	vst.idx.msk $0xffff, v26;
	v23 =	vor.u32 s17, v13;
	v22 =	vld [tilespmem:s10+$0xFFFFFF60]  }
0x2e2: {  	s15 =	simm.s32 $0x67F0;
	s23 =	simm.s32 $0xE;
	v24 =	vld [tilespmem:s10+$0xFFFFFE60];
	v25 =	vor.u32 s16, v13;
	s18 =	simm.s32 $0xC;
	[tilespmem:v63+s20+$0x0] =	vst.idx.msk $0xffff, v62  }
.LBB2_10:
0x2e3: {  	p1 =	slt.u32 s19, $0x3C;
	v26 =	vld [tilespmem:s15+$0xFFFFFF10];
	v27 =	vor.u32 s23, v8;
	[tilespmem:v21+s20+$0x0] =	vst.idx.msk $0xffff, v19  }
0x2e4: {  	v21 =	vor.u32 s18, v8;
	v19 =	vld [tilespmem:s15+$0xFFFFFE10];
	[tilespmem:v18+s20+$0x0] =	vst.idx.msk $0xffff, v16  }
0x2e5: {  	[tilespmem:v20+s20+$0x0] =	vst.idx.msk $0xffff, v17;
	v16 =	vld [tilespmem:s0+$0xFFFFFFC0];
	v17 =	vor.u32 s13, v11  }
0x2e6: {  	v20 =	vor.u32 s14, v11;
	[tilespmem:v23+s20+$0x0] =	vst.idx.msk $0xffff, v22;
	v18 =	vld [tilespmem:s0+$0xFFFFFEC0]  }
0x2e7: {  	v23 =	vor.u32 s17, v14;
	[tilespmem:v25+s20+$0x0] =	vst.idx.msk $0xffff, v24;
	v22 =	vld [tilespmem:s10+$0xFFFFFF70]  }
0x2e8: {  	v25 =	vor.u32 s16, v14;
	[tilespmem:v27+s20+$0x0] =	vst.idx.msk $0xffff, v26;
	v24 =	vld [tilespmem:s10+$0xFFFFFE70]  }
0x2e9: {  	[tilespmem:v21+s20+$0x0] =	vst.idx.msk $0xffff, v19;
	v19 =	vld [tilespmem:s15+$0xFFFFFF20];
	v21 =	vor.u32 s23, v9  }
0x2ea: {  	v27 =	vor.u32 s18, v9;
	v26 =	vld [tilespmem:s15+$0xFFFFFE20];
	[tilespmem:v17+s20+$0x0] =	vst.idx.msk $0xffff, v16  }
0x2eb: {  	v17 =	vor.u32 s13, v12;
	[tilespmem:v20+s20+$0x0] =	vst.idx.msk $0xffff, v18;
	v16 =	vld [tilespmem:s0+$0xFFFFFFD0]  }
0x2ec: {  	v20 =	vor.u32 s14, v12;
	[tilespmem:v23+s20+$0x0] =	vst.idx.msk $0xffff, v22;
	v18 =	vld [tilespmem:s0+$0xFFFFFED0]  }
0x2ed: {  	v23 =	vor.u32 s17, v15;
	s17 =	smov.u32 s23;
	[tilespmem:v25+s20+$0x0] =	vst.idx.msk $0xffff, v24;
	v22 =	vld [tilespmem:s10+$0xFFFFFF80]  }
0x2ee: {  	[tilespmem:v21+s20+$0x0] =	vst.idx.msk $0xffff, v19;
	v19 =	vld [tilespmem:s10+$0xFFFFFE80];
	v21 =	vor.u32 s16, v15  }
0x2ef: {  	v25 =	vor.u32 s17, v10;
	[tilespmem:v27+s20+$0x0] =	vst.idx.msk $0xffff, v26;
	v24 =	vld [tilespmem:s15+$0xFFFFFF30]  }
0x2f0: {  	v27 =	vor.u32 s18, v10;
	v26 =	vld [tilespmem:s15+$0xFFFFFE30];
	[tilespmem:v17+s20+$0x0] =	vst.idx.msk $0xffff, v16  }
0x2f1: {  	v17 =	vor.u32 s13, v13;
	[tilespmem:v20+s20+$0x0] =	vst.idx.msk $0xffff, v18;
	v16 =	vld [tilespmem:s0+$0xFFFFFFE0]  }
0x2f2: {  	s23 =	sadd.s32 $0x3, s16;
	v20 =	vor.u32 s14, v13;
	[tilespmem:v23+s20+$0x0] =	vst.idx.msk $0xffff, v22;
	v18 =	vld [tilespmem:s0+$0xFFFFFEE0]  }
0x2f3: {  	s24 =	sadd.s32 $0x1, s16;
	s16 =	smov.u32 s18;
	s18 =	smov.u32 s19;
	[tilespmem:v21+s20+$0x0] =	vst.idx.msk $0xffff, v19;
	v19 =	vld [tilespmem:s10+$0xFFFFFF90];
	v21 =	vor.u32 s23, v8  }
0x2f4: {  	v23 =	vor.u32 s24, v8;
	[tilespmem:v25+s20+$0x0] =	vst.idx.msk $0xffff, v24;
	v22 =	vld [tilespmem:s10+$0xFFFFFE90]  }
0x2f5: {  	v25 =	vor.u32 s17, v11;
	[tilespmem:v27+s20+$0x0] =	vst.idx.msk $0xffff, v26;
	v24 =	vld [tilespmem:s15+$0xFFFFFF40]  }
0x2f6: {  	v27 =	vor.u32 s16, v11;
	v26 =	vld [tilespmem:s15+$0xFFFFFE40];
	[tilespmem:v17+s20+$0x0] =	vst.idx.msk $0xffff, v16  }
0x2f7: {  	v17 =	vor.u32 s13, v14;
	[tilespmem:v20+s20+$0x0] =	vst.idx.msk $0xffff, v18;
	v16 =	vld [tilespmem:s0+$0xFFFFFFF0]  }
0x2f8: {  	[tilespmem:v21+s20+$0x0] =	vst.idx.msk $0xffff, v19;
	v18 =	vld [tilespmem:s0+$0xFFFFFEF0];
	v19 =	vor.u32 s14, v14  }
0x2f9: {  	v21 =	vor.u32 s23, v9;
	[tilespmem:v23+s20+$0x0] =	vst.idx.msk $0xffff, v22;
	v20 =	vld [tilespmem:s10+$0xFFFFFFA0]  }
0x2fa: {  	v23 =	vor.u32 s24, v9;
	[tilespmem:v25+s20+$0x0] =	vst.idx.msk $0xffff, v24;
	v22 =	vld [tilespmem:s10+$0xFFFFFEA0]  }
0x2fb: {  	v25 =	vor.u32 s17, v12;
	[tilespmem:v27+s20+$0x0] =	vst.idx.msk $0xffff, v26;
	v24 =	vld [tilespmem:s15+$0xFFFFFF50]  }
0x2fc: {  	v27 =	vor.u32 s16, v12;
	v26 =	vld [tilespmem:s15+$0xFFFFFE50];
	[tilespmem:v17+s20+$0x0] =	vst.idx.msk $0xffff, v16  }
0x2fd: {  	v29 =	vor.u32 s13, v15;
	s13 =	smov.u32 s23;
	[tilespmem:v19+s20+$0x0] =	vst.idx.msk $0xffff, v18;
	v28 =	vld [tilespmem:s0+$0x0]  }
.Ltmp8:
0x2fe: {  	[tilespmem:v21+s20+$0x0] =	vst.idx.msk $0xffff, v20;
	v19 =	vld [tilespmem:s0+$0xFFFFFF00];
	v21 =	vor.u32 s14, v15;
	s14 =	smov.u32 s24;
	s0 =	smov.u32 s10;
	(pc) =	sbr.rel @p1 .LBB2_10-.Ltmp8, $4  }
0x2ff: {  	v18 =	vor.u32 s13, v10;
	s10 =	smov.u32 s15;
	[tilespmem:v23+s20+$0x0] =	vst.idx.msk $0xffff, v22;
	v16 =	vld [tilespmem:s0+$0xFFFFFFB0]  }
0x300: {  	v20 =	vor.u32 s14, v10;
	[tilespmem:v25+s20+$0x0] =	vst.idx.msk $0xffff, v24;
	v17 =	vld [tilespmem:s0+$0xFFFFFEB0]  }
0x301: {  	v23 =	vor.u32 s17, v13;
	[tilespmem:v27+s20+$0x0] =	vst.idx.msk $0xffff, v26;
	v22 =	vld [tilespmem:s15+$0xFFFFFF60]  }
0x302: {  	s19 =	sadd.s32 $0x4, s19;
	s23 =	sadd.s32 $0x2, s18;
	v25 =	vor.u32 s16, v13;
	s15 =	sadd.s32 $0x200, s15;
	v24 =	vld [tilespmem:s10+$0xFFFFFE60];
	[tilespmem:v29+s20+$0x0] =	vst.idx.msk $0xffff, v28  }
0x303: {  	v26 =	vld [tilespmem:s15+$0xFFFFFF10];
	v27 =	vor.u32 s23, v8  }
0x304: {  	v28 =	vld [tilespmem:s15+$0xFFFFFE10];
	v29 =	vor.u32 s18, v8;
	_ =	sdelay $0x3  }
0x305: {  	[tilespmem:v27+s20+$0x0] =	vst.idx.msk $0xffff, v26  }
0x306: {  	v36 =	vor.u32 s23, v9;
	[tilespmem:v29+s20+$0x0] =	vst.idx.msk $0xffff, v28;
	v26 =	vld [tilespmem:s15+$0xFFFFFF20]  }
0x307: {  	v37 =	vor.u32 s18, v9;
	v28 =	vld [tilespmem:s15+$0xFFFFFE20];
	_ =	sdelay $0x3  }
0x308: {  	[tilespmem:v36+s20+$0x0] =	vst.idx.msk $0xffff, v26  }
0x309: {  	v38 =	vor.u32 s23, v10;
	[tilespmem:v37+s20+$0x0] =	vst.idx.msk $0xffff, v28;
	v26 =	vld [tilespmem:s15+$0xFFFFFF30]  }
0x30a: {  	v39 =	vor.u32 s18, v10;
	v28 =	vld [tilespmem:s15+$0xFFFFFE30];
	_ =	sdelay $0x3  }
0x30b: {  	[tilespmem:v38+s20+$0x0] =	vst.idx.msk $0xffff, v26  }
0x30c: {  	v40 =	vor.u32 s23, v11;
	[tilespmem:v39+s20+$0x0] =	vst.idx.msk $0xffff, v28;
	v26 =	vld [tilespmem:s15+$0xFFFFFF40]  }
0x30d: {  	v41 =	vor.u32 s18, v11;
	v28 =	vld [tilespmem:s15+$0xFFFFFE40];
	_ =	sdelay $0x3  }
0x30e: {  	[tilespmem:v40+s20+$0x0] =	vst.idx.msk $0xffff, v26  }
0x30f: {  	v42 =	vor.u32 s23, v12;
	[tilespmem:v41+s20+$0x0] =	vst.idx.msk $0xffff, v28;
	v26 =	vld [tilespmem:s15+$0xFFFFFF50]  }
0x310: {  	v43 =	vor.u32 s18, v12;
	v28 =	vld [tilespmem:s15+$0xFFFFFE50];
	_ =	sdelay $0x3  }
0x311: {  	[tilespmem:v42+s20+$0x0] =	vst.idx.msk $0xffff, v26  }
0x312: {  	v44 =	vor.u32 s23, v13;
	[tilespmem:v43+s20+$0x0] =	vst.idx.msk $0xffff, v28;
	v26 =	vld [tilespmem:s15+$0xFFFFFF60]  }
0x313: {  	v45 =	vor.u32 s18, v13;
	v28 =	vld [tilespmem:s15+$0xFFFFFE60]  }
0x314: {  	[tilespmem:v23+s20+$0x0] =	vst.idx.msk $0xffff, v22  }
0x315: {  	v46 =	vor.u32 s17, v14;
	[tilespmem:v25+s20+$0x0] =	vst.idx.msk $0xffff, v24;
	v22 =	vld [tilespmem:s10+$0xFFFFFF70]  }
0x316: {  	v47 =	vor.u32 s16, v14;
	v24 =	vld [tilespmem:s10+$0xFFFFFE70]  }
0x317: {  	[tilespmem:v44+s20+$0x0] =	vst.idx.msk $0xffff, v26  }
0x318: {  	v48 =	vor.u32 s23, v14;
	[tilespmem:v45+s20+$0x0] =	vst.idx.msk $0xffff, v28;
	v26 =	vld [tilespmem:s15+$0xFFFFFF70]  }
0x319: {  	v49 =	vor.u32 s18, v14;
	v28 =	vld [tilespmem:s15+$0xFFFFFE70]  }
0x31a: {  	[tilespmem:v46+s20+$0x0] =	vst.idx.msk $0xffff, v22  }
0x31b: {  	v50 =	vor.u32 s17, v15;
	[tilespmem:v47+s20+$0x0] =	vst.idx.msk $0xffff, v24;
	v22 =	vld [tilespmem:s10+$0xFFFFFF80]  }
0x31c: {  	v51 =	vor.u32 s16, v15;
	v24 =	vld [tilespmem:s10+$0xFFFFFE80]  }
0x31d: {  	[tilespmem:v48+s20+$0x0] =	vst.idx.msk $0xffff, v26  }
0x31e: {  	v52 =	vor.u32 s23, v15;
	[tilespmem:v49+s20+$0x0] =	vst.idx.msk $0xffff, v28;
	v26 =	vld [tilespmem:s15+$0xFFFFFF80]  }
0x31f: {  	v53 =	vor.u32 s18, v15;
	v28 =	vld [tilespmem:s15+$0xFFFFFE80]  }
0x320: {  	s24 =	sadd.s32 $0x3, s16;
	[tilespmem:v50+s20+$0x0] =	vst.idx.msk $0xffff, v22  }
0x321: {  	s25 =	sadd.s32 $0x1, s16;
	v54 =	vor.u32 s24, v8;
	[tilespmem:v51+s20+$0x0] =	vst.idx.msk $0xffff, v24;
	v22 =	vld [tilespmem:s10+$0xFFFFFF90]  }
0x322: {  	v55 =	vor.u32 s25, v8;
	v24 =	vld [tilespmem:s10+$0xFFFFFE90]  }
0x323: {  	s19 =	sadd.s32 $0x3, s18;
	[tilespmem:v52+s20+$0x0] =	vst.idx.msk $0xffff, v26  }
0x324: {  	s26 =	sadd.s32 $0x1, s18;
	v56 =	vor.u32 s19, v8;
	[tilespmem:v53+s20+$0x0] =	vst.idx.msk $0xffff, v28;
	v26 =	vld [tilespmem:s15+$0xFFFFFF90]  }
0x325: {  	v57 =	vor.u32 s26, v8;
	v28 =	vld [tilespmem:s15+$0xFFFFFE90]  }
0x326: {  	[tilespmem:v54+s20+$0x0] =	vst.idx.msk $0xffff, v22  }
0x327: {  	v58 =	vor.u32 s24, v9;
	[tilespmem:v55+s20+$0x0] =	vst.idx.msk $0xffff, v24;
	v22 =	vld [tilespmem:s10+$0xFFFFFFA0]  }
0x328: {  	v59 =	vor.u32 s25, v9;
	v24 =	vld [tilespmem:s10+$0xFFFFFEA0]  }
0x329: {  	[tilespmem:v56+s20+$0x0] =	vst.idx.msk $0xffff, v26  }
0x32a: {  	v60 =	vor.u32 s19, v9;
	[tilespmem:v57+s20+$0x0] =	vst.idx.msk $0xffff, v28;
	v26 =	vld [tilespmem:s15+$0xFFFFFFA0]  }
0x32b: {  	[tilespmem:v21+s20+$0x0] =	vst.idx.msk $0xffff, v19;
	v61 =	vor.u32 s26, v9;
	v28 =	vld [tilespmem:s15+$0xFFFFFEA0]  }
0x32c: {  	[tilespmem:v58+s20+$0x0] =	vst.idx.msk $0xffff, v22  }
0x32d: {  	v63 =	vor.u32 s24, v10;
	[tilespmem:v59+s20+$0x0] =	vst.idx.msk $0xffff, v24;
	v62 =	vld [tilespmem:s10+$0xFFFFFFB0]  }
0x32e: {  	v31 =	vor.u32 s25, v10;
	[tilespmem:v18+s20+$0x0] =	vst.idx.msk $0xffff, v16;
	v30 =	vld [tilespmem:s10+$0xFFFFFEB0]  }
0x32f: {  	[tilespmem:v60+s20+$0x0] =	vst.idx.msk $0xffff, v26  }
0x330: {  	v33 =	vor.u32 s19, v10;
	[tilespmem:v61+s20+$0x0] =	vst.idx.msk $0xffff, v28;
	v32 =	vld [tilespmem:s15+$0xFFFFFFB0]  }
0x331: {  	v34 =	vor.u32 s26, v10;
	[tilespmem:v20+s20+$0x0] =	vst.idx.msk $0xffff, v17;
	v16 =	vld [tilespmem:s15+$0xFFFFFEB0]  }
0x332: {  	v35 =	vor.u32 s13, v11;
	v17 =	vld [tilespmem:s0+$0xFFFFFFC0];
	[tilespmem:v63+s20+$0x0] =	vst.idx.msk $0xffff, v62  }
0x333: {  	v38 =	vor.u32 s24, v11;
	[tilespmem:v31+s20+$0x0] =	vst.idx.msk $0xffff, v30;
	v19 =	vld [tilespmem:s10+$0xFFFFFFC0]  }
0x334: {  	v39 =	vor.u32 s25, v11;
	v22 =	vld [tilespmem:s10+$0xFFFFFEC0]  }
0x335: {  	v36 =	vld [tilespmem:s0+$0xFFFFFEC0];
	v37 =	vor.u32 s14, v11;
	[tilespmem:v33+s20+$0x0] =	vst.idx.msk $0xffff, v32  }
0x336: {  	v40 =	vor.u32 s19, v11;
	[tilespmem:v34+s20+$0x0] =	vst.idx.msk $0xffff, v16;
	v16 =	vld [tilespmem:s15+$0xFFFFFFC0]  }
0x337: {  	[tilespmem:v35+s20+$0x0] =	vst.idx.msk $0xffff, v17;
	v41 =	vor.u32 s26, v11;
	v17 =	vld [tilespmem:s15+$0xFFFFFEC0]  }
0x338: {  	v42 =	vld [tilespmem:s0+$0xFFFFFFD0];
	v43 =	vor.u32 s13, v12;
	[tilespmem:v38+s20+$0x0] =	vst.idx.msk $0xffff, v19  }
0x339: {  	v45 =	vor.u32 s24, v12;
	[tilespmem:v39+s20+$0x0] =	vst.idx.msk $0xffff, v22;
	v19 =	vld [tilespmem:s10+$0xFFFFFFD0]  }
0x33a: {  	v46 =	vor.u32 s25, v12;
	[tilespmem:v37+s20+$0x0] =	vst.idx.msk $0xffff, v36;
	v22 =	vld [tilespmem:s10+$0xFFFFFED0]  }
0x33b: {  	v44 =	vor.u32 s14, v12;
	v26 =	vld [tilespmem:s0+$0xFFFFFED0];
	[tilespmem:v40+s20+$0x0] =	vst.idx.msk $0xffff, v16  }
0x33c: {  	[tilespmem:v41+s20+$0x0] =	vst.idx.msk $0xffff, v17;
	v17 =	vor.u32 s19, v12;
	v16 =	vld [tilespmem:s15+$0xFFFFFFD0]  }
0x33d: {  	[tilespmem:v43+s20+$0x0] =	vst.idx.msk $0xffff, v42;
	v48 =	vor.u32 s26, v12;
	v47 =	vld [tilespmem:s15+$0xFFFFFED0]  }
0x33e: {  	v24 =	vld [tilespmem:s0+$0xFFFFFFE0];
	v49 =	vor.u32 s13, v13;
	[tilespmem:v45+s20+$0x0] =	vst.idx.msk $0xffff, v19  }
0x33f: {  	v51 =	vor.u32 s24, v13;
	[tilespmem:v46+s20+$0x0] =	vst.idx.msk $0xffff, v22;
	v19 =	vld [tilespmem:s10+$0xFFFFFFE0]  }
0x340: {  	v22 =	vld [tilespmem:s10+$0xFFFFFEE0];
	v52 =	vor.u32 s25, v13;
	[tilespmem:v44+s20+$0x0] =	vst.idx.msk $0xffff, v26  }
0x341: {  	v50 =	vor.u32 s14, v13;
	v26 =	vld [tilespmem:s0+$0xFFFFFEE0];
	[tilespmem:v17+s20+$0x0] =	vst.idx.msk $0xffff, v16  }
0x342: {  	[tilespmem:v48+s20+$0x0] =	vst.idx.msk $0xffff, v47;
	v17 =	vor.u32 s19, v13;
	v16 =	vld [tilespmem:s15+$0xFFFFFFE0]  }
0x343: {  	[tilespmem:v49+s20+$0x0] =	vst.idx.msk $0xffff, v24;
	v53 =	vor.u32 s26, v13;
	v18 =	vld [tilespmem:s15+$0xFFFFFEE0]  }
0x344: {  	v54 =	vor.u32 s13, v14;
	v24 =	vld [tilespmem:s0+$0xFFFFFFF0];
	[tilespmem:v51+s20+$0x0] =	vst.idx.msk $0xffff, v19  }
0x345: {  	[tilespmem:v52+s20+$0x0] =	vst.idx.msk $0xffff, v22;
	v19 =	vld [tilespmem:s10+$0xFFFFFFF0];
	v56 =	vor.u32 s24, v14  }
0x346: {  	v22 =	vld [tilespmem:s10+$0xFFFFFEF0];
	v57 =	vor.u32 s25, v14;
	[tilespmem:v50+s20+$0x0] =	vst.idx.msk $0xffff, v26  }
0x347: {  	v55 =	vor.u32 s14, v14;
	v26 =	vld [tilespmem:s0+$0xFFFFFEF0];
	[tilespmem:v17+s20+$0x0] =	vst.idx.msk $0xffff, v16  }
0x348: {  	[tilespmem:v53+s20+$0x0] =	vst.idx.msk $0xffff, v18;
	v17 =	vor.u32 s19, v14;
	v16 =	vld [tilespmem:s15+$0xFFFFFFF0]  }
0x349: {  	v58 =	vor.u32 s26, v14;
	[tilespmem:v54+s20+$0x0] =	vst.idx.msk $0xffff, v24;
	v18 =	vld [tilespmem:s15+$0xFFFFFEF0]  }
0x34a: {  	v59 =	vor.u32 s13, v15;
	v24 =	vld [tilespmem:s0+$0x0];
	[tilespmem:v56+s20+$0x0] =	vst.idx.msk $0xffff, v19  }
0x34b: {  	[tilespmem:v57+s20+$0x0] =	vst.idx.msk $0xffff, v22;
	v19 =	vld [tilespmem:s10+$0x0];
	v61 =	vor.u32 s24, v15  }
0x34c: {  	v62 =	vor.u32 s25, v15;
	v22 =	vld [tilespmem:s10+$0xFFFFFF00];
	[tilespmem:v55+s20+$0x0] =	vst.idx.msk $0xffff, v26  }
0x34d: {  	v60 =	vor.u32 s14, v15;
	v26 =	vld [tilespmem:s0+$0xFFFFFF00];
	[tilespmem:v17+s20+$0x0] =	vst.idx.msk $0xffff, v16  }
0x34e: {  	[tilespmem:v58+s20+$0x0] =	vst.idx.msk $0xffff, v18;
	v17 =	vor.u32 s19, v15;
	v16 =	vld [tilespmem:s15+$0x0]  }
0x34f: {  	v63 =	vor.u32 s26, v15;
	[tilespmem:v59+s20+$0x0] =	vst.idx.msk $0xffff, v24;
	v18 =	vld [tilespmem:s15+$0xFFFFFF00]  }
0x350: {  	[tilespmem:v61+s20+$0x0] =	vst.idx.msk $0xffff, v19  }
0x351: {  	[tilespmem:v62+s20+$0x0] =	vst.idx.msk $0xffff, v22  }
0x352: {  	s28 =	sshll.u32 s9, $0xB;
	[tilespmem:v60+s20+$0x0] =	vst.idx.msk $0xffff, v26  }
0x353: {  	s0 =	sand.u32 $0x1FFFF800, s28;
	[tilespmem:v17+s20+$0x0] =	vst.idx.msk $0xffff, v16  }
0x354: {  	s0 =	sadd.s32 s2, s0;
	[tilespmem:v63+s20+$0x0] =	vst.idx.msk $0xffff, v18  }
0x355: {  	[hbm4b:s0+s4] =	stream.linear.scatter [tilespmem:s21], [sflag:$0x2], $0x4000, $0x38;
	[tilespmem:$0x18000] =	vst v63  }
.LBB2_12:
0x356: {  	s0 =	sor.u32 $0x1, s5  }
0x357: {  	p1 =	sge.u32 s0, s6  }
.Ltmp9:
0x358: {  	_ = 	snop;
	(pc) =	sbr.rel @p1 .LBB2_22-.Ltmp9, $1  }
0x359: {  	_ =	sdelay $0x3  }
0x35a: {  	s10 =	sadd.s32 s8, s0  }
0x35b: {  	s0 =	sshll.u32 s10, $0x9  }
0x35c: {  	s0 =	sand.u32 $0x1FFFFE00, s0  }
0x35d: {  	s5 =	simm.s32 $0x8000;
	s14 =	simm.s32 $0x0;
	s0 =	sadd.s32 s1, s0  }
0x35e: {  	[tilespmem:s5], [sflag:$0x1] =	stream.strided.gather [hbm4b:s0+s11], $0x1800, s12, s11, $0x38;
	[tilespmem:$0x18000] =	vst v63  }
0x35f: {  	s23 =	simm.s32 $0x9800;
	s24 =	sshll.u32 s10, $0x2;
	s0 =	sadd.s32 $0x5B8F00, s0  }
0x360: {  	[tilespmem:s23], [sflag:$0x1] =	stream.linear.gather [hbm4b:s0+s14], $0x100, $0x38;
	[tilespmem:$0x18000] =	vst v63  }
0x361: {  	s0 =	sor.u32 $0x1, s24  }
0x362: {  	s9 =	sshll.u32 s0, $0x7  }
0x363: {  	s9 =	sand.u32 $0x1FFFFE80, s9  }
0x364: {  	s13 =	simm.s32 $0xA000;
	s9 =	sadd.s32 s1, s9  }
0x365: {  	[tilespmem:s13], [sflag:$0x1] =	stream.strided.gather [hbm4b:s9+s11], $0x1800, s12, s11, $0x38;
	[tilespmem:$0x18000] =	vst v63  }
0x366: {  	s25 =	simm.s32 $0xB800;
	s9 =	sadd.s32 $0x5B8F00, s9  }
0x367: {  	[tilespmem:s25], [sflag:$0x1] =	stream.linear.gather [hbm4b:s9+s14], $0x100, $0x38;
	[tilespmem:$0x18000] =	vst v63  }
0x368: {  	s9 =	sor.u32 $0x2, s24  }
0x369: {  	s5 =	sshll.u32 s9, $0x7  }
0x36a: {  	s5 =	sand.u32 $0x1FFFFF00, s5  }
0x36b: {  	s26 =	simm.s32 $0xC000;
	s5 =	sadd.s32 s1, s5  }
0x36c: {  	[tilespmem:s26], [sflag:$0x1] =	stream.strided.gather [hbm4b:s5+s11], $0x1800, s12, s11, $0x38;
	[tilespmem:$0x18000] =	vst v63  }
0x36d: {  	s5 =	sadd.s32 $0x5B8F00, s5  }
0x36e: {  	[tilespmem:s29], [sflag:$0x1] =	stream.linear.gather [hbm4b:s5+s14], $0x100, $0x38;
	[tilespmem:$0x18000] =	vst v63  }
0x36f: {  	s5 =	sshllo.u32 s10, $0x2  }
0x370: {  	s28 =	sshll.u32 s5, $0x7  }
0x371: {  	s13 =	sand.u32 $0x1FFFFF80, s28  }
0x372: {  	s13 =	sadd.s32 s1, s13  }
0x373: {  	[tilespmem:s30], [sflag:$0x1] =	stream.strided.gather [hbm4b:s13+s11], $0x1800, s12, s11, $0x38;
	[tilespmem:$0x18000] =	vst v63  }
0x374: {  	s13 =	sadd.s32 $0x5B8F00, s13  }
0x375: {  	[tilespmem:s31], [sflag:$0x1] =	stream.linear.gather [hbm4b:s13+s14], $0x100, $0x38;
	[tilespmem:$0x18000] =	vst v63  }
0x376: {  	_ =	swait.ge [sflag:s7], $0x1900  }
0x377: {  	[sflag:s7] =	ssyncset.done $0x0  }
0x378: {  	[sflag:s7] =	ssyncadd.s32 $0xFFFFE700  }
0x379: {  	_ =	swait.ge [sflag:s7], $0x1900  }
0x37a: {  	[sflag:s7] =	ssyncset.done $0x0  }
0x37b: {  	[sflag:s7] =	ssyncadd.s32 $0xFFFFE700  }
0x37c: {  	_ =	swait.ge [sflag:s7], $0x1900  }
0x37d: {  	[sflag:s7] =	ssyncset.done $0x0  }
0x37e: {  	[sflag:s7] =	ssyncadd.s32 $0xFFFFE700  }
0x37f: {  	_ =	swait.ge [sflag:s7], $0x1900  }
0x380: {  	[sflag:s7] =	ssyncset.done $0x0  }
0x381: {  	[sflag:s7] =	ssyncadd.s32 $0xFFFFE700  }
0x382: {  	_ =	swait.ge [sflag:s22], $0x4000  }
0x383: {  	[sflag:s22] =	ssyncset.done $0x0  }
0x384: {  	s17 =	simm.s32 $0x81F0;
	s18 =	simm.s32 $0x2;
	[sflag:s22] =	ssyncadd.s32 $0xFFFFC000  }
0x385: {  	v17 =	vor.u32 s18, v0;
	v16 =	vld [tilespmem:s17+$0xFFFFFF10]  }
0x386: {  	v19 =	vor.u32 s14, v0;
	v18 =	vld [tilespmem:s17+$0xFFFFFE10];
	_ =	sdelay $0x3  }
0x387: {  	[tilespmem:v17+s20+$0x0] =	vst.idx.msk $0xffff, v16  }
0x388: {  	[tilespmem:v19+s20+$0x0] =	vst.idx.msk $0xffff, v18;
	v17 =	vor.u32 s18, v1;
	v16 =	vld [tilespmem:s17+$0xFFFFFF20]  }
0x389: {  	v19 =	vor.u32 s14, v1;
	v18 =	vld [tilespmem:s17+$0xFFFFFE20];
	_ =	sdelay $0x3  }
0x38a: {  	[tilespmem:v17+s20+$0x0] =	vst.idx.msk $0xffff, v16  }
0x38b: {  	[tilespmem:v19+s20+$0x0] =	vst.idx.msk $0xffff, v18;
	v17 =	vor.u32 s18, v2;
	v16 =	vld [tilespmem:s17+$0xFFFFFF30]  }
0x38c: {  	v19 =	vor.u32 s14, v2;
	v18 =	vld [tilespmem:s17+$0xFFFFFE30];
	_ =	sdelay $0x3  }
0x38d: {  	[tilespmem:v17+s20+$0x0] =	vst.idx.msk $0xffff, v16  }
0x38e: {  	[tilespmem:v19+s20+$0x0] =	vst.idx.msk $0xffff, v18;
	v17 =	vor.u32 s18, v3;
	v16 =	vld [tilespmem:s17+$0xFFFFFF40]  }
0x38f: {  	v19 =	vor.u32 s14, v3;
	v18 =	vld [tilespmem:s17+$0xFFFFFE40];
	_ =	sdelay $0x3  }
0x390: {  	[tilespmem:v17+s20+$0x0] =	vst.idx.msk $0xffff, v16  }
0x391: {  	[tilespmem:v19+s20+$0x0] =	vst.idx.msk $0xffff, v18;
	v17 =	vor.u32 s18, v4;
	v16 =	vld [tilespmem:s17+$0xFFFFFF50]  }
0x392: {  	v19 =	vor.u32 s14, v4;
	v18 =	vld [tilespmem:s17+$0xFFFFFE50];
	_ =	sdelay $0x3  }
0x393: {  	[tilespmem:v17+s20+$0x0] =	vst.idx.msk $0xffff, v16  }
0x394: {  	[tilespmem:v19+s20+$0x0] =	vst.idx.msk $0xffff, v18;
	v17 =	vor.u32 s18, v5;
	v16 =	vld [tilespmem:s17+$0xFFFFFF60]  }
0x395: {  	s15 =	simm.s32 $0x6;
	s13 =	simm.s32 $0x83F0;
	v19 =	vor.u32 s14, v5;
	v18 =	vld [tilespmem:s17+$0xFFFFFE60]  }
0x396: {  	s16 =	simm.s32 $0x4;
	v21 =	vor.u32 s15, v0;
	v20 =	vld [tilespmem:s13+$0xFFFFFF10]  }
0x397: {  	v23 =	vor.u32 s16, v0;
	v22 =	vld [tilespmem:s13+$0xFFFFFE10];
	_ =	sdelay $0x1  }
0x398: {  	[tilespmem:v17+s20+$0x0] =	vst.idx.msk $0xffff, v16  }
0x399: {  	[tilespmem:v19+s20+$0x0] =	vst.idx.msk $0xffff, v18;
	v17 =	vor.u32 s18, v6;
	v16 =	vld [tilespmem:s17+$0xFFFFFF70]  }
0x39a: {  	[tilespmem:v21+s20+$0x0] =	vst.idx.msk $0xffff, v20;
	v19 =	vor.u32 s14, v6;
	v18 =	vld [tilespmem:s17+$0xFFFFFE70]  }
0x39b: {  	[tilespmem:v23+s20+$0x0] =	vst.idx.msk $0xffff, v22;
	v21 =	vor.u32 s15, v1;
	v20 =	vld [tilespmem:s13+$0xFFFFFF20]  }
0x39c: {  	v23 =	vor.u32 s16, v1;
	v22 =	vld [tilespmem:s13+$0xFFFFFE20];
	_ =	sdelay $0x1  }
0x39d: {  	[tilespmem:v17+s20+$0x0] =	vst.idx.msk $0xffff, v16  }
0x39e: {  	[tilespmem:v19+s20+$0x0] =	vst.idx.msk $0xffff, v18;
	v17 =	vor.u32 s18, v7;
	v16 =	vld [tilespmem:s17+$0xFFFFFF80]  }
0x39f: {  	[tilespmem:v21+s20+$0x0] =	vst.idx.msk $0xffff, v20;
	v19 =	vor.u32 s14, v7;
	v18 =	vld [tilespmem:s17+$0xFFFFFE80]  }
0x3a0: {  	[tilespmem:v23+s20+$0x0] =	vst.idx.msk $0xffff, v22;
	v21 =	vor.u32 s15, v2;
	v20 =	vld [tilespmem:s13+$0xFFFFFF30]  }
0x3a1: {  	v23 =	vor.u32 s16, v2;
	v22 =	vld [tilespmem:s13+$0xFFFFFE30];
	_ =	sdelay $0x1  }
0x3a2: {  	s24 =	simm.s32 $0x3;
	[tilespmem:v17+s20+$0x0] =	vst.idx.msk $0xffff, v16  }
0x3a3: {  	s23 =	simm.s32 $0x1;
	[tilespmem:v19+s20+$0x0] =	vst.idx.msk $0xffff, v18;
	v17 =	vor.u32 s24, v0;
	v16 =	vld [tilespmem:s17+$0xFFFFFF90]  }
0x3a4: {  	[tilespmem:v21+s20+$0x0] =	vst.idx.msk $0xffff, v20;
	v19 =	vor.u32 s23, v0;
	v18 =	vld [tilespmem:s17+$0xFFFFFE90]  }
0x3a5: {  	[tilespmem:v23+s20+$0x0] =	vst.idx.msk $0xffff, v22;
	v21 =	vor.u32 s15, v3;
	v20 =	vld [tilespmem:s13+$0xFFFFFF40]  }
0x3a6: {  	v23 =	vor.u32 s16, v3;
	v22 =	vld [tilespmem:s13+$0xFFFFFE40];
	_ =	sdelay $0x1  }
0x3a7: {  	[tilespmem:v17+s20+$0x0] =	vst.idx.msk $0xffff, v16  }
0x3a8: {  	[tilespmem:v19+s20+$0x0] =	vst.idx.msk $0xffff, v18;
	v17 =	vor.u32 s24, v1;
	v16 =	vld [tilespmem:s17+$0xFFFFFFA0]  }
0x3a9: {  	[tilespmem:v21+s20+$0x0] =	vst.idx.msk $0xffff, v20;
	v19 =	vor.u32 s23, v1;
	v18 =	vld [tilespmem:s17+$0xFFFFFEA0]  }
0x3aa: {  	[tilespmem:v23+s20+$0x0] =	vst.idx.msk $0xffff, v22;
	v21 =	vor.u32 s15, v4;
	v20 =	vld [tilespmem:s13+$0xFFFFFF50]  }
0x3ab: {  	v23 =	vor.u32 s16, v4;
	v22 =	vld [tilespmem:s13+$0xFFFFFE50];
	_ =	sdelay $0x1  }
0x3ac: {  	[tilespmem:v17+s20+$0x0] =	vst.idx.msk $0xffff, v16  }
0x3ad: {  	[tilespmem:v19+s20+$0x0] =	vst.idx.msk $0xffff, v18;
	v17 =	vor.u32 s24, v2;
	v16 =	vld [tilespmem:s17+$0xFFFFFFB0]  }
0x3ae: {  	[tilespmem:v21+s20+$0x0] =	vst.idx.msk $0xffff, v20;
	v19 =	vor.u32 s23, v2;
	v18 =	vld [tilespmem:s17+$0xFFFFFEB0]  }
0x3af: {  	[tilespmem:v23+s20+$0x0] =	vst.idx.msk $0xffff, v22;
	v21 =	vor.u32 s15, v5;
	v20 =	vld [tilespmem:s13+$0xFFFFFF60]  }
0x3b0: {  	s19 =	simm.s32 $0xA;
	v23 =	vor.u32 s16, v5;
	v22 =	vld [tilespmem:s13+$0xFFFFFE60];
	s14 =	simm.s32 $0x85F0  }
0x3b1: {  	v25 =	vor.u32 s19, v0;
	s18 =	simm.s32 $0x8;
	v24 =	vld [tilespmem:s14+$0xFFFFFF10]  }
0x3b2: {  	v26 =	vld [tilespmem:s14+$0xFFFFFE10];
	v27 =	vor.u32 s18, v0;
	[tilespmem:v17+s20+$0x0] =	vst.idx.msk $0xffff, v16  }
0x3b3: {  	[tilespmem:v19+s20+$0x0] =	vst.idx.msk $0xffff, v18;
	v17 =	vor.u32 s24, v3;
	v16 =	vld [tilespmem:s17+$0xFFFFFFC0]  }
0x3b4: {  	[tilespmem:v21+s20+$0x0] =	vst.idx.msk $0xffff, v20;
	v19 =	vor.u32 s23, v3;
	v18 =	vld [tilespmem:s17+$0xFFFFFEC0]  }
0x3b5: {  	[tilespmem:v23+s20+$0x0] =	vst.idx.msk $0xffff, v22;
	v21 =	vor.u32 s15, v6;
	v20 =	vld [tilespmem:s13+$0xFFFFFF70]  }
0x3b6: {  	v23 =	vor.u32 s16, v6;
	v22 =	vld [tilespmem:s13+$0xFFFFFE70];
	[tilespmem:v25+s20+$0x0] =	vst.idx.msk $0xffff, v24  }
0x3b7: {  	[tilespmem:v27+s20+$0x0] =	vst.idx.msk $0xffff, v26;
	v25 =	vor.u32 s19, v1;
	v24 =	vld [tilespmem:s14+$0xFFFFFF20]  }
0x3b8: {  	v27 =	vor.u32 s18, v1;
	v26 =	vld [tilespmem:s14+$0xFFFFFE20];
	[tilespmem:v17+s20+$0x0] =	vst.idx.msk $0xffff, v16  }
0x3b9: {  	[tilespmem:v19+s20+$0x0] =	vst.idx.msk $0xffff, v18;
	v17 =	vor.u32 s24, v4;
	v16 =	vld [tilespmem:s17+$0xFFFFFFD0]  }
0x3ba: {  	[tilespmem:v21+s20+$0x0] =	vst.idx.msk $0xffff, v20;
	v19 =	vor.u32 s23, v4;
	v18 =	vld [tilespmem:s17+$0xFFFFFED0]  }
0x3bb: {  	[tilespmem:v23+s20+$0x0] =	vst.idx.msk $0xffff, v22;
	v21 =	vor.u32 s15, v7;
	v20 =	vld [tilespmem:s13+$0xFFFFFF80]  }
0x3bc: {  	v23 =	vor.u32 s16, v7;
	v22 =	vld [tilespmem:s13+$0xFFFFFE80];
	[tilespmem:v25+s20+$0x0] =	vst.idx.msk $0xffff, v24  }
0x3bd: {  	[tilespmem:v27+s20+$0x0] =	vst.idx.msk $0xffff, v26;
	v25 =	vor.u32 s19, v2;
	v24 =	vld [tilespmem:s14+$0xFFFFFF30]  }
0x3be: {  	v27 =	vor.u32 s18, v2;
	v26 =	vld [tilespmem:s14+$0xFFFFFE30];
	[tilespmem:v17+s20+$0x0] =	vst.idx.msk $0xffff, v16  }
0x3bf: {  	[tilespmem:v19+s20+$0x0] =	vst.idx.msk $0xffff, v18;
	v17 =	vor.u32 s24, v5;
	v16 =	vld [tilespmem:s17+$0xFFFFFFE0]  }
0x3c0: {  	s15 =	simm.s32 $0x7;
	[tilespmem:v21+s20+$0x0] =	vst.idx.msk $0xffff, v20;
	v19 =	vor.u32 s23, v5;
	v18 =	vld [tilespmem:s17+$0xFFFFFEE0]  }
0x3c1: {  	s16 =	simm.s32 $0x5;
	[tilespmem:v23+s20+$0x0] =	vst.idx.msk $0xffff, v22;
	v21 =	vor.u32 s15, v0;
	v20 =	vld [tilespmem:s13+$0xFFFFFF90]  }
0x3c2: {  	v23 =	vor.u32 s16, v0;
	v22 =	vld [tilespmem:s13+$0xFFFFFE90];
	[tilespmem:v25+s20+$0x0] =	vst.idx.msk $0xffff, v24  }
0x3c3: {  	[tilespmem:v27+s20+$0x0] =	vst.idx.msk $0xffff, v26;
	v25 =	vor.u32 s19, v3;
	v24 =	vld [tilespmem:s14+$0xFFFFFF40]  }
0x3c4: {  	v27 =	vor.u32 s18, v3;
	v26 =	vld [tilespmem:s14+$0xFFFFFE40];
	[tilespmem:v17+s20+$0x0] =	vst.idx.msk $0xffff, v16  }
0x3c5: {  	[tilespmem:v19+s20+$0x0] =	vst.idx.msk $0xffff, v18;
	v17 =	vor.u32 s24, v6;
	v16 =	vld [tilespmem:s17+$0xFFFFFFF0]  }
0x3c6: {  	[tilespmem:v21+s20+$0x0] =	vst.idx.msk $0xffff, v20;
	v19 =	vor.u32 s23, v6;
	v18 =	vld [tilespmem:s17+$0xFFFFFEF0]  }
0x3c7: {  	[tilespmem:v23+s20+$0x0] =	vst.idx.msk $0xffff, v22;
	v21 =	vor.u32 s15, v1;
	v20 =	vld [tilespmem:s13+$0xFFFFFFA0]  }
0x3c8: {  	v23 =	vor.u32 s16, v1;
	v22 =	vld [tilespmem:s13+$0xFFFFFEA0];
	[tilespmem:v25+s20+$0x0] =	vst.idx.msk $0xffff, v24  }
0x3c9: {  	[tilespmem:v27+s20+$0x0] =	vst.idx.msk $0xffff, v26;
	v25 =	vor.u32 s19, v4;
	v24 =	vld [tilespmem:s14+$0xFFFFFF50]  }
0x3ca: {  	v27 =	vor.u32 s18, v4;
	v26 =	vld [tilespmem:s14+$0xFFFFFE50];
	[tilespmem:v17+s20+$0x0] =	vst.idx.msk $0xffff, v16  }
0x3cb: {  	v29 =	vor.u32 s24, v7;
	[tilespmem:v19+s20+$0x0] =	vst.idx.msk $0xffff, v18;
	v28 =	vld [tilespmem:s17+$0x0]  }
0x3cc: {  	[tilespmem:v21+s20+$0x0] =	vst.idx.msk $0xffff, v20;
	v21 =	vor.u32 s23, v7;
	v19 =	vld [tilespmem:s17+$0xFFFFFF00]  }
0x3cd: {  	[tilespmem:v23+s20+$0x0] =	vst.idx.msk $0xffff, v22;
	v16 =	vld [tilespmem:s13+$0xFFFFFFB0];
	v18 =	vor.u32 s15, v2  }
0x3ce: {  	v20 =	vor.u32 s16, v2;
	[tilespmem:v25+s20+$0x0] =	vst.idx.msk $0xffff, v24;
	v17 =	vld [tilespmem:s13+$0xFFFFFEB0]  }
0x3cf: {  	s25 =	simm.s32 $0xE;
	v23 =	vor.u32 s19, v5;
	[tilespmem:v27+s20+$0x0] =	vst.idx.msk $0xffff, v26;
	v22 =	vld [tilespmem:s14+$0xFFFFFF60]  }
0x3d0: {  	v25 =	vor.u32 s18, v5;
	v24 =	vld [tilespmem:s14+$0xFFFFFE60];
	s23 =	simm.s32 $0xC;
	s24 =	simm.s32 $0x10;
	s17 =	simm.s32 $0x87F0;
	[tilespmem:v29+s20+$0x0] =	vst.idx.msk $0xffff, v28  }
.LBB2_14:
0x3d1: {  	p1 =	slt.u32 s24, $0x3C;
	v26 =	vld [tilespmem:s17+$0xFFFFFF10];
	v27 =	vor.u32 s25, v0;
	[tilespmem:v21+s20+$0x0] =	vst.idx.msk $0xffff, v19  }
0x3d2: {  	v21 =	vor.u32 s23, v0;
	v19 =	vld [tilespmem:s17+$0xFFFFFE10];
	[tilespmem:v18+s20+$0x0] =	vst.idx.msk $0xffff, v16  }
0x3d3: {  	[tilespmem:v20+s20+$0x0] =	vst.idx.msk $0xffff, v17;
	v16 =	vld [tilespmem:s13+$0xFFFFFFC0];
	v17 =	vor.u32 s15, v3  }
0x3d4: {  	v20 =	vor.u32 s16, v3;
	[tilespmem:v23+s20+$0x0] =	vst.idx.msk $0xffff, v22;
	v18 =	vld [tilespmem:s13+$0xFFFFFEC0]  }
0x3d5: {  	v23 =	vor.u32 s19, v6;
	[tilespmem:v25+s20+$0x0] =	vst.idx.msk $0xffff, v24;
	v22 =	vld [tilespmem:s14+$0xFFFFFF70]  }
0x3d6: {  	v25 =	vor.u32 s18, v6;
	[tilespmem:v27+s20+$0x0] =	vst.idx.msk $0xffff, v26;
	v24 =	vld [tilespmem:s14+$0xFFFFFE70]  }
0x3d7: {  	[tilespmem:v21+s20+$0x0] =	vst.idx.msk $0xffff, v19;
	v19 =	vld [tilespmem:s17+$0xFFFFFF20];
	v21 =	vor.u32 s25, v1  }
0x3d8: {  	v27 =	vor.u32 s23, v1;
	v26 =	vld [tilespmem:s17+$0xFFFFFE20];
	[tilespmem:v17+s20+$0x0] =	vst.idx.msk $0xffff, v16  }
0x3d9: {  	v17 =	vor.u32 s15, v4;
	[tilespmem:v20+s20+$0x0] =	vst.idx.msk $0xffff, v18;
	v16 =	vld [tilespmem:s13+$0xFFFFFFD0]  }
0x3da: {  	v20 =	vor.u32 s16, v4;
	[tilespmem:v23+s20+$0x0] =	vst.idx.msk $0xffff, v22;
	v18 =	vld [tilespmem:s13+$0xFFFFFED0]  }
0x3db: {  	v23 =	vor.u32 s19, v7;
	s19 =	smov.u32 s25;
	[tilespmem:v25+s20+$0x0] =	vst.idx.msk $0xffff, v24;
	v22 =	vld [tilespmem:s14+$0xFFFFFF80]  }
0x3dc: {  	[tilespmem:v21+s20+$0x0] =	vst.idx.msk $0xffff, v19;
	v19 =	vld [tilespmem:s14+$0xFFFFFE80];
	v21 =	vor.u32 s18, v7  }
0x3dd: {  	v25 =	vor.u32 s19, v2;
	[tilespmem:v27+s20+$0x0] =	vst.idx.msk $0xffff, v26;
	v24 =	vld [tilespmem:s17+$0xFFFFFF30]  }
0x3de: {  	v27 =	vor.u32 s23, v2;
	v26 =	vld [tilespmem:s17+$0xFFFFFE30];
	[tilespmem:v17+s20+$0x0] =	vst.idx.msk $0xffff, v16  }
0x3df: {  	v17 =	vor.u32 s15, v5;
	[tilespmem:v20+s20+$0x0] =	vst.idx.msk $0xffff, v18;
	v16 =	vld [tilespmem:s13+$0xFFFFFFE0]  }
0x3e0: {  	s25 =	sadd.s32 $0x3, s18;
	v20 =	vor.u32 s16, v5;
	[tilespmem:v23+s20+$0x0] =	vst.idx.msk $0xffff, v22;
	v18 =	vld [tilespmem:s13+$0xFFFFFEE0]  }
0x3e1: {  	s26 =	sadd.s32 $0x1, s18;
	s18 =	smov.u32 s23;
	s23 =	smov.u32 s24;
	[tilespmem:v21+s20+$0x0] =	vst.idx.msk $0xffff, v19;
	v19 =	vld [tilespmem:s14+$0xFFFFFF90];
	v21 =	vor.u32 s25, v0  }
0x3e2: {  	v23 =	vor.u32 s26, v0;
	[tilespmem:v25+s20+$0x0] =	vst.idx.msk $0xffff, v24;
	v22 =	vld [tilespmem:s14+$0xFFFFFE90]  }
0x3e3: {  	v25 =	vor.u32 s19, v3;
	[tilespmem:v27+s20+$0x0] =	vst.idx.msk $0xffff, v26;
	v24 =	vld [tilespmem:s17+$0xFFFFFF40]  }
0x3e4: {  	v27 =	vor.u32 s18, v3;
	v26 =	vld [tilespmem:s17+$0xFFFFFE40];
	[tilespmem:v17+s20+$0x0] =	vst.idx.msk $0xffff, v16  }
0x3e5: {  	v17 =	vor.u32 s15, v6;
	[tilespmem:v20+s20+$0x0] =	vst.idx.msk $0xffff, v18;
	v16 =	vld [tilespmem:s13+$0xFFFFFFF0]  }
0x3e6: {  	[tilespmem:v21+s20+$0x0] =	vst.idx.msk $0xffff, v19;
	v18 =	vld [tilespmem:s13+$0xFFFFFEF0];
	v19 =	vor.u32 s16, v6  }
0x3e7: {  	v21 =	vor.u32 s25, v1;
	[tilespmem:v23+s20+$0x0] =	vst.idx.msk $0xffff, v22;
	v20 =	vld [tilespmem:s14+$0xFFFFFFA0]  }
0x3e8: {  	v23 =	vor.u32 s26, v1;
	[tilespmem:v25+s20+$0x0] =	vst.idx.msk $0xffff, v24;
	v22 =	vld [tilespmem:s14+$0xFFFFFEA0]  }
0x3e9: {  	v25 =	vor.u32 s19, v4;
	[tilespmem:v27+s20+$0x0] =	vst.idx.msk $0xffff, v26;
	v24 =	vld [tilespmem:s17+$0xFFFFFF50]  }
0x3ea: {  	v27 =	vor.u32 s18, v4;
	v26 =	vld [tilespmem:s17+$0xFFFFFE50];
	[tilespmem:v17+s20+$0x0] =	vst.idx.msk $0xffff, v16  }
0x3eb: {  	v29 =	vor.u32 s15, v7;
	s15 =	smov.u32 s25;
	[tilespmem:v19+s20+$0x0] =	vst.idx.msk $0xffff, v18;
	v28 =	vld [tilespmem:s13+$0x0]  }
.Ltmp10:
0x3ec: {  	[tilespmem:v21+s20+$0x0] =	vst.idx.msk $0xffff, v20;
	v19 =	vld [tilespmem:s13+$0xFFFFFF00];
	v21 =	vor.u32 s16, v7;
	s16 =	smov.u32 s26;
	s13 =	smov.u32 s14;
	(pc) =	sbr.rel @p1 .LBB2_14-.Ltmp10, $4  }
0x3ed: {  	v18 =	vor.u32 s15, v2;
	s14 =	smov.u32 s17;
	[tilespmem:v23+s20+$0x0] =	vst.idx.msk $0xffff, v22;
	v16 =	vld [tilespmem:s13+$0xFFFFFFB0]  }
0x3ee: {  	v20 =	vor.u32 s16, v2;
	[tilespmem:v25+s20+$0x0] =	vst.idx.msk $0xffff, v24;
	v17 =	vld [tilespmem:s13+$0xFFFFFEB0]  }
0x3ef: {  	v23 =	vor.u32 s19, v5;
	[tilespmem:v27+s20+$0x0] =	vst.idx.msk $0xffff, v26;
	v22 =	vld [tilespmem:s17+$0xFFFFFF60]  }
0x3f0: {  	s24 =	sadd.s32 $0x4, s24;
	s25 =	sadd.s32 $0x2, s23;
	v25 =	vor.u32 s18, v5;
	s17 =	sadd.s32 $0x200, s17;
	v24 =	vld [tilespmem:s14+$0xFFFFFE60];
	[tilespmem:v29+s20+$0x0] =	vst.idx.msk $0xffff, v28  }
0x3f1: {  	v26 =	vld [tilespmem:s17+$0xFFFFFF10];
	v27 =	vor.u32 s25, v0  }
0x3f2: {  	v28 =	vld [tilespmem:s17+$0xFFFFFE10];
	v29 =	vor.u32 s23, v0;
	_ =	sdelay $0x3  }
0x3f3: {  	[tilespmem:v27+s20+$0x0] =	vst.idx.msk $0xffff, v26  }
0x3f4: {  	[tilespmem:v29+s20+$0x0] =	vst.idx.msk $0xffff, v28;
	v27 =	vor.u32 s25, v1;
	v26 =	vld [tilespmem:s17+$0xFFFFFF20]  }
0x3f5: {  	v53 =	vor.u32 s23, v1;
	v28 =	vld [tilespmem:s17+$0xFFFFFE20];
	_ =	sdelay $0x3  }
0x3f6: {  	[tilespmem:v27+s20+$0x0] =	vst.idx.msk $0xffff, v26  }
0x3f7: {  	[tilespmem:v53+s20+$0x0] =	vst.idx.msk $0xffff, v28;
	v27 =	vor.u32 s25, v2;
	v26 =	vld [tilespmem:s17+$0xFFFFFF30]  }
0x3f8: {  	v54 =	vor.u32 s23, v2;
	v28 =	vld [tilespmem:s17+$0xFFFFFE30];
	_ =	sdelay $0x3  }
0x3f9: {  	[tilespmem:v27+s20+$0x0] =	vst.idx.msk $0xffff, v26  }
0x3fa: {  	[tilespmem:v54+s20+$0x0] =	vst.idx.msk $0xffff, v28;
	v27 =	vor.u32 s25, v3;
	v26 =	vld [tilespmem:s17+$0xFFFFFF40]  }
0x3fb: {  	v55 =	vor.u32 s23, v3;
	v28 =	vld [tilespmem:s17+$0xFFFFFE40];
	_ =	sdelay $0x3  }
0x3fc: {  	[tilespmem:v27+s20+$0x0] =	vst.idx.msk $0xffff, v26  }
0x3fd: {  	[tilespmem:v55+s20+$0x0] =	vst.idx.msk $0xffff, v28;
	v27 =	vor.u32 s25, v4;
	v26 =	vld [tilespmem:s17+$0xFFFFFF50]  }
0x3fe: {  	v56 =	vor.u32 s23, v4;
	v28 =	vld [tilespmem:s17+$0xFFFFFE50];
	_ =	sdelay $0x3  }
0x3ff: {  	[tilespmem:v27+s20+$0x0] =	vst.idx.msk $0xffff, v26  }
0x400: {  	[tilespmem:v56+s20+$0x0] =	vst.idx.msk $0xffff, v28;
	v27 =	vor.u32 s25, v5;
	v26 =	vld [tilespmem:s17+$0xFFFFFF60]  }
0x401: {  	v57 =	vor.u32 s23, v5;
	v28 =	vld [tilespmem:s17+$0xFFFFFE60];
	_ =	sdelay $0x1  }
0x402: {  	[tilespmem:v25+s20+$0x0] =	vst.idx.msk $0xffff, v24  }
0x403: {  	[tilespmem:v23+s20+$0x0] =	vst.idx.msk $0xffff, v22;
	v25 =	vor.u32 s18, v6;
	v24 =	vld [tilespmem:s14+$0xFFFFFE70]  }
0x404: {  	v23 =	vor.u32 s19, v6;
	v22 =	vld [tilespmem:s14+$0xFFFFFF70];
	[tilespmem:v27+s20+$0x0] =	vst.idx.msk $0xffff, v26  }
0x405: {  	[tilespmem:v57+s20+$0x0] =	vst.idx.msk $0xffff, v28;
	v27 =	vor.u32 s25, v6;
	v26 =	vld [tilespmem:s17+$0xFFFFFF70]  }
0x406: {  	v58 =	vor.u32 s23, v6;
	v28 =	vld [tilespmem:s17+$0xFFFFFE70];
	_ =	sdelay $0x1  }
0x407: {  	[tilespmem:v25+s20+$0x0] =	vst.idx.msk $0xffff, v24  }
0x408: {  	[tilespmem:v23+s20+$0x0] =	vst.idx.msk $0xffff, v22;
	v25 =	vor.u32 s18, v7;
	v24 =	vld [tilespmem:s14+$0xFFFFFE80]  }
0x409: {  	v23 =	vor.u32 s19, v7;
	v22 =	vld [tilespmem:s14+$0xFFFFFF80];
	[tilespmem:v27+s20+$0x0] =	vst.idx.msk $0xffff, v26  }
0x40a: {  	[tilespmem:v58+s20+$0x0] =	vst.idx.msk $0xffff, v28;
	v27 =	vor.u32 s25, v7;
	v26 =	vld [tilespmem:s17+$0xFFFFFF80]  }
0x40b: {  	v59 =	vor.u32 s23, v7;
	v28 =	vld [tilespmem:s17+$0xFFFFFE80];
	_ =	sdelay $0x1  }
0x40c: {  	s26 =	sadd.s32 $0x1, s18;
	[tilespmem:v25+s20+$0x0] =	vst.idx.msk $0xffff, v24  }
0x40d: {  	[tilespmem:v23+s20+$0x0] =	vst.idx.msk $0xffff, v22;
	v25 =	vor.u32 s26, v0;
	v24 =	vld [tilespmem:s14+$0xFFFFFE90];
	s25 =	sadd.s32 $0x3, s18  }
0x40e: {  	s24 =	sadd.s32 $0x3, s23;
	v22 =	vld [tilespmem:s14+$0xFFFFFF90];
	v23 =	vor.u32 s25, v0;
	[tilespmem:v27+s20+$0x0] =	vst.idx.msk $0xffff, v26  }
0x40f: {  	s28 =	sadd.s32 $0x1, s23;
	[tilespmem:v59+s20+$0x0] =	vst.idx.msk $0xffff, v28;
	v27 =	vor.u32 s24, v0;
	v26 =	vld [tilespmem:s17+$0xFFFFFF90]  }
0x410: {  	v60 =	vor.u32 s28, v0;
	v28 =	vld [tilespmem:s17+$0xFFFFFE90];
	_ =	sdelay $0x1  }
0x411: {  	[tilespmem:v25+s20+$0x0] =	vst.idx.msk $0xffff, v24  }
0x412: {  	v25 =	vor.u32 s26, v1;
	v24 =	vld [tilespmem:s14+$0xFFFFFEA0];
	[tilespmem:v23+s20+$0x0] =	vst.idx.msk $0xffff, v22  }
0x413: {  	v23 =	vor.u32 s25, v1;
	v22 =	vld [tilespmem:s14+$0xFFFFFFA0];
	[tilespmem:v27+s20+$0x0] =	vst.idx.msk $0xffff, v26  }
0x414: {  	[tilespmem:v60+s20+$0x0] =	vst.idx.msk $0xffff, v28;
	v27 =	vor.u32 s24, v1;
	v26 =	vld [tilespmem:s17+$0xFFFFFFA0]  }
0x415: {  	v61 =	vor.u32 s28, v1;
	v28 =	vld [tilespmem:s17+$0xFFFFFEA0]  }
0x416: {  	[tilespmem:v21+s20+$0x0] =	vst.idx.msk $0xffff, v19  }
0x417: {  	[tilespmem:v25+s20+$0x0] =	vst.idx.msk $0xffff, v24  }
0x418: {  	[tilespmem:v23+s20+$0x0] =	vst.idx.msk $0xffff, v22;
	v22 =	vld [tilespmem:s14+$0xFFFFFEB0];
	v23 =	vor.u32 s26, v2  }
0x419: {  	v21 =	vor.u32 s25, v2;
	v19 =	vld [tilespmem:s14+$0xFFFFFFB0];
	[tilespmem:v27+s20+$0x0] =	vst.idx.msk $0xffff, v26  }
0x41a: {  	v25 =	vor.u32 s24, v2;
	[tilespmem:v61+s20+$0x0] =	vst.idx.msk $0xffff, v28;
	v24 =	vld [tilespmem:s17+$0xFFFFFFB0]  }
0x41b: {  	[tilespmem:v18+s20+$0x0] =	vst.idx.msk $0xffff, v16;
	v18 =	vor.u32 s28, v2;
	v16 =	vld [tilespmem:s17+$0xFFFFFEB0]  }
0x41c: {  	[tilespmem:v20+s20+$0x0] =	vst.idx.msk $0xffff, v17;
	v17 =	vld [tilespmem:s13+$0xFFFFFFC0];
	v20 =	vor.u32 s15, v3  }
0x41d: {  	[tilespmem:v23+s20+$0x0] =	vst.idx.msk $0xffff, v22;
	v26 =	vld [tilespmem:s13+$0xFFFFFEC0];
	v27 =	vor.u32 s16, v3  }
0x41e: {  	v23 =	vor.u32 s26, v3;
	[tilespmem:v21+s20+$0x0] =	vst.idx.msk $0xffff, v19;
	v22 =	vld [tilespmem:s14+$0xFFFFFEC0]  }
0x41f: {  	v21 =	vor.u32 s25, v3;
	v19 =	vld [tilespmem:s14+$0xFFFFFFC0];
	[tilespmem:v25+s20+$0x0] =	vst.idx.msk $0xffff, v24  }
0x420: {  	[tilespmem:v18+s20+$0x0] =	vst.idx.msk $0xffff, v16;
	v18 =	vor.u32 s24, v3;
	v16 =	vld [tilespmem:s17+$0xFFFFFFC0]  }
0x421: {  	[tilespmem:v20+s20+$0x0] =	vst.idx.msk $0xffff, v17;
	v20 =	vor.u32 s28, v3;
	v17 =	vld [tilespmem:s17+$0xFFFFFEC0]  }
0x422: {  	[tilespmem:v27+s20+$0x0] =	vst.idx.msk $0xffff, v26;
	v24 =	vld [tilespmem:s13+$0xFFFFFFD0];
	v25 =	vor.u32 s15, v4  }
0x423: {  	v27 =	vor.u32 s16, v4;
	[tilespmem:v23+s20+$0x0] =	vst.idx.msk $0xffff, v22;
	v26 =	vld [tilespmem:s13+$0xFFFFFED0]  }
0x424: {  	v23 =	vor.u32 s26, v4;
	[tilespmem:v21+s20+$0x0] =	vst.idx.msk $0xffff, v19;
	v22 =	vld [tilespmem:s14+$0xFFFFFED0]  }
0x425: {  	v21 =	vor.u32 s25, v4;
	v19 =	vld [tilespmem:s14+$0xFFFFFFD0];
	[tilespmem:v18+s20+$0x0] =	vst.idx.msk $0xffff, v16  }
0x426: {  	[tilespmem:v20+s20+$0x0] =	vst.idx.msk $0xffff, v17;
	v17 =	vor.u32 s24, v4;
	v16 =	vld [tilespmem:s17+$0xFFFFFFD0]  }
0x427: {  	[tilespmem:v25+s20+$0x0] =	vst.idx.msk $0xffff, v24;
	v20 =	vor.u32 s28, v4;
	v18 =	vld [tilespmem:s17+$0xFFFFFED0]  }
0x428: {  	[tilespmem:v27+s20+$0x0] =	vst.idx.msk $0xffff, v26;
	v25 =	vor.u32 s15, v5;
	v24 =	vld [tilespmem:s13+$0xFFFFFFE0]  }
0x429: {  	v27 =	vor.u32 s16, v5;
	[tilespmem:v23+s20+$0x0] =	vst.idx.msk $0xffff, v22;
	v26 =	vld [tilespmem:s13+$0xFFFFFEE0]  }
0x42a: {  	v23 =	vor.u32 s26, v5;
	[tilespmem:v21+s20+$0x0] =	vst.idx.msk $0xffff, v19;
	v22 =	vld [tilespmem:s14+$0xFFFFFEE0]  }
0x42b: {  	v21 =	vor.u32 s25, v5;
	v19 =	vld [tilespmem:s14+$0xFFFFFFE0];
	[tilespmem:v17+s20+$0x0] =	vst.idx.msk $0xffff, v16  }
0x42c: {  	[tilespmem:v20+s20+$0x0] =	vst.idx.msk $0xffff, v18;
	v17 =	vor.u32 s24, v5;
	v16 =	vld [tilespmem:s17+$0xFFFFFFE0]  }
0x42d: {  	[tilespmem:v25+s20+$0x0] =	vst.idx.msk $0xffff, v24;
	v20 =	vor.u32 s28, v5;
	v18 =	vld [tilespmem:s17+$0xFFFFFEE0]  }
0x42e: {  	[tilespmem:v27+s20+$0x0] =	vst.idx.msk $0xffff, v26;
	v25 =	vor.u32 s15, v6;
	v24 =	vld [tilespmem:s13+$0xFFFFFFF0]  }
0x42f: {  	v27 =	vor.u32 s16, v6;
	[tilespmem:v23+s20+$0x0] =	vst.idx.msk $0xffff, v22;
	v26 =	vld [tilespmem:s13+$0xFFFFFEF0]  }
0x430: {  	v23 =	vor.u32 s26, v6;
	[tilespmem:v21+s20+$0x0] =	vst.idx.msk $0xffff, v19;
	v22 =	vld [tilespmem:s14+$0xFFFFFEF0]  }
0x431: {  	v21 =	vor.u32 s25, v6;
	v19 =	vld [tilespmem:s14+$0xFFFFFFF0];
	[tilespmem:v17+s20+$0x0] =	vst.idx.msk $0xffff, v16  }
0x432: {  	[tilespmem:v20+s20+$0x0] =	vst.idx.msk $0xffff, v18;
	v17 =	vor.u32 s24, v6;
	v16 =	vld [tilespmem:s17+$0xFFFFFFF0]  }
0x433: {  	[tilespmem:v25+s20+$0x0] =	vst.idx.msk $0xffff, v24;
	v20 =	vor.u32 s28, v6;
	v18 =	vld [tilespmem:s17+$0xFFFFFEF0]  }
0x434: {  	[tilespmem:v27+s20+$0x0] =	vst.idx.msk $0xffff, v26;
	v25 =	vor.u32 s15, v7;
	v24 =	vld [tilespmem:s13+$0x0]  }
0x435: {  	v27 =	vor.u32 s16, v7;
	[tilespmem:v23+s20+$0x0] =	vst.idx.msk $0xffff, v22;
	v26 =	vld [tilespmem:s13+$0xFFFFFF00]  }
0x436: {  	v23 =	vor.u32 s26, v7;
	[tilespmem:v21+s20+$0x0] =	vst.idx.msk $0xffff, v19;
	v22 =	vld [tilespmem:s14+$0xFFFFFF00]  }
0x437: {  	v21 =	vor.u32 s25, v7;
	v19 =	vld [tilespmem:s14+$0x0];
	[tilespmem:v17+s20+$0x0] =	vst.idx.msk $0xffff, v16  }
0x438: {  	[tilespmem:v20+s20+$0x0] =	vst.idx.msk $0xffff, v18;
	v17 =	vor.u32 s24, v7;
	v16 =	vld [tilespmem:s17+$0x0]  }
0x439: {  	[tilespmem:v25+s20+$0x0] =	vst.idx.msk $0xffff, v24;
	v20 =	vor.u32 s28, v7;
	v18 =	vld [tilespmem:s17+$0xFFFFFF00]  }
0x43a: {  	[tilespmem:v27+s20+$0x0] =	vst.idx.msk $0xffff, v26  }
0x43b: {  	[tilespmem:v23+s20+$0x0] =	vst.idx.msk $0xffff, v22  }
0x43c: {  	s10 =	sshll.u32 s10, $0xD;
	[tilespmem:v21+s20+$0x0] =	vst.idx.msk $0xffff, v19  }
0x43d: {  	s10 =	sand.u32 $0x1FFFE000, s10;
	[tilespmem:v17+s20+$0x0] =	vst.idx.msk $0xffff, v16  }
0x43e: {  	s10 =	sadd.s32 s2, s10;
	s18 =	simm.s32 $0x0;
	[tilespmem:v20+s20+$0x0] =	vst.idx.msk $0xffff, v18  }
0x43f: {  	[hbm4b:s10+s18] =	stream.linear.scatter [tilespmem:s20], [sflag:$0x2], $0x4000, $0x38;
	[tilespmem:$0x18000] =	vst v63  }
0x440: {  	_ =	swait.ge [sflag:s22], $0x4000  }
0x441: {  	[sflag:s22] =	ssyncset.done $0x0  }
0x442: {  	s23 =	simm.s32 $0x2;
	s19 =	simm.s32 $0xA1F0;
	[sflag:s22] =	ssyncadd.s32 $0xFFFFC000  }
0x443: {  	v17 =	vor.u32 s23, v8;
	v16 =	vld [tilespmem:s19+$0xFFFFFF10]  }
0x444: {  	v19 =	vor.u32 s18, v8;
	v18 =	vld [tilespmem:s19+$0xFFFFFE10];
	_ =	sdelay $0x3  }
0x445: {  	[tilespmem:v17+s20+$0x0] =	vst.idx.msk $0xffff, v16  }
0x446: {  	[tilespmem:v19+s20+$0x0] =	vst.idx.msk $0xffff, v18;
	v17 =	vor.u32 s23, v9;
	v16 =	vld [tilespmem:s19+$0xFFFFFF20]  }
0x447: {  	v19 =	vor.u32 s18, v9;
	v18 =	vld [tilespmem:s19+$0xFFFFFE20];
	_ =	sdelay $0x3  }
0x448: {  	[tilespmem:v17+s20+$0x0] =	vst.idx.msk $0xffff, v16  }
0x449: {  	[tilespmem:v19+s20+$0x0] =	vst.idx.msk $0xffff, v18;
	v17 =	vor.u32 s23, v10;
	v16 =	vld [tilespmem:s19+$0xFFFFFF30]  }
0x44a: {  	v19 =	vor.u32 s18, v10;
	v18 =	vld [tilespmem:s19+$0xFFFFFE30];
	_ =	sdelay $0x3  }
0x44b: {  	[tilespmem:v17+s20+$0x0] =	vst.idx.msk $0xffff, v16  }
0x44c: {  	[tilespmem:v19+s20+$0x0] =	vst.idx.msk $0xffff, v18;
	v17 =	vor.u32 s23, v11;
	v16 =	vld [tilespmem:s19+$0xFFFFFF40]  }
0x44d: {  	v19 =	vor.u32 s18, v11;
	v18 =	vld [tilespmem:s19+$0xFFFFFE40];
	_ =	sdelay $0x3  }
0x44e: {  	[tilespmem:v17+s20+$0x0] =	vst.idx.msk $0xffff, v16  }
0x44f: {  	[tilespmem:v19+s20+$0x0] =	vst.idx.msk $0xffff, v18;
	v17 =	vor.u32 s23, v12;
	v16 =	vld [tilespmem:s19+$0xFFFFFF50]  }
0x450: {  	v19 =	vor.u32 s18, v12;
	v18 =	vld [tilespmem:s19+$0xFFFFFE50];
	_ =	sdelay $0x3  }
0x451: {  	[tilespmem:v17+s20+$0x0] =	vst.idx.msk $0xffff, v16  }
0x452: {  	[tilespmem:v19+s20+$0x0] =	vst.idx.msk $0xffff, v18;
	v17 =	vor.u32 s23, v13;
	v16 =	vld [tilespmem:s19+$0xFFFFFF60]  }
0x453: {  	s24 =	simm.s32 $0x6;
	s10 =	simm.s32 $0xA3F0;
	v19 =	vor.u32 s18, v13;
	v18 =	vld [tilespmem:s19+$0xFFFFFE60]  }
0x454: {  	s25 =	simm.s32 $0x4;
	v21 =	vor.u32 s24, v8;
	v20 =	vld [tilespmem:s10+$0xFFFFFF10]  }
0x455: {  	v23 =	vor.u32 s25, v8;
	v22 =	vld [tilespmem:s10+$0xFFFFFE10];
	_ =	sdelay $0x1  }
0x456: {  	[tilespmem:v17+s20+$0x0] =	vst.idx.msk $0xffff, v16  }
0x457: {  	[tilespmem:v19+s20+$0x0] =	vst.idx.msk $0xffff, v18;
	v17 =	vor.u32 s23, v14;
	v16 =	vld [tilespmem:s19+$0xFFFFFF70]  }
0x458: {  	[tilespmem:v21+s20+$0x0] =	vst.idx.msk $0xffff, v20;
	v19 =	vor.u32 s18, v14;
	v18 =	vld [tilespmem:s19+$0xFFFFFE70]  }
0x459: {  	[tilespmem:v23+s20+$0x0] =	vst.idx.msk $0xffff, v22;
	v21 =	vor.u32 s24, v9;
	v20 =	vld [tilespmem:s10+$0xFFFFFF20]  }
0x45a: {  	v23 =	vor.u32 s25, v9;
	v22 =	vld [tilespmem:s10+$0xFFFFFE20];
	_ =	sdelay $0x1  }
0x45b: {  	[tilespmem:v17+s20+$0x0] =	vst.idx.msk $0xffff, v16  }
0x45c: {  	[tilespmem:v19+s20+$0x0] =	vst.idx.msk $0xffff, v18;
	v17 =	vor.u32 s23, v15;
	v16 =	vld [tilespmem:s19+$0xFFFFFF80]  }
0x45d: {  	[tilespmem:v21+s20+$0x0] =	vst.idx.msk $0xffff, v20;
	v19 =	vor.u32 s18, v15;
	v18 =	vld [tilespmem:s19+$0xFFFFFE80]  }
0x45e: {  	[tilespmem:v23+s20+$0x0] =	vst.idx.msk $0xffff, v22;
	v21 =	vor.u32 s24, v10;
	v20 =	vld [tilespmem:s10+$0xFFFFFF30]  }
0x45f: {  	v23 =	vor.u32 s25, v10;
	v22 =	vld [tilespmem:s10+$0xFFFFFE30];
	_ =	sdelay $0x1  }
0x460: {  	s26 =	simm.s32 $0x3;
	[tilespmem:v17+s20+$0x0] =	vst.idx.msk $0xffff, v16  }
0x461: {  	s28 =	simm.s32 $0x1;
	[tilespmem:v19+s20+$0x0] =	vst.idx.msk $0xffff, v18;
	v17 =	vor.u32 s26, v8;
	v16 =	vld [tilespmem:s19+$0xFFFFFF90]  }
0x462: {  	[tilespmem:v21+s20+$0x0] =	vst.idx.msk $0xffff, v20;
	v19 =	vor.u32 s28, v8;
	v18 =	vld [tilespmem:s19+$0xFFFFFE90]  }
0x463: {  	[tilespmem:v23+s20+$0x0] =	vst.idx.msk $0xffff, v22;
	v21 =	vor.u32 s24, v11;
	v20 =	vld [tilespmem:s10+$0xFFFFFF40]  }
0x464: {  	v23 =	vor.u32 s25, v11;
	v22 =	vld [tilespmem:s10+$0xFFFFFE40];
	_ =	sdelay $0x1  }
0x465: {  	[tilespmem:v17+s20+$0x0] =	vst.idx.msk $0xffff, v16  }
0x466: {  	[tilespmem:v19+s20+$0x0] =	vst.idx.msk $0xffff, v18;
	v17 =	vor.u32 s26, v9;
	v16 =	vld [tilespmem:s19+$0xFFFFFFA0]  }
0x467: {  	[tilespmem:v21+s20+$0x0] =	vst.idx.msk $0xffff, v20;
	v19 =	vor.u32 s28, v9;
	v18 =	vld [tilespmem:s19+$0xFFFFFEA0]  }
0x468: {  	[tilespmem:v23+s20+$0x0] =	vst.idx.msk $0xffff, v22;
	v21 =	vor.u32 s24, v12;
	v20 =	vld [tilespmem:s10+$0xFFFFFF50]  }
0x469: {  	v23 =	vor.u32 s25, v12;
	v22 =	vld [tilespmem:s10+$0xFFFFFE50];
	_ =	sdelay $0x1  }
0x46a: {  	[tilespmem:v17+s20+$0x0] =	vst.idx.msk $0xffff, v16  }
0x46b: {  	[tilespmem:v19+s20+$0x0] =	vst.idx.msk $0xffff, v18;
	v17 =	vor.u32 s26, v10;
	v16 =	vld [tilespmem:s19+$0xFFFFFFB0]  }
0x46c: {  	[tilespmem:v21+s20+$0x0] =	vst.idx.msk $0xffff, v20;
	v19 =	vor.u32 s28, v10;
	v18 =	vld [tilespmem:s19+$0xFFFFFEB0]  }
0x46d: {  	[tilespmem:v23+s20+$0x0] =	vst.idx.msk $0xffff, v22;
	v21 =	vor.u32 s24, v13;
	v20 =	vld [tilespmem:s10+$0xFFFFFF60]  }
0x46e: {  	s13 =	simm.s32 $0xA5F0;
	v23 =	vor.u32 s25, v13;
	v22 =	vld [tilespmem:s10+$0xFFFFFE60];
	s18 =	simm.s32 $0xA  }
0x46f: {  	s17 =	simm.s32 $0x8;
	v24 =	vld [tilespmem:s13+$0xFFFFFF10];
	v25 =	vor.u32 s18, v8  }
0x470: {  	v27 =	vor.u32 s17, v8;
	v26 =	vld [tilespmem:s13+$0xFFFFFE10];
	[tilespmem:v17+s20+$0x0] =	vst.idx.msk $0xffff, v16  }
0x471: {  	[tilespmem:v19+s20+$0x0] =	vst.idx.msk $0xffff, v18;
	v17 =	vor.u32 s26, v11;
	v16 =	vld [tilespmem:s19+$0xFFFFFFC0]  }
0x472: {  	[tilespmem:v21+s20+$0x0] =	vst.idx.msk $0xffff, v20;
	v19 =	vor.u32 s28, v11;
	v18 =	vld [tilespmem:s19+$0xFFFFFEC0]  }
0x473: {  	[tilespmem:v23+s20+$0x0] =	vst.idx.msk $0xffff, v22;
	v21 =	vor.u32 s24, v14;
	v20 =	vld [tilespmem:s10+$0xFFFFFF70]  }
0x474: {  	v23 =	vor.u32 s25, v14;
	v22 =	vld [tilespmem:s10+$0xFFFFFE70];
	[tilespmem:v25+s20+$0x0] =	vst.idx.msk $0xffff, v24  }
0x475: {  	[tilespmem:v27+s20+$0x0] =	vst.idx.msk $0xffff, v26;
	v25 =	vor.u32 s18, v9;
	v24 =	vld [tilespmem:s13+$0xFFFFFF20]  }
0x476: {  	v27 =	vor.u32 s17, v9;
	v26 =	vld [tilespmem:s13+$0xFFFFFE20];
	[tilespmem:v17+s20+$0x0] =	vst.idx.msk $0xffff, v16  }
0x477: {  	[tilespmem:v19+s20+$0x0] =	vst.idx.msk $0xffff, v18;
	v17 =	vor.u32 s26, v12;
	v16 =	vld [tilespmem:s19+$0xFFFFFFD0]  }
0x478: {  	[tilespmem:v21+s20+$0x0] =	vst.idx.msk $0xffff, v20;
	v19 =	vor.u32 s28, v12;
	v18 =	vld [tilespmem:s19+$0xFFFFFED0]  }
0x479: {  	[tilespmem:v23+s20+$0x0] =	vst.idx.msk $0xffff, v22;
	v21 =	vor.u32 s24, v15;
	v20 =	vld [tilespmem:s10+$0xFFFFFF80]  }
0x47a: {  	v23 =	vor.u32 s25, v15;
	v22 =	vld [tilespmem:s10+$0xFFFFFE80];
	[tilespmem:v25+s20+$0x0] =	vst.idx.msk $0xffff, v24  }
0x47b: {  	[tilespmem:v27+s20+$0x0] =	vst.idx.msk $0xffff, v26;
	v25 =	vor.u32 s18, v10;
	v24 =	vld [tilespmem:s13+$0xFFFFFF30]  }
0x47c: {  	v27 =	vor.u32 s17, v10;
	v26 =	vld [tilespmem:s13+$0xFFFFFE30];
	[tilespmem:v17+s20+$0x0] =	vst.idx.msk $0xffff, v16  }
0x47d: {  	[tilespmem:v19+s20+$0x0] =	vst.idx.msk $0xffff, v18;
	v17 =	vor.u32 s26, v13;
	v16 =	vld [tilespmem:s19+$0xFFFFFFE0]  }
0x47e: {  	s14 =	simm.s32 $0x7;
	[tilespmem:v21+s20+$0x0] =	vst.idx.msk $0xffff, v20;
	v19 =	vor.u32 s28, v13;
	v18 =	vld [tilespmem:s19+$0xFFFFFEE0]  }
0x47f: {  	s15 =	simm.s32 $0x5;
	[tilespmem:v23+s20+$0x0] =	vst.idx.msk $0xffff, v22;
	v21 =	vor.u32 s14, v8;
	v20 =	vld [tilespmem:s10+$0xFFFFFF90]  }
0x480: {  	v23 =	vor.u32 s15, v8;
	v22 =	vld [tilespmem:s10+$0xFFFFFE90];
	[tilespmem:v25+s20+$0x0] =	vst.idx.msk $0xffff, v24  }
0x481: {  	[tilespmem:v27+s20+$0x0] =	vst.idx.msk $0xffff, v26;
	v25 =	vor.u32 s18, v11;
	v24 =	vld [tilespmem:s13+$0xFFFFFF40]  }
0x482: {  	v27 =	vor.u32 s17, v11;
	v26 =	vld [tilespmem:s13+$0xFFFFFE40];
	[tilespmem:v17+s20+$0x0] =	vst.idx.msk $0xffff, v16  }
0x483: {  	[tilespmem:v19+s20+$0x0] =	vst.idx.msk $0xffff, v18;
	v17 =	vor.u32 s26, v14;
	v16 =	vld [tilespmem:s19+$0xFFFFFFF0]  }
0x484: {  	[tilespmem:v21+s20+$0x0] =	vst.idx.msk $0xffff, v20;
	v19 =	vor.u32 s28, v14;
	v18 =	vld [tilespmem:s19+$0xFFFFFEF0]  }
0x485: {  	[tilespmem:v23+s20+$0x0] =	vst.idx.msk $0xffff, v22;
	v21 =	vor.u32 s14, v9;
	v20 =	vld [tilespmem:s10+$0xFFFFFFA0]  }
0x486: {  	v23 =	vor.u32 s15, v9;
	v22 =	vld [tilespmem:s10+$0xFFFFFEA0];
	[tilespmem:v25+s20+$0x0] =	vst.idx.msk $0xffff, v24  }
0x487: {  	[tilespmem:v27+s20+$0x0] =	vst.idx.msk $0xffff, v26;
	v25 =	vor.u32 s18, v12;
	v24 =	vld [tilespmem:s13+$0xFFFFFF50]  }
0x488: {  	v27 =	vor.u32 s17, v12;
	v26 =	vld [tilespmem:s13+$0xFFFFFE50];
	[tilespmem:v17+s20+$0x0] =	vst.idx.msk $0xffff, v16  }
0x489: {  	v63 =	vor.u32 s26, v15;
	[tilespmem:v19+s20+$0x0] =	vst.idx.msk $0xffff, v18;
	v62 =	vld [tilespmem:s19+$0x0]  }
0x48a: {  	[tilespmem:v21+s20+$0x0] =	vst.idx.msk $0xffff, v20;
	v21 =	vor.u32 s28, v15;
	v19 =	vld [tilespmem:s19+$0xFFFFFF00]  }
0x48b: {  	[tilespmem:v23+s20+$0x0] =	vst.idx.msk $0xffff, v22;
	v16 =	vld [tilespmem:s10+$0xFFFFFFB0];
	v18 =	vor.u32 s14, v10  }
0x48c: {  	v20 =	vor.u32 s15, v10;
	[tilespmem:v25+s20+$0x0] =	vst.idx.msk $0xffff, v24;
	v17 =	vld [tilespmem:s10+$0xFFFFFEB0]  }
0x48d: {  	s16 =	simm.s32 $0xA7F0;
	[tilespmem:v27+s20+$0x0] =	vst.idx.msk $0xffff, v26;
	v23 =	vor.u32 s18, v13;
	v22 =	vld [tilespmem:s13+$0xFFFFFF60]  }
0x48e: {  	s24 =	simm.s32 $0xE;
	s23 =	simm.s32 $0x10;
	v24 =	vld [tilespmem:s13+$0xFFFFFE60];
	v25 =	vor.u32 s17, v13;
	s19 =	simm.s32 $0xC;
	[tilespmem:v63+s20+$0x0] =	vst.idx.msk $0xffff, v62  }
.LBB2_16:
0x48f: {  	p1 =	slt.u32 s23, $0x3C;
	v26 =	vld [tilespmem:s16+$0xFFFFFF10];
	v27 =	vor.u32 s24, v8;
	[tilespmem:v21+s20+$0x0] =	vst.idx.msk $0xffff, v19  }
0x490: {  	v21 =	vor.u32 s19, v8;
	v19 =	vld [tilespmem:s16+$0xFFFFFE10];
	[tilespmem:v18+s20+$0x0] =	vst.idx.msk $0xffff, v16  }
0x491: {  	[tilespmem:v20+s20+$0x0] =	vst.idx.msk $0xffff, v17;
	v16 =	vld [tilespmem:s10+$0xFFFFFFC0];
	v17 =	vor.u32 s14, v11  }
0x492: {  	v20 =	vor.u32 s15, v11;
	[tilespmem:v23+s20+$0x0] =	vst.idx.msk $0xffff, v22;
	v18 =	vld [tilespmem:s10+$0xFFFFFEC0]  }
0x493: {  	v23 =	vor.u32 s18, v14;
	[tilespmem:v25+s20+$0x0] =	vst.idx.msk $0xffff, v24;
	v22 =	vld [tilespmem:s13+$0xFFFFFF70]  }
0x494: {  	v25 =	vor.u32 s17, v14;
	[tilespmem:v27+s20+$0x0] =	vst.idx.msk $0xffff, v26;
	v24 =	vld [tilespmem:s13+$0xFFFFFE70]  }
0x495: {  	[tilespmem:v21+s20+$0x0] =	vst.idx.msk $0xffff, v19;
	v19 =	vld [tilespmem:s16+$0xFFFFFF20];
	v21 =	vor.u32 s24, v9  }
0x496: {  	v27 =	vor.u32 s19, v9;
	v26 =	vld [tilespmem:s16+$0xFFFFFE20];
	[tilespmem:v17+s20+$0x0] =	vst.idx.msk $0xffff, v16  }
0x497: {  	v17 =	vor.u32 s14, v12;
	[tilespmem:v20+s20+$0x0] =	vst.idx.msk $0xffff, v18;
	v16 =	vld [tilespmem:s10+$0xFFFFFFD0]  }
0x498: {  	v20 =	vor.u32 s15, v12;
	[tilespmem:v23+s20+$0x0] =	vst.idx.msk $0xffff, v22;
	v18 =	vld [tilespmem:s10+$0xFFFFFED0]  }
0x499: {  	v23 =	vor.u32 s18, v15;
	s18 =	smov.u32 s24;
	[tilespmem:v25+s20+$0x0] =	vst.idx.msk $0xffff, v24;
	v22 =	vld [tilespmem:s13+$0xFFFFFF80]  }
0x49a: {  	[tilespmem:v21+s20+$0x0] =	vst.idx.msk $0xffff, v19;
	v19 =	vld [tilespmem:s13+$0xFFFFFE80];
	v21 =	vor.u32 s17, v15  }
0x49b: {  	v25 =	vor.u32 s18, v10;
	[tilespmem:v27+s20+$0x0] =	vst.idx.msk $0xffff, v26;
	v24 =	vld [tilespmem:s16+$0xFFFFFF30]  }
0x49c: {  	v27 =	vor.u32 s19, v10;
	v26 =	vld [tilespmem:s16+$0xFFFFFE30];
	[tilespmem:v17+s20+$0x0] =	vst.idx.msk $0xffff, v16  }
0x49d: {  	v17 =	vor.u32 s14, v13;
	[tilespmem:v20+s20+$0x0] =	vst.idx.msk $0xffff, v18;
	v16 =	vld [tilespmem:s10+$0xFFFFFFE0]  }
0x49e: {  	s24 =	sadd.s32 $0x3, s17;
	v20 =	vor.u32 s15, v13;
	[tilespmem:v23+s20+$0x0] =	vst.idx.msk $0xffff, v22;
	v18 =	vld [tilespmem:s10+$0xFFFFFEE0]  }
0x49f: {  	s25 =	sadd.s32 $0x1, s17;
	s17 =	smov.u32 s19;
	s19 =	smov.u32 s23;
	[tilespmem:v21+s20+$0x0] =	vst.idx.msk $0xffff, v19;
	v19 =	vld [tilespmem:s13+$0xFFFFFF90];
	v21 =	vor.u32 s24, v8  }
0x4a0: {  	v23 =	vor.u32 s25, v8;
	[tilespmem:v25+s20+$0x0] =	vst.idx.msk $0xffff, v24;
	v22 =	vld [tilespmem:s13+$0xFFFFFE90]  }
0x4a1: {  	v25 =	vor.u32 s18, v11;
	[tilespmem:v27+s20+$0x0] =	vst.idx.msk $0xffff, v26;
	v24 =	vld [tilespmem:s16+$0xFFFFFF40]  }
0x4a2: {  	v27 =	vor.u32 s17, v11;
	v26 =	vld [tilespmem:s16+$0xFFFFFE40];
	[tilespmem:v17+s20+$0x0] =	vst.idx.msk $0xffff, v16  }
0x4a3: {  	v17 =	vor.u32 s14, v14;
	[tilespmem:v20+s20+$0x0] =	vst.idx.msk $0xffff, v18;
	v16 =	vld [tilespmem:s10+$0xFFFFFFF0]  }
0x4a4: {  	[tilespmem:v21+s20+$0x0] =	vst.idx.msk $0xffff, v19;
	v18 =	vld [tilespmem:s10+$0xFFFFFEF0];
	v19 =	vor.u32 s15, v14  }
0x4a5: {  	v21 =	vor.u32 s24, v9;
	[tilespmem:v23+s20+$0x0] =	vst.idx.msk $0xffff, v22;
	v20 =	vld [tilespmem:s13+$0xFFFFFFA0]  }
0x4a6: {  	v23 =	vor.u32 s25, v9;
	[tilespmem:v25+s20+$0x0] =	vst.idx.msk $0xffff, v24;
	v22 =	vld [tilespmem:s13+$0xFFFFFEA0]  }
0x4a7: {  	v25 =	vor.u32 s18, v12;
	[tilespmem:v27+s20+$0x0] =	vst.idx.msk $0xffff, v26;
	v24 =	vld [tilespmem:s16+$0xFFFFFF50]  }
0x4a8: {  	v27 =	vor.u32 s17, v12;
	v26 =	vld [tilespmem:s16+$0xFFFFFE50];
	[tilespmem:v17+s20+$0x0] =	vst.idx.msk $0xffff, v16  }
0x4a9: {  	v29 =	vor.u32 s14, v15;
	s14 =	smov.u32 s24;
	[tilespmem:v19+s20+$0x0] =	vst.idx.msk $0xffff, v18;
	v28 =	vld [tilespmem:s10+$0x0]  }
.Ltmp11:
0x4aa: {  	[tilespmem:v21+s20+$0x0] =	vst.idx.msk $0xffff, v20;
	v19 =	vld [tilespmem:s10+$0xFFFFFF00];
	v21 =	vor.u32 s15, v15;
	s15 =	smov.u32 s25;
	s10 =	smov.u32 s13;
	(pc) =	sbr.rel @p1 .LBB2_16-.Ltmp11, $4  }
0x4ab: {  	v18 =	vor.u32 s14, v10;
	s13 =	smov.u32 s16;
	[tilespmem:v23+s20+$0x0] =	vst.idx.msk $0xffff, v22;
	v16 =	vld [tilespmem:s10+$0xFFFFFFB0]  }
0x4ac: {  	v20 =	vor.u32 s15, v10;
	[tilespmem:v25+s20+$0x0] =	vst.idx.msk $0xffff, v24;
	v17 =	vld [tilespmem:s10+$0xFFFFFEB0]  }
0x4ad: {  	v23 =	vor.u32 s18, v13;
	[tilespmem:v27+s20+$0x0] =	vst.idx.msk $0xffff, v26;
	v22 =	vld [tilespmem:s16+$0xFFFFFF60]  }
0x4ae: {  	s23 =	sadd.s32 $0x4, s23;
	s24 =	sadd.s32 $0x2, s19;
	v25 =	vor.u32 s17, v13;
	s16 =	sadd.s32 $0x200, s16;
	v24 =	vld [tilespmem:s13+$0xFFFFFE60];
	[tilespmem:v29+s20+$0x0] =	vst.idx.msk $0xffff, v28  }
0x4af: {  	v26 =	vld [tilespmem:s16+$0xFFFFFF10];
	v27 =	vor.u32 s24, v8  }
0x4b0: {  	v28 =	vld [tilespmem:s16+$0xFFFFFE10];
	v29 =	vor.u32 s19, v8;
	_ =	sdelay $0x3  }
0x4b1: {  	[tilespmem:v27+s20+$0x0] =	vst.idx.msk $0xffff, v26  }
0x4b2: {  	[tilespmem:v29+s20+$0x0] =	vst.idx.msk $0xffff, v28;
	v27 =	vor.u32 s24, v9;
	v26 =	vld [tilespmem:s16+$0xFFFFFF20]  }
0x4b3: {  	v53 =	vor.u32 s19, v9;
	v28 =	vld [tilespmem:s16+$0xFFFFFE20];
	_ =	sdelay $0x3  }
0x4b4: {  	[tilespmem:v27+s20+$0x0] =	vst.idx.msk $0xffff, v26  }
0x4b5: {  	[tilespmem:v53+s20+$0x0] =	vst.idx.msk $0xffff, v28;
	v27 =	vor.u32 s24, v10;
	v26 =	vld [tilespmem:s16+$0xFFFFFF30]  }
0x4b6: {  	v54 =	vor.u32 s19, v10;
	v28 =	vld [tilespmem:s16+$0xFFFFFE30];
	_ =	sdelay $0x3  }
0x4b7: {  	[tilespmem:v27+s20+$0x0] =	vst.idx.msk $0xffff, v26  }
0x4b8: {  	[tilespmem:v54+s20+$0x0] =	vst.idx.msk $0xffff, v28;
	v27 =	vor.u32 s24, v11;
	v26 =	vld [tilespmem:s16+$0xFFFFFF40]  }
0x4b9: {  	v55 =	vor.u32 s19, v11;
	v28 =	vld [tilespmem:s16+$0xFFFFFE40];
	_ =	sdelay $0x3  }
0x4ba: {  	[tilespmem:v27+s20+$0x0] =	vst.idx.msk $0xffff, v26  }
0x4bb: {  	[tilespmem:v55+s20+$0x0] =	vst.idx.msk $0xffff, v28;
	v27 =	vor.u32 s24, v12;
	v26 =	vld [tilespmem:s16+$0xFFFFFF50]  }
0x4bc: {  	v56 =	vor.u32 s19, v12;
	v28 =	vld [tilespmem:s16+$0xFFFFFE50];
	_ =	sdelay $0x3  }
0x4bd: {  	[tilespmem:v27+s20+$0x0] =	vst.idx.msk $0xffff, v26  }
0x4be: {  	[tilespmem:v56+s20+$0x0] =	vst.idx.msk $0xffff, v28;
	v27 =	vor.u32 s24, v13;
	v26 =	vld [tilespmem:s16+$0xFFFFFF60]  }
0x4bf: {  	v57 =	vor.u32 s19, v13;
	[tilespmem:v23+s20+$0x0] =	vst.idx.msk $0xffff, v22;
	v28 =	vld [tilespmem:s16+$0xFFFFFE60]  }
0x4c0: {  	v23 =	vor.u32 s18, v14;
	[tilespmem:v25+s20+$0x0] =	vst.idx.msk $0xffff, v24;
	v22 =	vld [tilespmem:s13+$0xFFFFFF70]  }
0x4c1: {  	v25 =	vor.u32 s17, v14;
	v24 =	vld [tilespmem:s13+$0xFFFFFE70];
	_ =	sdelay $0x1  }
0x4c2: {  	[tilespmem:v27+s20+$0x0] =	vst.idx.msk $0xffff, v26  }
0x4c3: {  	[tilespmem:v57+s20+$0x0] =	vst.idx.msk $0xffff, v28;
	v27 =	vor.u32 s24, v14;
	v26 =	vld [tilespmem:s16+$0xFFFFFF70]  }
0x4c4: {  	v58 =	vor.u32 s19, v14;
	[tilespmem:v23+s20+$0x0] =	vst.idx.msk $0xffff, v22;
	v28 =	vld [tilespmem:s16+$0xFFFFFE70]  }
0x4c5: {  	v23 =	vor.u32 s18, v15;
	[tilespmem:v25+s20+$0x0] =	vst.idx.msk $0xffff, v24;
	v22 =	vld [tilespmem:s13+$0xFFFFFF80]  }
0x4c6: {  	v25 =	vor.u32 s17, v15;
	v24 =	vld [tilespmem:s13+$0xFFFFFE80];
	_ =	sdelay $0x1  }
0x4c7: {  	[tilespmem:v27+s20+$0x0] =	vst.idx.msk $0xffff, v26  }
0x4c8: {  	[tilespmem:v58+s20+$0x0] =	vst.idx.msk $0xffff, v28;
	v27 =	vor.u32 s24, v15;
	v26 =	vld [tilespmem:s16+$0xFFFFFF80]  }
0x4c9: {  	v59 =	vor.u32 s19, v15;
	s25 =	sadd.s32 $0x3, s17;
	[tilespmem:v23+s20+$0x0] =	vst.idx.msk $0xffff, v22;
	v28 =	vld [tilespmem:s16+$0xFFFFFE80]  }
0x4ca: {  	s26 =	sadd.s32 $0x1, s17;
	v23 =	vor.u32 s25, v8;
	[tilespmem:v25+s20+$0x0] =	vst.idx.msk $0xffff, v24;
	v22 =	vld [tilespmem:s13+$0xFFFFFF90]  }
0x4cb: {  	v25 =	vor.u32 s26, v8;
	v24 =	vld [tilespmem:s13+$0xFFFFFE90];
	_ =	sdelay $0x1  }
0x4cc: {  	s23 =	sadd.s32 $0x3, s19;
	[tilespmem:v27+s20+$0x0] =	vst.idx.msk $0xffff, v26  }
0x4cd: {  	s28 =	sadd.s32 $0x1, s19;
	[tilespmem:v59+s20+$0x0] =	vst.idx.msk $0xffff, v28;
	v27 =	vor.u32 s23, v8;
	v26 =	vld [tilespmem:s16+$0xFFFFFF90]  }
0x4ce: {  	v60 =	vor.u32 s28, v8;
	[tilespmem:v23+s20+$0x0] =	vst.idx.msk $0xffff, v22;
	v28 =	vld [tilespmem:s16+$0xFFFFFE90]  }
0x4cf: {  	v23 =	vor.u32 s25, v9;
	[tilespmem:v25+s20+$0x0] =	vst.idx.msk $0xffff, v24;
	v22 =	vld [tilespmem:s13+$0xFFFFFFA0]  }
0x4d0: {  	v25 =	vor.u32 s26, v9;
	v24 =	vld [tilespmem:s13+$0xFFFFFEA0]  }
0x4d1: {  	[tilespmem:v21+s20+$0x0] =	vst.idx.msk $0xffff, v19  }
0x4d2: {  	[tilespmem:v27+s20+$0x0] =	vst.idx.msk $0xffff, v26  }
0x4d3: {  	[tilespmem:v60+s20+$0x0] =	vst.idx.msk $0xffff, v28;
	v27 =	vor.u32 s23, v9;
	v26 =	vld [tilespmem:s16+$0xFFFFFFA0]  }
0x4d4: {  	v61 =	vor.u32 s28, v9;
	[tilespmem:v23+s20+$0x0] =	vst.idx.msk $0xffff, v22;
	v28 =	vld [tilespmem:s16+$0xFFFFFEA0]  }
0x4d5: {  	v21 =	vor.u32 s25, v10;
	[tilespmem:v25+s20+$0x0] =	vst.idx.msk $0xffff, v24;
	v19 =	vld [tilespmem:s13+$0xFFFFFFB0]  }
0x4d6: {  	[tilespmem:v18+s20+$0x0] =	vst.idx.msk $0xffff, v16;
	v23 =	vor.u32 s26, v10;
	v22 =	vld [tilespmem:s13+$0xFFFFFEB0]  }
0x4d7: {  	[tilespmem:v20+s20+$0x0] =	vst.idx.msk $0xffff, v17  }
0x4d8: {  	v17 =	vld [tilespmem:s10+$0xFFFFFFC0];
	v20 =	vor.u32 s14, v11;
	[tilespmem:v27+s20+$0x0] =	vst.idx.msk $0xffff, v26  }
0x4d9: {  	v25 =	vor.u32 s23, v10;
	[tilespmem:v61+s20+$0x0] =	vst.idx.msk $0xffff, v28;
	v24 =	vld [tilespmem:s16+$0xFFFFFFB0]  }
0x4da: {  	v18 =	vor.u32 s28, v10;
	[tilespmem:v21+s20+$0x0] =	vst.idx.msk $0xffff, v19;
	v16 =	vld [tilespmem:s16+$0xFFFFFEB0]  }
0x4db: {  	v21 =	vor.u32 s25, v11;
	[tilespmem:v23+s20+$0x0] =	vst.idx.msk $0xffff, v22;
	v19 =	vld [tilespmem:s13+$0xFFFFFFC0]  }
0x4dc: {  	v23 =	vor.u32 s26, v11;
	v22 =	vld [tilespmem:s13+$0xFFFFFEC0]  }
0x4dd: {  	[tilespmem:v20+s20+$0x0] =	vst.idx.msk $0xffff, v17  }
0x4de: {  	v26 =	vld [tilespmem:s10+$0xFFFFFEC0];
	v27 =	vor.u32 s15, v11;
	[tilespmem:v25+s20+$0x0] =	vst.idx.msk $0xffff, v24  }
0x4df: {  	[tilespmem:v18+s20+$0x0] =	vst.idx.msk $0xffff, v16;
	v18 =	vor.u32 s23, v11;
	v16 =	vld [tilespmem:s16+$0xFFFFFFC0]  }
0x4e0: {  	v20 =	vor.u32 s28, v11;
	[tilespmem:v21+s20+$0x0] =	vst.idx.msk $0xffff, v19;
	v17 =	vld [tilespmem:s16+$0xFFFFFEC0]  }
0x4e1: {  	v21 =	vor.u32 s25, v12;
	[tilespmem:v23+s20+$0x0] =	vst.idx.msk $0xffff, v22;
	v19 =	vld [tilespmem:s13+$0xFFFFFFD0]  }
0x4e2: {  	v23 =	vor.u32 s26, v12;
	v22 =	vld [tilespmem:s13+$0xFFFFFED0]  }
0x4e3: {  	[tilespmem:v27+s20+$0x0] =	vst.idx.msk $0xffff, v26;
	v24 =	vld [tilespmem:s10+$0xFFFFFFD0];
	v25 =	vor.u32 s14, v12  }
0x4e4: {  	v27 =	vor.u32 s15, v12;
	v26 =	vld [tilespmem:s10+$0xFFFFFED0];
	[tilespmem:v18+s20+$0x0] =	vst.idx.msk $0xffff, v16  }
0x4e5: {  	[tilespmem:v20+s20+$0x0] =	vst.idx.msk $0xffff, v17;
	v17 =	vor.u32 s23, v12;
	v16 =	vld [tilespmem:s16+$0xFFFFFFD0]  }
0x4e6: {  	[tilespmem:v21+s20+$0x0] =	vst.idx.msk $0xffff, v19;
	v20 =	vor.u32 s28, v12;
	v18 =	vld [tilespmem:s16+$0xFFFFFED0]  }
0x4e7: {  	v21 =	vor.u32 s25, v13;
	[tilespmem:v23+s20+$0x0] =	vst.idx.msk $0xffff, v22;
	v19 =	vld [tilespmem:s13+$0xFFFFFFE0]  }
0x4e8: {  	v23 =	vor.u32 s26, v13;
	v22 =	vld [tilespmem:s13+$0xFFFFFEE0];
	[tilespmem:v25+s20+$0x0] =	vst.idx.msk $0xffff, v24  }
0x4e9: {  	[tilespmem:v27+s20+$0x0] =	vst.idx.msk $0xffff, v26;
	v25 =	vor.u32 s14, v13;
	v24 =	vld [tilespmem:s10+$0xFFFFFFE0]  }
0x4ea: {  	v27 =	vor.u32 s15, v13;
	v26 =	vld [tilespmem:s10+$0xFFFFFEE0];
	[tilespmem:v17+s20+$0x0] =	vst.idx.msk $0xffff, v16  }
0x4eb: {  	[tilespmem:v20+s20+$0x0] =	vst.idx.msk $0xffff, v18;
	v17 =	vor.u32 s23, v13;
	v16 =	vld [tilespmem:s16+$0xFFFFFFE0]  }
0x4ec: {  	[tilespmem:v21+s20+$0x0] =	vst.idx.msk $0xffff, v19;
	v20 =	vor.u32 s28, v13;
	v18 =	vld [tilespmem:s16+$0xFFFFFEE0]  }
0x4ed: {  	v21 =	vor.u32 s25, v14;
	[tilespmem:v23+s20+$0x0] =	vst.idx.msk $0xffff, v22;
	v19 =	vld [tilespmem:s13+$0xFFFFFFF0]  }
0x4ee: {  	v23 =	vor.u32 s26, v14;
	v22 =	vld [tilespmem:s13+$0xFFFFFEF0];
	[tilespmem:v25+s20+$0x0] =	vst.idx.msk $0xffff, v24  }
0x4ef: {  	[tilespmem:v27+s20+$0x0] =	vst.idx.msk $0xffff, v26;
	v25 =	vor.u32 s14, v14;
	v24 =	vld [tilespmem:s10+$0xFFFFFFF0]  }
0x4f0: {  	v27 =	vor.u32 s15, v14;
	v26 =	vld [tilespmem:s10+$0xFFFFFEF0];
	[tilespmem:v17+s20+$0x0] =	vst.idx.msk $0xffff, v16  }
0x4f1: {  	[tilespmem:v20+s20+$0x0] =	vst.idx.msk $0xffff, v18;
	v17 =	vor.u32 s23, v14;
	v16 =	vld [tilespmem:s16+$0xFFFFFFF0]  }
0x4f2: {  	[tilespmem:v21+s20+$0x0] =	vst.idx.msk $0xffff, v19;
	v20 =	vor.u32 s28, v14;
	v18 =	vld [tilespmem:s16+$0xFFFFFEF0]  }
0x4f3: {  	v21 =	vor.u32 s25, v15;
	[tilespmem:v23+s20+$0x0] =	vst.idx.msk $0xffff, v22;
	v19 =	vld [tilespmem:s13+$0x0]  }
0x4f4: {  	v23 =	vor.u32 s26, v15;
	v22 =	vld [tilespmem:s13+$0xFFFFFF00];
	[tilespmem:v25+s20+$0x0] =	vst.idx.msk $0xffff, v24  }
0x4f5: {  	[tilespmem:v27+s20+$0x0] =	vst.idx.msk $0xffff, v26;
	v25 =	vor.u32 s14, v15;
	v24 =	vld [tilespmem:s10+$0x0]  }
0x4f6: {  	v27 =	vor.u32 s15, v15;
	v26 =	vld [tilespmem:s10+$0xFFFFFF00];
	[tilespmem:v17+s20+$0x0] =	vst.idx.msk $0xffff, v16  }
0x4f7: {  	[tilespmem:v20+s20+$0x0] =	vst.idx.msk $0xffff, v18;
	v17 =	vor.u32 s23, v15;
	v16 =	vld [tilespmem:s16+$0x0]  }
0x4f8: {  	[tilespmem:v21+s20+$0x0] =	vst.idx.msk $0xffff, v19;
	v20 =	vor.u32 s28, v15;
	v18 =	vld [tilespmem:s16+$0xFFFFFF00]  }
0x4f9: {  	[tilespmem:v23+s20+$0x0] =	vst.idx.msk $0xffff, v22  }
0x4fa: {  	[tilespmem:v25+s20+$0x0] =	vst.idx.msk $0xffff, v24  }
0x4fb: {  	s0 =	sshll.u32 s0, $0xB;
	[tilespmem:v27+s20+$0x0] =	vst.idx.msk $0xffff, v26  }
0x4fc: {  	s0 =	sand.u32 $0x1FFFE800, s0;
	[tilespmem:v17+s20+$0x0] =	vst.idx.msk $0xffff, v16  }
0x4fd: {  	s0 =	sadd.s32 s2, s0;
	s17 =	simm.s32 $0x0;
	[tilespmem:v20+s20+$0x0] =	vst.idx.msk $0xffff, v18  }
0x4fe: {  	[hbm4b:s0+s17] =	stream.linear.scatter [tilespmem:s21], [sflag:$0x2], $0x4000, $0x38;
	[tilespmem:$0x18000] =	vst v63  }
0x4ff: {  	_ =	swait.ge [sflag:s22], $0x4000  }
0x500: {  	[sflag:s22] =	ssyncset.done $0x0  }
0x501: {  	s18 =	simm.s32 $0xC1F0;
	s23 =	simm.s32 $0x2;
	[sflag:s22] =	ssyncadd.s32 $0xFFFFC000  }
0x502: {  	v17 =	vor.u32 s23, v0;
	v16 =	vld [tilespmem:s18+$0xFFFFFF10]  }
0x503: {  	v19 =	vor.u32 s17, v0;
	v18 =	vld [tilespmem:s18+$0xFFFFFE10];
	_ =	sdelay $0x3  }
0x504: {  	[tilespmem:v17+s20+$0x0] =	vst.idx.msk $0xffff, v16  }
0x505: {  	[tilespmem:v19+s20+$0x0] =	vst.idx.msk $0xffff, v18;
	v17 =	vor.u32 s23, v1;
	v16 =	vld [tilespmem:s18+$0xFFFFFF20]  }
0x506: {  	v19 =	vor.u32 s17, v1;
	v18 =	vld [tilespmem:s18+$0xFFFFFE20];
	_ =	sdelay $0x3  }
0x507: {  	[tilespmem:v17+s20+$0x0] =	vst.idx.msk $0xffff, v16  }
0x508: {  	[tilespmem:v19+s20+$0x0] =	vst.idx.msk $0xffff, v18;
	v17 =	vor.u32 s23, v2;
	v16 =	vld [tilespmem:s18+$0xFFFFFF30]  }
0x509: {  	v19 =	vor.u32 s17, v2;
	v18 =	vld [tilespmem:s18+$0xFFFFFE30];
	_ =	sdelay $0x3  }
0x50a: {  	[tilespmem:v17+s20+$0x0] =	vst.idx.msk $0xffff, v16  }
0x50b: {  	[tilespmem:v19+s20+$0x0] =	vst.idx.msk $0xffff, v18;
	v17 =	vor.u32 s23, v3;
	v16 =	vld [tilespmem:s18+$0xFFFFFF40]  }
0x50c: {  	v19 =	vor.u32 s17, v3;
	v18 =	vld [tilespmem:s18+$0xFFFFFE40];
	_ =	sdelay $0x3  }
0x50d: {  	[tilespmem:v17+s20+$0x0] =	vst.idx.msk $0xffff, v16  }
0x50e: {  	[tilespmem:v19+s20+$0x0] =	vst.idx.msk $0xffff, v18;
	v17 =	vor.u32 s23, v4;
	v16 =	vld [tilespmem:s18+$0xFFFFFF50]  }
0x50f: {  	v19 =	vor.u32 s17, v4;
	v18 =	vld [tilespmem:s18+$0xFFFFFE50];
	_ =	sdelay $0x3  }
0x510: {  	[tilespmem:v17+s20+$0x0] =	vst.idx.msk $0xffff, v16  }
0x511: {  	[tilespmem:v19+s20+$0x0] =	vst.idx.msk $0xffff, v18;
	v17 =	vor.u32 s23, v5;
	v16 =	vld [tilespmem:s18+$0xFFFFFF60]  }
0x512: {  	s24 =	simm.s32 $0x6;
	s0 =	simm.s32 $0xC3F0;
	v19 =	vor.u32 s17, v5;
	v18 =	vld [tilespmem:s18+$0xFFFFFE60]  }
0x513: {  	s25 =	simm.s32 $0x4;
	v21 =	vor.u32 s24, v0;
	v20 =	vld [tilespmem:s0+$0xFFFFFF10]  }
0x514: {  	v23 =	vor.u32 s25, v0;
	v22 =	vld [tilespmem:s0+$0xFFFFFE10];
	_ =	sdelay $0x1  }
0x515: {  	[tilespmem:v17+s20+$0x0] =	vst.idx.msk $0xffff, v16  }
0x516: {  	[tilespmem:v19+s20+$0x0] =	vst.idx.msk $0xffff, v18;
	v17 =	vor.u32 s23, v6;
	v16 =	vld [tilespmem:s18+$0xFFFFFF70]  }
0x517: {  	[tilespmem:v21+s20+$0x0] =	vst.idx.msk $0xffff, v20;
	v19 =	vor.u32 s17, v6;
	v18 =	vld [tilespmem:s18+$0xFFFFFE70]  }
0x518: {  	[tilespmem:v23+s20+$0x0] =	vst.idx.msk $0xffff, v22;
	v21 =	vor.u32 s24, v1;
	v20 =	vld [tilespmem:s0+$0xFFFFFF20]  }
0x519: {  	v23 =	vor.u32 s25, v1;
	v22 =	vld [tilespmem:s0+$0xFFFFFE20];
	_ =	sdelay $0x1  }
0x51a: {  	[tilespmem:v17+s20+$0x0] =	vst.idx.msk $0xffff, v16  }
0x51b: {  	[tilespmem:v19+s20+$0x0] =	vst.idx.msk $0xffff, v18;
	v17 =	vor.u32 s23, v7;
	v16 =	vld [tilespmem:s18+$0xFFFFFF80]  }
0x51c: {  	[tilespmem:v21+s20+$0x0] =	vst.idx.msk $0xffff, v20;
	v19 =	vor.u32 s17, v7;
	v18 =	vld [tilespmem:s18+$0xFFFFFE80]  }
0x51d: {  	[tilespmem:v23+s20+$0x0] =	vst.idx.msk $0xffff, v22;
	v21 =	vor.u32 s24, v2;
	v20 =	vld [tilespmem:s0+$0xFFFFFF30]  }
0x51e: {  	v23 =	vor.u32 s25, v2;
	v22 =	vld [tilespmem:s0+$0xFFFFFE30];
	_ =	sdelay $0x1  }
0x51f: {  	s26 =	simm.s32 $0x3;
	[tilespmem:v17+s20+$0x0] =	vst.idx.msk $0xffff, v16  }
0x520: {  	s28 =	simm.s32 $0x1;
	[tilespmem:v19+s20+$0x0] =	vst.idx.msk $0xffff, v18;
	v17 =	vor.u32 s26, v0;
	v16 =	vld [tilespmem:s18+$0xFFFFFF90]  }
0x521: {  	[tilespmem:v21+s20+$0x0] =	vst.idx.msk $0xffff, v20;
	v19 =	vor.u32 s28, v0;
	v18 =	vld [tilespmem:s18+$0xFFFFFE90]  }
0x522: {  	[tilespmem:v23+s20+$0x0] =	vst.idx.msk $0xffff, v22;
	v21 =	vor.u32 s24, v3;
	v20 =	vld [tilespmem:s0+$0xFFFFFF40]  }
0x523: {  	v23 =	vor.u32 s25, v3;
	v22 =	vld [tilespmem:s0+$0xFFFFFE40];
	_ =	sdelay $0x1  }
0x524: {  	[tilespmem:v17+s20+$0x0] =	vst.idx.msk $0xffff, v16  }
0x525: {  	[tilespmem:v19+s20+$0x0] =	vst.idx.msk $0xffff, v18;
	v17 =	vor.u32 s26, v1;
	v16 =	vld [tilespmem:s18+$0xFFFFFFA0]  }
0x526: {  	[tilespmem:v21+s20+$0x0] =	vst.idx.msk $0xffff, v20;
	v19 =	vor.u32 s28, v1;
	v18 =	vld [tilespmem:s18+$0xFFFFFEA0]  }
0x527: {  	[tilespmem:v23+s20+$0x0] =	vst.idx.msk $0xffff, v22;
	v21 =	vor.u32 s24, v4;
	v20 =	vld [tilespmem:s0+$0xFFFFFF50]  }
0x528: {  	v23 =	vor.u32 s25, v4;
	v22 =	vld [tilespmem:s0+$0xFFFFFE50];
	_ =	sdelay $0x1  }
0x529: {  	[tilespmem:v17+s20+$0x0] =	vst.idx.msk $0xffff, v16  }
0x52a: {  	[tilespmem:v19+s20+$0x0] =	vst.idx.msk $0xffff, v18;
	v17 =	vor.u32 s26, v2;
	v16 =	vld [tilespmem:s18+$0xFFFFFFB0]  }
0x52b: {  	[tilespmem:v21+s20+$0x0] =	vst.idx.msk $0xffff, v20;
	v19 =	vor.u32 s28, v2;
	v18 =	vld [tilespmem:s18+$0xFFFFFEB0]  }
0x52c: {  	[tilespmem:v23+s20+$0x0] =	vst.idx.msk $0xffff, v22;
	v21 =	vor.u32 s24, v5;
	v20 =	vld [tilespmem:s0+$0xFFFFFF60]  }
0x52d: {  	s10 =	simm.s32 $0xC5F0;
	v23 =	vor.u32 s25, v5;
	v22 =	vld [tilespmem:s0+$0xFFFFFE60];
	s17 =	simm.s32 $0xA  }
0x52e: {  	s16 =	simm.s32 $0x8;
	v24 =	vld [tilespmem:s10+$0xFFFFFF10];
	v25 =	vor.u32 s17, v0  }
0x52f: {  	v27 =	vor.u32 s16, v0;
	v26 =	vld [tilespmem:s10+$0xFFFFFE10];
	[tilespmem:v17+s20+$0x0] =	vst.idx.msk $0xffff, v16  }
0x530: {  	[tilespmem:v19+s20+$0x0] =	vst.idx.msk $0xffff, v18;
	v17 =	vor.u32 s26, v3;
	v16 =	vld [tilespmem:s18+$0xFFFFFFC0]  }
0x531: {  	[tilespmem:v21+s20+$0x0] =	vst.idx.msk $0xffff, v20;
	v19 =	vor.u32 s28, v3;
	v18 =	vld [tilespmem:s18+$0xFFFFFEC0]  }
0x532: {  	[tilespmem:v23+s20+$0x0] =	vst.idx.msk $0xffff, v22;
	v21 =	vor.u32 s24, v6;
	v20 =	vld [tilespmem:s0+$0xFFFFFF70]  }
0x533: {  	v23 =	vor.u32 s25, v6;
	v22 =	vld [tilespmem:s0+$0xFFFFFE70];
	[tilespmem:v25+s20+$0x0] =	vst.idx.msk $0xffff, v24  }
0x534: {  	[tilespmem:v27+s20+$0x0] =	vst.idx.msk $0xffff, v26;
	v25 =	vor.u32 s17, v1;
	v24 =	vld [tilespmem:s10+$0xFFFFFF20]  }
0x535: {  	v27 =	vor.u32 s16, v1;
	v26 =	vld [tilespmem:s10+$0xFFFFFE20];
	[tilespmem:v17+s20+$0x0] =	vst.idx.msk $0xffff, v16  }
0x536: {  	[tilespmem:v19+s20+$0x0] =	vst.idx.msk $0xffff, v18;
	v17 =	vor.u32 s26, v4;
	v16 =	vld [tilespmem:s18+$0xFFFFFFD0]  }
0x537: {  	[tilespmem:v21+s20+$0x0] =	vst.idx.msk $0xffff, v20;
	v19 =	vor.u32 s28, v4;
	v18 =	vld [tilespmem:s18+$0xFFFFFED0]  }
0x538: {  	[tilespmem:v23+s20+$0x0] =	vst.idx.msk $0xffff, v22;
	v21 =	vor.u32 s24, v7;
	v20 =	vld [tilespmem:s0+$0xFFFFFF80]  }
0x539: {  	v23 =	vor.u32 s25, v7;
	v22 =	vld [tilespmem:s0+$0xFFFFFE80];
	[tilespmem:v25+s20+$0x0] =	vst.idx.msk $0xffff, v24  }
0x53a: {  	[tilespmem:v27+s20+$0x0] =	vst.idx.msk $0xffff, v26;
	v25 =	vor.u32 s17, v2;
	v24 =	vld [tilespmem:s10+$0xFFFFFF30]  }
0x53b: {  	v27 =	vor.u32 s16, v2;
	v26 =	vld [tilespmem:s10+$0xFFFFFE30];
	[tilespmem:v17+s20+$0x0] =	vst.idx.msk $0xffff, v16  }
0x53c: {  	[tilespmem:v19+s20+$0x0] =	vst.idx.msk $0xffff, v18;
	v17 =	vor.u32 s26, v5;
	v16 =	vld [tilespmem:s18+$0xFFFFFFE0]  }
0x53d: {  	s13 =	simm.s32 $0x7;
	[tilespmem:v21+s20+$0x0] =	vst.idx.msk $0xffff, v20;
	v19 =	vor.u32 s28, v5;
	v18 =	vld [tilespmem:s18+$0xFFFFFEE0]  }
0x53e: {  	s14 =	simm.s32 $0x5;
	[tilespmem:v23+s20+$0x0] =	vst.idx.msk $0xffff, v22;
	v21 =	vor.u32 s13, v0;
	v20 =	vld [tilespmem:s0+$0xFFFFFF90]  }
0x53f: {  	v23 =	vor.u32 s14, v0;
	v22 =	vld [tilespmem:s0+$0xFFFFFE90];
	[tilespmem:v25+s20+$0x0] =	vst.idx.msk $0xffff, v24  }
0x540: {  	[tilespmem:v27+s20+$0x0] =	vst.idx.msk $0xffff, v26;
	v25 =	vor.u32 s17, v3;
	v24 =	vld [tilespmem:s10+$0xFFFFFF40]  }
0x541: {  	v27 =	vor.u32 s16, v3;
	v26 =	vld [tilespmem:s10+$0xFFFFFE40];
	[tilespmem:v17+s20+$0x0] =	vst.idx.msk $0xffff, v16  }
0x542: {  	[tilespmem:v19+s20+$0x0] =	vst.idx.msk $0xffff, v18;
	v17 =	vor.u32 s26, v6;
	v16 =	vld [tilespmem:s18+$0xFFFFFFF0]  }
0x543: {  	[tilespmem:v21+s20+$0x0] =	vst.idx.msk $0xffff, v20;
	v19 =	vor.u32 s28, v6;
	v18 =	vld [tilespmem:s18+$0xFFFFFEF0]  }
0x544: {  	[tilespmem:v23+s20+$0x0] =	vst.idx.msk $0xffff, v22;
	v21 =	vor.u32 s13, v1;
	v20 =	vld [tilespmem:s0+$0xFFFFFFA0]  }
0x545: {  	v23 =	vor.u32 s14, v1;
	v22 =	vld [tilespmem:s0+$0xFFFFFEA0];
	[tilespmem:v25+s20+$0x0] =	vst.idx.msk $0xffff, v24  }
0x546: {  	[tilespmem:v27+s20+$0x0] =	vst.idx.msk $0xffff, v26;
	v25 =	vor.u32 s17, v4;
	v24 =	vld [tilespmem:s10+$0xFFFFFF50]  }
0x547: {  	v27 =	vor.u32 s16, v4;
	v26 =	vld [tilespmem:s10+$0xFFFFFE50];
	[tilespmem:v17+s20+$0x0] =	vst.idx.msk $0xffff, v16  }
0x548: {  	v63 =	vor.u32 s26, v7;
	[tilespmem:v19+s20+$0x0] =	vst.idx.msk $0xffff, v18;
	v62 =	vld [tilespmem:s18+$0x0]  }
0x549: {  	[tilespmem:v21+s20+$0x0] =	vst.idx.msk $0xffff, v20;
	v21 =	vor.u32 s28, v7;
	v19 =	vld [tilespmem:s18+$0xFFFFFF00]  }
0x54a: {  	[tilespmem:v23+s20+$0x0] =	vst.idx.msk $0xffff, v22;
	v16 =	vld [tilespmem:s0+$0xFFFFFFB0];
	v18 =	vor.u32 s13, v2  }
0x54b: {  	v20 =	vor.u32 s14, v2;
	[tilespmem:v25+s20+$0x0] =	vst.idx.msk $0xffff, v24;
	v17 =	vld [tilespmem:s0+$0xFFFFFEB0]  }
0x54c: {  	s19 =	simm.s32 $0x10;
	[tilespmem:v27+s20+$0x0] =	vst.idx.msk $0xffff, v26;
	v23 =	vor.u32 s17, v5;
	v22 =	vld [tilespmem:s10+$0xFFFFFF60]  }
0x54d: {  	s15 =	simm.s32 $0xC7F0;
	s23 =	simm.s32 $0xE;
	v24 =	vld [tilespmem:s10+$0xFFFFFE60];
	v25 =	vor.u32 s16, v5;
	s18 =	simm.s32 $0xC;
	[tilespmem:v63+s20+$0x0] =	vst.idx.msk $0xffff, v62  }
.LBB2_18:
0x54e: {  	p1 =	slt.u32 s19, $0x3C;
	v26 =	vld [tilespmem:s15+$0xFFFFFF10];
	v27 =	vor.u32 s23, v0;
	[tilespmem:v21+s20+$0x0] =	vst.idx.msk $0xffff, v19  }
0x54f: {  	v21 =	vor.u32 s18, v0;
	v19 =	vld [tilespmem:s15+$0xFFFFFE10];
	[tilespmem:v18+s20+$0x0] =	vst.idx.msk $0xffff, v16  }
0x550: {  	[tilespmem:v20+s20+$0x0] =	vst.idx.msk $0xffff, v17;
	v16 =	vld [tilespmem:s0+$0xFFFFFFC0];
	v17 =	vor.u32 s13, v3  }
0x551: {  	v20 =	vor.u32 s14, v3;
	[tilespmem:v23+s20+$0x0] =	vst.idx.msk $0xffff, v22;
	v18 =	vld [tilespmem:s0+$0xFFFFFEC0]  }
0x552: {  	v23 =	vor.u32 s17, v6;
	[tilespmem:v25+s20+$0x0] =	vst.idx.msk $0xffff, v24;
	v22 =	vld [tilespmem:s10+$0xFFFFFF70]  }
0x553: {  	v25 =	vor.u32 s16, v6;
	[tilespmem:v27+s20+$0x0] =	vst.idx.msk $0xffff, v26;
	v24 =	vld [tilespmem:s10+$0xFFFFFE70]  }
0x554: {  	[tilespmem:v21+s20+$0x0] =	vst.idx.msk $0xffff, v19;
	v19 =	vld [tilespmem:s15+$0xFFFFFF20];
	v21 =	vor.u32 s23, v1  }
0x555: {  	v27 =	vor.u32 s18, v1;
	v26 =	vld [tilespmem:s15+$0xFFFFFE20];
	[tilespmem:v17+s20+$0x0] =	vst.idx.msk $0xffff, v16  }
0x556: {  	v17 =	vor.u32 s13, v4;
	[tilespmem:v20+s20+$0x0] =	vst.idx.msk $0xffff, v18;
	v16 =	vld [tilespmem:s0+$0xFFFFFFD0]  }
0x557: {  	v20 =	vor.u32 s14, v4;
	[tilespmem:v23+s20+$0x0] =	vst.idx.msk $0xffff, v22;
	v18 =	vld [tilespmem:s0+$0xFFFFFED0]  }
0x558: {  	v23 =	vor.u32 s17, v7;
	s17 =	smov.u32 s23;
	[tilespmem:v25+s20+$0x0] =	vst.idx.msk $0xffff, v24;
	v22 =	vld [tilespmem:s10+$0xFFFFFF80]  }
0x559: {  	[tilespmem:v21+s20+$0x0] =	vst.idx.msk $0xffff, v19;
	v19 =	vld [tilespmem:s10+$0xFFFFFE80];
	v21 =	vor.u32 s16, v7  }
0x55a: {  	v25 =	vor.u32 s17, v2;
	[tilespmem:v27+s20+$0x0] =	vst.idx.msk $0xffff, v26;
	v24 =	vld [tilespmem:s15+$0xFFFFFF30]  }
0x55b: {  	v27 =	vor.u32 s18, v2;
	v26 =	vld [tilespmem:s15+$0xFFFFFE30];
	[tilespmem:v17+s20+$0x0] =	vst.idx.msk $0xffff, v16  }
0x55c: {  	v17 =	vor.u32 s13, v5;
	[tilespmem:v20+s20+$0x0] =	vst.idx.msk $0xffff, v18;
	v16 =	vld [tilespmem:s0+$0xFFFFFFE0]  }
0x55d: {  	s23 =	sadd.s32 $0x3, s16;
	v20 =	vor.u32 s14, v5;
	[tilespmem:v23+s20+$0x0] =	vst.idx.msk $0xffff, v22;
	v18 =	vld [tilespmem:s0+$0xFFFFFEE0]  }
0x55e: {  	s24 =	sadd.s32 $0x1, s16;
	s16 =	smov.u32 s18;
	s18 =	smov.u32 s19;
	[tilespmem:v21+s20+$0x0] =	vst.idx.msk $0xffff, v19;
	v19 =	vld [tilespmem:s10+$0xFFFFFF90];
	v21 =	vor.u32 s23, v0  }
0x55f: {  	v23 =	vor.u32 s24, v0;
	[tilespmem:v25+s20+$0x0] =	vst.idx.msk $0xffff, v24;
	v22 =	vld [tilespmem:s10+$0xFFFFFE90]  }
0x560: {  	v25 =	vor.u32 s17, v3;
	[tilespmem:v27+s20+$0x0] =	vst.idx.msk $0xffff, v26;
	v24 =	vld [tilespmem:s15+$0xFFFFFF40]  }
0x561: {  	v27 =	vor.u32 s16, v3;
	v26 =	vld [tilespmem:s15+$0xFFFFFE40];
	[tilespmem:v17+s20+$0x0] =	vst.idx.msk $0xffff, v16  }
0x562: {  	v17 =	vor.u32 s13, v6;
	[tilespmem:v20+s20+$0x0] =	vst.idx.msk $0xffff, v18;
	v16 =	vld [tilespmem:s0+$0xFFFFFFF0]  }
0x563: {  	[tilespmem:v21+s20+$0x0] =	vst.idx.msk $0xffff, v19;
	v18 =	vld [tilespmem:s0+$0xFFFFFEF0];
	v19 =	vor.u32 s14, v6  }
0x564: {  	v21 =	vor.u32 s23, v1;
	[tilespmem:v23+s20+$0x0] =	vst.idx.msk $0xffff, v22;
	v20 =	vld [tilespmem:s10+$0xFFFFFFA0]  }
0x565: {  	v23 =	vor.u32 s24, v1;
	[tilespmem:v25+s20+$0x0] =	vst.idx.msk $0xffff, v24;
	v22 =	vld [tilespmem:s10+$0xFFFFFEA0]  }
0x566: {  	v25 =	vor.u32 s17, v4;
	[tilespmem:v27+s20+$0x0] =	vst.idx.msk $0xffff, v26;
	v24 =	vld [tilespmem:s15+$0xFFFFFF50]  }
0x567: {  	v27 =	vor.u32 s16, v4;
	v26 =	vld [tilespmem:s15+$0xFFFFFE50];
	[tilespmem:v17+s20+$0x0] =	vst.idx.msk $0xffff, v16  }
0x568: {  	v29 =	vor.u32 s13, v7;
	s13 =	smov.u32 s23;
	[tilespmem:v19+s20+$0x0] =	vst.idx.msk $0xffff, v18;
	v28 =	vld [tilespmem:s0+$0x0]  }
.Ltmp12:
0x569: {  	[tilespmem:v21+s20+$0x0] =	vst.idx.msk $0xffff, v20;
	v19 =	vld [tilespmem:s0+$0xFFFFFF00];
	v21 =	vor.u32 s14, v7;
	s14 =	smov.u32 s24;
	s0 =	smov.u32 s10;
	(pc) =	sbr.rel @p1 .LBB2_18-.Ltmp12, $4  }
0x56a: {  	v18 =	vor.u32 s13, v2;
	s10 =	smov.u32 s15;
	[tilespmem:v23+s20+$0x0] =	vst.idx.msk $0xffff, v22;
	v16 =	vld [tilespmem:s0+$0xFFFFFFB0]  }
0x56b: {  	v20 =	vor.u32 s14, v2;
	[tilespmem:v25+s20+$0x0] =	vst.idx.msk $0xffff, v24;
	v17 =	vld [tilespmem:s0+$0xFFFFFEB0]  }
0x56c: {  	v23 =	vor.u32 s17, v5;
	[tilespmem:v27+s20+$0x0] =	vst.idx.msk $0xffff, v26;
	v22 =	vld [tilespmem:s15+$0xFFFFFF60]  }
0x56d: {  	s19 =	sadd.s32 $0x4, s19;
	s23 =	sadd.s32 $0x2, s18;
	v25 =	vor.u32 s16, v5;
	s15 =	sadd.s32 $0x200, s15;
	v24 =	vld [tilespmem:s10+$0xFFFFFE60];
	[tilespmem:v29+s20+$0x0] =	vst.idx.msk $0xffff, v28  }
0x56e: {  	v26 =	vld [tilespmem:s15+$0xFFFFFF10];
	v27 =	vor.u32 s23, v0  }
0x56f: {  	v28 =	vld [tilespmem:s15+$0xFFFFFE10];
	v29 =	vor.u32 s18, v0;
	_ =	sdelay $0x3  }
0x570: {  	[tilespmem:v27+s20+$0x0] =	vst.idx.msk $0xffff, v26  }
0x571: {  	[tilespmem:v29+s20+$0x0] =	vst.idx.msk $0xffff, v28;
	v27 =	vor.u32 s23, v1;
	v26 =	vld [tilespmem:s15+$0xFFFFFF20]  }
0x572: {  	v53 =	vor.u32 s18, v1;
	v28 =	vld [tilespmem:s15+$0xFFFFFE20];
	_ =	sdelay $0x3  }
0x573: {  	[tilespmem:v27+s20+$0x0] =	vst.idx.msk $0xffff, v26  }
0x574: {  	[tilespmem:v53+s20+$0x0] =	vst.idx.msk $0xffff, v28;
	v27 =	vor.u32 s23, v2;
	v26 =	vld [tilespmem:s15+$0xFFFFFF30]  }
0x575: {  	v54 =	vor.u32 s18, v2;
	v28 =	vld [tilespmem:s15+$0xFFFFFE30];
	_ =	sdelay $0x3  }
0x576: {  	[tilespmem:v27+s20+$0x0] =	vst.idx.msk $0xffff, v26  }
0x577: {  	[tilespmem:v54+s20+$0x0] =	vst.idx.msk $0xffff, v28;
	v27 =	vor.u32 s23, v3;
	v26 =	vld [tilespmem:s15+$0xFFFFFF40]  }
0x578: {  	v55 =	vor.u32 s18, v3;
	v28 =	vld [tilespmem:s15+$0xFFFFFE40];
	_ =	sdelay $0x3  }
0x579: {  	[tilespmem:v27+s20+$0x0] =	vst.idx.msk $0xffff, v26  }
0x57a: {  	[tilespmem:v55+s20+$0x0] =	vst.idx.msk $0xffff, v28;
	v27 =	vor.u32 s23, v4;
	v26 =	vld [tilespmem:s15+$0xFFFFFF50]  }
0x57b: {  	v56 =	vor.u32 s18, v4;
	v28 =	vld [tilespmem:s15+$0xFFFFFE50];
	_ =	sdelay $0x3  }
0x57c: {  	[tilespmem:v27+s20+$0x0] =	vst.idx.msk $0xffff, v26  }
0x57d: {  	[tilespmem:v56+s20+$0x0] =	vst.idx.msk $0xffff, v28;
	v27 =	vor.u32 s23, v5;
	v26 =	vld [tilespmem:s15+$0xFFFFFF60]  }
0x57e: {  	v57 =	vor.u32 s18, v5;
	[tilespmem:v23+s20+$0x0] =	vst.idx.msk $0xffff, v22;
	v28 =	vld [tilespmem:s15+$0xFFFFFE60]  }
0x57f: {  	v23 =	vor.u32 s17, v6;
	[tilespmem:v25+s20+$0x0] =	vst.idx.msk $0xffff, v24;
	v22 =	vld [tilespmem:s10+$0xFFFFFF70]  }
0x580: {  	v25 =	vor.u32 s16, v6;
	v24 =	vld [tilespmem:s10+$0xFFFFFE70];
	_ =	sdelay $0x1  }
0x581: {  	[tilespmem:v27+s20+$0x0] =	vst.idx.msk $0xffff, v26  }
0x582: {  	[tilespmem:v57+s20+$0x0] =	vst.idx.msk $0xffff, v28;
	v27 =	vor.u32 s23, v6;
	v26 =	vld [tilespmem:s15+$0xFFFFFF70]  }
0x583: {  	v58 =	vor.u32 s18, v6;
	[tilespmem:v23+s20+$0x0] =	vst.idx.msk $0xffff, v22;
	v28 =	vld [tilespmem:s15+$0xFFFFFE70]  }
0x584: {  	v23 =	vor.u32 s17, v7;
	[tilespmem:v25+s20+$0x0] =	vst.idx.msk $0xffff, v24;
	v22 =	vld [tilespmem:s10+$0xFFFFFF80]  }
0x585: {  	v25 =	vor.u32 s16, v7;
	v24 =	vld [tilespmem:s10+$0xFFFFFE80];
	_ =	sdelay $0x1  }
0x586: {  	[tilespmem:v27+s20+$0x0] =	vst.idx.msk $0xffff, v26  }
0x587: {  	[tilespmem:v58+s20+$0x0] =	vst.idx.msk $0xffff, v28;
	v27 =	vor.u32 s23, v7;
	v26 =	vld [tilespmem:s15+$0xFFFFFF80]  }
0x588: {  	v59 =	vor.u32 s18, v7;
	s25 =	sadd.s32 $0x3, s16;
	[tilespmem:v23+s20+$0x0] =	vst.idx.msk $0xffff, v22;
	v28 =	vld [tilespmem:s15+$0xFFFFFE80]  }
0x589: {  	s26 =	sadd.s32 $0x1, s16;
	v23 =	vor.u32 s25, v0;
	[tilespmem:v25+s20+$0x0] =	vst.idx.msk $0xffff, v24;
	v22 =	vld [tilespmem:s10+$0xFFFFFF90]  }
0x58a: {  	v25 =	vor.u32 s26, v0;
	v24 =	vld [tilespmem:s10+$0xFFFFFE90];
	_ =	sdelay $0x1  }
0x58b: {  	s19 =	sadd.s32 $0x3, s18;
	[tilespmem:v27+s20+$0x0] =	vst.idx.msk $0xffff, v26  }
0x58c: {  	s28 =	sadd.s32 $0x1, s18;
	[tilespmem:v59+s20+$0x0] =	vst.idx.msk $0xffff, v28;
	v27 =	vor.u32 s19, v0;
	v26 =	vld [tilespmem:s15+$0xFFFFFF90]  }
0x58d: {  	v60 =	vor.u32 s28, v0;
	[tilespmem:v23+s20+$0x0] =	vst.idx.msk $0xffff, v22;
	v28 =	vld [tilespmem:s15+$0xFFFFFE90]  }
0x58e: {  	v23 =	vor.u32 s25, v1;
	[tilespmem:v25+s20+$0x0] =	vst.idx.msk $0xffff, v24;
	v22 =	vld [tilespmem:s10+$0xFFFFFFA0]  }
0x58f: {  	v25 =	vor.u32 s26, v1;
	v24 =	vld [tilespmem:s10+$0xFFFFFEA0]  }
0x590: {  	[tilespmem:v21+s20+$0x0] =	vst.idx.msk $0xffff, v19  }
0x591: {  	[tilespmem:v27+s20+$0x0] =	vst.idx.msk $0xffff, v26  }
0x592: {  	[tilespmem:v60+s20+$0x0] =	vst.idx.msk $0xffff, v28;
	v27 =	vor.u32 s19, v1;
	v26 =	vld [tilespmem:s15+$0xFFFFFFA0]  }
0x593: {  	v61 =	vor.u32 s28, v1;
	[tilespmem:v23+s20+$0x0] =	vst.idx.msk $0xffff, v22;
	v28 =	vld [tilespmem:s15+$0xFFFFFEA0]  }
0x594: {  	v21 =	vor.u32 s25, v2;
	[tilespmem:v25+s20+$0x0] =	vst.idx.msk $0xffff, v24;
	v19 =	vld [tilespmem:s10+$0xFFFFFFB0]  }
0x595: {  	[tilespmem:v18+s20+$0x0] =	vst.idx.msk $0xffff, v16;
	v23 =	vor.u32 s26, v2;
	v22 =	vld [tilespmem:s10+$0xFFFFFEB0]  }
0x596: {  	[tilespmem:v20+s20+$0x0] =	vst.idx.msk $0xffff, v17  }
0x597: {  	v17 =	vld [tilespmem:s0+$0xFFFFFFC0];
	v20 =	vor.u32 s13, v3;
	[tilespmem:v27+s20+$0x0] =	vst.idx.msk $0xffff, v26  }
0x598: {  	v25 =	vor.u32 s19, v2;
	[tilespmem:v61+s20+$0x0] =	vst.idx.msk $0xffff, v28;
	v24 =	vld [tilespmem:s15+$0xFFFFFFB0]  }
0x599: {  	v18 =	vor.u32 s28, v2;
	[tilespmem:v21+s20+$0x0] =	vst.idx.msk $0xffff, v19;
	v16 =	vld [tilespmem:s15+$0xFFFFFEB0]  }
0x59a: {  	v21 =	vor.u32 s25, v3;
	[tilespmem:v23+s20+$0x0] =	vst.idx.msk $0xffff, v22;
	v19 =	vld [tilespmem:s10+$0xFFFFFFC0]  }
0x59b: {  	v23 =	vor.u32 s26, v3;
	v22 =	vld [tilespmem:s10+$0xFFFFFEC0]  }
0x59c: {  	[tilespmem:v20+s20+$0x0] =	vst.idx.msk $0xffff, v17  }
0x59d: {  	v26 =	vld [tilespmem:s0+$0xFFFFFEC0];
	v27 =	vor.u32 s14, v3;
	[tilespmem:v25+s20+$0x0] =	vst.idx.msk $0xffff, v24  }
0x59e: {  	[tilespmem:v18+s20+$0x0] =	vst.idx.msk $0xffff, v16;
	v18 =	vor.u32 s19, v3;
	v16 =	vld [tilespmem:s15+$0xFFFFFFC0]  }
0x59f: {  	v20 =	vor.u32 s28, v3;
	[tilespmem:v21+s20+$0x0] =	vst.idx.msk $0xffff, v19;
	v17 =	vld [tilespmem:s15+$0xFFFFFEC0]  }
0x5a0: {  	v21 =	vor.u32 s25, v4;
	[tilespmem:v23+s20+$0x0] =	vst.idx.msk $0xffff, v22;
	v19 =	vld [tilespmem:s10+$0xFFFFFFD0]  }
0x5a1: {  	v23 =	vor.u32 s26, v4;
	v22 =	vld [tilespmem:s10+$0xFFFFFED0]  }
0x5a2: {  	[tilespmem:v27+s20+$0x0] =	vst.idx.msk $0xffff, v26;
	v24 =	vld [tilespmem:s0+$0xFFFFFFD0];
	v25 =	vor.u32 s13, v4  }
0x5a3: {  	v27 =	vor.u32 s14, v4;
	v26 =	vld [tilespmem:s0+$0xFFFFFED0];
	[tilespmem:v18+s20+$0x0] =	vst.idx.msk $0xffff, v16  }
0x5a4: {  	[tilespmem:v20+s20+$0x0] =	vst.idx.msk $0xffff, v17;
	v17 =	vor.u32 s19, v4;
	v16 =	vld [tilespmem:s15+$0xFFFFFFD0]  }
0x5a5: {  	[tilespmem:v21+s20+$0x0] =	vst.idx.msk $0xffff, v19;
	v20 =	vor.u32 s28, v4;
	v18 =	vld [tilespmem:s15+$0xFFFFFED0]  }
0x5a6: {  	v21 =	vor.u32 s25, v5;
	[tilespmem:v23+s20+$0x0] =	vst.idx.msk $0xffff, v22;
	v19 =	vld [tilespmem:s10+$0xFFFFFFE0]  }
0x5a7: {  	v23 =	vor.u32 s26, v5;
	v22 =	vld [tilespmem:s10+$0xFFFFFEE0];
	[tilespmem:v25+s20+$0x0] =	vst.idx.msk $0xffff, v24  }
0x5a8: {  	[tilespmem:v27+s20+$0x0] =	vst.idx.msk $0xffff, v26;
	v25 =	vor.u32 s13, v5;
	v24 =	vld [tilespmem:s0+$0xFFFFFFE0]  }
0x5a9: {  	v27 =	vor.u32 s14, v5;
	v26 =	vld [tilespmem:s0+$0xFFFFFEE0];
	[tilespmem:v17+s20+$0x0] =	vst.idx.msk $0xffff, v16  }
0x5aa: {  	[tilespmem:v20+s20+$0x0] =	vst.idx.msk $0xffff, v18;
	v17 =	vor.u32 s19, v5;
	v16 =	vld [tilespmem:s15+$0xFFFFFFE0]  }
0x5ab: {  	[tilespmem:v21+s20+$0x0] =	vst.idx.msk $0xffff, v19;
	v20 =	vor.u32 s28, v5;
	v18 =	vld [tilespmem:s15+$0xFFFFFEE0]  }
0x5ac: {  	v21 =	vor.u32 s25, v6;
	[tilespmem:v23+s20+$0x0] =	vst.idx.msk $0xffff, v22;
	v19 =	vld [tilespmem:s10+$0xFFFFFFF0]  }
0x5ad: {  	v23 =	vor.u32 s26, v6;
	v22 =	vld [tilespmem:s10+$0xFFFFFEF0];
	[tilespmem:v25+s20+$0x0] =	vst.idx.msk $0xffff, v24  }
0x5ae: {  	[tilespmem:v27+s20+$0x0] =	vst.idx.msk $0xffff, v26;
	v25 =	vor.u32 s13, v6;
	v24 =	vld [tilespmem:s0+$0xFFFFFFF0]  }
0x5af: {  	v27 =	vor.u32 s14, v6;
	v26 =	vld [tilespmem:s0+$0xFFFFFEF0];
	[tilespmem:v17+s20+$0x0] =	vst.idx.msk $0xffff, v16  }
0x5b0: {  	[tilespmem:v20+s20+$0x0] =	vst.idx.msk $0xffff, v18;
	v17 =	vor.u32 s19, v6;
	v16 =	vld [tilespmem:s15+$0xFFFFFFF0]  }
0x5b1: {  	[tilespmem:v21+s20+$0x0] =	vst.idx.msk $0xffff, v19;
	v20 =	vor.u32 s28, v6;
	v18 =	vld [tilespmem:s15+$0xFFFFFEF0]  }
0x5b2: {  	v21 =	vor.u32 s25, v7;
	[tilespmem:v23+s20+$0x0] =	vst.idx.msk $0xffff, v22;
	v19 =	vld [tilespmem:s10+$0x0]  }
0x5b3: {  	v23 =	vor.u32 s26, v7;
	v22 =	vld [tilespmem:s10+$0xFFFFFF00];
	[tilespmem:v25+s20+$0x0] =	vst.idx.msk $0xffff, v24  }
0x5b4: {  	[tilespmem:v27+s20+$0x0] =	vst.idx.msk $0xffff, v26;
	v25 =	vor.u32 s13, v7;
	v24 =	vld [tilespmem:s0+$0x0]  }
0x5b5: {  	v27 =	vor.u32 s14, v7;
	v26 =	vld [tilespmem:s0+$0xFFFFFF00];
	[tilespmem:v17+s20+$0x0] =	vst.idx.msk $0xffff, v16  }
0x5b6: {  	[tilespmem:v20+s20+$0x0] =	vst.idx.msk $0xffff, v18;
	v17 =	vor.u32 s19, v7;
	v16 =	vld [tilespmem:s15+$0x0]  }
0x5b7: {  	[tilespmem:v21+s20+$0x0] =	vst.idx.msk $0xffff, v19;
	v20 =	vor.u32 s28, v7;
	v18 =	vld [tilespmem:s15+$0xFFFFFF00]  }
0x5b8: {  	[tilespmem:v23+s20+$0x0] =	vst.idx.msk $0xffff, v22  }
0x5b9: {  	[tilespmem:v25+s20+$0x0] =	vst.idx.msk $0xffff, v24  }
0x5ba: {  	s17 =	sshll.u32 s9, $0xB;
	[tilespmem:v27+s20+$0x0] =	vst.idx.msk $0xffff, v26  }
0x5bb: {  	s0 =	sand.u32 $0x1FFFF000, s17;
	[tilespmem:v17+s20+$0x0] =	vst.idx.msk $0xffff, v16  }
0x5bc: {  	s18 =	simm.s32 $0x0;
	s0 =	sadd.s32 s2, s0;
	[tilespmem:v20+s20+$0x0] =	vst.idx.msk $0xffff, v18  }
0x5bd: {  	[hbm4b:s0+s18] =	stream.linear.scatter [tilespmem:s20], [sflag:$0x2], $0x4000, $0x38;
	[tilespmem:$0x18000] =	vst v63  }
0x5be: {  	_ =	swait.ge [sflag:s22], $0x4000  }
0x5bf: {  	[sflag:s22] =	ssyncset.done $0x0  }
0x5c0: {  	s23 =	simm.s32 $0x2;
	s19 =	simm.s32 $0xE1F0;
	[sflag:s22] =	ssyncadd.s32 $0xFFFFC000  }
0x5c1: {  	v17 =	vor.u32 s23, v8;
	v16 =	vld [tilespmem:s19+$0xFFFFFF10]  }
0x5c2: {  	v19 =	vor.u32 s18, v8;
	v18 =	vld [tilespmem:s19+$0xFFFFFE10];
	_ =	sdelay $0x3  }
0x5c3: {  	[tilespmem:v17+s20+$0x0] =	vst.idx.msk $0xffff, v16  }
0x5c4: {  	[tilespmem:v19+s20+$0x0] =	vst.idx.msk $0xffff, v18;
	v17 =	vor.u32 s23, v9;
	v16 =	vld [tilespmem:s19+$0xFFFFFF20]  }
0x5c5: {  	v19 =	vor.u32 s18, v9;
	v18 =	vld [tilespmem:s19+$0xFFFFFE20];
	_ =	sdelay $0x3  }
0x5c6: {  	[tilespmem:v17+s20+$0x0] =	vst.idx.msk $0xffff, v16  }
0x5c7: {  	[tilespmem:v19+s20+$0x0] =	vst.idx.msk $0xffff, v18;
	v17 =	vor.u32 s23, v10;
	v16 =	vld [tilespmem:s19+$0xFFFFFF30]  }
0x5c8: {  	v19 =	vor.u32 s18, v10;
	v18 =	vld [tilespmem:s19+$0xFFFFFE30];
	_ =	sdelay $0x3  }
0x5c9: {  	[tilespmem:v17+s20+$0x0] =	vst.idx.msk $0xffff, v16  }
0x5ca: {  	[tilespmem:v19+s20+$0x0] =	vst.idx.msk $0xffff, v18;
	v17 =	vor.u32 s23, v11;
	v16 =	vld [tilespmem:s19+$0xFFFFFF40]  }
0x5cb: {  	v19 =	vor.u32 s18, v11;
	v18 =	vld [tilespmem:s19+$0xFFFFFE40];
	_ =	sdelay $0x3  }
0x5cc: {  	[tilespmem:v17+s20+$0x0] =	vst.idx.msk $0xffff, v16  }
0x5cd: {  	[tilespmem:v19+s20+$0x0] =	vst.idx.msk $0xffff, v18;
	v17 =	vor.u32 s23, v12;
	v16 =	vld [tilespmem:s19+$0xFFFFFF50]  }
0x5ce: {  	v19 =	vor.u32 s18, v12;
	v18 =	vld [tilespmem:s19+$0xFFFFFE50];
	_ =	sdelay $0x3  }
0x5cf: {  	[tilespmem:v17+s20+$0x0] =	vst.idx.msk $0xffff, v16  }
0x5d0: {  	[tilespmem:v19+s20+$0x0] =	vst.idx.msk $0xffff, v18;
	v17 =	vor.u32 s23, v13;
	v16 =	vld [tilespmem:s19+$0xFFFFFF60]  }
0x5d1: {  	s24 =	simm.s32 $0x6;
	s0 =	simm.s32 $0xE3F0;
	v19 =	vor.u32 s18, v13;
	v18 =	vld [tilespmem:s19+$0xFFFFFE60]  }
0x5d2: {  	s25 =	simm.s32 $0x4;
	v21 =	vor.u32 s24, v8;
	v20 =	vld [tilespmem:s0+$0xFFFFFF10]  }
0x5d3: {  	v23 =	vor.u32 s25, v8;
	v22 =	vld [tilespmem:s0+$0xFFFFFE10];
	_ =	sdelay $0x1  }
0x5d4: {  	[tilespmem:v17+s20+$0x0] =	vst.idx.msk $0xffff, v16  }
0x5d5: {  	[tilespmem:v19+s20+$0x0] =	vst.idx.msk $0xffff, v18;
	v17 =	vor.u32 s23, v14;
	v16 =	vld [tilespmem:s19+$0xFFFFFF70]  }
0x5d6: {  	[tilespmem:v21+s20+$0x0] =	vst.idx.msk $0xffff, v20;
	v19 =	vor.u32 s18, v14;
	v18 =	vld [tilespmem:s19+$0xFFFFFE70]  }
0x5d7: {  	[tilespmem:v23+s20+$0x0] =	vst.idx.msk $0xffff, v22;
	v21 =	vor.u32 s24, v9;
	v20 =	vld [tilespmem:s0+$0xFFFFFF20]  }
0x5d8: {  	v23 =	vor.u32 s25, v9;
	v22 =	vld [tilespmem:s0+$0xFFFFFE20];
	_ =	sdelay $0x1  }
0x5d9: {  	[tilespmem:v17+s20+$0x0] =	vst.idx.msk $0xffff, v16  }
0x5da: {  	[tilespmem:v19+s20+$0x0] =	vst.idx.msk $0xffff, v18;
	v17 =	vor.u32 s23, v15;
	v16 =	vld [tilespmem:s19+$0xFFFFFF80]  }
0x5db: {  	[tilespmem:v21+s20+$0x0] =	vst.idx.msk $0xffff, v20;
	v19 =	vor.u32 s18, v15;
	v18 =	vld [tilespmem:s19+$0xFFFFFE80]  }
0x5dc: {  	[tilespmem:v23+s20+$0x0] =	vst.idx.msk $0xffff, v22;
	v21 =	vor.u32 s24, v10;
	v20 =	vld [tilespmem:s0+$0xFFFFFF30]  }
0x5dd: {  	v23 =	vor.u32 s25, v10;
	v22 =	vld [tilespmem:s0+$0xFFFFFE30];
	_ =	sdelay $0x1  }
0x5de: {  	s26 =	simm.s32 $0x3;
	[tilespmem:v17+s20+$0x0] =	vst.idx.msk $0xffff, v16  }
0x5df: {  	s28 =	simm.s32 $0x1;
	[tilespmem:v19+s20+$0x0] =	vst.idx.msk $0xffff, v18;
	v17 =	vor.u32 s26, v8;
	v16 =	vld [tilespmem:s19+$0xFFFFFF90]  }
0x5e0: {  	[tilespmem:v21+s20+$0x0] =	vst.idx.msk $0xffff, v20;
	v19 =	vor.u32 s28, v8;
	v18 =	vld [tilespmem:s19+$0xFFFFFE90]  }
0x5e1: {  	[tilespmem:v23+s20+$0x0] =	vst.idx.msk $0xffff, v22;
	v21 =	vor.u32 s24, v11;
	v20 =	vld [tilespmem:s0+$0xFFFFFF40]  }
0x5e2: {  	v23 =	vor.u32 s25, v11;
	v22 =	vld [tilespmem:s0+$0xFFFFFE40];
	_ =	sdelay $0x1  }
0x5e3: {  	[tilespmem:v17+s20+$0x0] =	vst.idx.msk $0xffff, v16  }
0x5e4: {  	[tilespmem:v19+s20+$0x0] =	vst.idx.msk $0xffff, v18;
	v17 =	vor.u32 s26, v9;
	v16 =	vld [tilespmem:s19+$0xFFFFFFA0]  }
0x5e5: {  	[tilespmem:v21+s20+$0x0] =	vst.idx.msk $0xffff, v20;
	v19 =	vor.u32 s28, v9;
	v18 =	vld [tilespmem:s19+$0xFFFFFEA0]  }
0x5e6: {  	[tilespmem:v23+s20+$0x0] =	vst.idx.msk $0xffff, v22;
	v21 =	vor.u32 s24, v12;
	v20 =	vld [tilespmem:s0+$0xFFFFFF50]  }
0x5e7: {  	v23 =	vor.u32 s25, v12;
	v22 =	vld [tilespmem:s0+$0xFFFFFE50];
	_ =	sdelay $0x1  }
0x5e8: {  	[tilespmem:v17+s20+$0x0] =	vst.idx.msk $0xffff, v16  }
0x5e9: {  	[tilespmem:v19+s20+$0x0] =	vst.idx.msk $0xffff, v18;
	v17 =	vor.u32 s26, v10;
	v16 =	vld [tilespmem:s19+$0xFFFFFFB0]  }
0x5ea: {  	[tilespmem:v21+s20+$0x0] =	vst.idx.msk $0xffff, v20;
	v19 =	vor.u32 s28, v10;
	v18 =	vld [tilespmem:s19+$0xFFFFFEB0]  }
0x5eb: {  	[tilespmem:v23+s20+$0x0] =	vst.idx.msk $0xffff, v22;
	v21 =	vor.u32 s24, v13;
	v20 =	vld [tilespmem:s0+$0xFFFFFF60]  }
0x5ec: {  	s9 =	simm.s32 $0xE5F0;
	s16 =	simm.s32 $0xA;
	v23 =	vor.u32 s25, v13;
	v22 =	vld [tilespmem:s0+$0xFFFFFE60]  }
0x5ed: {  	v25 =	vor.u32 s16, v8;
	s15 =	simm.s32 $0x8;
	v24 =	vld [tilespmem:s9+$0xFFFFFF10]  }
0x5ee: {  	v27 =	vor.u32 s15, v8;
	v26 =	vld [tilespmem:s9+$0xFFFFFE10];
	[tilespmem:v17+s20+$0x0] =	vst.idx.msk $0xffff, v16  }
0x5ef: {  	[tilespmem:v19+s20+$0x0] =	vst.idx.msk $0xffff, v18;
	v17 =	vor.u32 s26, v11;
	v16 =	vld [tilespmem:s19+$0xFFFFFFC0]  }
0x5f0: {  	[tilespmem:v21+s20+$0x0] =	vst.idx.msk $0xffff, v20;
	v19 =	vor.u32 s28, v11;
	v18 =	vld [tilespmem:s19+$0xFFFFFEC0]  }
0x5f1: {  	[tilespmem:v23+s20+$0x0] =	vst.idx.msk $0xffff, v22;
	v21 =	vor.u32 s24, v14;
	v20 =	vld [tilespmem:s0+$0xFFFFFF70]  }
0x5f2: {  	[tilespmem:v25+s20+$0x0] =	vst.idx.msk $0xffff, v24;
	v23 =	vor.u32 s25, v14;
	v22 =	vld [tilespmem:s0+$0xFFFFFE70]  }
0x5f3: {  	[tilespmem:v27+s20+$0x0] =	vst.idx.msk $0xffff, v26;
	v25 =	vor.u32 s16, v9;
	v24 =	vld [tilespmem:s9+$0xFFFFFF20]  }
0x5f4: {  	v27 =	vor.u32 s15, v9;
	v26 =	vld [tilespmem:s9+$0xFFFFFE20];
	[tilespmem:v17+s20+$0x0] =	vst.idx.msk $0xffff, v16  }
0x5f5: {  	[tilespmem:v19+s20+$0x0] =	vst.idx.msk $0xffff, v18;
	v17 =	vor.u32 s26, v12;
	v16 =	vld [tilespmem:s19+$0xFFFFFFD0]  }
0x5f6: {  	[tilespmem:v21+s20+$0x0] =	vst.idx.msk $0xffff, v20;
	v19 =	vor.u32 s28, v12;
	v18 =	vld [tilespmem:s19+$0xFFFFFED0]  }
0x5f7: {  	[tilespmem:v23+s20+$0x0] =	vst.idx.msk $0xffff, v22;
	v21 =	vor.u32 s24, v15;
	v20 =	vld [tilespmem:s0+$0xFFFFFF80]  }
0x5f8: {  	[tilespmem:v25+s20+$0x0] =	vst.idx.msk $0xffff, v24;
	v23 =	vor.u32 s25, v15;
	v22 =	vld [tilespmem:s0+$0xFFFFFE80]  }
0x5f9: {  	[tilespmem:v27+s20+$0x0] =	vst.idx.msk $0xffff, v26;
	v25 =	vor.u32 s16, v10;
	v24 =	vld [tilespmem:s9+$0xFFFFFF30]  }
0x5fa: {  	v27 =	vor.u32 s15, v10;
	v26 =	vld [tilespmem:s9+$0xFFFFFE30];
	[tilespmem:v17+s20+$0x0] =	vst.idx.msk $0xffff, v16  }
0x5fb: {  	[tilespmem:v19+s20+$0x0] =	vst.idx.msk $0xffff, v18;
	v17 =	vor.u32 s26, v13;
	v16 =	vld [tilespmem:s19+$0xFFFFFFE0]  }
0x5fc: {  	s10 =	simm.s32 $0x7;
	[tilespmem:v21+s20+$0x0] =	vst.idx.msk $0xffff, v20;
	v19 =	vor.u32 s28, v13;
	v18 =	vld [tilespmem:s19+$0xFFFFFEE0]  }
0x5fd: {  	s13 =	simm.s32 $0x5;
	[tilespmem:v23+s20+$0x0] =	vst.idx.msk $0xffff, v22;
	v21 =	vor.u32 s10, v8;
	v20 =	vld [tilespmem:s0+$0xFFFFFF90]  }
0x5fe: {  	[tilespmem:v25+s20+$0x0] =	vst.idx.msk $0xffff, v24;
	v23 =	vor.u32 s13, v8;
	v22 =	vld [tilespmem:s0+$0xFFFFFE90]  }
0x5ff: {  	[tilespmem:v27+s20+$0x0] =	vst.idx.msk $0xffff, v26;
	v25 =	vor.u32 s16, v11;
	v24 =	vld [tilespmem:s9+$0xFFFFFF40]  }
0x600: {  	v27 =	vor.u32 s15, v11;
	v26 =	vld [tilespmem:s9+$0xFFFFFE40];
	[tilespmem:v17+s20+$0x0] =	vst.idx.msk $0xffff, v16  }
0x601: {  	[tilespmem:v19+s20+$0x0] =	vst.idx.msk $0xffff, v18;
	v17 =	vor.u32 s26, v14;
	v16 =	vld [tilespmem:s19+$0xFFFFFFF0]  }
0x602: {  	[tilespmem:v21+s20+$0x0] =	vst.idx.msk $0xffff, v20;
	v19 =	vor.u32 s28, v14;
	v18 =	vld [tilespmem:s19+$0xFFFFFEF0]  }
0x603: {  	[tilespmem:v23+s20+$0x0] =	vst.idx.msk $0xffff, v22;
	v21 =	vor.u32 s10, v9;
	v20 =	vld [tilespmem:s0+$0xFFFFFFA0]  }
0x604: {  	[tilespmem:v25+s20+$0x0] =	vst.idx.msk $0xffff, v24;
	v23 =	vor.u32 s13, v9;
	v22 =	vld [tilespmem:s0+$0xFFFFFEA0]  }
0x605: {  	[tilespmem:v27+s20+$0x0] =	vst.idx.msk $0xffff, v26;
	v25 =	vor.u32 s16, v12;
	v24 =	vld [tilespmem:s9+$0xFFFFFF50]  }
0x606: {  	v27 =	vor.u32 s15, v12;
	v26 =	vld [tilespmem:s9+$0xFFFFFE50];
	[tilespmem:v17+s20+$0x0] =	vst.idx.msk $0xffff, v16  }
0x607: {  	v63 =	vor.u32 s26, v15;
	[tilespmem:v19+s20+$0x0] =	vst.idx.msk $0xffff, v18;
	v62 =	vld [tilespmem:s19+$0x0]  }
0x608: {  	[tilespmem:v21+s20+$0x0] =	vst.idx.msk $0xffff, v20;
	v21 =	vor.u32 s28, v15;
	v19 =	vld [tilespmem:s19+$0xFFFFFF00]  }
0x609: {  	[tilespmem:v23+s20+$0x0] =	vst.idx.msk $0xffff, v22;
	v16 =	vld [tilespmem:s0+$0xFFFFFFB0];
	v18 =	vor.u32 s10, v10  }
0x60a: {  	[tilespmem:v25+s20+$0x0] =	vst.idx.msk $0xffff, v24;
	v20 =	vor.u32 s13, v10;
	v17 =	vld [tilespmem:s0+$0xFFFFFEB0]  }
0x60b: {  	s14 =	simm.s32 $0xE7F0;
	[tilespmem:v27+s20+$0x0] =	vst.idx.msk $0xffff, v26;
	v22 =	vld [tilespmem:s9+$0xFFFFFF60];
	v23 =	vor.u32 s16, v13  }
0x60c: {  	s17 =	simm.s32 $0xC;
	v25 =	vor.u32 s15, v13;
	v24 =	vld [tilespmem:s9+$0xFFFFFE60];
	s18 =	simm.s32 $0x10;
	s19 =	simm.s32 $0xE;
	[tilespmem:v63+s20+$0x0] =	vst.idx.msk $0xffff, v62  }
.LBB2_20:
0x60d: {  	p1 =	slt.u32 s18, $0x3C;
	v26 =	vld [tilespmem:s14+$0xFFFFFF10];
	v27 =	vor.u32 s19, v8;
	[tilespmem:v21+s20+$0x0] =	vst.idx.msk $0xffff, v19  }
0x60e: {  	v21 =	vor.u32 s17, v8;
	v19 =	vld [tilespmem:s14+$0xFFFFFE10];
	[tilespmem:v18+s20+$0x0] =	vst.idx.msk $0xffff, v16  }
0x60f: {  	[tilespmem:v20+s20+$0x0] =	vst.idx.msk $0xffff, v17;
	v16 =	vld [tilespmem:s0+$0xFFFFFFC0];
	v17 =	vor.u32 s10, v11  }
0x610: {  	v20 =	vor.u32 s13, v11;
	[tilespmem:v23+s20+$0x0] =	vst.idx.msk $0xffff, v22;
	v18 =	vld [tilespmem:s0+$0xFFFFFEC0]  }
0x611: {  	v23 =	vor.u32 s16, v14;
	[tilespmem:v25+s20+$0x0] =	vst.idx.msk $0xffff, v24;
	v22 =	vld [tilespmem:s9+$0xFFFFFF70]  }
0x612: {  	v25 =	vor.u32 s15, v14;
	[tilespmem:v27+s20+$0x0] =	vst.idx.msk $0xffff, v26;
	v24 =	vld [tilespmem:s9+$0xFFFFFE70]  }
0x613: {  	[tilespmem:v21+s20+$0x0] =	vst.idx.msk $0xffff, v19;
	v19 =	vld [tilespmem:s14+$0xFFFFFF20];
	v21 =	vor.u32 s19, v9  }
0x614: {  	v27 =	vor.u32 s17, v9;
	v26 =	vld [tilespmem:s14+$0xFFFFFE20];
	[tilespmem:v17+s20+$0x0] =	vst.idx.msk $0xffff, v16  }
0x615: {  	v17 =	vor.u32 s10, v12;
	[tilespmem:v20+s20+$0x0] =	vst.idx.msk $0xffff, v18;
	v16 =	vld [tilespmem:s0+$0xFFFFFFD0]  }
0x616: {  	v20 =	vor.u32 s13, v12;
	[tilespmem:v23+s20+$0x0] =	vst.idx.msk $0xffff, v22;
	v18 =	vld [tilespmem:s0+$0xFFFFFED0]  }
0x617: {  	v23 =	vor.u32 s16, v15;
	s16 =	smov.u32 s19;
	[tilespmem:v25+s20+$0x0] =	vst.idx.msk $0xffff, v24;
	v22 =	vld [tilespmem:s9+$0xFFFFFF80]  }
0x618: {  	[tilespmem:v21+s20+$0x0] =	vst.idx.msk $0xffff, v19;
	v19 =	vld [tilespmem:s9+$0xFFFFFE80];
	v21 =	vor.u32 s15, v15  }
0x619: {  	v25 =	vor.u32 s16, v10;
	[tilespmem:v27+s20+$0x0] =	vst.idx.msk $0xffff, v26;
	v24 =	vld [tilespmem:s14+$0xFFFFFF30]  }
0x61a: {  	v27 =	vor.u32 s17, v10;
	v26 =	vld [tilespmem:s14+$0xFFFFFE30];
	[tilespmem:v17+s20+$0x0] =	vst.idx.msk $0xffff, v16  }
0x61b: {  	v17 =	vor.u32 s10, v13;
	[tilespmem:v20+s20+$0x0] =	vst.idx.msk $0xffff, v18;
	v16 =	vld [tilespmem:s0+$0xFFFFFFE0]  }
0x61c: {  	s19 =	sadd.s32 $0x3, s15;
	v20 =	vor.u32 s13, v13;
	[tilespmem:v23+s20+$0x0] =	vst.idx.msk $0xffff, v22;
	v18 =	vld [tilespmem:s0+$0xFFFFFEE0]  }
0x61d: {  	s23 =	sadd.s32 $0x1, s15;
	s15 =	smov.u32 s17;
	s17 =	smov.u32 s18;
	[tilespmem:v21+s20+$0x0] =	vst.idx.msk $0xffff, v19;
	v19 =	vld [tilespmem:s9+$0xFFFFFF90];
	v21 =	vor.u32 s19, v8  }
0x61e: {  	v23 =	vor.u32 s23, v8;
	[tilespmem:v25+s20+$0x0] =	vst.idx.msk $0xffff, v24;
	v22 =	vld [tilespmem:s9+$0xFFFFFE90]  }
0x61f: {  	v25 =	vor.u32 s16, v11;
	[tilespmem:v27+s20+$0x0] =	vst.idx.msk $0xffff, v26;
	v24 =	vld [tilespmem:s14+$0xFFFFFF40]  }
0x620: {  	v27 =	vor.u32 s15, v11;
	v26 =	vld [tilespmem:s14+$0xFFFFFE40];
	[tilespmem:v17+s20+$0x0] =	vst.idx.msk $0xffff, v16  }
0x621: {  	v17 =	vor.u32 s10, v14;
	[tilespmem:v20+s20+$0x0] =	vst.idx.msk $0xffff, v18;
	v16 =	vld [tilespmem:s0+$0xFFFFFFF0]  }
0x622: {  	[tilespmem:v21+s20+$0x0] =	vst.idx.msk $0xffff, v19;
	v18 =	vld [tilespmem:s0+$0xFFFFFEF0];
	v19 =	vor.u32 s13, v14  }
0x623: {  	v21 =	vor.u32 s19, v9;
	[tilespmem:v23+s20+$0x0] =	vst.idx.msk $0xffff, v22;
	v20 =	vld [tilespmem:s9+$0xFFFFFFA0]  }
0x624: {  	v23 =	vor.u32 s23, v9;
	[tilespmem:v25+s20+$0x0] =	vst.idx.msk $0xffff, v24;
	v22 =	vld [tilespmem:s9+$0xFFFFFEA0]  }
0x625: {  	v25 =	vor.u32 s16, v12;
	[tilespmem:v27+s20+$0x0] =	vst.idx.msk $0xffff, v26;
	v24 =	vld [tilespmem:s14+$0xFFFFFF50]  }
0x626: {  	v27 =	vor.u32 s15, v12;
	v26 =	vld [tilespmem:s14+$0xFFFFFE50];
	[tilespmem:v17+s20+$0x0] =	vst.idx.msk $0xffff, v16  }
0x627: {  	v29 =	vor.u32 s10, v15;
	s10 =	smov.u32 s19;
	[tilespmem:v19+s20+$0x0] =	vst.idx.msk $0xffff, v18;
	v28 =	vld [tilespmem:s0+$0x0]  }
.Ltmp13:
0x628: {  	[tilespmem:v21+s20+$0x0] =	vst.idx.msk $0xffff, v20;
	v19 =	vld [tilespmem:s0+$0xFFFFFF00];
	v21 =	vor.u32 s13, v15;
	s13 =	smov.u32 s23;
	s0 =	smov.u32 s9;
	(pc) =	sbr.rel @p1 .LBB2_20-.Ltmp13, $4  }
0x629: {  	v18 =	vor.u32 s10, v10;
	s9 =	smov.u32 s14;
	[tilespmem:v23+s20+$0x0] =	vst.idx.msk $0xffff, v22;
	v16 =	vld [tilespmem:s0+$0xFFFFFFB0]  }
0x62a: {  	v20 =	vor.u32 s13, v10;
	[tilespmem:v25+s20+$0x0] =	vst.idx.msk $0xffff, v24;
	v17 =	vld [tilespmem:s0+$0xFFFFFEB0]  }
0x62b: {  	v23 =	vor.u32 s16, v13;
	[tilespmem:v27+s20+$0x0] =	vst.idx.msk $0xffff, v26;
	v22 =	vld [tilespmem:s14+$0xFFFFFF60]  }
0x62c: {  	s18 =	sadd.s32 $0x4, s18;
	s19 =	sadd.s32 $0x2, s17;
	v25 =	vor.u32 s15, v13;
	s14 =	sadd.s32 $0x200, s14;
	v24 =	vld [tilespmem:s9+$0xFFFFFE60];
	[tilespmem:v29+s20+$0x0] =	vst.idx.msk $0xffff, v28  }
0x62d: {  	v26 =	vld [tilespmem:s14+$0xFFFFFF10];
	v27 =	vor.u32 s19, v8  }
0x62e: {  	v28 =	vld [tilespmem:s14+$0xFFFFFE10];
	v29 =	vor.u32 s17, v8;
	_ =	sdelay $0x3  }
0x62f: {  	[tilespmem:v27+s20+$0x0] =	vst.idx.msk $0xffff, v26  }
0x630: {  	v36 =	vor.u32 s19, v9;
	[tilespmem:v29+s20+$0x0] =	vst.idx.msk $0xffff, v28;
	v26 =	vld [tilespmem:s14+$0xFFFFFF20]  }
0x631: {  	v37 =	vor.u32 s17, v9;
	v28 =	vld [tilespmem:s14+$0xFFFFFE20];
	_ =	sdelay $0x3  }
0x632: {  	[tilespmem:v36+s20+$0x0] =	vst.idx.msk $0xffff, v26  }
0x633: {  	v38 =	vor.u32 s19, v10;
	[tilespmem:v37+s20+$0x0] =	vst.idx.msk $0xffff, v28;
	v26 =	vld [tilespmem:s14+$0xFFFFFF30]  }
0x634: {  	v39 =	vor.u32 s17, v10;
	v28 =	vld [tilespmem:s14+$0xFFFFFE30];
	_ =	sdelay $0x3  }
0x635: {  	[tilespmem:v38+s20+$0x0] =	vst.idx.msk $0xffff, v26  }
0x636: {  	v40 =	vor.u32 s19, v11;
	[tilespmem:v39+s20+$0x0] =	vst.idx.msk $0xffff, v28;
	v26 =	vld [tilespmem:s14+$0xFFFFFF40]  }
0x637: {  	v41 =	vor.u32 s17, v11;
	v28 =	vld [tilespmem:s14+$0xFFFFFE40];
	_ =	sdelay $0x3  }
0x638: {  	[tilespmem:v40+s20+$0x0] =	vst.idx.msk $0xffff, v26  }
0x639: {  	v42 =	vor.u32 s19, v12;
	[tilespmem:v41+s20+$0x0] =	vst.idx.msk $0xffff, v28;
	v26 =	vld [tilespmem:s14+$0xFFFFFF50]  }
0x63a: {  	v43 =	vor.u32 s17, v12;
	v28 =	vld [tilespmem:s14+$0xFFFFFE50];
	_ =	sdelay $0x3  }
0x63b: {  	[tilespmem:v42+s20+$0x0] =	vst.idx.msk $0xffff, v26  }
0x63c: {  	v44 =	vor.u32 s19, v13;
	[tilespmem:v43+s20+$0x0] =	vst.idx.msk $0xffff, v28;
	v26 =	vld [tilespmem:s14+$0xFFFFFF60]  }
0x63d: {  	v45 =	vor.u32 s17, v13;
	v28 =	vld [tilespmem:s14+$0xFFFFFE60]  }
0x63e: {  	[tilespmem:v23+s20+$0x0] =	vst.idx.msk $0xffff, v22  }
0x63f: {  	v46 =	vor.u32 s16, v14;
	[tilespmem:v25+s20+$0x0] =	vst.idx.msk $0xffff, v24;
	v22 =	vld [tilespmem:s9+$0xFFFFFF70]  }
0x640: {  	v47 =	vor.u32 s15, v14;
	v24 =	vld [tilespmem:s9+$0xFFFFFE70]  }
0x641: {  	[tilespmem:v44+s20+$0x0] =	vst.idx.msk $0xffff, v26  }
0x642: {  	v48 =	vor.u32 s19, v14;
	[tilespmem:v45+s20+$0x0] =	vst.idx.msk $0xffff, v28;
	v26 =	vld [tilespmem:s14+$0xFFFFFF70]  }
0x643: {  	v49 =	vor.u32 s17, v14;
	v28 =	vld [tilespmem:s14+$0xFFFFFE70]  }
0x644: {  	[tilespmem:v46+s20+$0x0] =	vst.idx.msk $0xffff, v22  }
0x645: {  	v50 =	vor.u32 s16, v15;
	[tilespmem:v47+s20+$0x0] =	vst.idx.msk $0xffff, v24;
	v22 =	vld [tilespmem:s9+$0xFFFFFF80]  }
0x646: {  	v51 =	vor.u32 s15, v15;
	v24 =	vld [tilespmem:s9+$0xFFFFFE80]  }
0x647: {  	[tilespmem:v48+s20+$0x0] =	vst.idx.msk $0xffff, v26  }
0x648: {  	v52 =	vor.u32 s19, v15;
	[tilespmem:v49+s20+$0x0] =	vst.idx.msk $0xffff, v28;
	v26 =	vld [tilespmem:s14+$0xFFFFFF80]  }
0x649: {  	v53 =	vor.u32 s17, v15;
	v28 =	vld [tilespmem:s14+$0xFFFFFE80]  }
0x64a: {  	s24 =	sadd.s32 $0x3, s15;
	[tilespmem:v50+s20+$0x0] =	vst.idx.msk $0xffff, v22  }
0x64b: {  	s25 =	sadd.s32 $0x1, s15;
	v54 =	vor.u32 s24, v8;
	[tilespmem:v51+s20+$0x0] =	vst.idx.msk $0xffff, v24;
	v22 =	vld [tilespmem:s9+$0xFFFFFF90]  }
0x64c: {  	v55 =	vor.u32 s25, v8;
	v24 =	vld [tilespmem:s9+$0xFFFFFE90]  }
0x64d: {  	s18 =	sadd.s32 $0x3, s17;
	[tilespmem:v52+s20+$0x0] =	vst.idx.msk $0xffff, v26  }
0x64e: {  	s26 =	sadd.s32 $0x1, s17;
	v56 =	vor.u32 s18, v8;
	[tilespmem:v53+s20+$0x0] =	vst.idx.msk $0xffff, v28;
	v26 =	vld [tilespmem:s14+$0xFFFFFF90]  }
0x64f: {  	v57 =	vor.u32 s26, v8;
	v28 =	vld [tilespmem:s14+$0xFFFFFE90]  }
0x650: {  	[tilespmem:v54+s20+$0x0] =	vst.idx.msk $0xffff, v22  }
0x651: {  	v58 =	vor.u32 s24, v9;
	[tilespmem:v55+s20+$0x0] =	vst.idx.msk $0xffff, v24;
	v22 =	vld [tilespmem:s9+$0xFFFFFFA0]  }
0x652: {  	v59 =	vor.u32 s25, v9;
	v24 =	vld [tilespmem:s9+$0xFFFFFEA0]  }
0x653: {  	[tilespmem:v56+s20+$0x0] =	vst.idx.msk $0xffff, v26  }
0x654: {  	v60 =	vor.u32 s18, v9;
	[tilespmem:v57+s20+$0x0] =	vst.idx.msk $0xffff, v28;
	v26 =	vld [tilespmem:s14+$0xFFFFFFA0]  }
0x655: {  	[tilespmem:v21+s20+$0x0] =	vst.idx.msk $0xffff, v19;
	v61 =	vor.u32 s26, v9;
	v28 =	vld [tilespmem:s14+$0xFFFFFEA0]  }
0x656: {  	[tilespmem:v58+s20+$0x0] =	vst.idx.msk $0xffff, v22  }
0x657: {  	v63 =	vor.u32 s24, v10;
	[tilespmem:v59+s20+$0x0] =	vst.idx.msk $0xffff, v24;
	v62 =	vld [tilespmem:s9+$0xFFFFFFB0]  }
0x658: {  	v31 =	vor.u32 s25, v10;
	[tilespmem:v18+s20+$0x0] =	vst.idx.msk $0xffff, v16;
	v30 =	vld [tilespmem:s9+$0xFFFFFEB0]  }
0x659: {  	[tilespmem:v60+s20+$0x0] =	vst.idx.msk $0xffff, v26  }
0x65a: {  	v33 =	vor.u32 s18, v10;
	[tilespmem:v61+s20+$0x0] =	vst.idx.msk $0xffff, v28;
	v32 =	vld [tilespmem:s14+$0xFFFFFFB0]  }
0x65b: {  	v34 =	vor.u32 s26, v10;
	[tilespmem:v20+s20+$0x0] =	vst.idx.msk $0xffff, v17;
	v16 =	vld [tilespmem:s14+$0xFFFFFEB0]  }
0x65c: {  	v35 =	vor.u32 s10, v11;
	v17 =	vld [tilespmem:s0+$0xFFFFFFC0];
	[tilespmem:v63+s20+$0x0] =	vst.idx.msk $0xffff, v62  }
0x65d: {  	v38 =	vor.u32 s24, v11;
	[tilespmem:v31+s20+$0x0] =	vst.idx.msk $0xffff, v30;
	v19 =	vld [tilespmem:s9+$0xFFFFFFC0]  }
0x65e: {  	v39 =	vor.u32 s25, v11;
	v22 =	vld [tilespmem:s9+$0xFFFFFEC0]  }
0x65f: {  	v36 =	vld [tilespmem:s0+$0xFFFFFEC0];
	v37 =	vor.u32 s13, v11;
	[tilespmem:v33+s20+$0x0] =	vst.idx.msk $0xffff, v32  }
0x660: {  	v40 =	vor.u32 s18, v11;
	[tilespmem:v34+s20+$0x0] =	vst.idx.msk $0xffff, v16;
	v16 =	vld [tilespmem:s14+$0xFFFFFFC0]  }
0x661: {  	[tilespmem:v35+s20+$0x0] =	vst.idx.msk $0xffff, v17;
	v41 =	vor.u32 s26, v11;
	v17 =	vld [tilespmem:s14+$0xFFFFFEC0]  }
0x662: {  	v42 =	vld [tilespmem:s0+$0xFFFFFFD0];
	v43 =	vor.u32 s10, v12;
	[tilespmem:v38+s20+$0x0] =	vst.idx.msk $0xffff, v19  }
0x663: {  	v45 =	vor.u32 s24, v12;
	[tilespmem:v39+s20+$0x0] =	vst.idx.msk $0xffff, v22;
	v19 =	vld [tilespmem:s9+$0xFFFFFFD0]  }
0x664: {  	v46 =	vor.u32 s25, v12;
	[tilespmem:v37+s20+$0x0] =	vst.idx.msk $0xffff, v36;
	v22 =	vld [tilespmem:s9+$0xFFFFFED0]  }
0x665: {  	v44 =	vor.u32 s13, v12;
	v26 =	vld [tilespmem:s0+$0xFFFFFED0];
	[tilespmem:v40+s20+$0x0] =	vst.idx.msk $0xffff, v16  }
0x666: {  	[tilespmem:v41+s20+$0x0] =	vst.idx.msk $0xffff, v17;
	v17 =	vor.u32 s18, v12;
	v16 =	vld [tilespmem:s14+$0xFFFFFFD0]  }
0x667: {  	[tilespmem:v43+s20+$0x0] =	vst.idx.msk $0xffff, v42;
	v48 =	vor.u32 s26, v12;
	v47 =	vld [tilespmem:s14+$0xFFFFFED0]  }
0x668: {  	v24 =	vld [tilespmem:s0+$0xFFFFFFE0];
	v49 =	vor.u32 s10, v13;
	[tilespmem:v45+s20+$0x0] =	vst.idx.msk $0xffff, v19  }
0x669: {  	v51 =	vor.u32 s24, v13;
	[tilespmem:v46+s20+$0x0] =	vst.idx.msk $0xffff, v22;
	v19 =	vld [tilespmem:s9+$0xFFFFFFE0]  }
0x66a: {  	v22 =	vld [tilespmem:s9+$0xFFFFFEE0];
	v52 =	vor.u32 s25, v13;
	[tilespmem:v44+s20+$0x0] =	vst.idx.msk $0xffff, v26  }
0x66b: {  	v50 =	vor.u32 s13, v13;
	v26 =	vld [tilespmem:s0+$0xFFFFFEE0];
	[tilespmem:v17+s20+$0x0] =	vst.idx.msk $0xffff, v16  }
0x66c: {  	[tilespmem:v48+s20+$0x0] =	vst.idx.msk $0xffff, v47;
	v17 =	vor.u32 s18, v13;
	v16 =	vld [tilespmem:s14+$0xFFFFFFE0]  }
0x66d: {  	[tilespmem:v49+s20+$0x0] =	vst.idx.msk $0xffff, v24;
	v53 =	vor.u32 s26, v13;
	v18 =	vld [tilespmem:s14+$0xFFFFFEE0]  }
0x66e: {  	v54 =	vor.u32 s10, v14;
	v24 =	vld [tilespmem:s0+$0xFFFFFFF0];
	[tilespmem:v51+s20+$0x0] =	vst.idx.msk $0xffff, v19  }
0x66f: {  	[tilespmem:v52+s20+$0x0] =	vst.idx.msk $0xffff, v22;
	v19 =	vld [tilespmem:s9+$0xFFFFFFF0];
	v56 =	vor.u32 s24, v14  }
0x670: {  	v22 =	vld [tilespmem:s9+$0xFFFFFEF0];
	v57 =	vor.u32 s25, v14;
	[tilespmem:v50+s20+$0x0] =	vst.idx.msk $0xffff, v26  }
0x671: {  	v55 =	vor.u32 s13, v14;
	v26 =	vld [tilespmem:s0+$0xFFFFFEF0];
	[tilespmem:v17+s20+$0x0] =	vst.idx.msk $0xffff, v16  }
0x672: {  	[tilespmem:v53+s20+$0x0] =	vst.idx.msk $0xffff, v18;
	v17 =	vor.u32 s18, v14;
	v16 =	vld [tilespmem:s14+$0xFFFFFFF0]  }
0x673: {  	v58 =	vor.u32 s26, v14;
	[tilespmem:v54+s20+$0x0] =	vst.idx.msk $0xffff, v24;
	v18 =	vld [tilespmem:s14+$0xFFFFFEF0]  }
0x674: {  	v59 =	vor.u32 s10, v15;
	v24 =	vld [tilespmem:s0+$0x0];
	[tilespmem:v56+s20+$0x0] =	vst.idx.msk $0xffff, v19  }
0x675: {  	[tilespmem:v57+s20+$0x0] =	vst.idx.msk $0xffff, v22;
	v19 =	vld [tilespmem:s9+$0x0];
	v61 =	vor.u32 s24, v15  }
0x676: {  	v62 =	vor.u32 s25, v15;
	v22 =	vld [tilespmem:s9+$0xFFFFFF00];
	[tilespmem:v55+s20+$0x0] =	vst.idx.msk $0xffff, v26  }
0x677: {  	v60 =	vor.u32 s13, v15;
	v26 =	vld [tilespmem:s0+$0xFFFFFF00];
	[tilespmem:v17+s20+$0x0] =	vst.idx.msk $0xffff, v16  }
0x678: {  	[tilespmem:v58+s20+$0x0] =	vst.idx.msk $0xffff, v18;
	v17 =	vor.u32 s18, v15;
	v16 =	vld [tilespmem:s14+$0x0]  }
0x679: {  	v63 =	vor.u32 s26, v15;
	[tilespmem:v59+s20+$0x0] =	vst.idx.msk $0xffff, v24;
	v18 =	vld [tilespmem:s14+$0xFFFFFF00]  }
0x67a: {  	[tilespmem:v61+s20+$0x0] =	vst.idx.msk $0xffff, v19  }
.Ltmp14:
0x67b: {  	[tilespmem:v62+s20+$0x0] =	vst.idx.msk $0xffff, v22;
	(pc) =	sbr.rel .LBB2_22-.Ltmp14, $4  }
0x67c: {  	s28 =	sshll.u32 s5, $0xB;
	[tilespmem:v60+s20+$0x0] =	vst.idx.msk $0xffff, v26  }
0x67d: {  	s0 =	sand.u32 $0x1FFFF800, s28;
	[tilespmem:v17+s20+$0x0] =	vst.idx.msk $0xffff, v16  }
0x67e: {  	s0 =	sadd.s32 s2, s0;
	[tilespmem:v63+s20+$0x0] =	vst.idx.msk $0xffff, v18  }
0x67f: {  	[hbm4b:s0+s4] =	stream.linear.scatter [tilespmem:s21], [sflag:$0x2], $0x4000, $0x38;
	[tilespmem:$0x18000] =	vst v63  }
.LBB2_24:
0x680: {  	_ =	sfence.sel $0x180000  }
0x681: {  	[bflag:$0x0] =	sbarrier.arrive $0xFFFF  }
0x682: {  	_ =	strace $0x90000047  }
0x683: {  	s0 =	stileid.u32;
	[bflag:$0x2] =	sbarrier.arrive $0xFFFF  }
0x684: {  	p0 =	sne.s32 s0, $0x0;
	s0 =	rddreg [dreg:$0x3]  }
0x685: {  	s0 =	sadd.s32 @!p0 $0x100000, s0  }
0x686: {  	[sflag:s0] =	ssyncadd.tile.s32 @!p0 $0x1;
	_ =	shalt  }
.Lfunc_end2:
_tile_overlayer_lowered:
.L_overlay_start_2:
0x687: {  	(tag) =	ssettag $0x2  }
0x688: {  	s0 =	rddreg [dreg:$0x0];
	s2 =	stileid.u32  }
0x689: {  	s1 =	rddreg [dreg:$0x1];
	p0 =	sne.s32 s2, $0x0  }
0x68a: {  	s3 =	rddreg [dreg:$0x2];
	[bflag:$0x3] =	sbarrier.arrive $0xFFFF;
	s2 =	simm.s32 @!p0 $0x1C03  }
0x68b: {  	[timem:s3], [sflag:s2] =	dma.local @!p0 [hbm:s0], s1  }
0x68c: {  	s0 =	simm.s32 @!p0 $0x3  }
0x68d: {  	_ =	swait.ge @!p0 [sflag:s0], s1  }
0x68e: {  	s1 =	ssub.s32 @!p0 $0x0, s1;
	[sflag:s0] =	ssyncset.done @!p0 $0x0  }
0x68f: {  	[sflag:s0] =	ssyncadd.s32 @!p0 s1  }
0x690: {  	[bflag:$0x3] =	sbarrier.arrive $0xFFFF  }
0x691: {  	_ =	shalt  }

// kernel: kernel.7.cloned.1.call-start
scs
__scs_entry_jumppad:
0x0: {  	(pc) =	sbr.rel $0x88, $3  }
0x1: {  	(tag) =	ssettag $0x0;
	lr =	simm.s32 $0x1  }
0x2: {  	[smem:$0x3F9F] =	sst lr;
	_ =	strace $0xD0000000  }
0x3: {  	_ = 	snop  }
0x4: {  	_ = 	snop  }
0x5: {  	_ = 	snop  }
0x6: {  	_ = 	snop  }
0x7: {  	_ = 	snop  }
__scs_overlays_trampoline_lowered:
0x8: {  	[smem:$0x3FAE] =	sst s0  }
0x9: {  	[smem:$0x3FAF] =	sst s1  }
0xa: {  	[smem:$0x3FB0] =	sst s2  }
0xb: {  	[smem:$0x3FB1] =	sst s3  }
0xc: {  	[smem:$0x3FB2] =	sst s4  }
0xd: {  	[smem:$0x3FB3] =	sst s5  }
0xe: {  	[smem:$0x3FB4] =	sst s6  }
0xf: {  	[smem:$0x3FB5] =	sst s7  }
0x10: {  	[smem:$0x3FB6] =	sst s8  }
0x11: {  	[smem:$0x3FB7] =	sst s9;
	s0 =	simm.s32 @!p0 $0x0  }
0x12: {  	s1 =	sld [smem:$0x3F9D];
	s0 =	simm.s32 @p0 $0x1  }
0x13: {  	[smem:$0x3FB8] =	sst s0;
	s0 =	simm.s32 @!p1 $0x0  }
0x14: {  	s2 =	sld [smem:$0x3F9C];
	s0 =	simm.s32 @p1 $0x1  }
0x15: {  	[smem:$0x3FB9] =	sst s0;
	s0 =	simm.s32 @!p2 $0x0  }
0x16: {  	s3 =	sld [smem:$0x3FDB];
	s0 =	simm.s32 @p2 $0x1  }
0x17: {  	s4 =	simm.s32 $0x1BF5;
	[smem:$0x3FBB] =	sst s0  }
0x18: {  	s0 =	sld [smem:$0x3F9E];
	_ =	swait.ge [sflag:s4], $0x0  }
0x19: {  	s7 =	sld [smem:$0x3F9F]  }
0x1a: {  	s8 =	sadd.s32 $0xFFFFE003, lr  }
0x1b: {  	s9 =	sadd.s32 $0xFFFFFEF7, lr;
	s5 =	simm.s32 $0xFFFFFFFF;
	p2 =	slt.u32 s8, $0xFFFFF086  }
0x1c: {  	p1 =	slt.u32 s9, $0xF7A;
	s5 =	simm.s32 @!p2 $0x0  }
0x1d: {  	s5 =	simm.s32 @p1 $0x1;
	p0 =	seq.s32 s7, s2  }
0x1e: {  	s7 =	smul.u32 @!p0 $0xF7A, s2;
	p2 =	seq.s32 @!p0 s5, $0x0  }
0x1f: {  	s9 =	smul.u32 $0xF7A, s1;
	s8 =	simm.s32 @!p0 $0x1BF5;
	p2 =	por !p2, p0  }
0x20: {  	[sflag:s8] =	ssyncset.s32 @!p0 $0xFFFFF086;
	s6 =	sadd.s32 @!p0 s3, s7;
	s7 =	simm.s32 @!p0 $0x108  }
0x21: {  	s3 =	sadd.s32 s3, s9;
	s6 =	sadd.s32 @!p0 $0x88, s6;
	s7 =	simm.s32 @p2 $0x1082  }
0x22: {  	[simem:s7], [sflag:s8] =	dma.local @!p0 [hbm:s6], $0xF7A  }
0x23: {  	s9 =	sor.u32 $0xD0000000, s2;
	s6 =	simm.s32 $0x108;
	_ =	swait.ge @!p0 [sflag:s8], $0x0  }
0x24: {  	s3 =	sadd.s32 $0x88, s3;
	s6 =	simm.s32 @!p1 $0x1082;
	[sflag:s4] =	ssyncset.s32 $0xFFFFF086  }
0x25: {  	[simem:s6], [sflag:s4] =	dma.local [hbm:s3], $0xF7A  }
0x26: {  	[smem:$0x3F9F] =	sst s1;
	(tag) =	ssettag s2;
	_ =	strace s9  }
0x27: {  	s1 =	sld [smem:$0x3FAF]  }
0x28: {  	s2 =	sld [smem:$0x3FB0]  }
0x29: {  	s4 =	sld [smem:$0x3FB2]  }
0x2a: {  	p0 =	seq.s32 s5, $0x0;
	s5 =	sld [smem:$0x3FB3]  }
0x2b: {  	s6 =	sld [smem:$0x3FB4]  }
0x2c: {  	s7 =	sld [smem:$0x3FB5]  }
0x2d: {  	s3 =	simm.s32 $0x108;
	s8 =	sld [smem:$0x3FB6]  }
0x2e: {  	s3 =	simm.s32 @!p0 $0x1082;
	s9 =	sld [smem:$0x3FB7]  }
0x2f: {  	lr =	sadd.s32 s0, s3;
	s0 =	sld [smem:$0x3FAE]  }
0x30: {  	s3 =	sld [smem:$0x3FB1]  }
0x31: {  	[smem:$0x3FBA] =	sst s10  }
0x32: {  	s10 =	sld [smem:$0x3FB8];
	_ =	sdelay $0x3  }
0x33: {  	p0 =	seq.s32 s10, $0x1;
	s10 =	sld [smem:$0x3FBA];
	_ =	sdelay $0x3  }
0x34: {  	[smem:$0x3FBA] =	sst s10  }
0x35: {  	s10 =	sld [smem:$0x3FB9];
	_ =	sdelay $0x3  }
0x36: {  	p1 =	seq.s32 s10, $0x1;
	s10 =	sld [smem:$0x3FBA];
	_ =	sdelay $0x3  }
0x37: {  	[smem:$0x3FBA] =	sst s10  }
0x38: {  	s10 =	sld [smem:$0x3FBB]  }
0x39: {  	_ = 	snop;
	(pc) =	sbr.ind lr, $3  }
0x3a: {  	_ = 	snop  }
0x3b: {  	_ = 	snop  }
0x3c: {  	p2 =	seq.s32 s10, $0x1;
	s10 =	sld [smem:$0x3FBA]  }
0x3d: {  	_ =	shalt  }
0x3e: {  	_ =	shalt  }
0x3f: {  	_ =	shalt  }
0x40: {  	_ =	shalt  }
0x41: {  	_ =	shalt  }
0x42: {  	_ =	shalt  }
0x43: {  	_ =	shalt  }
0x44: {  	_ =	shalt  }
0x45: {  	_ =	shalt  }
0x46: {  	_ =	shalt  }
0x47: {  	_ =	shalt  }
0x48: {  	_ =	shalt  }
0x49: {  	_ =	shalt  }
0x4a: {  	_ =	shalt  }
0x4b: {  	_ =	shalt  }
0x4c: {  	_ =	shalt  }
0x4d: {  	_ =	shalt  }
0x4e: {  	_ =	shalt  }
0x4f: {  	_ =	shalt  }
0x50: {  	_ =	shalt  }
0x51: {  	_ =	shalt  }
0x52: {  	_ =	shalt  }
0x53: {  	_ =	shalt  }
0x54: {  	_ =	shalt  }
0x55: {  	_ =	shalt  }
0x56: {  	_ =	shalt  }
0x57: {  	_ =	shalt  }
0x58: {  	_ =	shalt  }
0x59: {  	_ =	shalt  }
0x5a: {  	_ =	shalt  }
0x5b: {  	_ =	shalt  }
0x5c: {  	_ =	shalt  }
0x5d: {  	_ =	shalt  }
0x5e: {  	_ =	shalt  }
0x5f: {  	_ =	shalt  }
0x60: {  	_ =	shalt  }
0x61: {  	_ =	shalt  }
0x62: {  	_ =	shalt  }
0x63: {  	_ =	shalt  }
0x64: {  	_ =	shalt  }
0x65: {  	_ =	shalt  }
0x66: {  	_ =	shalt  }
0x67: {  	_ =	shalt  }
0x68: {  	_ =	shalt  }
0x69: {  	_ =	shalt  }
0x6a: {  	_ =	shalt  }
0x6b: {  	_ =	shalt  }
0x6c: {  	_ =	shalt  }
0x6d: {  	_ =	shalt  }
0x6e: {  	_ =	shalt  }
0x6f: {  	_ =	shalt  }
0x70: {  	_ =	shalt  }
0x71: {  	_ =	shalt  }
0x72: {  	_ =	shalt  }
0x73: {  	_ =	shalt  }
0x74: {  	_ =	shalt  }
0x75: {  	_ =	shalt  }
0x76: {  	_ =	shalt  }
0x77: {  	_ =	shalt  }
0x78: {  	_ =	shalt  }
0x79: {  	_ =	shalt  }
0x7a: {  	_ =	shalt  }
0x7b: {  	_ =	shalt  }
0x7c: {  	_ =	shalt  }
0x7d: {  	_ =	shalt  }
0x7e: {  	_ =	shalt  }
0x7f: {  	_ =	shalt  }
0x80: {  	_ =	shalt  }
0x81: {  	_ =	shalt  }
0x82: {  	_ =	shalt  }
0x83: {  	_ =	shalt  }
0x84: {  	_ =	shalt  }
0x85: {  	_ =	shalt  }
0x86: {  	_ =	shalt  }
0x87: {  	_ =	shalt  }
.Lfunc_end0:
.L_simem_size_0:
called_computation.2_lowered:
.L_overlay_start_0:
0x88: {  	s2 =	sld [smem:$0x3FD9]  }
0x89: {  	s3 =	sld [smem:$0x3FFE];
	_ =	sdelay $0x1  }
0x8a: {  	s1 =	srdreg.scid  }
0x8b: {  	s0 =	sand.u32 $0x1, s1  }
0x8c: {  	s17 =	sshll.u32 s0, $0xA;
	s2 =	sadd.s32 s3, s2  }
0x8d: {  	s2 =	sadd.s32 s2, s17  }
0x8e: {  	[smem:$0x3FC6] =	sst s2  }
0x8f: {  	_ = 	snop  }
0x90: {  	s2 =	sld [smem:$0x3FD0];
	(tm) =	ssettm $0x1  }
0x91: {  	s18 =	sld [smem:$0x3FFB];
	_ =	sdelay $0x3  }
0x92: {  	_ =	strace s18  }
0x93: {  	s3 =	sld [smem:$0x3FFC];
	_ =	sdelay $0x3  }
0x94: {  	_ =	strace s3  }
0x95: {  	s3 =	sld [smem:$0x3FFD];
	_ =	sdelay $0x3  }
0x96: {  	_ =	strace s3  }
0x97: {  	_ =	strace $0x8FFFFFFF  }
0x98: {  	s19 =	sld [smem:$0x3FDB];
	_ =	sdelay $0x1  }
0x99: {  	s4 =	simm.s32 $_scs_section_size  }
0x9a: {  	s5 =	simm.s32 $_size__tile_overlayer_lowered;
	s6 =	simm.s32 $_tile_overlayer_lowered  }
0x9b: {  	s22 =	simm.s32 $0x1BFF;
	s21 =	sshll.u32 s6, $0x1;
	s3 =	sadd.s32 s4, s19  }
0x9c: {  	s7 =	simm.s32 $0x0;
	s20 =	sshll.u32 s5, $0x1;
	s5 =	sadd.s32 s21, s3  }
0x9d: {  	[timem:s7], [sflag:s22] =	dma.local [hbm:s5], s20  }
0x9e: {  	_ =	swait.ge [sflag:s22], s20  }
0x9f: {  	s4 =	ssub.s32 $0x0, s20;
	[sflag:s22] =	ssyncset.done $0x0  }
0xa0: {  	[sflag:s22] =	ssyncadd.s32 s4;
	_ =	sdelay $0x1  }
0xa1: {  	s23 =	simm.s32 $0x1B8B  }
0xa2: {  	_ =	swait.ge [sflag:s23], $0x1  }
0xa3: {  	[sflag:s23] =	ssyncset.done $0x0  }
0xa4: {  	s25 =	simm.s32 $0x1B8E;
	s24 =	sld [smem:$0x3FFE];
	[sflag:s23] =	ssyncadd.s32 $0xFFFFFFFF  }
0xa5: {  	s26 =	simm.s32 $execute0_lowered;
	[smem:$0x3FD2] =	sst s25  }
0xa6: {  	s5 =	sshll.u32 s26, $0x1;
	_ =	strace $0x80000049;
	[dreg:$0x1] =	wrdreg $0xFFFFFFFF  }
0xa7: {  	s28 =	simm.s32 $_size_execute0_lowered;
	s3 =	sadd.s32 s3, s5;
	[dreg:$0x0] =	wrdreg $0x0  }
0xa8: {  	s5 =	sshll.u32 s28, $0x1;
	[dreg:$0x2] =	wrdreg s3  }
0xa9: {  	[dreg:$0x3] =	wrdreg s5  }
0xaa: {  	[dreg:$0x4] =	wrdreg $0xC0  }
0xab: {  	_ =	task [dreg:s7], $0x5FFFF  }
0xac: {  	[dreg:$0x1] =	wrdreg $0xFFFFFFFF  }
0xad: {  	[dreg:$0x0] =	wrdreg $0x60  }
0xae: {  	[dreg:$0x2] =	wrdreg s24  }
0xaf: {  	[dreg:$0x3] =	wrdreg s2  }
0xb0: {  	[dreg:$0x4] =	wrdreg $0x9  }
0xb1: {  	_ =	task.clear_ibuf [dreg:s7], $0x5FFFF;
	_ =	strace $0x90000049  }
0xb2: {  	s29 =	simm.s32 $0x9;
	_ =	strace $0x8000004B  }
0xb3: {  	_ =	swait.ge [sflag:s29], $0x1  }
0xb4: {  	[sflag:s29] =	ssyncadd.s32 $0xFFFFFFFF  }
0xb5: {  	_ =	strace $0x9000004B  }
0xb6: {  	_ =	sfence  }
0xb7: {  	s30 =	sld [smem:$0x0];
	_ =	sdelay $0x2  }
0xb8: {  	s31 =	sshll.u32 s1, $0xD;
	s1 =	sshrl.u32 s1, $0x2  }
0xb9: {  	s3 =	sand.u32 $0x4000, s31;
	s1 =	sadd.s32 s1, s30  }
0xba: {  	s0 =	sor.u32 s3, s0;
	s1 =	sshll.u32 s1, $0x11  }
0xbb: {  	s0 =	sor.u32 s1, s0  }
0xbc: {  	s0 =	sadd.s32 $0x8F2B, s0  }
0xbd: {  	[sflag:s0] =	ssyncadd.remote.s32 $0x1  }
0xbe: {  	_ =	sfence.sel $0xFFFF  }
0xbf: {  	[dreg:$0x0] =	wrdreg $0xFFFFFFFF;
	(pc) =	sbr.abs _section_cstart, $3  }
0xc0: {  	[dreg:$0x1] =	wrdreg $0xFFFFFFFF  }
0xc1: {  	_ =	task.clear_ibuf [dreg:s7], $0x2FFFF;
	_ =	strace $0x9FFFFFFF  }
0xc2: {  	(tm) =	ssettm $0x7FFFFFFF  }
0xc3: {  	_ =	shalt  }
tec
execute0_lowered:
.L_overlay_start_1:
0x0: {  	(tag) =	ssettag $0x1  }
0x1: {  	s5 =	rddreg [dreg:$0x0]  }
0x2: {  	s2 =	rddreg [dreg:$0x1]  }
0x3: {  	s0 =	rddreg [dreg:$0x2];
	s3 =	simm.s32 $0x0;
	s4 =	srdreg.scid  }
0x4: {  	s1 =	stileid.u32;
	s12 =	simm.s32 $0x5000;
	s13 =	simm.s32 $0x1  }
0x5: {  	s14 =	simm.s32 $0x9000;
	s15 =	simm.s32 $0xD000;
	s16 =	simm.s32 $0x2  }
0x6: {  	s17 =	simm.s32 $0x0;
	[smem:$0x7FF] =	sst s3;
	s6 =	sand.u32 $0x1, s4  }
0x7: {  	s7 =	smul.u32 $0x1900000, s1;
	s4 =	sadd.s32 $0x1600, s5;
	s9 =	sadd.s32 $0x65600, s5  }
0x8: {  	s11 =	sshll.u32 s1, $0x1;
	_ =	strace $0x8000004A;
	s8 =	smul.u32 $0xC80000, s6  }
0x9: {  	s26 =	ssub.s32 $0x2, s6;
	s29 =	sor.u32 s6, s11;
	s11 =	simm.s32 $0x1000  }
0xa: {  	s10 =	sshrl.u32 s26, $0x1;
	s5 =	smul.u32 $0x19000, s29;
	s7 =	sadd.s32 s8, s7  }
0xb: {  	s28 =	ssub.s32 s26, s10;
	s10 =	simm.s32 $0x80;
	s30 =	sor.u32 $0x8000, s7  }
0xc: {  	s7 =	sshrl.u32 s7, $0x3;
	s6 =	smax.u32 s28, $0x1;
	s31 =	sshrl.u32 s30, $0x3  }
0xd: {  	s7 =	sadd.s32 s7, s9;
	s8 =	sadd.s32 s31, s9;
	s9 =	simm.s32 $0x3  }
.LBB2_1:
0xe: {  	s18 =	smov.u32 s8  }
0xf: {  	s19 =	simm.s32 $0x0;
	s20 =	smov.u32 s7;
	s21 =	simm.s32 $0x0  }
.LBB2_2:
0x10: {  	s22 =	sshll.u32 s21, $0xC  }
0x11: {  	s22 =	sadd.s32 s5, s22  }
0x12: {  	s22 =	sshrl.u32 s22, $0x3  }
0x13: {  	s23 =	simm.s32 $0x0;
	s22 =	sadd.s32 s4, s22  }
0x14: {  	[tilespmem:s23], [sflag:$0x3] =	stream.linear.gather [hbm4b:s22+s23], $0x1000, $0x38;
	[tilespmem:$0x11000] =	vst v63  }
0x15: {  	_ =	swait.ge [sflag:s9], $0x1000  }
0x16: {  	p0 =	seq.s32 s19, $0x0;
	[sflag:s9] =	ssyncset.done $0x0  }
0x17: {  	s22 =	simm.s32 @!p0 $0x2;
	[sflag:s9] =	ssyncadd.s32 $0xFFFFF000  }
0x18: {  	_ =	swait.ge @!p0 [sflag:s22], $0x8000  }
0x19: {  	[sflag:s22] =	ssyncset.done @!p0 $0x0  }
0x1a: {  	s28 =	simm.s32 $0x0;
	[sflag:s22] =	ssyncadd.s32 @!p0 $0xFFFF8000  }
0x1b: {  	[tilespmem:s11], [sflag:$0x1] =	stream.indirect.gather [hbm4b:s2+s10], $0x80, s28, s10, $0xb8;
	[tilespmem:$0x11000] =	vst v63  }
0x1c: {  	s29 =	simm.s32 $0x80  }
0x1d: {  	[tilespmem:s12], [sflag:$0x1] =	stream.indirect.gather [hbm4b:s2+s10], $0x80, s29, s10, $0xb8;
	[tilespmem:$0x11000] =	vst v63  }
0x1e: {  	_ =	swait.ge [sflag:s13], $0x4000  }
0x1f: {  	[sflag:s13] =	ssyncset.done $0x0  }
0x20: {  	[sflag:s13] =	ssyncadd.s32 $0xFFFFC000  }
0x21: {  	_ =	swait.ge [sflag:s13], $0x4000  }
0x22: {  	[sflag:s13] =	ssyncset.done $0x0  }
0x23: {  	[sflag:s13] =	ssyncadd.s32 $0xFFFFC000  }
0x24: {  	[hbm4b:s20+s3] =	stream.linear.scatter [tilespmem:s11], [sflag:$0x2], $0x8000, $0x38;
	[tilespmem:$0x11000] =	vst v63  }
0x25: {  	_ =	swait.ge @!p0 [sflag:s22], $0x8000  }
0x26: {  	[sflag:s22] =	ssyncset.done @!p0 $0x0  }
0x27: {  	s30 =	simm.s32 $0x100;
	[sflag:s22] =	ssyncadd.s32 @!p0 $0xFFFF8000  }
0x28: {  	[tilespmem:s14], [sflag:$0x1] =	stream.indirect.gather [hbm4b:s2+s10], $0x80, s30, s10, $0xb8;
	[tilespmem:$0x11000] =	vst v63  }
0x29: {  	s31 =	simm.s32 $0x180  }
0x2a: {  	[tilespmem:s15], [sflag:$0x1] =	stream.indirect.gather [hbm4b:s2+s10], $0x80, s31, s10, $0xb8;
	[tilespmem:$0x11000] =	vst v63  }
0x2b: {  	_ =	swait.ge [sflag:s13], $0x4000  }
0x2c: {  	[sflag:s13] =	ssyncset.done $0x0  }
0x2d: {  	s24 =	simm.s32 $0x800;
	s25 =	simm.s32 $0x1000;
	[sflag:s13] =	ssyncadd.s32 $0xFFFFC000  }
0x2e: {  	s26 =	smov.u32 s18;
	s23 =	sadd.s32 $0x2000, s20;
	_ =	swait.ge [sflag:s13], $0x4000  }
0x2f: {  	s22 =	sadd.s32 $0x2000, s18;
	p0 =	seq.s32 s19, $0x800;
	[sflag:s13] =	ssyncset.done $0x0  }
.LBB2_3:
0x30: {  	s28 =	simm.s32 @!p0 $0x2  }
0x31: {  	[sflag:s13] =	ssyncadd.s32 $0xFFFFC000;
	s29 =	smov.u32 s25;
	s25 =	sadd.s32 $0x800, s25  }
0x32: {  	[hbm4b:s26+s3] =	stream.linear.scatter [tilespmem:s14], [sflag:$0x2], $0x8000, $0x38;
	[tilespmem:$0x11000] =	vst v63  }
0x33: {  	p1 =	sne.s32 s25, $0x4000;
	s26 =	smov.u32 s22;
	_ =	swait.ge @!p0 [sflag:s28], $0x8000  }
0x34: {  	[sflag:s28] =	ssyncset.done @!p0 $0x0  }
0x35: {  	s30 =	sshra.s32 s24, $0x2;
	s24 =	smov.u32 s29;
	[sflag:s28] =	ssyncadd.s32 @!p0 $0xFFFF8000  }
0x36: {  	[tilespmem:s11], [sflag:$0x1] =	stream.indirect.gather [hbm4b:s2+s10], $0x80, s30, s10, $0xb8;
	[tilespmem:$0x11000] =	vst v63  }
0x37: {  	s29 =	sadd.s32 $0x80, s30  }
0x38: {  	[tilespmem:s12], [sflag:$0x1] =	stream.indirect.gather [hbm4b:s2+s10], $0x80, s29, s10, $0xb8;
	[tilespmem:$0x11000] =	vst v63  }
0x39: {  	_ =	swait.ge [sflag:s13], $0x4000  }
0x3a: {  	[sflag:s13] =	ssyncset.done $0x0  }
0x3b: {  	[sflag:s13] =	ssyncadd.s32 $0xFFFFC000  }
0x3c: {  	_ =	swait.ge [sflag:s13], $0x4000  }
0x3d: {  	[sflag:s13] =	ssyncset.done $0x0  }
0x3e: {  	[sflag:s13] =	ssyncadd.s32 $0xFFFFC000  }
0x3f: {  	[hbm4b:s23+s3] =	stream.linear.scatter [tilespmem:s11], [sflag:$0x2], $0x8000, $0x38;
	[tilespmem:$0x11000] =	vst v63  }
0x40: {  	_ =	swait.ge @!p0 [sflag:s28], $0x8000  }
0x41: {  	[sflag:s28] =	ssyncset.done @!p0 $0x0  }
0x42: {  	[sflag:s28] =	ssyncadd.s32 @!p0 $0xFFFF8000;
	s28 =	sadd.s32 $0x100, s30  }
0x43: {  	[tilespmem:s14], [sflag:$0x1] =	stream.indirect.gather [hbm4b:s2+s10], $0x80, s28, s10, $0xb8;
	[tilespmem:$0x11000] =	vst v63  }
0x44: {  	s28 =	sadd.s32 $0x180, s30  }
0x45: {  	[tilespmem:s15], [sflag:$0x1] =	stream.indirect.gather [hbm4b:s2+s10], $0x80, s28, s10, $0xb8;
	[tilespmem:$0x11000] =	vst v63  }
.Ltmp0:
0x46: {  	_ =	swait.ge [sflag:s13], $0x4000;
	(pc) =	sbr.rel @p1 .LBB2_3-.Ltmp0, $4  }
0x47: {  	[sflag:s13] =	ssyncset.done $0x0  }
0x48: {  	[sflag:s13] =	ssyncadd.s32 $0xFFFFC000  }
0x49: {  	s22 =	sadd.s32 $0x2000, s22;
	_ =	swait.ge [sflag:s13], $0x4000  }
0x4a: {  	s23 =	sadd.s32 $0x2000, s23;
	p0 =	seq.s32 s19, s24;
	[sflag:s13] =	ssyncset.done $0x0  }
0x4b: {  	s25 =	simm.s32 @!p0 $0x2;
	[sflag:s13] =	ssyncadd.s32 $0xFFFFC000  }
0x4c: {  	[hbm4b:s26+s3] =	stream.linear.scatter [tilespmem:s14], [sflag:$0x2], $0x8000, $0x38;
	[tilespmem:$0x11000] =	vst v63  }
0x4d: {  	_ =	swait.ge @!p0 [sflag:s25], $0x8000  }
0x4e: {  	[sflag:s25] =	ssyncset.done @!p0 $0x0  }
0x4f: {  	s24 =	sshra.s32 s24, $0x2;
	[sflag:s25] =	ssyncadd.s32 @!p0 $0xFFFF8000  }
0x50: {  	[tilespmem:s11], [sflag:$0x1] =	stream.indirect.gather [hbm4b:s2+s10], $0x80, s24, s10, $0xb8;
	[tilespmem:$0x11000] =	vst v63  }
0x51: {  	s29 =	sadd.s32 $0x80, s24  }
0x52: {  	[tilespmem:s12], [sflag:$0x1] =	stream.indirect.gather [hbm4b:s2+s10], $0x80, s29, s10, $0xb8;
	[tilespmem:$0x11000] =	vst v63  }
0x53: {  	_ =	swait.ge [sflag:s13], $0x4000  }
0x54: {  	[sflag:s13] =	ssyncset.done $0x0  }
0x55: {  	[sflag:s13] =	ssyncadd.s32 $0xFFFFC000  }
0x56: {  	_ =	swait.ge [sflag:s13], $0x4000  }
0x57: {  	[sflag:s13] =	ssyncset.done $0x0  }
0x58: {  	[sflag:s13] =	ssyncadd.s32 $0xFFFFC000  }
0x59: {  	[hbm4b:s23+s3] =	stream.linear.scatter [tilespmem:s11], [sflag:$0x2], $0x8000, $0x38;
	[tilespmem:$0x11000] =	vst v63  }
0x5a: {  	_ =	swait.ge @!p0 [sflag:s25], $0x8000  }
0x5b: {  	[sflag:s25] =	ssyncset.done @!p0 $0x0  }
0x5c: {  	s30 =	sadd.s32 $0x100, s24;
	[sflag:s25] =	ssyncadd.s32 @!p0 $0xFFFF8000  }
0x5d: {  	[tilespmem:s14], [sflag:$0x1] =	stream.indirect.gather [hbm4b:s2+s10], $0x80, s30, s10, $0xb8;
	[tilespmem:$0x11000] =	vst v63  }
0x5e: {  	s31 =	sadd.s32 $0x180, s24  }
0x5f: {  	[tilespmem:s15], [sflag:$0x1] =	stream.indirect.gather [hbm4b:s2+s10], $0x80, s31, s10, $0xb8;
	[tilespmem:$0x11000] =	vst v63  }
0x60: {  	s21 =	sadd.s32 $0x1, s21;
	_ =	swait.ge [sflag:s13], $0x4000  }
0x61: {  	p0 =	sne.s32 s21, $0x19;
	[sflag:s13] =	ssyncset.done $0x0  }
.Ltmp1:
0x62: {  	[sflag:s13] =	ssyncadd.s32 $0xFFFFC000;
	(pc) =	sbr.rel @p0 .LBB2_2-.Ltmp1, $4  }
0x63: {  	_ =	swait.ge [sflag:s13], $0x4000  }
0x64: {  	s20 =	sadd.s32 $0x10000, s20;
	[sflag:s13] =	ssyncset.done $0x0  }
0x65: {  	s19 =	sadd.s32 $0xFFFFC000, s19;
	s18 =	sadd.s32 $0x10000, s18;
	[sflag:s13] =	ssyncadd.s32 $0xFFFFC000  }
0x66: {  	[hbm4b:s22+s3] =	stream.linear.scatter [tilespmem:s14], [sflag:$0x2], $0x8000, $0x38;
	[tilespmem:$0x11000] =	vst v63  }
0x67: {  	s17 =	sadd.s32 $0x1, s17  }
0x68: {  	_ =	swait.ge [sflag:s16], $0x8000;
	p0 =	sne.s32 s17, s6  }
.Ltmp2:
0x69: {  	[sflag:s16] =	ssyncset.done $0x0;
	(pc) =	sbr.rel @p0 .LBB2_1-.Ltmp2, $4  }
0x6a: {  	[sflag:s16] =	ssyncadd.s32 $0xFFFF8000  }
0x6b: {  	_ =	swait.ge [sflag:s16], $0x8000  }
0x6c: {  	[sflag:s16] =	ssyncset.done $0x0  }
0x6d: {  	[sflag:s16] =	ssyncadd.s32 $0xFFFF8000  }
0x6e: {  	_ =	sfence.sel $0x180000  }
0x6f: {  	[bflag:$0x0] =	sbarrier.arrive $0xFFFF  }
0x70: {  	p0 =	sne.s32 s1, $0x0;
	_ =	strace $0x9000004A  }
0x71: {  	s0 =	sadd.s32 @!p0 $0x100000, s0;
	[bflag:$0x2] =	sbarrier.arrive $0xFFFF  }
0x72: {  	[sflag:s0] =	ssyncadd.tile.s32 @!p0 $0x1;
	_ =	shalt  }
.Lfunc_end2:
_tile_overlayer_lowered:
.L_overlay_start_2:
0x73: {  	(tag) =	ssettag $0x2  }
0x74: {  	s0 =	rddreg [dreg:$0x0];
	s2 =	stileid.u32  }
0x75: {  	s1 =	rddreg [dreg:$0x1];
	p0 =	sne.s32 s2, $0x0  }
0x76: {  	s3 =	rddreg [dreg:$0x2];
	[bflag:$0x3] =	sbarrier.arrive $0xFFFF;
	s2 =	simm.s32 @!p0 $0x1C03  }
0x77: {  	[timem:s3], [sflag:s2] =	dma.local @!p0 [hbm:s0], s1  }
0x78: {  	s0 =	simm.s32 @!p0 $0x3  }
0x79: {  	_ =	swait.ge @!p0 [sflag:s0], s1  }
0x7a: {  	s1 =	ssub.s32 @!p0 $0x0, s1;
	[sflag:s0] =	ssyncset.done @!p0 $0x0  }
0x7b: {  	[sflag:s0] =	ssyncadd.s32 @!p0 s1  }
0x7c: {  	[bflag:$0x3] =	sbarrier.arrive $0xFFFF  }
0x7d: {  	_ =	shalt  }

// kernel: sparse-core-data-format-call.cloned.1.call-start
scs
called_computation_lowered:
.L_overlay_start_0:
0x0: {  	s2 =	sld [smem:$0x3FD9]  }
0x1: {  	s3 =	sld [smem:$0x3FFE];
	_ =	sdelay $0x1  }
0x2: {  	s1 =	srdreg.scid  }
0x3: {  	s0 =	sand.u32 $0x1, s1  }
0x4: {  	s18 =	sshll.u32 s0, $0xA;
	s2 =	sadd.s32 s3, s2  }
0x5: {  	s2 =	sadd.s32 s2, s18  }
0x6: {  	[smem:$0x3FC6] =	sst s2  }
0x7: {  	_ = 	snop  }
0x8: {  	s2 =	sld [smem:$0x3FD0];
	(tm) =	ssettm $0x1  }
0x9: {  	s19 =	sld [smem:$0x3FFB];
	_ =	sdelay $0x3  }
0xa: {  	_ =	strace s19  }
0xb: {  	s3 =	sld [smem:$0x3FFC];
	_ =	sdelay $0x3  }
0xc: {  	_ =	strace s3  }
0xd: {  	s3 =	sld [smem:$0x3FFD];
	_ =	sdelay $0x3  }
0xe: {  	_ =	strace s3  }
0xf: {  	_ =	strace $0x8FFFFFFF  }
0x10: {  	s20 =	sld [smem:$0x3FDB];
	_ =	sdelay $0x1  }
0x11: {  	s4 =	simm.s32 $_scs_section_size  }
0x12: {  	s5 =	simm.s32 $_size__tile_overlayer_lowered;
	s6 =	simm.s32 $_tile_overlayer_lowered  }
0x13: {  	s23 =	simm.s32 $0x1BFF;
	s22 =	sshll.u32 s6, $0x1;
	s3 =	sadd.s32 s4, s20  }
0x14: {  	s7 =	simm.s32 $0x0;
	s21 =	sshll.u32 s5, $0x1;
	s5 =	sadd.s32 s22, s3  }
0x15: {  	[timem:s7], [sflag:s23] =	dma.local [hbm:s5], s21  }
0x16: {  	_ =	swait.ge [sflag:s23], s21  }
0x17: {  	s4 =	ssub.s32 $0x0, s21;
	[sflag:s23] =	ssyncset.done $0x0  }
0x18: {  	[sflag:s23] =	ssyncadd.s32 s4;
	_ =	sdelay $0x1  }
0x19: {  	s24 =	simm.s32 $0x1B8B  }
0x1a: {  	_ =	swait.ge [sflag:s24], $0x1  }
0x1b: {  	[sflag:s24] =	ssyncset.done $0x0  }
0x1c: {  	s26 =	simm.s32 $0x1B8E;
	s25 =	sld [smem:$0x3FFE];
	[sflag:s24] =	ssyncadd.s32 $0xFFFFFFFF  }
0x1d: {  	s27 =	simm.s32 $execute0_lowered;
	[smem:$0x3FD2] =	sst s26  }
0x1e: {  	s5 =	sshll.u32 s27, $0x1;
	_ =	strace $0x8000004C;
	[dreg:$0x1] =	wrdreg $0xFFFFFFFF  }
0x1f: {  	s28 =	simm.s32 $_size_execute0_lowered;
	s3 =	sadd.s32 s3, s5;
	[dreg:$0x0] =	wrdreg $0x0  }
0x20: {  	s5 =	sshll.u32 s28, $0x1;
	[dreg:$0x2] =	wrdreg s3  }
0x21: {  	[dreg:$0x3] =	wrdreg s5  }
0x22: {  	[dreg:$0x4] =	wrdreg $0xC0  }
0x23: {  	_ =	task [dreg:s7], $0x5FFFF  }
0x24: {  	[dreg:$0x1] =	wrdreg $0xFFFFFFFF  }
0x25: {  	[dreg:$0x0] =	wrdreg $0x60  }
0x26: {  	[dreg:$0x2] =	wrdreg s25  }
0x27: {  	[dreg:$0x3] =	wrdreg s2  }
0x28: {  	[dreg:$0x4] =	wrdreg $0x9  }
0x29: {  	_ =	task.clear_ibuf [dreg:s7], $0x5FFFF;
	_ =	strace $0x9000004C  }
0x2a: {  	s29 =	simm.s32 $0x9;
	_ =	strace $0x8000004E  }
0x2b: {  	_ =	swait.ge [sflag:s29], $0x1  }
0x2c: {  	[sflag:s29] =	ssyncadd.s32 $0xFFFFFFFF  }
0x2d: {  	_ =	strace $0x9000004E  }
0x2e: {  	_ =	sfence  }
0x2f: {  	s30 =	sld [smem:$0x0];
	_ =	sdelay $0x2  }
0x30: {  	s31 =	sshll.u32 s1, $0xD;
	s1 =	sshrl.u32 s1, $0x2  }
0x31: {  	s3 =	sand.u32 $0x4000, s31;
	s1 =	sadd.s32 s1, s30  }
0x32: {  	s0 =	sor.u32 s3, s0;
	s1 =	sshll.u32 s1, $0x11  }
0x33: {  	s0 =	sor.u32 s1, s0  }
0x34: {  	s0 =	sadd.s32 $0x8F2B, s0  }
0x35: {  	[sflag:s0] =	ssyncadd.remote.s32 $0x1  }
0x36: {  	_ =	sfence.sel $0xFFFF  }
0x37: {  	[dreg:$0x0] =	wrdreg $0xFFFFFFFF;
	(pc) =	sbr.abs _section_cstart, $3  }
0x38: {  	[dreg:$0x1] =	wrdreg $0xFFFFFFFF  }
0x39: {  	_ =	task.clear_ibuf [dreg:s7], $0x2FFFF;
	_ =	strace $0x9FFFFFFF  }
0x3a: {  	(tm) =	ssettm $0x7FFFFFFF  }
0x3b: {  	_ =	shalt  }
tec
execute0_lowered:
.L_overlay_start_1:
0x0: {  	(tag) =	ssettag $0x1  }
0x1: {  	s0 =	srdreg.scid  }
0x2: {  	s1 =	sshll.u32 s0, $0x4  }
0x3: {  	s6 =	rddreg [dreg:$0x0];
	s0 =	stileid.u32;
	s1 =	sand.u32 $0x10, s1  }
0x4: {  	s3 =	rddreg [dreg:$0x1];
	s1 =	sor.u32 s0, s1  }
0x5: {  	s5 =	simm.s32 $0x1;
	s31 =	simm.s32 $0x2;
	s2 =	sshll.u32 s1, $0x7  }
0x6: {  	s15 =	simm.s32 $0x0;
	s8 =	simm.s32 $0x320000;
	s4 =	ssub.s32 $0x4000, s2  }
0x7: {  	s14 =	simm.s32 $0x0;
	s9 =	simm.s32 $0x0;
	s30 =	sand.u32 $0xF80, s4  }
0x8: {  	s10 =	simm.s32 $0x0;
	s11 =	simm.s32 $0x0;
	p0 =	sne.s32 s30, $0x0  }
.Ltmp0:
0x9: {  	s7 =	sshrl.u32 s4, $0xC;
	s5 =	simm.s32 @!p0 $0x0;
	(pc) =	sbr.rel .LBB1_1-.Ltmp0, $4  }
0xa: {  	s13 =	simm.s32 $0x0;
	s1 =	rddreg [dreg:$0x2];
	s5 =	sadd.s32 s5, s7  }
0xb: {  	_ =	strace $0x8000004D;
	s4 =	simm.s32 $0x1;
	s5 =	smul.u32 $0xC8, s5  }
0xc: {  	s6 =	sadd.s32 $0x65600, s6;
	s12 =	smov.u32 s2;
	[sflag:s4] =	ssyncpa.u1 $0x0  }
0xd: {  	[sflag:s31] =	ssyncpa.u1 $0x0;
	p0 =	por $0x0, $0x0;
	s7 =	sor.u32 $0x1, s5  }
.LBB1_4:
0xe: {  	s18 =	sshll.u32 s9, $0xE;
	s19 =	sand.u32 $0x78, s10;
	s20 =	sshll.u32 s10, $0x3  }
0xf: {  	s22 =	sshll.u32 s9, $0x7;
	p1 =	sgt.s32 s9, $0xC7;
	s25 =	sshra.s32 s9, $0x1F  }
0x10: {  	s23 =	smov.u32 s10;
	s24 =	sshra.s32 s10, $0x1F;
	s29 =	sand.u32 $0x7, s10  }
0x11: {  	s18 =	sand.u32 $0xFFFE0000, s18;
	s21 =	sand.u32 $0xFFFFFC00, s20;
	s20 =	sand.u32 $0x3C00, s20  }
0x12: {  	s30 =	sand.u32 $0x380, s22;
	s22 =	sand.u32 s25, s9;
	s18 =	sadd.s32 s21, s18  }
0x13: {  	s19 =	sor.u32 s19, s20;
	s20 =	smov.u32 s9;
	s18 =	sshrl.u32 s18, $0xE  }
0x14: {  	s20 =	simm.s32 @!p1 $0xC7;
	p1 =	sgt.s32 s10, $0x3F80;
	s31 =	smulhi.u32 $0x147AE15, s18  }
0x15: {  	s26 =	sand.u32 s24, s10;
	s20 =	ssub.s32 s20, s22;
	s23 =	simm.s32 @!p1 $0x3F80  }
0x16: {  	s27 =	ssub.s32 $0xC8, s20;
	s22 =	ssub.s32 s23, s26;
	s21 =	smul.u32 $0xC8, s31  }
0x17: {  	s20 =	sadd.s32 $0xFFFFFF39, s20;
	s23 =	smul.u32 $0x32, s27;
	s28 =	sadd.s32 $0xFFFFC080, s22  }
0x18: {  	p1 =	sgt.s32 s20, $0x0;
	s20 =	ssub.s32 $0x4000, s22;
	p2 =	sgt.s32 s28, $0x7F  }
0x19: {  	s19 =	sor.u32 s30, s19;
	s23 =	simm.s32 @p1 $0x0;
	s20 =	simm.s32 @p2 $0x0  }
0x1a: {  	[tilespmem:s17+$0x810 ss:$0x81] =	vst.msk $0xffff, v2;
	s19 =	sshrl.u32 s19, $0x3;
	s18 =	ssub.s32 s18, s21;
	s20 =	smul.u32 s20, s23  }
0x1b: {  	[tilespmem:s17+$0x1020 ss:$0x81] =	vst.msk $0xffff, v0;
	s19 =	sadd.s32 s3, s19;
	s21 =	sshll.u32 s29, $0x12;
	s18 =	sshll.u32 s18, $0xB  }
0x1c: {  	[tilespmem:s17+$0x0 ss:$0x81] =	vst.msk $0xffff, v1;
	s31 =	sor.u32 $0x80, s21;
	s18 =	sadd.s32 s18, s19;
	s30 =	sand.u32 $0x3FFFFFFE, s20  }
0x1d: {  	[hbm4b:s18+s31] =	stream.strided.scatter [tilespmem:s16], [sflag:$0x2], s30, s8, s31, $0x20;
	[tilespmem:$0x8080] =	vst v63  }
.LBB1_5:
0x1e: {  	p1 =	slt.u32 s13, $0x2  }
0x1f: {  	s17 =	smov.u32 s15;
	p2 =	sgt.s32 @!p1 s15, $0xC7;
	s16 =	sshra.s32 @!p1 s15, $0x1F  }
0x20: {  	p3 =	sgt.s32 @!p1 s14, $0x3F80;
	s18 =	sshra.s32 @!p1 s14, $0x1F;
	p2 =	por !p2, p1  }
0x21: {  	s15 =	sand.u32 @!p1 s16, s15;
	p3 =	por !p3, p1;
	s16 =	smov.u32 s14  }
0x22: {  	s14 =	sand.u32 @!p1 s18, s14;
	s17 =	simm.s32 @p2 $0xC7;
	s16 =	simm.s32 @p3 $0x3F80  }
0x23: {  	s18 =	smov.u32 s12;
	s15 =	ssub.s32 @!p1 s17, s15;
	s14 =	ssub.s32 @!p1 s16, s14  }
0x24: {  	s16 =	sadd.s32 @!p1 $0xFFFFFF39, s15;
	s15 =	ssub.s32 @!p1 $0xC8, s15;
	s17 =	sadd.s32 @!p1 $0xFFFFC080, s14  }
0x25: {  	p2 =	sgt.s32 @!p1 s16, $0x0;
	s15 =	smul.u32 @!p1 $0x32, s15;
	p3 =	sgt.s32 @!p1 s17, $0x7F  }
0x26: {  	s14 =	ssub.s32 @!p1 $0x4000, s14;
	p2 =	por !p2, p1;
	p3 =	por !p3, p1  }
0x27: {  	s16 =	sadd.s32 $0x1, s11;
	s15 =	simm.s32 @!p2 $0x0;
	s14 =	simm.s32 @!p3 $0x0  }
0x28: {  	p2 =	sgt.s32 s16, $0xC7;
	s14 =	smul.u32 @!p1 s14, s15;
	s15 =	sadd.s32 $0x1000, s12  }
0x29: {  	s18 =	smov.u32 @p2 s15  }
0x2a: {  	s16 =	simm.s32 @p2 $0x0;
	p2 =	sgt.s32 s18, $0x3FFF  }
0x2b: {  	s18 =	smov.u32 @p2 s2;
	p2 =	sne.s32 s13, s7  }
.Ltmp1:
0x2c: {  	p0 =	por !p0, !p0;
	s17 =	simm.s32 @!p1 $0x2;
	(pc) =	sbr.rel @!p2 .LBB1_6-.Ltmp1, $4  }
0x2d: {  	s15 =	smov.u32 s9;
	s9 =	smov.u32 s11;
	s14 =	sand.u32 @!p1 $0x3FFFFFFE, s14  }
0x2e: {  	s11 =	smov.u32 s16;
	_ =	swait.ge @!p1 [sflag:s17], s14;
	s19 =	ssub.s32 @!p1 $0x0, s14  }
0x2f: {  	s14 =	smov.u32 s10;
	s13 =	sadd.s32 $0x1, s13;
	[sflag:s17] =	ssyncset.done @!p1 $0x0  }
0x30: {  	s10 =	smov.u32 s12;
	s12 =	smov.u32 s18;
	[sflag:s17] =	ssyncadd.s32 @!p1 s19  }
.LBB1_1:
0x31: {  	p1 =	sge.u32 s13, s5  }
0x32: {  	s16 =	sand.u32 @!p1 $0x1FFFFFF, s11  }
0x33: {  	s17 =	smulhi.u32 @!p1 $0x147AE15, s16;
	_ =	sdelay $0x1  }
0x34: {  	s17 =	smul.u32 @!p1 $0xC8, s17  }
0x35: {  	s18 =	sxor.u32 @!p1 $0xFFFFFFFF, s13;
	s19 =	smul.u32 @!p1 $0xC80, s12  }
0x36: {  	s31 =	sadd.s32 $0xFFFFFFFF, s13;
	s18 =	sshll.u32 @!p1 s18, $0xD;
	s16 =	ssub.s32 @!p1 s16, s17  }
0x37: {  	s17 =	sand.u32 @!p1 $0x2000, s18;
	s18 =	sadd.s32 @!p1 s6, s19;
	s16 =	sshll.u32 @!p1 s16, $0x4  }
0x38: {  	s19 =	simm.s32 @!p1 $0x6400;
	s16 =	sadd.s32 @!p1 s16, s18;
	s18 =	simm.s32 @!p1 $0x40  }
0x39: {  	[tilespmem:s17], [sflag:$0x1] =	stream.strided.gather @!p1 [hbm4b:s16+s18], $0x2000, s19, s18, $0x38;
	[tilespmem:$0x8080] =	vst v63  }
0x3a: {  	p1 =	sge.u32 s31, s5  }
.Ltmp2:
0x3b: {  	_ = 	snop;
	(pc) =	sbr.rel @p1 .LBB1_5-.Ltmp2, $1  }
0x3c: {  	_ =	sdelay $0x3  }
0x3d: {  	s16 =	simm.s32 $0x1  }
0x3e: {  	_ =	swait.ge [sflag:s4], $0x2000;
	s16 =	simm.s32 @!p0 $0x0  }
0x3f: {  	[sflag:s4] =	ssyncset.done $0x0;
	s17 =	sshll.u32 s16, $0xD  }
0x40: {  	[sflag:s4] =	ssyncadd.s32 $0xFFFFE000;
	s20 =	sor.u32 $0x20, s17  }
0x41: {  	s16 =	smul.u32 $0x8100, s16;
	v3 =	vld [tilespmem:s20+$0x10]  }
0x42: {  	s30 =	sand.u32 $0x1, s13;
	v2 =	vld [tilespmem:s20+$0xFFFFFFF0]  }
0x43: {  	s17 =	smul.u32 $0x8100, s30;
	s16 =	sshrl.u32 s16, $0x2;
	v0 =	vld [tilespmem:s20+$0x0]  }
0x44: {  	v1 =	vld [tilespmem:s20+$0xFFFFFFE0];
	s18 =	sor.u32 $0x4000, s16  }
0x45: {  	s31 =	sshrl.u32 s17, $0x2;
	s17 =	sadd.s32 $0x0, s18  }
0x46: {  	s19 =	simm.s32 $0x4;
	s20 =	sadd.s32 $0x40, s20;
	s16 =	sor.u32 $0x4000, s31;
	[tilespmem:s17+$0x1830 ss:$0x81] =	vst.msk $0xffff, v3  }
.LBB1_3:
0x47: {  	v3 =	vld [tilespmem:s20+$0x10];
	p1 =	sne.s32 s19, $0x1FC;
	[tilespmem:s17+$0x810 ss:$0x81] =	vst.msk $0xffff, v2;
	s21 =	smov.u32 s19;
	s19 =	sadd.s32 $0x4, s19  }
.Ltmp3:
0x48: {  	v2 =	vld [tilespmem:s20+$0xFFFFFFF0];
	[tilespmem:s17+$0x1020 ss:$0x81] =	vst.msk $0xffff, v0;
	(pc) =	sbr.rel @p1 .LBB1_3-.Ltmp3, $4  }
0x49: {  	v0 =	vld [tilespmem:s20+$0x0];
	[tilespmem:s17+$0x0 ss:$0x81] =	vst.msk $0xffff, v1  }
0x4a: {  	s17 =	sshra.s32 s21, $0x2;
	v1 =	vld [tilespmem:s20+$0xFFFFFFE0]  }
0x4b: {  	s17 =	sadd.s32 s17, s18  }
0x4c: {  	s20 =	sadd.s32 $0x40, s20;
	[tilespmem:s17+$0x1830 ss:$0x81] =	vst.msk $0xffff, v3  }
.Ltmp4:
0x4d: {  	_ = 	snop;
	(pc) =	sbr.rel .LBB1_4-.Ltmp4, $1  }
0x4e: {  	_ =	sdelay $0x3  }
.LBB1_6:
0x4f: {  	_ =	sfence.sel $0x180000  }
0x50: {  	s2 =	simm.s32 $0x1;
	[bflag:$0x0] =	sbarrier.arrive $0xFFFF  }
0x51: {  	s31 =	simm.s32 $0x2;
	[sflag:s2] =	ssyncpa.u1 $0x1  }
0x52: {  	[sflag:s31] =	ssyncpa.u1 $0x1  }
0x53: {  	p0 =	sne.s32 s0, $0x0;
	_ =	strace $0x9000004D  }
0x54: {  	s0 =	sadd.s32 @!p0 $0x100000, s1;
	[bflag:$0x2] =	sbarrier.arrive $0xFFFF  }
0x55: {  	[sflag:s0] =	ssyncadd.tile.s32 @!p0 $0x1;
	_ =	shalt  }
.Lfunc_end1:
_tile_overlayer_lowered:
.L_overlay_start_2:
0x56: {  	(tag) =	ssettag $0x2  }
0x57: {  	s0 =	rddreg [dreg:$0x0];
	s2 =	stileid.u32  }
0x58: {  	s1 =	rddreg [dreg:$0x1];
	p0 =	sne.s32 s2, $0x0  }
0x59: {  	s3 =	rddreg [dreg:$0x2];
	[bflag:$0x3] =	sbarrier.arrive $0xFFFF;
	s2 =	simm.s32 @!p0 $0x1C01  }
0x5a: {  	[timem:s3], [sflag:s2] =	dma.local @!p0 [hbm:s0], s1  }
0x5b: {  	s0 =	simm.s32 @!p0 $0x1  }
0x5c: {  	_ =	swait.ge @!p0 [sflag:s0], s1  }
0x5d: {  	s1 =	ssub.s32 @!p0 $0x0, s1;
	[sflag:s0] =	ssyncset.done @!p0 $0x0  }
0x5e: {  	[sflag:s0] =	ssyncadd.s32 @!p0 s1  }
0x5f: {  	[bflag:$0x3] =	sbarrier.arrive $0xFFFF  }
0x60: {  	_ =	shalt  }

</sc_bundles>
